<compile_context>
chip_gen: v7x
topology: tpu7x:2x2x1
jax: 0.10.2.dev20260603
libtpu: 0.0.44.dev20260713+nightly
codegen_flags: <defaults>
</compile_context>

<pallas_src>
import functools

import jax
import jax.numpy as jnp
from jax import lax
from jax.experimental import pallas as pl
from jax.experimental.pallas import tpu as pltpu
from jax.experimental.pallas import tpu_sc as plsc

N = 10000
E = 320000
D = 128
G = 16
NW = 32
FPT = D // NW
ECHUNK = 8000
NGRP = ECHUNK // 16
NCHUNK = E // ECHUNK
EPT_DEG = E // NW

_mesh = plsc.VectorSubcoreMesh(core_axis_name="c", subcore_axis_name="s")
_sc_params = pltpu.CompilerParams(needs_layout_passes=False)


@functools.partial(
    pl.kernel,
    mesh=_mesh,
    out_type=jax.ShapeDtypeStruct((NW, N), jnp.float32),
    scratch_types=[
        pltpu.VMEM((1, N), jnp.float32),
        pltpu.VMEM((EPT_DEG,), jnp.int32),
        pltpu.VMEM((EPT_DEG,), jnp.float32),
    ],
    compiler_params=_sc_params,
)
def _deg_kernel(col_hbm, w_hbm, out_hbm, deg_v, col_v, w_v):
    wid = lax.axis_index("s") * 2 + lax.axis_index("c")
    base = wid * EPT_DEG
    pltpu.sync_copy(col_hbm.at[pl.ds(base, EPT_DEG)], col_v)
    pltpu.sync_copy(w_hbm.at[pl.ds(base, EPT_DEG)], w_v)
    z16 = jnp.zeros((16,), jnp.float32)
    zi16 = jnp.zeros((16,), jnp.int32)

    @plsc.parallel_loop(0, N // 16, 1, unroll=4)
    def _(i):
        deg_v[0, pl.ds(i * 16, 16)] = z16

    @plsc.parallel_loop(0, EPT_DEG // 16, 1, unroll=4)
    def _(i):
        o = i * 16
        c16 = col_v[pl.ds(o, 16)]
        w16 = w_v[pl.ds(o, 16)]
        plsc.addupdate_scatter(deg_v, [zi16, c16], w16)

    pltpu.sync_copy(deg_v, out_hbm.at[pl.ds(wid, 1)])


@functools.partial(
    pl.kernel,
    mesh=_mesh,
    out_type=jax.ShapeDtypeStruct((D, N), jnp.float32),
    scratch_types=[
        pltpu.VMEM((2, N), jnp.int32),
        pltpu.VMEM((FPT, N), jnp.float32),
        pltpu.VMEM((ECHUNK,), jnp.int32),
        pltpu.VMEM((ECHUNK,), jnp.int32),
        pltpu.VMEM((ECHUNK,), jnp.float32),
        pltpu.VMEM((ECHUNK,), jnp.float32),
        pltpu.SemaphoreType.DMA,
        pltpu.SemaphoreType.DMA,
    ],
    compiler_params=_sc_params,
)
def _msg_kernel(yt_hbm, rc_hbm, w_hbm, out_hbm,
                y_v, acc_v, rc_v0, rc_v1, w_v0, w_v1, sem0, sem1):
    wid = lax.axis_index("s") * 2 + lax.axis_index("c")
    fbase = wid * FPT
    sems = (sem0, sem1)
    rc_bufs = (rc_v0, rc_v1)
    w_bufs = (w_v0, w_v1)

    def start_fetch(g, b):
        base = g * ECHUNK
        pltpu.async_copy(rc_hbm.at[pl.ds(base, ECHUNK)], rc_bufs[b], sems[b])
        pltpu.async_copy(w_hbm.at[pl.ds(base, ECHUNK)], w_bufs[b], sems[b])

    def wait_fetch(b):
        pltpu.make_async_copy(rc_hbm.at[pl.ds(0, ECHUNK)], rc_bufs[b], sems[b]).wait()
        pltpu.make_async_copy(w_hbm.at[pl.ds(0, ECHUNK)], w_bufs[b], sems[b]).wait()

    start_fetch(0, 0)
    start_fetch(1, 1)
    pltpu.sync_copy(yt_hbm.at[pl.ds(2 * wid, 2)], y_v)
    z16 = jnp.zeros((16,), jnp.float32)
    for f in range(FPT):
        @plsc.parallel_loop(0, N // 16, 1, unroll=4)
        def _(i, f=f):
            acc_v[f, pl.ds(i * 16, 16)] = z16

    f16s = [jnp.full((16,), f, jnp.int32) for f in range(FPT)]
    himask = jnp.full((16,), -65536, jnp.int32)

    def process(b):
        rb, wb = rc_bufs[b], w_bufs[b]

        @plsc.parallel_loop(0, NGRP, 1, unroll=2)
        def _(i):
            o = i * 16
            rc16 = rb[pl.ds(o, 16)]
            w16 = wb[pl.ds(o, 16)]
            r16 = jnp.bitwise_and(rc16, 0x3FFF)
            c16 = lax.shift_right_logical(rc16, 14)
            for p in range(2):
                vp = plsc.load_gather(y_v, [f16s[p], r16])
                va = plsc.bitcast(jnp.bitwise_and(vp, himask), jnp.float32)
                vb = plsc.bitcast(lax.shift_left(vp, 16), jnp.float32)
                plsc.addupdate_scatter(acc_v, [f16s[p], c16], w16 * va)
                plsc.addupdate_scatter(acc_v, [f16s[2 + p], c16], w16 * vb)

    def outer(j, c):
        for b in range(2):
            wait_fetch(b)
            process(b)
            start_fetch(j * 2 + b + 2, b)
        return c

    lax.fori_loop(0, (NCHUNK - 2) // 2, outer, 0)
    for b in range(2):
        wait_fetch(b)
        process(b)
    pltpu.sync_copy(acc_v.at[pl.ds(0, 2)], out_hbm.at[pl.ds(2 * wid, 2)])
    pltpu.sync_copy(acc_v.at[pl.ds(2, 2)], out_hbm.at[pl.ds(D // 2 + 2 * wid, 2)])


def _pack_pairs(y):
    au = lax.bitcast_convert_type(y[:D // 2], jnp.uint32)
    bu = lax.bitcast_convert_type(y[D // 2:], jnp.uint32)
    ar = jnp.bitwise_and(au + jnp.uint32(0x8000), jnp.uint32(0xFFFF0000))
    br = lax.shift_right_logical(bu + jnp.uint32(0x8000), jnp.uint32(16))
    return lax.bitcast_convert_type(jnp.bitwise_or(ar, br), jnp.int32)


def _unpack_pairs(yp):
    u = lax.bitcast_convert_type(yp, jnp.uint32)
    a = jnp.bitwise_and(u, jnp.uint32(0xFFFF0000))
    b = lax.shift_left(u, jnp.uint32(16))
    return lax.bitcast_convert_type(jnp.concatenate([a, b], axis=0),
                                    jnp.float32)


def _tc_pre_body(deg_ref, x_ref, w_ref, yp_ref, dis_ref):
    deg = jnp.sum(deg_ref[...], axis=0, keepdims=True) + 2.0
    dis = lax.rsqrt(deg)
    dis_ref[...] = dis
    xw = lax.dot_general(w_ref[...], x_ref[...], (((0,), (1,)), ((), ())),
                         preferred_element_type=jnp.float32)
    yp_ref[...] = _pack_pairs(xw * dis)


_tc_pre = pl.pallas_call(
    _tc_pre_body,
    out_shape=[jax.ShapeDtypeStruct((D // 2, N), jnp.int32),
               jax.ShapeDtypeStruct((1, N), jnp.float32)],
)


def _bn_leaky(s, y, dis, b2d, g2d, be2d):
    pre = dis * (s + 2.0 * y) + b2d
    mean = jnp.mean(pre, axis=1, keepdims=True)
    cent = pre - mean
    var = jnp.mean(cent * cent, axis=1, keepdims=True)
    hn = cent * lax.rsqrt(var + 1e-5) * g2d + be2d
    return jnp.where(hn >= 0, hn, 0.01 * hn)


def _tc_mid_body(s_ref, yp_ref, dis_ref, b_ref, g_ref, be_ref, w_ref,
                 outp_ref):
    dis = dis_ref[...]
    y = _unpack_pairs(yp_ref[...])
    h = _bn_leaky(s_ref[...], y, dis, b_ref[...], g_ref[...], be_ref[...])
    xw = lax.dot_general(w_ref[...], h, (((0,), (0,)), ((), ())),
                         preferred_element_type=jnp.float32)
    outp_ref[...] = _pack_pairs(xw * dis)


_tc_mid = pl.pallas_call(
    _tc_mid_body,
    out_shape=jax.ShapeDtypeStruct((D // 2, N), jnp.int32),
)


def _tc_fin_body(s_ref, yp_ref, dis_ref, b_ref, g_ref, be_ref, batch_ref, out_ref):
    h = _bn_leaky(s_ref[...], _unpack_pairs(yp_ref[...]), dis_ref[...],
                  b_ref[...], g_ref[...], be_ref[...])
    bvec = batch_ref[...]
    for gph in range(G):
        pen = jnp.where(bvec == gph, 0.0, -jnp.inf)
        out_ref[gph, :] = jnp.max(h + pen, axis=1)


_tc_fin = pl.pallas_call(
    _tc_fin_body,
    out_shape=jax.ShapeDtypeStruct((G, D), jnp.float32),
)


def kernel(x, edge_index, edge_attr, batch,
           W0, b0, g0, be0, W1, b1, g1, be1, W2, b2, g2, be2):
    row = edge_index[0].astype(jnp.int32)
    col = edge_index[1].astype(jnp.int32)
    w = edge_attr.astype(jnp.float32)
    batch2 = batch.astype(jnp.int32).reshape(1, N)
    rc = jnp.bitwise_or(row, lax.shift_left(col, 14))

    deg_parts = _deg_kernel(col, w)
    yp, dis = _tc_pre(deg_parts, x, W0)
    for l, (b_, g_, be_) in enumerate([(b0, g0, be0), (b1, g1, be1),
                                       (b2, g2, be2)]):
        s = _msg_kernel(yp, rc, w)
        b2d = b_.reshape(D, 1)
        g2d = g_.reshape(D, 1)
        be2d = be_.reshape(D, 1)
        if l == 0:
            yp = _tc_mid(s, yp, dis, b2d, g2d, be2d, W1)
        elif l == 1:
            yp = _tc_mid(s, yp, dis, b2d, g2d, be2d, W2)
        else:
            out = _tc_fin(s, yp, dis, b2d, g2d, be2d, batch2)
    return out

# --- scband reference (transcript-rebuilt; emitter-appended) ---
"""Pipeline reference for scband-cell-graph-signature-gnn-14809047236635 (READ-ONLY COPY).

The authoritative reference and input builder live on the scoring server;
editing this copy changes nothing except your own understanding.
"""

import jax, jax.numpy as jnp
import numpy as np

N_NODES = 10000
N_EDGES = 320000
D_IN = 128
WIDTH = 128
N_GRAPHS = 16
LAYERS = 3


def setup_inputs(seed: int = 0) -> dict:
    key = jax.random.key(seed)
    ks = jax.random.split(key, 16)
    x = jax.random.normal(ks[0], (N_NODES, D_IN), dtype=jnp.float32)
    edge_index = jax.random.randint(ks[1], (2, N_EDGES), 0, N_NODES, dtype=jnp.int64)
    edge_attr = jax.random.uniform(ks[2], (N_EDGES,), dtype=jnp.float32)
    batch = jnp.sort(jax.random.randint(ks[3], (N_NODES,), 0, N_GRAPHS, dtype=jnp.int64))
    inp = {"x": x, "edge_index": edge_index, "edge_attr": edge_attr, "batch": batch}
    for i in range(LAYERS):
        d_in = D_IN if i == 0 else WIDTH
        inp[f"W{i}"] = jax.random.normal(ks[4 + i], (d_in, WIDTH), dtype=jnp.float32) * 0.05
        inp[f"b{i}"] = jnp.zeros((WIDTH,), dtype=jnp.float32)
        inp[f"g{i}"] = jnp.ones((WIDTH,), dtype=jnp.float32)
        inp[f"be{i}"] = jnp.zeros((WIDTH,), dtype=jnp.float32)
    return inp


def _gcn_conv(x, edge_index, edge_weight, W, b, n_nodes):
    # GCNConv(improved=True): add self-loops with fill_value=2.0, symmetric norm
    row = edge_index[0]
    col = edge_index[1]
    loop = jnp.arange(n_nodes)
    rf = jnp.concatenate([row, loop])
    cf = jnp.concatenate([col, loop])
    wf = jnp.concatenate([edge_weight, jnp.full((n_nodes,), 2.0, dtype=edge_weight.dtype)])
    deg = jax.ops.segment_sum(wf, cf, num_segments=n_nodes)
    dis = jnp.where(deg > 0, deg ** -0.5, 0.0)
    norm = dis[rf] * wf * dis[cf]
    xw = x @ W
    msg = norm[:, None] * xw[rf]
    out = jnp.zeros((n_nodes, W.shape[1]), dtype=x.dtype).at[cf].add(msg)
    return out + b


def _batch_norm(x, g, be, eps=1e-5):
    mean = jnp.mean(x, axis=0)
    var = jnp.var(x, axis=0)
    return (x - mean) / jnp.sqrt(var + eps) * g + be


def reference(x, edge_index, edge_attr, batch, W0, b0, g0, be0, W1, b1, g1, be1, W2, b2, g2, be2):
    n_nodes = x.shape[0]
    params = [(W0, b0, g0, be0), (W1, b1, g1, be1), (W2, b2, g2, be2)]
    h = x
    for (W, b, g, be) in params:
        # dropout p=0.0 -> identity
        h = _gcn_conv(h, edge_index, edge_attr, W, b, n_nodes)
        h = _batch_norm(h, g, be)
        h = jnp.where(h >= 0, h, 0.01 * h)  # LeakyReLU
    # global max pool over graphs
    return jax.ops.segment_max(h, batch, num_segments=N_GRAPHS)

if __name__ == "__main__":
    import jax
    _d = setup_inputs()
    print(jax.jit(kernel)(*tuple(_d.values())))

</pallas_src>

<mosaic_0001>
#map = affine_map<(d0, d1) -> (0, 0)>
#map1 = affine_map<(d0, d1) -> (0)>
module attributes {stable_mosaic.version = 14 : i64} {
  func.func @_msg_kernel(%arg0: i32, %arg1: i32, %arg2: memref<64x10000xi32, #tpu.memory_space<hbm>>, %arg3: memref<320000xi32, #tpu.memory_space<hbm>>, %arg4: memref<320000xf32, #tpu.memory_space<hbm>>, %arg5: memref<128x10000xf32, #tpu.memory_space<hbm>>, %arg6: memref<2x10000xi32, #tpu.memory_space<vmem>>, %arg7: memref<4x10000xf32, #tpu.memory_space<vmem>>, %arg8: memref<8000xi32, #tpu.memory_space<vmem>>, %arg9: memref<8000xi32, #tpu.memory_space<vmem>>, %arg10: memref<8000xf32, #tpu.memory_space<vmem>>, %arg11: memref<8000xf32, #tpu.memory_space<vmem>>, %arg12: memref<!tpu.dma_semaphore, #tpu.memory_space<semaphore_mem>>, %arg13: memref<!tpu.dma_semaphore, #tpu.memory_space<semaphore_mem>>) attributes {dimension_semantics = [#tpu.dimension_semantics<core_parallel>, #tpu.dimension_semantics<subcore_parallel>], iteration_bounds = array<i64: 2, 16>, scalar_prefetch = 0 : i64, scratch_operands = 8 : i64, tpu.core_type = #tpu.core_type<sc_vector_subcore>, window_params = [{transform_indices = #map}, {transform_indices = #map1}, {transform_indices = #map1}, {transform_indices = #map}]} {
    %mul3A = arith.constant 2 : i32
    %mul3A_0 = arith.muli %arg1, %mul3A : i32
    %add3A = arith.addi %mul3A_0, %arg0 : i32
    %mul3A_1 = arith.constant 4 : i32
    %mul3A_2 = arith.muli %add3A, %mul3A_1 : i32
    %dma_start3A = arith.constant 0 : i32
    %dma_start3A_3 = tpu.memref_slice %arg3[%dma_start3A] : memref<320000xi32, #tpu.memory_space<hbm>> -> memref<8000xi32, #tpu.memory_space<hbm>>
    %dma_start3A_4 = arith.constant 0 : i32
    %dma_start3A_5 = tpu.memref_slice %arg3[%dma_start3A_4] : memref<320000xi32, #tpu.memory_space<hbm>> -> memref<8000xi32, #tpu.memory_space<hbm>>
    tpu.enqueue_dma source(%dma_start3A_5 : memref<8000xi32, #tpu.memory_space<hbm>>) target(%arg8 : memref<8000xi32, #tpu.memory_space<vmem>>) target_semaphore(%arg12 : memref<!tpu.dma_semaphore, #tpu.memory_space<semaphore_mem>>)
    %dma_start3A_6 = arith.constant 0 : i32
    %dma_start3A_7 = tpu.memref_slice %arg4[%dma_start3A_6] : memref<320000xf32, #tpu.memory_space<hbm>> -> memref<8000xf32, #tpu.memory_space<hbm>>
    %dma_start3A_8 = arith.constant 0 : i32
    %dma_start3A_9 = tpu.memref_slice %arg4[%dma_start3A_8] : memref<320000xf32, #tpu.memory_space<hbm>> -> memref<8000xf32, #tpu.memory_space<hbm>>
    tpu.enqueue_dma source(%dma_start3A_9 : memref<8000xf32, #tpu.memory_space<hbm>>) target(%arg10 : memref<8000xf32, #tpu.memory_space<vmem>>) target_semaphore(%arg12 : memref<!tpu.dma_semaphore, #tpu.memory_space<semaphore_mem>>)
    %dma_start3A_10 = arith.constant 8000 : i32
    %dma_start3A_11 = tpu.memref_slice %arg3[%dma_start3A_10] : memref<320000xi32, #tpu.memory_space<hbm>> -> memref<8000xi32, #tpu.memory_space<hbm>>
    %dma_start3A_12 = arith.constant 8000 : i32
    %dma_start3A_13 = tpu.memref_slice %arg3[%dma_start3A_12] : memref<320000xi32, #tpu.memory_space<hbm>> -> memref<8000xi32, #tpu.memory_space<hbm>>
    tpu.enqueue_dma source(%dma_start3A_13 : memref<8000xi32, #tpu.memory_space<hbm>>) target(%arg9 : memref<8000xi32, #tpu.memory_space<vmem>>) target_semaphore(%arg13 : memref<!tpu.dma_semaphore, #tpu.memory_space<semaphore_mem>>)
    %dma_start3A_14 = arith.constant 8000 : i32
    %dma_start3A_15 = tpu.memref_slice %arg4[%dma_start3A_14] : memref<320000xf32, #tpu.memory_space<hbm>> -> memref<8000xf32, #tpu.memory_space<hbm>>
    %dma_start3A_16 = arith.constant 8000 : i32
    %dma_start3A_17 = tpu.memref_slice %arg4[%dma_start3A_16] : memref<320000xf32, #tpu.memory_space<hbm>> -> memref<8000xf32, #tpu.memory_space<hbm>>
    tpu.enqueue_dma source(%dma_start3A_17 : memref<8000xf32, #tpu.memory_space<hbm>>) target(%arg11 : memref<8000xf32, #tpu.memory_space<vmem>>) target_semaphore(%arg13 : memref<!tpu.dma_semaphore, #tpu.memory_space<semaphore_mem>>)
    %mul3A_18 = arith.constant 2 : i32
    %mul3A_19 = arith.muli %mul3A_18, %add3A : i32
    "tpu.region"() ({
      %run_scoped3A = tpu.sem_alloc : memref<!tpu.dma_semaphore, #tpu.memory_space<semaphore_mem>>
      %dma_start3A_74 = arith.constant 0 : i32
      %dma_start3A_75 = tpu.memref_slice %arg2[%mul3A_19, %dma_start3A_74] : memref<64x10000xi32, #tpu.memory_space<hbm>> -> memref<2x10000xi32, #tpu.memory_space<hbm>>
      %dma_start3A_76 = arith.constant 0 : i32
      %dma_start3A_77 = tpu.memref_slice %arg2[%mul3A_19, %dma_start3A_76] : memref<64x10000xi32, #tpu.memory_space<hbm>> -> memref<2x10000xi32, #tpu.memory_space<hbm>>
      tpu.enqueue_dma source(%dma_start3A_77 : memref<2x10000xi32, #tpu.memory_space<hbm>>) target(%arg6 : memref<2x10000xi32, #tpu.memory_space<vmem>>) target_semaphore(%run_scoped3A : memref<!tpu.dma_semaphore, #tpu.memory_space<semaphore_mem>>)
      %dma_wait3A_78 = arith.constant 0 : i32
      %dma_wait3A_79 = tpu.memref_slice %arg2[%mul3A_19, %dma_wait3A_78] : memref<64x10000xi32, #tpu.memory_space<hbm>> -> memref<2x10000xi32, #tpu.memory_space<hbm>>
      %dma_wait3A_80 = arith.constant 0 : i32
      %dma_wait3A_81 = tpu.memref_slice %arg2[%mul3A_19, %dma_wait3A_80] : memref<64x10000xi32, #tpu.memory_space<hbm>> -> memref<2x10000xi32, #tpu.memory_space<hbm>>
      tpu.wait_dma2 semaphore(%run_scoped3A : memref<!tpu.dma_semaphore, #tpu.memory_space<semaphore_mem>>) src(%dma_wait3A_81 : memref<2x10000xi32, #tpu.memory_space<hbm>>) dst(%arg6 : memref<2x10000xi32, #tpu.memory_space<vmem>>)
      tpu.yield
    }) : () -> ()
    %broadcast_in_dim3A = arith.constant 0.000000e+00 : f32
    %broadcast_in_dim3A_20 = vector.broadcast %broadcast_in_dim3A : f32 to vector<16xf32>
    %parallel_loop3A = arith.constant 0 : i32
    %parallel_loop3A_21 = arith.constant 625 : i32
    %parallel_loop3A_22 = arith.constant 1 : i32
    scf.for %parallel_loop3A_74 = %parallel_loop3A to %parallel_loop3A_21 step %parallel_loop3A_22  : i32 {
      %parallel_loop3A_75 = arith.constant 16 : i32
      %parallel_loop3A_76 = arith.muli %parallel_loop3A_74, %parallel_loop3A_75 : i32
      %parallel_loop3A_77 = arith.constant 0 : i32
      %parallel_loop3A_78 = arith.index_cast %parallel_loop3A_77 : i32 to index
      %parallel_loop3A_79 = arith.index_cast %parallel_loop3A_76 : i32 to index
      %parallel_loop3A_80 = tpu.vector_load %arg7[%parallel_loop3A_78, %parallel_loop3A_79] {strides = array<i32>} : memref<4x10000xf32, #tpu.memory_space<vmem>>, vector<16xf32>,
      tpu.vector_store %arg7[%parallel_loop3A_78, %parallel_loop3A_79], %broadcast_in_dim3A_20 {strides = array<i32>} : memref<4x10000xf32, #tpu.memory_space<vmem>>, vector<16xf32>,
    } {sc.loop_unroll_factor = 4 : i64, sc.parallel_access}
    %parallel_loop3A_23 = arith.constant 0 : i32
    %parallel_loop3A_24 = arith.constant 625 : i32
    %parallel_loop3A_25 = arith.constant 1 : i32
    scf.for %parallel_loop3A_74 = %parallel_loop3A_23 to %parallel_loop3A_24 step %parallel_loop3A_25  : i32 {
      %parallel_loop3A_75 = arith.constant 16 : i32
      %parallel_loop3A_76 = arith.muli %parallel_loop3A_74, %parallel_loop3A_75 : i32
      %parallel_loop3A_77 = arith.constant 1 : i32
      %parallel_loop3A_78 = arith.index_cast %parallel_loop3A_77 : i32 to index
      %parallel_loop3A_79 = arith.index_cast %parallel_loop3A_76 : i32 to index
      %parallel_loop3A_80 = tpu.vector_load %arg7[%parallel_loop3A_78, %parallel_loop3A_79] {strides = array<i32>} : memref<4x10000xf32, #tpu.memory_space<vmem>>, vector<16xf32>,
      tpu.vector_store %arg7[%parallel_loop3A_78, %parallel_loop3A_79], %broadcast_in_dim3A_20 {strides = array<i32>} : memref<4x10000xf32, #tpu.memory_space<vmem>>, vector<16xf32>,
    } {sc.loop_unroll_factor = 4 : i64, sc.parallel_access}
    %parallel_loop3A_26 = arith.constant 0 : i32
    %parallel_loop3A_27 = arith.constant 625 : i32
    %parallel_loop3A_28 = arith.constant 1 : i32
    scf.for %parallel_loop3A_74 = %parallel_loop3A_26 to %parallel_loop3A_27 step %parallel_loop3A_28  : i32 {
      %parallel_loop3A_75 = arith.constant 16 : i32
      %parallel_loop3A_76 = arith.muli %parallel_loop3A_74, %parallel_loop3A_75 : i32
      %parallel_loop3A_77 = arith.constant 2 : i32
      %parallel_loop3A_78 = arith.index_cast %parallel_loop3A_77 : i32 to index
      %parallel_loop3A_79 = arith.index_cast %parallel_loop3A_76 : i32 to index
      %parallel_loop3A_80 = tpu.vector_load %arg7[%parallel_loop3A_78, %parallel_loop3A_79] {strides = array<i32>} : memref<4x10000xf32, #tpu.memory_space<vmem>>, vector<16xf32>,
      tpu.vector_store %arg7[%parallel_loop3A_78, %parallel_loop3A_79], %broadcast_in_dim3A_20 {strides = array<i32>} : memref<4x10000xf32, #tpu.memory_space<vmem>>, vector<16xf32>,
    } {sc.loop_unroll_factor = 4 : i64, sc.parallel_access}
    %parallel_loop3A_29 = arith.constant 0 : i32
    %parallel_loop3A_30 = arith.constant 625 : i32
    %parallel_loop3A_31 = arith.constant 1 : i32
    scf.for %parallel_loop3A_74 = %parallel_loop3A_29 to %parallel_loop3A_30 step %parallel_loop3A_31  : i32 {
      %parallel_loop3A_75 = arith.constant 16 : i32
      %parallel_loop3A_76 = arith.muli %parallel_loop3A_74, %parallel_loop3A_75 : i32
      %parallel_loop3A_77 = arith.constant 3 : i32
      %parallel_loop3A_78 = arith.index_cast %parallel_loop3A_77 : i32 to index
      %parallel_loop3A_79 = arith.index_cast %parallel_loop3A_76 : i32 to index
      %parallel_loop3A_80 = tpu.vector_load %arg7[%parallel_loop3A_78, %parallel_loop3A_79] {strides = array<i32>} : memref<4x10000xf32, #tpu.memory_space<vmem>>, vector<16xf32>,
      tpu.vector_store %arg7[%parallel_loop3A_78, %parallel_loop3A_79], %broadcast_in_dim3A_20 {strides = array<i32>} : memref<4x10000xf32, #tpu.memory_space<vmem>>, vector<16xf32>,
    } {sc.loop_unroll_factor = 4 : i64, sc.parallel_access}
    %broadcast_in_dim3A_32 = arith.constant 0 : i32
    %broadcast_in_dim3A_33 = vector.broadcast %broadcast_in_dim3A_32 : i32 to vector<16xi32>
    %broadcast_in_dim3A_34 = arith.constant 1 : i32
    %broadcast_in_dim3A_35 = vector.broadcast %broadcast_in_dim3A_34 : i32 to vector<16xi32>
    %broadcast_in_dim3A_36 = arith.constant 2 : i32
    %broadcast_in_dim3A_37 = vector.broadcast %broadcast_in_dim3A_36 : i32 to vector<16xi32>
    %broadcast_in_dim3A_38 = arith.constant 3 : i32
    %broadcast_in_dim3A_39 = vector.broadcast %broadcast_in_dim3A_38 : i32 to vector<16xi32>
    %broadcast_in_dim3A_40 = arith.constant -65536 : i32
    %broadcast_in_dim3A_41 = vector.broadcast %broadcast_in_dim3A_40 : i32 to vector<16xi32>
    %scan3A = arith.constant 0 : i32
    %scan3A_42 = arith.constant 0 : i32
    %scan3A_43 = arith.constant 19 : i32
    %scan3A_44 = arith.addi %scan3A_42, %scan3A_43 : i32
    %scan3A_45 = arith.constant 1 : i32
    scf.for %scan3A_74 = %scan3A_42 to %scan3A_44 step %scan3A_45  : i32 {
      %dma_wait3A_75 = arith.constant 0 : i32
      %dma_wait3A_76 = tpu.memref_slice %arg3[%dma_wait3A_75] : memref<320000xi32, #tpu.memory_space<hbm>> -> memref<8000xi32, #tpu.memory_space<hbm>>
      %dma_wait3A_77 = arith.constant 0 : i32
      %dma_wait3A_78 = tpu.memref_slice %arg3[%dma_wait3A_77] : memref<320000xi32, #tpu.memory_space<hbm>> -> memref<8000xi32, #tpu.memory_space<hbm>>
      tpu.wait_dma2 semaphore(%arg12 : memref<!tpu.dma_semaphore, #tpu.memory_space<semaphore_mem>>) src(%dma_wait3A_78 : memref<8000xi32, #tpu.memory_space<hbm>>) dst(%arg8 : memref<8000xi32, #tpu.memory_space<vmem>>)
      %dma_wait3A_79 = arith.constant 0 : i32
      %dma_wait3A_80 = tpu.memref_slice %arg4[%dma_wait3A_79] : memref<320000xf32, #tpu.memory_space<hbm>> -> memref<8000xf32, #tpu.memory_space<hbm>>
      %dma_wait3A_81 = arith.constant 0 : i32
      %dma_wait3A_82 = tpu.memref_slice %arg4[%dma_wait3A_81] : memref<320000xf32, #tpu.memory_space<hbm>> -> memref<8000xf32, #tpu.memory_space<hbm>>
      tpu.wait_dma2 semaphore(%arg12 : memref<!tpu.dma_semaphore, #tpu.memory_space<semaphore_mem>>) src(%dma_wait3A_82 : memref<8000xf32, #tpu.memory_space<hbm>>) dst(%arg10 : memref<8000xf32, #tpu.memory_space<vmem>>)
      %parallel_loop3A_83 = arith.constant 0 : i32
      %parallel_loop3A_84 = arith.constant 500 : i32
      %parallel_loop3A_85 = arith.constant 1 : i32
      scf.for %parallel_loop3A_121 = %parallel_loop3A_83 to %parallel_loop3A_84 step %parallel_loop3A_85  : i32 {
        %parallel_loop3A_122 = arith.constant 16 : i32
        %parallel_loop3A_123 = arith.muli %parallel_loop3A_121, %parallel_loop3A_122 : i32
        %parallel_loop3A_124 = arith.index_cast %parallel_loop3A_123 : i32 to index
        %parallel_loop3A_125 = tpu.vector_load %arg8[%parallel_loop3A_124] {strides = array<i32>} : memref<8000xi32, #tpu.memory_space<vmem>>, vector<16xi32>,
        %parallel_loop3A_126 = arith.index_cast %parallel_loop3A_123 : i32 to index
        %parallel_loop3A_127 = tpu.vector_load %arg10[%parallel_loop3A_126] {strides = array<i32>} : memref<8000xf32, #tpu.memory_space<vmem>>, vector<16xf32>,
        %parallel_loop3A_128 = arith.constant 16383 : i32
        %parallel_loop3A_129 = vector.broadcast %parallel_loop3A_128 : i32 to vector<16xi32>
        %parallel_loop3A_130 = arith.andi %parallel_loop3A_125, %parallel_loop3A_129 : vector<16xi32>
        %parallel_loop3A_131 = arith.constant 14 : i32
        %parallel_loop3A_132 = vector.broadcast %parallel_loop3A_131 : i32 to vector<16xi32>
        %parallel_loop3A_133 = arith.shrui %parallel_loop3A_125, %parallel_loop3A_132 : vector<16xi32>
        %parallel_loop3A_134 = tpu.vector_load_idx %arg6[%broadcast_in_dim3A_33, %parallel_loop3A_130] : memref<2x10000xi32, #tpu.memory_space<vmem>>[vector<16xi32>, vector<16xi32>], vector<16xi32>,
        %parallel_loop3A_135 = arith.andi %parallel_loop3A_134, %broadcast_in_dim3A_41 : vector<16xi32>
        %parallel_loop3A_136 = vector.bitcast %parallel_loop3A_135 : vector<16xi32> to vector<16xf32>
        %parallel_loop3A_137 = arith.constant 16 : i32
        %parallel_loop3A_138 = vector.broadcast %parallel_loop3A_137 : i32 to vector<16xi32>
        %parallel_loop3A_139 = arith.shli %parallel_loop3A_134, %parallel_loop3A_138 : vector<16xi32>
        %parallel_loop3A_140 = vector.bitcast %parallel_loop3A_139 : vector<16xi32> to vector<16xf32>
        %parallel_loop3A_141 = arith.mulf %parallel_loop3A_127, %parallel_loop3A_136 : vector<16xf32>
        tpu.vector_store_idx %arg7[%broadcast_in_dim3A_33, %parallel_loop3A_133], %parallel_loop3A_141 {add = true} : memref<4x10000xf32, #tpu.memory_space<vmem>>[vector<16xi32>, vector<16xi32>], vector<16xf32>,
        %parallel_loop3A_142 = arith.mulf %parallel_loop3A_127, %parallel_loop3A_140 : vector<16xf32>
        tpu.vector_store_idx %arg7[%broadcast_in_dim3A_37, %parallel_loop3A_133], %parallel_loop3A_142 {add = true} : memref<4x10000xf32, #tpu.memory_space<vmem>>[vector<16xi32>, vector<16xi32>], vector<16xf32>,
        %parallel_loop3A_143 = tpu.vector_load_idx %arg6[%broadcast_in_dim3A_35, %parallel_loop3A_130] : memref<2x10000xi32, #tpu.memory_space<vmem>>[vector<16xi32>, vector<16xi32>], vector<16xi32>,
        %parallel_loop3A_144 = arith.andi %parallel_loop3A_143, %broadcast_in_dim3A_41 : vector<16xi32>
        %parallel_loop3A_145 = vector.bitcast %parallel_loop3A_144 : vector<16xi32> to vector<16xf32>
        %parallel_loop3A_146 = arith.constant 16 : i32
        %parallel_loop3A_147 = vector.broadcast %parallel_loop3A_146 : i32 to vector<16xi32>
        %parallel_loop3A_148 = arith.shli %parallel_loop3A_143, %parallel_loop3A_147 : vector<16xi32>
        %parallel_loop3A_149 = vector.bitcast %parallel_loop3A_148 : vector<16xi32> to vector<16xf32>
        %parallel_loop3A_150 = arith.mulf %parallel_loop3A_127, %parallel_loop3A_145 : vector<16xf32>
        tpu.vector_store_idx %arg7[%broadcast_in_dim3A_35, %parallel_loop3A_133], %parallel_loop3A_150 {add = true} : memref<4x10000xf32, #tpu.memory_space<vmem>>[vector<16xi32>, vector<16xi32>], vector<16xf32>,
        %parallel_loop3A_151 = arith.mulf %parallel_loop3A_127, %parallel_loop3A_149 : vector<16xf32>
        tpu.vector_store_idx %arg7[%broadcast_in_dim3A_39, %parallel_loop3A_133], %parallel_loop3A_151 {add = true} : memref<4x10000xf32, #tpu.memory_space<vmem>>[vector<16xi32>, vector<16xi32>], vector<16xf32>,
      } {sc.loop_unroll_factor = 2 : i64, sc.parallel_access}
      %mul3A_86 = arith.constant 2 : i32
      %mul3A_87 = arith.muli %scan3A_74, %mul3A_86 : i32
      %add3A_88 = arith.constant 0 : i32
      %add3A_89 = arith.addi %mul3A_87, %add3A_88 : i32
      %add3A_90 = arith.constant 2 : i32
      %add3A_91 = arith.addi %add3A_89, %add3A_90 : i32
      %mul3A_92 = arith.constant 8000 : i32
      %mul3A_93 = arith.muli %add3A_91, %mul3A_92 : i32
      %dma_start3A_94 = tpu.memref_slice %arg3[%mul3A_93] : memref<320000xi32, #tpu.memory_space<hbm>> -> memref<8000xi32, #tpu.memory_space<hbm>>
      %dma_start3A_95 = tpu.memref_slice %arg3[%mul3A_93] : memref<320000xi32, #tpu.memory_space<hbm>> -> memref<8000xi32, #tpu.memory_space<hbm>>
      tpu.enqueue_dma source(%dma_start3A_95 : memref<8000xi32, #tpu.memory_space<hbm>>) target(%arg8 : memref<8000xi32, #tpu.memory_space<vmem>>) target_semaphore(%arg12 : memref<!tpu.dma_semaphore, #tpu.memory_space<semaphore_mem>>)
      %dma_start3A_96 = tpu.memref_slice %arg4[%mul3A_93] : memref<320000xf32, #tpu.memory_space<hbm>> -> memref<8000xf32, #tpu.memory_space<hbm>>
      %dma_start3A_97 = tpu.memref_slice %arg4[%mul3A_93] : memref<320000xf32, #tpu.memory_space<hbm>> -> memref<8000xf32, #tpu.memory_space<hbm>>
      tpu.enqueue_dma source(%dma_start3A_97 : memref<8000xf32, #tpu.memory_space<hbm>>) target(%arg10 : memref<8000xf32, #tpu.memory_space<vmem>>) target_semaphore(%arg12 : memref<!tpu.dma_semaphore, #tpu.memory_space<semaphore_mem>>)
      %dma_wait3A_98 = arith.constant 0 : i32
      %dma_wait3A_99 = tpu.memref_slice %arg3[%dma_wait3A_98] : memref<320000xi32, #tpu.memory_space<hbm>> -> memref<8000xi32, #tpu.memory_space<hbm>>
      %dma_wait3A_100 = arith.constant 0 : i32
      %dma_wait3A_101 = tpu.memref_slice %arg3[%dma_wait3A_100] : memref<320000xi32, #tpu.memory_space<hbm>> -> memref<8000xi32, #tpu.memory_space<hbm>>
      tpu.wait_dma2 semaphore(%arg13 : memref<!tpu.dma_semaphore, #tpu.memory_space<semaphore_mem>>) src(%dma_wait3A_101 : memref<8000xi32, #tpu.memory_space<hbm>>) dst(%arg9 : memref<8000xi32, #tpu.memory_space<vmem>>)
      %dma_wait3A_102 = arith.constant 0 : i32
      %dma_wait3A_103 = tpu.memref_slice %arg4[%dma_wait3A_102] : memref<320000xf32, #tpu.memory_space<hbm>> -> memref<8000xf32, #tpu.memory_space<hbm>>
      %dma_wait3A_104 = arith.constant 0 : i32
      %dma_wait3A_105 = tpu.memref_slice %arg4[%dma_wait3A_104] : memref<320000xf32, #tpu.memory_space<hbm>> -> memref<8000xf32, #tpu.memory_space<hbm>>
      tpu.wait_dma2 semaphore(%arg13 : memref<!tpu.dma_semaphore, #tpu.memory_space<semaphore_mem>>) src(%dma_wait3A_105 : memref<8000xf32, #tpu.memory_space<hbm>>) dst(%arg11 : memref<8000xf32, #tpu.memory_space<vmem>>)
      %parallel_loop3A_106 = arith.constant 0 : i32
      %parallel_loop3A_107 = arith.constant 500 : i32
      %parallel_loop3A_108 = arith.constant 1 : i32
      scf.for %parallel_loop3A_121 = %parallel_loop3A_106 to %parallel_loop3A_107 step %parallel_loop3A_108  : i32 {
        %parallel_loop3A_122 = arith.constant 16 : i32
        %parallel_loop3A_123 = arith.muli %parallel_loop3A_121, %parallel_loop3A_122 : i32
        %parallel_loop3A_124 = arith.index_cast %parallel_loop3A_123 : i32 to index
        %parallel_loop3A_125 = tpu.vector_load %arg9[%parallel_loop3A_124] {strides = array<i32>} : memref<8000xi32, #tpu.memory_space<vmem>>, vector<16xi32>,
        %parallel_loop3A_126 = arith.index_cast %parallel_loop3A_123 : i32 to index
        %parallel_loop3A_127 = tpu.vector_load %arg11[%parallel_loop3A_126] {strides = array<i32>} : memref<8000xf32, #tpu.memory_space<vmem>>, vector<16xf32>,
        %parallel_loop3A_128 = arith.constant 16383 : i32
        %parallel_loop3A_129 = vector.broadcast %parallel_loop3A_128 : i32 to vector<16xi32>
        %parallel_loop3A_130 = arith.andi %parallel_loop3A_125, %parallel_loop3A_129 : vector<16xi32>
        %parallel_loop3A_131 = arith.constant 14 : i32
        %parallel_loop3A_132 = vector.broadcast %parallel_loop3A_131 : i32 to vector<16xi32>
        %parallel_loop3A_133 = arith.shrui %parallel_loop3A_125, %parallel_loop3A_132 : vector<16xi32>
        %parallel_loop3A_134 = tpu.vector_load_idx %arg6[%broadcast_in_dim3A_33, %parallel_loop3A_130] : memref<2x10000xi32, #tpu.memory_space<vmem>>[vector<16xi32>, vector<16xi32>], vector<16xi32>,
        %parallel_loop3A_135 = arith.andi %parallel_loop3A_134, %broadcast_in_dim3A_41 : vector<16xi32>
        %parallel_loop3A_136 = vector.bitcast %parallel_loop3A_135 : vector<16xi32> to vector<16xf32>
        %parallel_loop3A_137 = arith.constant 16 : i32
        %parallel_loop3A_138 = vector.broadcast %parallel_loop3A_137 : i32 to vector<16xi32>
        %parallel_loop3A_139 = arith.shli %parallel_loop3A_134, %parallel_loop3A_138 : vector<16xi32>
        %parallel_loop3A_140 = vector.bitcast %parallel_loop3A_139 : vector<16xi32> to vector<16xf32>
        %parallel_loop3A_141 = arith.mulf %parallel_loop3A_127, %parallel_loop3A_136 : vector<16xf32>
        tpu.vector_store_idx %arg7[%broadcast_in_dim3A_33, %parallel_loop3A_133], %parallel_loop3A_141 {add = true} : memref<4x10000xf32, #tpu.memory_space<vmem>>[vector<16xi32>, vector<16xi32>], vector<16xf32>,
        %parallel_loop3A_142 = arith.mulf %parallel_loop3A_127, %parallel_loop3A_140 : vector<16xf32>
        tpu.vector_store_idx %arg7[%broadcast_in_dim3A_37, %parallel_loop3A_133], %parallel_loop3A_142 {add = true} : memref<4x10000xf32, #tpu.memory_space<vmem>>[vector<16xi32>, vector<16xi32>], vector<16xf32>,
        %parallel_loop3A_143 = tpu.vector_load_idx %arg6[%broadcast_in_dim3A_35, %parallel_loop3A_130] : memref<2x10000xi32, #tpu.memory_space<vmem>>[vector<16xi32>, vector<16xi32>], vector<16xi32>,
        %parallel_loop3A_144 = arith.andi %parallel_loop3A_143, %broadcast_in_dim3A_41 : vector<16xi32>
        %parallel_loop3A_145 = vector.bitcast %parallel_loop3A_144 : vector<16xi32> to vector<16xf32>
        %parallel_loop3A_146 = arith.constant 16 : i32
        %parallel_loop3A_147 = vector.broadcast %parallel_loop3A_146 : i32 to vector<16xi32>
        %parallel_loop3A_148 = arith.shli %parallel_loop3A_143, %parallel_loop3A_147 : vector<16xi32>
        %parallel_loop3A_149 = vector.bitcast %parallel_loop3A_148 : vector<16xi32> to vector<16xf32>
        %parallel_loop3A_150 = arith.mulf %parallel_loop3A_127, %parallel_loop3A_145 : vector<16xf32>
        tpu.vector_store_idx %arg7[%broadcast_in_dim3A_35, %parallel_loop3A_133], %parallel_loop3A_150 {add = true} : memref<4x10000xf32, #tpu.memory_space<vmem>>[vector<16xi32>, vector<16xi32>], vector<16xf32>,
        %parallel_loop3A_151 = arith.mulf %parallel_loop3A_127, %parallel_loop3A_149 : vector<16xf32>
        tpu.vector_store_idx %arg7[%broadcast_in_dim3A_39, %parallel_loop3A_133], %parallel_loop3A_151 {add = true} : memref<4x10000xf32, #tpu.memory_space<vmem>>[vector<16xi32>, vector<16xi32>], vector<16xf32>,
      } {sc.loop_unroll_factor = 2 : i64, sc.parallel_access}
      %mul3A_109 = arith.constant 2 : i32
      %mul3A_110 = arith.muli %scan3A_74, %mul3A_109 : i32
      %add3A_111 = arith.constant 1 : i32
      %add3A_112 = arith.addi %mul3A_110, %add3A_111 : i32
      %add3A_113 = arith.constant 2 : i32
      %add3A_114 = arith.addi %add3A_112, %add3A_113 : i32
      %mul3A_115 = arith.constant 8000 : i32
      %mul3A_116 = arith.muli %add3A_114, %mul3A_115 : i32
      %dma_start3A_117 = tpu.memref_slice %arg3[%mul3A_116] : memref<320000xi32, #tpu.memory_space<hbm>> -> memref<8000xi32, #tpu.memory_space<hbm>>
      %dma_start3A_118 = tpu.memref_slice %arg3[%mul3A_116] : memref<320000xi32, #tpu.memory_space<hbm>> -> memref<8000xi32, #tpu.memory_space<hbm>>
      tpu.enqueue_dma source(%dma_start3A_118 : memref<8000xi32, #tpu.memory_space<hbm>>) target(%arg9 : memref<8000xi32, #tpu.memory_space<vmem>>) target_semaphore(%arg13 : memref<!tpu.dma_semaphore, #tpu.memory_space<semaphore_mem>>)
      %dma_start3A_119 = tpu.memref_slice %arg4[%mul3A_116] : memref<320000xf32, #tpu.memory_space<hbm>> -> memref<8000xf32, #tpu.memory_space<hbm>>
      %dma_start3A_120 = tpu.memref_slice %arg4[%mul3A_116] : memref<320000xf32, #tpu.memory_space<hbm>> -> memref<8000xf32, #tpu.memory_space<hbm>>
      tpu.enqueue_dma source(%dma_start3A_120 : memref<8000xf32, #tpu.memory_space<hbm>>) target(%arg11 : memref<8000xf32, #tpu.memory_space<vmem>>) target_semaphore(%arg13 : memref<!tpu.dma_semaphore, #tpu.memory_space<semaphore_mem>>)
    }
    %scan3A_46 = arith.constant 19 : i32
    %dma_wait3A = arith.constant 0 : i32
    %dma_wait3A_47 = tpu.memref_slice %arg3[%dma_wait3A] : memref<320000xi32, #tpu.memory_space<hbm>> -> memref<8000xi32, #tpu.memory_space<hbm>>
    %dma_wait3A_48 = arith.constant 0 : i32
    %dma_wait3A_49 = tpu.memref_slice %arg3[%dma_wait3A_48] : memref<320000xi32, #tpu.memory_space<hbm>> -> memref<8000xi32, #tpu.memory_space<hbm>>
    tpu.wait_dma2 semaphore(%arg12 : memref<!tpu.dma_semaphore, #tpu.memory_space<semaphore_mem>>) src(%dma_wait3A_49 : memref<8000xi32, #tpu.memory_space<hbm>>) dst(%arg8 : memref<8000xi32, #tpu.memory_space<vmem>>)
    %dma_wait3A_50 = arith.constant 0 : i32
    %dma_wait3A_51 = tpu.memref_slice %arg4[%dma_wait3A_50] : memref<320000xf32, #tpu.memory_space<hbm>> -> memref<8000xf32, #tpu.memory_space<hbm>>
    %dma_wait3A_52 = arith.constant 0 : i32
    %dma_wait3A_53 = tpu.memref_slice %arg4[%dma_wait3A_52] : memref<320000xf32, #tpu.memory_space<hbm>> -> memref<8000xf32, #tpu.memory_space<hbm>>
    tpu.wait_dma2 semaphore(%arg12 : memref<!tpu.dma_semaphore, #tpu.memory_space<semaphore_mem>>) src(%dma_wait3A_53 : memref<8000xf32, #tpu.memory_space<hbm>>) dst(%arg10 : memref<8000xf32, #tpu.memory_space<vmem>>)
    %parallel_loop3A_54 = arith.constant 0 : i32
    %parallel_loop3A_55 = arith.constant 500 : i32
    %parallel_loop3A_56 = arith.constant 1 : i32
    scf.for %parallel_loop3A_74 = %parallel_loop3A_54 to %parallel_loop3A_55 step %parallel_loop3A_56  : i32 {
      %parallel_loop3A_75 = arith.constant 16 : i32
      %parallel_loop3A_76 = arith.muli %parallel_loop3A_74, %parallel_loop3A_75 : i32
      %parallel_loop3A_77 = arith.index_cast %parallel_loop3A_76 : i32 to index
      %parallel_loop3A_78 = tpu.vector_load %arg8[%parallel_loop3A_77] {strides = array<i32>} : memref<8000xi32, #tpu.memory_space<vmem>>, vector<16xi32>,
      %parallel_loop3A_79 = arith.index_cast %parallel_loop3A_76 : i32 to index
      %parallel_loop3A_80 = tpu.vector_load %arg10[%parallel_loop3A_79] {strides = array<i32>} : memref<8000xf32, #tpu.memory_space<vmem>>, vector<16xf32>,
      %parallel_loop3A_81 = arith.constant 16383 : i32
      %parallel_loop3A_82 = vector.broadcast %parallel_loop3A_81 : i32 to vector<16xi32>
      %parallel_loop3A_83 = arith.andi %parallel_loop3A_78, %parallel_loop3A_82 : vector<16xi32>
      %parallel_loop3A_84 = arith.constant 14 : i32
      %parallel_loop3A_85 = vector.broadcast %parallel_loop3A_84 : i32 to vector<16xi32>
      %parallel_loop3A_86 = arith.shrui %parallel_loop3A_78, %parallel_loop3A_85 : vector<16xi32>
      %parallel_loop3A_87 = tpu.vector_load_idx %arg6[%broadcast_in_dim3A_33, %parallel_loop3A_83] : memref<2x10000xi32, #tpu.memory_space<vmem>>[vector<16xi32>, vector<16xi32>], vector<16xi32>,
      %parallel_loop3A_88 = arith.andi %parallel_loop3A_87, %broadcast_in_dim3A_41 : vector<16xi32>
      %parallel_loop3A_89 = vector.bitcast %parallel_loop3A_88 : vector<16xi32> to vector<16xf32>
      %parallel_loop3A_90 = arith.constant 16 : i32
      %parallel_loop3A_91 = vector.broadcast %parallel_loop3A_90 : i32 to vector<16xi32>
      %parallel_loop3A_92 = arith.shli %parallel_loop3A_87, %parallel_loop3A_91 : vector<16xi32>
      %parallel_loop3A_93 = vector.bitcast %parallel_loop3A_92 : vector<16xi32> to vector<16xf32>
      %parallel_loop3A_94 = arith.mulf %parallel_loop3A_80, %parallel_loop3A_89 : vector<16xf32>
      tpu.vector_store_idx %arg7[%broadcast_in_dim3A_33, %parallel_loop3A_86], %parallel_loop3A_94 {add = true} : memref<4x10000xf32, #tpu.memory_space<vmem>>[vector<16xi32>, vector<16xi32>], vector<16xf32>,
      %parallel_loop3A_95 = arith.mulf %parallel_loop3A_80, %parallel_loop3A_93 : vector<16xf32>
      tpu.vector_store_idx %arg7[%broadcast_in_dim3A_37, %parallel_loop3A_86], %parallel_loop3A_95 {add = true} : memref<4x10000xf32, #tpu.memory_space<vmem>>[vector<16xi32>, vector<16xi32>], vector<16xf32>,
      %parallel_loop3A_96 = tpu.vector_load_idx %arg6[%broadcast_in_dim3A_35, %parallel_loop3A_83] : memref<2x10000xi32, #tpu.memory_space<vmem>>[vector<16xi32>, vector<16xi32>], vector<16xi32>,
      %parallel_loop3A_97 = arith.andi %parallel_loop3A_96, %broadcast_in_dim3A_41 : vector<16xi32>
      %parallel_loop3A_98 = vector.bitcast %parallel_loop3A_97 : vector<16xi32> to vector<16xf32>
      %parallel_loop3A_99 = arith.constant 16 : i32
      %parallel_loop3A_100 = vector.broadcast %parallel_loop3A_99 : i32 to vector<16xi32>
      %parallel_loop3A_101 = arith.shli %parallel_loop3A_96, %parallel_loop3A_100 : vector<16xi32>
      %parallel_loop3A_102 = vector.bitcast %parallel_loop3A_101 : vector<16xi32> to vector<16xf32>
      %parallel_loop3A_103 = arith.mulf %parallel_loop3A_80, %parallel_loop3A_98 : vector<16xf32>
      tpu.vector_store_idx %arg7[%broadcast_in_dim3A_35, %parallel_loop3A_86], %parallel_loop3A_103 {add = true} : memref<4x10000xf32, #tpu.memory_space<vmem>>[vector<16xi32>, vector<16xi32>], vector<16xf32>,
      %parallel_loop3A_104 = arith.mulf %parallel_loop3A_80, %parallel_loop3A_102 : vector<16xf32>
      tpu.vector_store_idx %arg7[%broadcast_in_dim3A_39, %parallel_loop3A_86], %parallel_loop3A_104 {add = true} : memref<4x10000xf32, #tpu.memory_space<vmem>>[vector<16xi32>, vector<16xi32>], vector<16xf32>,
    } {sc.loop_unroll_factor = 2 : i64, sc.parallel_access}
    %dma_wait3A_57 = arith.constant 0 : i32
    %dma_wait3A_58 = tpu.memref_slice %arg3[%dma_wait3A_57] : memref<320000xi32, #tpu.memory_space<hbm>> -> memref<8000xi32, #tpu.memory_space<hbm>>
    %dma_wait3A_59 = arith.constant 0 : i32
    %dma_wait3A_60 = tpu.memref_slice %arg3[%dma_wait3A_59] : memref<320000xi32, #tpu.memory_space<hbm>> -> memref<8000xi32, #tpu.memory_space<hbm>>
    tpu.wait_dma2 semaphore(%arg13 : memref<!tpu.dma_semaphore, #tpu.memory_space<semaphore_mem>>) src(%dma_wait3A_60 : memref<8000xi32, #tpu.memory_space<hbm>>) dst(%arg9 : memref<8000xi32, #tpu.memory_space<vmem>>)
    %dma_wait3A_61 = arith.constant 0 : i32
    %dma_wait3A_62 = tpu.memref_slice %arg4[%dma_wait3A_61] : memref<320000xf32, #tpu.memory_space<hbm>> -> memref<8000xf32, #tpu.memory_space<hbm>>
    %dma_wait3A_63 = arith.constant 0 : i32
    %dma_wait3A_64 = tpu.memref_slice %arg4[%dma_wait3A_63] : memref<320000xf32, #tpu.memory_space<hbm>> -> memref<8000xf32, #tpu.memory_space<hbm>>
    tpu.wait_dma2 semaphore(%arg13 : memref<!tpu.dma_semaphore, #tpu.memory_space<semaphore_mem>>) src(%dma_wait3A_64 : memref<8000xf32, #tpu.memory_space<hbm>>) dst(%arg11 : memref<8000xf32, #tpu.memory_space<vmem>>)
    %parallel_loop3A_65 = arith.constant 0 : i32
    %parallel_loop3A_66 = arith.constant 500 : i32
    %parallel_loop3A_67 = arith.constant 1 : i32
    scf.for %parallel_loop3A_74 = %parallel_loop3A_65 to %parallel_loop3A_66 step %parallel_loop3A_67  : i32 {
      %parallel_loop3A_75 = arith.constant 16 : i32
      %parallel_loop3A_76 = arith.muli %parallel_loop3A_74, %parallel_loop3A_75 : i32
      %parallel_loop3A_77 = arith.index_cast %parallel_loop3A_76 : i32 to index
      %parallel_loop3A_78 = tpu.vector_load %arg9[%parallel_loop3A_77] {strides = array<i32>} : memref<8000xi32, #tpu.memory_space<vmem>>, vector<16xi32>,
      %parallel_loop3A_79 = arith.index_cast %parallel_loop3A_76 : i32 to index
      %parallel_loop3A_80 = tpu.vector_load %arg11[%parallel_loop3A_79] {strides = array<i32>} : memref<8000xf32, #tpu.memory_space<vmem>>, vector<16xf32>,
      %parallel_loop3A_81 = arith.constant 16383 : i32
      %parallel_loop3A_82 = vector.broadcast %parallel_loop3A_81 : i32 to vector<16xi32>
      %parallel_loop3A_83 = arith.andi %parallel_loop3A_78, %parallel_loop3A_82 : vector<16xi32>
      %parallel_loop3A_84 = arith.constant 14 : i32
      %parallel_loop3A_85 = vector.broadcast %parallel_loop3A_84 : i32 to vector<16xi32>
      %parallel_loop3A_86 = arith.shrui %parallel_loop3A_78, %parallel_loop3A_85 : vector<16xi32>
      %parallel_loop3A_87 = tpu.vector_load_idx %arg6[%broadcast_in_dim3A_33, %parallel_loop3A_83] : memref<2x10000xi32, #tpu.memory_space<vmem>>[vector<16xi32>, vector<16xi32>], vector<16xi32>,
      %parallel_loop3A_88 = arith.andi %parallel_loop3A_87, %broadcast_in_dim3A_41 : vector<16xi32>
      %parallel_loop3A_89 = vector.bitcast %parallel_loop3A_88 : vector<16xi32> to vector<16xf32>
      %parallel_loop3A_90 = arith.constant 16 : i32
      %parallel_loop3A_91 = vector.broadcast %parallel_loop3A_90 : i32 to vector<16xi32>
      %parallel_loop3A_92 = arith.shli %parallel_loop3A_87, %parallel_loop3A_91 : vector<16xi32>
      %parallel_loop3A_93 = vector.bitcast %parallel_loop3A_92 : vector<16xi32> to vector<16xf32>
      %parallel_loop3A_94 = arith.mulf %parallel_loop3A_80, %parallel_loop3A_89 : vector<16xf32>
      tpu.vector_store_idx %arg7[%broadcast_in_dim3A_33, %parallel_loop3A_86], %parallel_loop3A_94 {add = true} : memref<4x10000xf32, #tpu.memory_space<vmem>>[vector<16xi32>, vector<16xi32>], vector<16xf32>,
      %parallel_loop3A_95 = arith.mulf %parallel_loop3A_80, %parallel_loop3A_93 : vector<16xf32>
      tpu.vector_store_idx %arg7[%broadcast_in_dim3A_37, %parallel_loop3A_86], %parallel_loop3A_95 {add = true} : memref<4x10000xf32, #tpu.memory_space<vmem>>[vector<16xi32>, vector<16xi32>], vector<16xf32>,
      %parallel_loop3A_96 = tpu.vector_load_idx %arg6[%broadcast_in_dim3A_35, %parallel_loop3A_83] : memref<2x10000xi32, #tpu.memory_space<vmem>>[vector<16xi32>, vector<16xi32>], vector<16xi32>,
      %parallel_loop3A_97 = arith.andi %parallel_loop3A_96, %broadcast_in_dim3A_41 : vector<16xi32>
      %parallel_loop3A_98 = vector.bitcast %parallel_loop3A_97 : vector<16xi32> to vector<16xf32>
      %parallel_loop3A_99 = arith.constant 16 : i32
      %parallel_loop3A_100 = vector.broadcast %parallel_loop3A_99 : i32 to vector<16xi32>
      %parallel_loop3A_101 = arith.shli %parallel_loop3A_96, %parallel_loop3A_100 : vector<16xi32>
      %parallel_loop3A_102 = vector.bitcast %parallel_loop3A_101 : vector<16xi32> to vector<16xf32>
      %parallel_loop3A_103 = arith.mulf %parallel_loop3A_80, %parallel_loop3A_98 : vector<16xf32>
      tpu.vector_store_idx %arg7[%broadcast_in_dim3A_35, %parallel_loop3A_86], %parallel_loop3A_103 {add = true} : memref<4x10000xf32, #tpu.memory_space<vmem>>[vector<16xi32>, vector<16xi32>], vector<16xf32>,
      %parallel_loop3A_104 = arith.mulf %parallel_loop3A_80, %parallel_loop3A_102 : vector<16xf32>
      tpu.vector_store_idx %arg7[%broadcast_in_dim3A_39, %parallel_loop3A_86], %parallel_loop3A_104 {add = true} : memref<4x10000xf32, #tpu.memory_space<vmem>>[vector<16xi32>, vector<16xi32>], vector<16xf32>,
    } {sc.loop_unroll_factor = 2 : i64, sc.parallel_access}
    %mul3A_68 = arith.constant 2 : i32
    %mul3A_69 = arith.muli %mul3A_68, %add3A : i32
    "tpu.region"() ({
      %run_scoped3A = tpu.sem_alloc : memref<!tpu.dma_semaphore, #tpu.memory_space<semaphore_mem>>
      %dma_start3A_74 = arith.constant 0 : i32
      %dma_start3A_75 = arith.constant 0 : i32
      %dma_start3A_76 = tpu.memref_slice %arg7[%dma_start3A_74, %dma_start3A_75] : memref<4x10000xf32, #tpu.memory_space<vmem>> -> memref<2x10000xf32, #tpu.memory_space<vmem>>
      %dma_start3A_77 = arith.constant 0 : i32
      %dma_start3A_78 = tpu.memref_slice %arg5[%mul3A_69, %dma_start3A_77] : memref<128x10000xf32, #tpu.memory_space<hbm>> -> memref<2x10000xf32, #tpu.memory_space<hbm>>
      %dma_start3A_79 = arith.constant 0 : i32
      %dma_start3A_80 = tpu.memref_slice %arg5[%mul3A_69, %dma_start3A_79] : memref<128x10000xf32, #tpu.memory_space<hbm>> -> memref<2x10000xf32, #tpu.memory_space<hbm>>
      %dma_start3A_81 = arith.constant 0 : i32
      %dma_start3A_82 = arith.constant 0 : i32
      %dma_start3A_83 = tpu.memref_slice %arg7[%dma_start3A_81, %dma_start3A_82] : memref<4x10000xf32, #tpu.memory_space<vmem>> -> memref<2x10000xf32, #tpu.memory_space<vmem>>
      tpu.enqueue_dma source(%dma_start3A_83 : memref<2x10000xf32, #tpu.memory_space<vmem>>) target(%dma_start3A_80 : memref<2x10000xf32, #tpu.memory_space<hbm>>) target_semaphore(%run_scoped3A : memref<!tpu.dma_semaphore, #tpu.memory_space<semaphore_mem>>)
      %dma_wait3A_84 = arith.constant 0 : i32
      %dma_wait3A_85 = arith.constant 0 : i32
      %dma_wait3A_86 = tpu.memref_slice %arg7[%dma_wait3A_84, %dma_wait3A_85] : memref<4x10000xf32, #tpu.memory_space<vmem>> -> memref<2x10000xf32, #tpu.memory_space<vmem>>
      %dma_wait3A_87 = arith.constant 0 : i32
      %dma_wait3A_88 = tpu.memref_slice %arg5[%mul3A_69, %dma_wait3A_87] : memref<128x10000xf32, #tpu.memory_space<hbm>> -> memref<2x10000xf32, #tpu.memory_space<hbm>>
      %dma_wait3A_89 = arith.constant 0 : i32
      %dma_wait3A_90 = tpu.memref_slice %arg5[%mul3A_69, %dma_wait3A_89] : memref<128x10000xf32, #tpu.memory_space<hbm>> -> memref<2x10000xf32, #tpu.memory_space<hbm>>
      %dma_wait3A_91 = arith.constant 0 : i32
      %dma_wait3A_92 = arith.constant 0 : i32
      %dma_wait3A_93 = tpu.memref_slice %arg7[%dma_wait3A_91, %dma_wait3A_92] : memref<4x10000xf32, #tpu.memory_space<vmem>> -> memref<2x10000xf32, #tpu.memory_space<vmem>>
      tpu.wait_dma2 semaphore(%run_scoped3A : memref<!tpu.dma_semaphore, #tpu.memory_space<semaphore_mem>>) src(%dma_wait3A_93 : memref<2x10000xf32, #tpu.memory_space<vmem>>) dst(%dma_wait3A_90 : memref<2x10000xf32, #tpu.memory_space<hbm>>)
      tpu.yield
    }) : () -> ()
    %mul3A_70 = arith.constant 2 : i32
    %mul3A_71 = arith.muli %mul3A_70, %add3A : i32
    %add3A_72 = arith.constant 64 : i32
    %add3A_73 = arith.addi %add3A_72, %mul3A_71 : i32
    "tpu.region"() ({
      %run_scoped3A = tpu.sem_alloc : memref<!tpu.dma_semaphore, #tpu.memory_space<semaphore_mem>>
      %dma_start3A_74 = arith.constant 2 : i32
      %dma_start3A_75 = arith.constant 0 : i32
      %dma_start3A_76 = tpu.memref_slice %arg7[%dma_start3A_74, %dma_start3A_75] : memref<4x10000xf32, #tpu.memory_space<vmem>> -> memref<2x10000xf32, #tpu.memory_space<vmem>>
      %dma_start3A_77 = arith.constant 0 : i32
      %dma_start3A_78 = tpu.memref_slice %arg5[%add3A_73, %dma_start3A_77] : memref<128x10000xf32, #tpu.memory_space<hbm>> -> memref<2x10000xf32, #tpu.memory_space<hbm>>
      %dma_start3A_79 = arith.constant 0 : i32
      %dma_start3A_80 = tpu.memref_slice %arg5[%add3A_73, %dma_start3A_79] : memref<128x10000xf32, #tpu.memory_space<hbm>> -> memref<2x10000xf32, #tpu.memory_space<hbm>>
      %dma_start3A_81 = arith.constant 2 : i32
      %dma_start3A_82 = arith.constant 0 : i32
      %dma_start3A_83 = tpu.memref_slice %arg7[%dma_start3A_81, %dma_start3A_82] : memref<4x10000xf32, #tpu.memory_space<vmem>> -> memref<2x10000xf32, #tpu.memory_space<vmem>>
      tpu.enqueue_dma source(%dma_start3A_83 : memref<2x10000xf32, #tpu.memory_space<vmem>>) target(%dma_start3A_80 : memref<2x10000xf32, #tpu.memory_space<hbm>>) target_semaphore(%run_scoped3A : memref<!tpu.dma_semaphore, #tpu.memory_space<semaphore_mem>>)
      %dma_wait3A_84 = arith.constant 2 : i32
      %dma_wait3A_85 = arith.constant 0 : i32
      %dma_wait3A_86 = tpu.memref_slice %arg7[%dma_wait3A_84, %dma_wait3A_85] : memref<4x10000xf32, #tpu.memory_space<vmem>> -> memref<2x10000xf32, #tpu.memory_space<vmem>>
      %dma_wait3A_87 = arith.constant 0 : i32
      %dma_wait3A_88 = tpu.memref_slice %arg5[%add3A_73, %dma_wait3A_87] : memref<128x10000xf32, #tpu.memory_space<hbm>> -> memref<2x10000xf32, #tpu.memory_space<hbm>>
      %dma_wait3A_89 = arith.constant 0 : i32
      %dma_wait3A_90 = tpu.memref_slice %arg5[%add3A_73, %dma_wait3A_89] : memref<128x10000xf32, #tpu.memory_space<hbm>> -> memref<2x10000xf32, #tpu.memory_space<hbm>>
      %dma_wait3A_91 = arith.constant 2 : i32
      %dma_wait3A_92 = arith.constant 0 : i32
      %dma_wait3A_93 = tpu.memref_slice %arg7[%dma_wait3A_91, %dma_wait3A_92] : memref<4x10000xf32, #tpu.memory_space<vmem>> -> memref<2x10000xf32, #tpu.memory_space<vmem>>
      tpu.wait_dma2 semaphore(%run_scoped3A : memref<!tpu.dma_semaphore, #tpu.memory_space<semaphore_mem>>) src(%dma_wait3A_93 : memref<2x10000xf32, #tpu.memory_space<vmem>>) dst(%dma_wait3A_90 : memref<2x10000xf32, #tpu.memory_space<hbm>>)
      tpu.yield
    }) : () -> ()
    return
  }
}

#map = affine_map<(d0, d1) -> (0)>
#map1 = affine_map<(d0, d1) -> (0, 0)>
module attributes {stable_mosaic.version = 14 : i64} {
  func.func @_deg_kernel(%arg0: i32, %arg1: i32, %arg2: memref<320000xi32, #tpu.memory_space<hbm>>, %arg3: memref<320000xf32, #tpu.memory_space<hbm>>, %arg4: memref<32x10000xf32, #tpu.memory_space<hbm>>, %arg5: memref<1x10000xf32, #tpu.memory_space<vmem>>, %arg6: memref<10000xi32, #tpu.memory_space<vmem>>, %arg7: memref<10000xf32, #tpu.memory_space<vmem>>) attributes {dimension_semantics = [#tpu.dimension_semantics<core_parallel>, #tpu.dimension_semantics<subcore_parallel>], iteration_bounds = array<i64: 2, 16>, scalar_prefetch = 0 : i64, scratch_operands = 3 : i64, tpu.core_type = #tpu.core_type<sc_vector_subcore>, window_params = [{transform_indices = #map}, {transform_indices = #map}, {transform_indices = #map1}]} {
    %mul3A = arith.constant 2 : i32
    %mul3A_0 = arith.muli %arg1, %mul3A : i32
    %add3A = arith.addi %mul3A_0, %arg0 : i32
    %mul3A_1 = arith.constant 10000 : i32
    %mul3A_2 = arith.muli %add3A, %mul3A_1 : i32
    "tpu.region"() ({
      %run_scoped3A = tpu.sem_alloc : memref<!tpu.dma_semaphore, #tpu.memory_space<semaphore_mem>>
      %dma_start3A = tpu.memref_slice %arg2[%mul3A_2] : memref<320000xi32, #tpu.memory_space<hbm>> -> memref<10000xi32, #tpu.memory_space<hbm>>
      %dma_start3A_11 = tpu.memref_slice %arg2[%mul3A_2] : memref<320000xi32, #tpu.memory_space<hbm>> -> memref<10000xi32, #tpu.memory_space<hbm>>
      tpu.enqueue_dma source(%dma_start3A_11 : memref<10000xi32, #tpu.memory_space<hbm>>) target(%arg6 : memref<10000xi32, #tpu.memory_space<vmem>>) target_semaphore(%run_scoped3A : memref<!tpu.dma_semaphore, #tpu.memory_space<semaphore_mem>>)
      %dma_wait3A = tpu.memref_slice %arg2[%mul3A_2] : memref<320000xi32, #tpu.memory_space<hbm>> -> memref<10000xi32, #tpu.memory_space<hbm>>
      %dma_wait3A_12 = tpu.memref_slice %arg2[%mul3A_2] : memref<320000xi32, #tpu.memory_space<hbm>> -> memref<10000xi32, #tpu.memory_space<hbm>>
      tpu.wait_dma2 semaphore(%run_scoped3A : memref<!tpu.dma_semaphore, #tpu.memory_space<semaphore_mem>>) src(%dma_wait3A_12 : memref<10000xi32, #tpu.memory_space<hbm>>) dst(%arg6 : memref<10000xi32, #tpu.memory_space<vmem>>)
      tpu.yield
    }) : () -> ()
    "tpu.region"() ({
      %run_scoped3A = tpu.sem_alloc : memref<!tpu.dma_semaphore, #tpu.memory_space<semaphore_mem>>
      %dma_start3A = tpu.memref_slice %arg3[%mul3A_2] : memref<320000xf32, #tpu.memory_space<hbm>> -> memref<10000xf32, #tpu.memory_space<hbm>>
      %dma_start3A_11 = tpu.memref_slice %arg3[%mul3A_2] : memref<320000xf32, #tpu.memory_space<hbm>> -> memref<10000xf32, #tpu.memory_space<hbm>>
      tpu.enqueue_dma source(%dma_start3A_11 : memref<10000xf32, #tpu.memory_space<hbm>>) target(%arg7 : memref<10000xf32, #tpu.memory_space<vmem>>) target_semaphore(%run_scoped3A : memref<!tpu.dma_semaphore, #tpu.memory_space<semaphore_mem>>)
      %dma_wait3A = tpu.memref_slice %arg3[%mul3A_2] : memref<320000xf32, #tpu.memory_space<hbm>> -> memref<10000xf32, #tpu.memory_space<hbm>>
      %dma_wait3A_12 = tpu.memref_slice %arg3[%mul3A_2] : memref<320000xf32, #tpu.memory_space<hbm>> -> memref<10000xf32, #tpu.memory_space<hbm>>
      tpu.wait_dma2 semaphore(%run_scoped3A : memref<!tpu.dma_semaphore, #tpu.memory_space<semaphore_mem>>) src(%dma_wait3A_12 : memref<10000xf32, #tpu.memory_space<hbm>>) dst(%arg7 : memref<10000xf32, #tpu.memory_space<vmem>>)
      tpu.yield
    }) : () -> ()
    %broadcast_in_dim3A = arith.constant 0.000000e+00 : f32
    %broadcast_in_dim3A_3 = vector.broadcast %broadcast_in_dim3A : f32 to vector<16xf32>
    %broadcast_in_dim3A_4 = arith.constant 0 : i32
    %broadcast_in_dim3A_5 = vector.broadcast %broadcast_in_dim3A_4 : i32 to vector<16xi32>
    %parallel_loop3A = arith.constant 0 : i32
    %parallel_loop3A_6 = arith.constant 625 : i32
    %parallel_loop3A_7 = arith.constant 1 : i32
    scf.for %parallel_loop3A_11 = %parallel_loop3A to %parallel_loop3A_6 step %parallel_loop3A_7  : i32 {
      %parallel_loop3A_12 = arith.constant 16 : i32
      %parallel_loop3A_13 = arith.muli %parallel_loop3A_11, %parallel_loop3A_12 : i32
      %parallel_loop3A_14 = arith.constant 0 : i32
      %parallel_loop3A_15 = arith.index_cast %parallel_loop3A_14 : i32 to index
      %parallel_loop3A_16 = arith.index_cast %parallel_loop3A_13 : i32 to index
      %parallel_loop3A_17 = tpu.vector_load %arg5[%parallel_loop3A_15, %parallel_loop3A_16] {strides = array<i32>} : memref<1x10000xf32, #tpu.memory_space<vmem>>, vector<16xf32>,
      tpu.vector_store %arg5[%parallel_loop3A_15, %parallel_loop3A_16], %broadcast_in_dim3A_3 {strides = array<i32>} : memref<1x10000xf32, #tpu.memory_space<vmem>>, vector<16xf32>,
    } {sc.loop_unroll_factor = 4 : i64, sc.parallel_access}
    %parallel_loop3A_8 = arith.constant 0 : i32
    %parallel_loop3A_9 = arith.constant 625 : i32
    %parallel_loop3A_10 = arith.constant 1 : i32
    scf.for %parallel_loop3A_11 = %parallel_loop3A_8 to %parallel_loop3A_9 step %parallel_loop3A_10  : i32 {
      %parallel_loop3A_12 = arith.constant 16 : i32
      %parallel_loop3A_13 = arith.muli %parallel_loop3A_11, %parallel_loop3A_12 : i32
      %parallel_loop3A_14 = arith.index_cast %parallel_loop3A_13 : i32 to index
      %parallel_loop3A_15 = tpu.vector_load %arg6[%parallel_loop3A_14] {strides = array<i32>} : memref<10000xi32, #tpu.memory_space<vmem>>, vector<16xi32>,
      %parallel_loop3A_16 = arith.index_cast %parallel_loop3A_13 : i32 to index
      %parallel_loop3A_17 = tpu.vector_load %arg7[%parallel_loop3A_16] {strides = array<i32>} : memref<10000xf32, #tpu.memory_space<vmem>>, vector<16xf32>,
      tpu.vector_store_idx %arg5[%broadcast_in_dim3A_5, %parallel_loop3A_15], %parallel_loop3A_17 {add = true} : memref<1x10000xf32, #tpu.memory_space<vmem>>[vector<16xi32>, vector<16xi32>], vector<16xf32>,
    } {sc.loop_unroll_factor = 4 : i64, sc.parallel_access}
    "tpu.region"() ({
      %run_scoped3A = tpu.sem_alloc : memref<!tpu.dma_semaphore, #tpu.memory_space<semaphore_mem>>
      %dma_start3A = arith.constant 0 : i32
      %dma_start3A_11 = tpu.memref_slice %arg4[%add3A, %dma_start3A] : memref<32x10000xf32, #tpu.memory_space<hbm>> -> memref<1x10000xf32, #tpu.memory_space<hbm>>
      %dma_start3A_12 = arith.constant 0 : i32
      %dma_start3A_13 = tpu.memref_slice %arg4[%add3A, %dma_start3A_12] : memref<32x10000xf32, #tpu.memory_space<hbm>> -> memref<1x10000xf32, #tpu.memory_space<hbm>>
      tpu.enqueue_dma source(%arg5 : memref<1x10000xf32, #tpu.memory_space<vmem>>) target(%dma_start3A_13 : memref<1x10000xf32, #tpu.memory_space<hbm>>) target_semaphore(%run_scoped3A : memref<!tpu.dma_semaphore, #tpu.memory_space<semaphore_mem>>)
      %dma_wait3A = arith.constant 0 : i32
      %dma_wait3A_14 = tpu.memref_slice %arg4[%add3A, %dma_wait3A] : memref<32x10000xf32, #tpu.memory_space<hbm>> -> memref<1x10000xf32, #tpu.memory_space<hbm>>
      %dma_wait3A_15 = arith.constant 0 : i32
      %dma_wait3A_16 = tpu.memref_slice %arg4[%add3A, %dma_wait3A_15] : memref<32x10000xf32, #tpu.memory_space<hbm>> -> memref<1x10000xf32, #tpu.memory_space<hbm>>
      tpu.wait_dma2 semaphore(%run_scoped3A : memref<!tpu.dma_semaphore, #tpu.memory_space<semaphore_mem>>) src(%arg5 : memref<1x10000xf32, #tpu.memory_space<vmem>>) dst(%dma_wait3A_16 : memref<1x10000xf32, #tpu.memory_space<hbm>>)
      tpu.yield
    }) : () -> ()
    return
  }
}

#map = affine_map<(d0, d1) -> (0, 0)>
#map1 = affine_map<(d0, d1) -> (0)>
module attributes {stable_mosaic.version = 14 : i64} {
  func.func @_msg_kernel(%arg0: i32, %arg1: i32, %arg2: memref<64x10000xi32, #tpu.memory_space<hbm>>, %arg3: memref<320000xi32, #tpu.memory_space<hbm>>, %arg4: memref<320000xf32, #tpu.memory_space<hbm>>, %arg5: memref<128x10000xf32, #tpu.memory_space<hbm>>, %arg6: memref<2x10000xi32, #tpu.memory_space<vmem>>, %arg7: memref<4x10000xf32, #tpu.memory_space<vmem>>, %arg8: memref<8000xi32, #tpu.memory_space<vmem>>, %arg9: memref<8000xi32, #tpu.memory_space<vmem>>, %arg10: memref<8000xf32, #tpu.memory_space<vmem>>, %arg11: memref<8000xf32, #tpu.memory_space<vmem>>, %arg12: memref<!tpu.dma_semaphore, #tpu.memory_space<semaphore_mem>>, %arg13: memref<!tpu.dma_semaphore, #tpu.memory_space<semaphore_mem>>) attributes {dimension_semantics = [#tpu.dimension_semantics<core_parallel>, #tpu.dimension_semantics<subcore_parallel>], iteration_bounds = array<i64: 2, 16>, scalar_prefetch = 0 : i64, scratch_operands = 8 : i64, tpu.core_type = #tpu.core_type<sc_vector_subcore>, window_params = [{transform_indices = #map}, {transform_indices = #map1}, {transform_indices = #map1}, {transform_indices = #map}]} {
    %mul3A = arith.constant 2 : i32
    %mul3A_0 = arith.muli %arg1, %mul3A : i32
    %add3A = arith.addi %mul3A_0, %arg0 : i32
    %mul3A_1 = arith.constant 4 : i32
    %mul3A_2 = arith.muli %add3A, %mul3A_1 : i32
    %dma_start3A = arith.constant 0 : i32
    %dma_start3A_3 = tpu.memref_slice %arg3[%dma_start3A] : memref<320000xi32, #tpu.memory_space<hbm>> -> memref<8000xi32, #tpu.memory_space<hbm>>
    %dma_start3A_4 = arith.constant 0 : i32
    %dma_start3A_5 = tpu.memref_slice %arg3[%dma_start3A_4] : memref<320000xi32, #tpu.memory_space<hbm>> -> memref<8000xi32, #tpu.memory_space<hbm>>
    tpu.enqueue_dma source(%dma_start3A_5 : memref<8000xi32, #tpu.memory_space<hbm>>) target(%arg8 : memref<8000xi32, #tpu.memory_space<vmem>>) target_semaphore(%arg12 : memref<!tpu.dma_semaphore, #tpu.memory_space<semaphore_mem>>)
    %dma_start3A_6 = arith.constant 0 : i32
    %dma_start3A_7 = tpu.memref_slice %arg4[%dma_start3A_6] : memref<320000xf32, #tpu.memory_space<hbm>> -> memref<8000xf32, #tpu.memory_space<hbm>>
    %dma_start3A_8 = arith.constant 0 : i32
    %dma_start3A_9 = tpu.memref_slice %arg4[%dma_start3A_8] : memref<320000xf32, #tpu.memory_space<hbm>> -> memref<8000xf32, #tpu.memory_space<hbm>>
    tpu.enqueue_dma source(%dma_start3A_9 : memref<8000xf32, #tpu.memory_space<hbm>>) target(%arg10 : memref<8000xf32, #tpu.memory_space<vmem>>) target_semaphore(%arg12 : memref<!tpu.dma_semaphore, #tpu.memory_space<semaphore_mem>>)
    %dma_start3A_10 = arith.constant 8000 : i32
    %dma_start3A_11 = tpu.memref_slice %arg3[%dma_start3A_10] : memref<320000xi32, #tpu.memory_space<hbm>> -> memref<8000xi32, #tpu.memory_space<hbm>>
    %dma_start3A_12 = arith.constant 8000 : i32
    %dma_start3A_13 = tpu.memref_slice %arg3[%dma_start3A_12] : memref<320000xi32, #tpu.memory_space<hbm>> -> memref<8000xi32, #tpu.memory_space<hbm>>
    tpu.enqueue_dma source(%dma_start3A_13 : memref<8000xi32, #tpu.memory_space<hbm>>) target(%arg9 : memref<8000xi32, #tpu.memory_space<vmem>>) target_semaphore(%arg13 : memref<!tpu.dma_semaphore, #tpu.memory_space<semaphore_mem>>)
    %dma_start3A_14 = arith.constant 8000 : i32
    %dma_start3A_15 = tpu.memref_slice %arg4[%dma_start3A_14] : memref<320000xf32, #tpu.memory_space<hbm>> -> memref<8000xf32, #tpu.memory_space<hbm>>
    %dma_start3A_16 = arith.constant 8000 : i32
    %dma_start3A_17 = tpu.memref_slice %arg4[%dma_start3A_16] : memref<320000xf32, #tpu.memory_space<hbm>> -> memref<8000xf32, #tpu.memory_space<hbm>>
    tpu.enqueue_dma source(%dma_start3A_17 : memref<8000xf32, #tpu.memory_space<hbm>>) target(%arg11 : memref<8000xf32, #tpu.memory_space<vmem>>) target_semaphore(%arg13 : memref<!tpu.dma_semaphore, #tpu.memory_space<semaphore_mem>>)
    %mul3A_18 = arith.constant 2 : i32
    %mul3A_19 = arith.muli %mul3A_18, %add3A : i32
    "tpu.region"() ({
      %run_scoped3A = tpu.sem_alloc : memref<!tpu.dma_semaphore, #tpu.memory_space<semaphore_mem>>
      %dma_start3A_74 = arith.constant 0 : i32
      %dma_start3A_75 = tpu.memref_slice %arg2[%mul3A_19, %dma_start3A_74] : memref<64x10000xi32, #tpu.memory_space<hbm>> -> memref<2x10000xi32, #tpu.memory_space<hbm>>
      %dma_start3A_76 = arith.constant 0 : i32
      %dma_start3A_77 = tpu.memref_slice %arg2[%mul3A_19, %dma_start3A_76] : memref<64x10000xi32, #tpu.memory_space<hbm>> -> memref<2x10000xi32, #tpu.memory_space<hbm>>
      tpu.enqueue_dma source(%dma_start3A_77 : memref<2x10000xi32, #tpu.memory_space<hbm>>) target(%arg6 : memref<2x10000xi32, #tpu.memory_space<vmem>>) target_semaphore(%run_scoped3A : memref<!tpu.dma_semaphore, #tpu.memory_space<semaphore_mem>>)
      %dma_wait3A_78 = arith.constant 0 : i32
      %dma_wait3A_79 = tpu.memref_slice %arg2[%mul3A_19, %dma_wait3A_78] : memref<64x10000xi32, #tpu.memory_space<hbm>> -> memref<2x10000xi32, #tpu.memory_space<hbm>>
      %dma_wait3A_80 = arith.constant 0 : i32
      %dma_wait3A_81 = tpu.memref_slice %arg2[%mul3A_19, %dma_wait3A_80] : memref<64x10000xi32, #tpu.memory_space<hbm>> -> memref<2x10000xi32, #tpu.memory_space<hbm>>
      tpu.wait_dma2 semaphore(%run_scoped3A : memref<!tpu.dma_semaphore, #tpu.memory_space<semaphore_mem>>) src(%dma_wait3A_81 : memref<2x10000xi32, #tpu.memory_space<hbm>>) dst(%arg6 : memref<2x10000xi32, #tpu.memory_space<vmem>>)
      tpu.yield
    }) : () -> ()
    %broadcast_in_dim3A = arith.constant 0.000000e+00 : f32
    %broadcast_in_dim3A_20 = vector.broadcast %broadcast_in_dim3A : f32 to vector<16xf32>
    %parallel_loop3A = arith.constant 0 : i32
    %parallel_loop3A_21 = arith.constant 625 : i32
    %parallel_loop3A_22 = arith.constant 1 : i32
    scf.for %parallel_loop3A_74 = %parallel_loop3A to %parallel_loop3A_21 step %parallel_loop3A_22  : i32 {
      %parallel_loop3A_75 = arith.constant 16 : i32
      %parallel_loop3A_76 = arith.muli %parallel_loop3A_74, %parallel_loop3A_75 : i32
      %parallel_loop3A_77 = arith.constant 0 : i32
      %parallel_loop3A_78 = arith.index_cast %parallel_loop3A_77 : i32 to index
      %parallel_loop3A_79 = arith.index_cast %parallel_loop3A_76 : i32 to index
      %parallel_loop3A_80 = tpu.vector_load %arg7[%parallel_loop3A_78, %parallel_loop3A_79] {strides = array<i32>} : memref<4x10000xf32, #tpu.memory_space<vmem>>, vector<16xf32>,
      tpu.vector_store %arg7[%parallel_loop3A_78, %parallel_loop3A_79], %broadcast_in_dim3A_20 {strides = array<i32>} : memref<4x10000xf32, #tpu.memory_space<vmem>>, vector<16xf32>,
    } {sc.loop_unroll_factor = 4 : i64, sc.parallel_access}
    %parallel_loop3A_23 = arith.constant 0 : i32
    %parallel_loop3A_24 = arith.constant 625 : i32
    %parallel_loop3A_25 = arith.constant 1 : i32
    scf.for %parallel_loop3A_74 = %parallel_loop3A_23 to %parallel_loop3A_24 step %parallel_loop3A_25  : i32 {
      %parallel_loop3A_75 = arith.constant 16 : i32
      %parallel_loop3A_76 = arith.muli %parallel_loop3A_74, %parallel_loop3A_75 : i32
      %parallel_loop3A_77 = arith.constant 1 : i32
      %parallel_loop3A_78 = arith.index_cast %parallel_loop3A_77 : i32 to index
      %parallel_loop3A_79 = arith.index_cast %parallel_loop3A_76 : i32 to index
      %parallel_loop3A_80 = tpu.vector_load %arg7[%parallel_loop3A_78, %parallel_loop3A_79] {strides = array<i32>} : memref<4x10000xf32, #tpu.memory_space<vmem>>, vector<16xf32>,
      tpu.vector_store %arg7[%parallel_loop3A_78, %parallel_loop3A_79], %broadcast_in_dim3A_20 {strides = array<i32>} : memref<4x10000xf32, #tpu.memory_space<vmem>>, vector<16xf32>,
    } {sc.loop_unroll_factor = 4 : i64, sc.parallel_access}
    %parallel_loop3A_26 = arith.constant 0 : i32
    %parallel_loop3A_27 = arith.constant 625 : i32
    %parallel_loop3A_28 = arith.constant 1 : i32
    scf.for %parallel_loop3A_74 = %parallel_loop3A_26 to %parallel_loop3A_27 step %parallel_loop3A_28  : i32 {
      %parallel_loop3A_75 = arith.constant 16 : i32
      %parallel_loop3A_76 = arith.muli %parallel_loop3A_74, %parallel_loop3A_75 : i32
      %parallel_loop3A_77 = arith.constant 2 : i32
      %parallel_loop3A_78 = arith.index_cast %parallel_loop3A_77 : i32 to index
      %parallel_loop3A_79 = arith.index_cast %parallel_loop3A_76 : i32 to index
      %parallel_loop3A_80 = tpu.vector_load %arg7[%parallel_loop3A_78, %parallel_loop3A_79] {strides = array<i32>} : memref<4x10000xf32, #tpu.memory_space<vmem>>, vector<16xf32>,
      tpu.vector_store %arg7[%parallel_loop3A_78, %parallel_loop3A_79], %broadcast_in_dim3A_20 {strides = array<i32>} : memref<4x10000xf32, #tpu.memory_space<vmem>>, vector<16xf32>,
    } {sc.loop_unroll_factor = 4 : i64, sc.parallel_access}
    %parallel_loop3A_29 = arith.constant 0 : i32
    %parallel_loop3A_30 = arith.constant 625 : i32
    %parallel_loop3A_31 = arith.constant 1 : i32
    scf.for %parallel_loop3A_74 = %parallel_loop3A_29 to %parallel_loop3A_30 step %parallel_loop3A_31  : i32 {
      %parallel_loop3A_75 = arith.constant 16 : i32
      %parallel_loop3A_76 = arith.muli %parallel_loop3A_74, %parallel_loop3A_75 : i32
      %parallel_loop3A_77 = arith.constant 3 : i32
      %parallel_loop3A_78 = arith.index_cast %parallel_loop3A_77 : i32 to index
      %parallel_loop3A_79 = arith.index_cast %parallel_loop3A_76 : i32 to index
      %parallel_loop3A_80 = tpu.vector_load %arg7[%parallel_loop3A_78, %parallel_loop3A_79] {strides = array<i32>} : memref<4x10000xf32, #tpu.memory_space<vmem>>, vector<16xf32>,
      tpu.vector_store %arg7[%parallel_loop3A_78, %parallel_loop3A_79], %broadcast_in_dim3A_20 {strides = array<i32>} : memref<4x10000xf32, #tpu.memory_space<vmem>>, vector<16xf32>,
    } {sc.loop_unroll_factor = 4 : i64, sc.parallel_access}
    %broadcast_in_dim3A_32 = arith.constant 0 : i32
    %broadcast_in_dim3A_33 = vector.broadcast %broadcast_in_dim3A_32 : i32 to vector<16xi32>
    %broadcast_in_dim3A_34 = arith.constant 1 : i32
    %broadcast_in_dim3A_35 = vector.broadcast %broadcast_in_dim3A_34 : i32 to vector<16xi32>
    %broadcast_in_dim3A_36 = arith.constant 2 : i32
    %broadcast_in_dim3A_37 = vector.broadcast %broadcast_in_dim3A_36 : i32 to vector<16xi32>
    %broadcast_in_dim3A_38 = arith.constant 3 : i32
    %broadcast_in_dim3A_39 = vector.broadcast %broadcast_in_dim3A_38 : i32 to vector<16xi32>
    %broadcast_in_dim3A_40 = arith.constant -65536 : i32
    %broadcast_in_dim3A_41 = vector.broadcast %broadcast_in_dim3A_40 : i32 to vector<16xi32>
    %scan3A = arith.constant 0 : i32
    %scan3A_42 = arith.constant 0 : i32
    %scan3A_43 = arith.constant 19 : i32
    %scan3A_44 = arith.addi %scan3A_42, %scan3A_43 : i32
    %scan3A_45 = arith.constant 1 : i32
    scf.for %scan3A_74 = %scan3A_42 to %scan3A_44 step %scan3A_45  : i32 {
      %dma_wait3A_75 = arith.constant 0 : i32
      %dma_wait3A_76 = tpu.memref_slice %arg3[%dma_wait3A_75] : memref<320000xi32, #tpu.memory_space<hbm>> -> memref<8000xi32, #tpu.memory_space<hbm>>
      %dma_wait3A_77 = arith.constant 0 : i32
      %dma_wait3A_78 = tpu.memref_slice %arg3[%dma_wait3A_77] : memref<320000xi32, #tpu.memory_space<hbm>> -> memref<8000xi32, #tpu.memory_space<hbm>>
      tpu.wait_dma2 semaphore(%arg12 : memref<!tpu.dma_semaphore, #tpu.memory_space<semaphore_mem>>) src(%dma_wait3A_78 : memref<8000xi32, #tpu.memory_space<hbm>>) dst(%arg8 : memref<8000xi32, #tpu.memory_space<vmem>>)
      %dma_wait3A_79 = arith.constant 0 : i32
      %dma_wait3A_80 = tpu.memref_slice %arg4[%dma_wait3A_79] : memref<320000xf32, #tpu.memory_space<hbm>> -> memref<8000xf32, #tpu.memory_space<hbm>>
      %dma_wait3A_81 = arith.constant 0 : i32
      %dma_wait3A_82 = tpu.memref_slice %arg4[%dma_wait3A_81] : memref<320000xf32, #tpu.memory_space<hbm>> -> memref<8000xf32, #tpu.memory_space<hbm>>
      tpu.wait_dma2 semaphore(%arg12 : memref<!tpu.dma_semaphore, #tpu.memory_space<semaphore_mem>>) src(%dma_wait3A_82 : memref<8000xf32, #tpu.memory_space<hbm>>) dst(%arg10 : memref<8000xf32, #tpu.memory_space<vmem>>)
      %parallel_loop3A_83 = arith.constant 0 : i32
      %parallel_loop3A_84 = arith.constant 500 : i32
      %parallel_loop3A_85 = arith.constant 1 : i32
      scf.for %parallel_loop3A_121 = %parallel_loop3A_83 to %parallel_loop3A_84 step %parallel_loop3A_85  : i32 {
        %parallel_loop3A_122 = arith.constant 16 : i32
        %parallel_loop3A_123 = arith.muli %parallel_loop3A_121, %parallel_loop3A_122 : i32
        %parallel_loop3A_124 = arith.index_cast %parallel_loop3A_123 : i32 to index
        %parallel_loop3A_125 = tpu.vector_load %arg8[%parallel_loop3A_124] {strides = array<i32>} : memref<8000xi32, #tpu.memory_space<vmem>>, vector<16xi32>,
        %parallel_loop3A_126 = arith.index_cast %parallel_loop3A_123 : i32 to index
        %parallel_loop3A_127 = tpu.vector_load %arg10[%parallel_loop3A_126] {strides = array<i32>} : memref<8000xf32, #tpu.memory_space<vmem>>, vector<16xf32>,
        %parallel_loop3A_128 = arith.constant 16383 : i32
        %parallel_loop3A_129 = vector.broadcast %parallel_loop3A_128 : i32 to vector<16xi32>
        %parallel_loop3A_130 = arith.andi %parallel_loop3A_125, %parallel_loop3A_129 : vector<16xi32>
        %parallel_loop3A_131 = arith.constant 14 : i32
        %parallel_loop3A_132 = vector.broadcast %parallel_loop3A_131 : i32 to vector<16xi32>
        %parallel_loop3A_133 = arith.shrui %parallel_loop3A_125, %parallel_loop3A_132 : vector<16xi32>
        %parallel_loop3A_134 = tpu.vector_load_idx %arg6[%broadcast_in_dim3A_33, %parallel_loop3A_130] : memref<2x10000xi32, #tpu.memory_space<vmem>>[vector<16xi32>, vector<16xi32>], vector<16xi32>,
        %parallel_loop3A_135 = arith.andi %parallel_loop3A_134, %broadcast_in_dim3A_41 : vector<16xi32>
        %parallel_loop3A_136 = vector.bitcast %parallel_loop3A_135 : vector<16xi32> to vector<16xf32>
        %parallel_loop3A_137 = arith.constant 16 : i32
        %parallel_loop3A_138 = vector.broadcast %parallel_loop3A_137 : i32 to vector<16xi32>
        %parallel_loop3A_139 = arith.shli %parallel_loop3A_134, %parallel_loop3A_138 : vector<16xi32>
        %parallel_loop3A_140 = vector.bitcast %parallel_loop3A_139 : vector<16xi32> to vector<16xf32>
        %parallel_loop3A_141 = arith.mulf %parallel_loop3A_127, %parallel_loop3A_136 : vector<16xf32>
        tpu.vector_store_idx %arg7[%broadcast_in_dim3A_33, %parallel_loop3A_133], %parallel_loop3A_141 {add = true} : memref<4x10000xf32, #tpu.memory_space<vmem>>[vector<16xi32>, vector<16xi32>], vector<16xf32>,
        %parallel_loop3A_142 = arith.mulf %parallel_loop3A_127, %parallel_loop3A_140 : vector<16xf32>
        tpu.vector_store_idx %arg7[%broadcast_in_dim3A_37, %parallel_loop3A_133], %parallel_loop3A_142 {add = true} : memref<4x10000xf32, #tpu.memory_space<vmem>>[vector<16xi32>, vector<16xi32>], vector<16xf32>,
        %parallel_loop3A_143 = tpu.vector_load_idx %arg6[%broadcast_in_dim3A_35, %parallel_loop3A_130] : memref<2x10000xi32, #tpu.memory_space<vmem>>[vector<16xi32>, vector<16xi32>], vector<16xi32>,
        %parallel_loop3A_144 = arith.andi %parallel_loop3A_143, %broadcast_in_dim3A_41 : vector<16xi32>
        %parallel_loop3A_145 = vector.bitcast %parallel_loop3A_144 : vector<16xi32> to vector<16xf32>
        %parallel_loop3A_146 = arith.constant 16 : i32
        %parallel_loop3A_147 = vector.broadcast %parallel_loop3A_146 : i32 to vector<16xi32>
        %parallel_loop3A_148 = arith.shli %parallel_loop3A_143, %parallel_loop3A_147 : vector<16xi32>
        %parallel_loop3A_149 = vector.bitcast %parallel_loop3A_148 : vector<16xi32> to vector<16xf32>
        %parallel_loop3A_150 = arith.mulf %parallel_loop3A_127, %parallel_loop3A_145 : vector<16xf32>
        tpu.vector_store_idx %arg7[%broadcast_in_dim3A_35, %parallel_loop3A_133], %parallel_loop3A_150 {add = true} : memref<4x10000xf32, #tpu.memory_space<vmem>>[vector<16xi32>, vector<16xi32>], vector<16xf32>,
        %parallel_loop3A_151 = arith.mulf %parallel_loop3A_127, %parallel_loop3A_149 : vector<16xf32>
        tpu.vector_store_idx %arg7[%broadcast_in_dim3A_39, %parallel_loop3A_133], %parallel_loop3A_151 {add = true} : memref<4x10000xf32, #tpu.memory_space<vmem>>[vector<16xi32>, vector<16xi32>], vector<16xf32>,
      } {sc.loop_unroll_factor = 2 : i64, sc.parallel_access}
      %mul3A_86 = arith.constant 2 : i32
      %mul3A_87 = arith.muli %scan3A_74, %mul3A_86 : i32
      %add3A_88 = arith.constant 0 : i32
      %add3A_89 = arith.addi %mul3A_87, %add3A_88 : i32
      %add3A_90 = arith.constant 2 : i32
      %add3A_91 = arith.addi %add3A_89, %add3A_90 : i32
      %mul3A_92 = arith.constant 8000 : i32
      %mul3A_93 = arith.muli %add3A_91, %mul3A_92 : i32
      %dma_start3A_94 = tpu.memref_slice %arg3[%mul3A_93] : memref<320000xi32, #tpu.memory_space<hbm>> -> memref<8000xi32, #tpu.memory_space<hbm>>
      %dma_start3A_95 = tpu.memref_slice %arg3[%mul3A_93] : memref<320000xi32, #tpu.memory_space<hbm>> -> memref<8000xi32, #tpu.memory_space<hbm>>
      tpu.enqueue_dma source(%dma_start3A_95 : memref<8000xi32, #tpu.memory_space<hbm>>) target(%arg8 : memref<8000xi32, #tpu.memory_space<vmem>>) target_semaphore(%arg12 : memref<!tpu.dma_semaphore, #tpu.memory_space<semaphore_mem>>)
      %dma_start3A_96 = tpu.memref_slice %arg4[%mul3A_93] : memref<320000xf32, #tpu.memory_space<hbm>> -> memref<8000xf32, #tpu.memory_space<hbm>>
      %dma_start3A_97 = tpu.memref_slice %arg4[%mul3A_93] : memref<320000xf32, #tpu.memory_space<hbm>> -> memref<8000xf32, #tpu.memory_space<hbm>>
      tpu.enqueue_dma source(%dma_start3A_97 : memref<8000xf32, #tpu.memory_space<hbm>>) target(%arg10 : memref<8000xf32, #tpu.memory_space<vmem>>) target_semaphore(%arg12 : memref<!tpu.dma_semaphore, #tpu.memory_space<semaphore_mem>>)
      %dma_wait3A_98 = arith.constant 0 : i32
      %dma_wait3A_99 = tpu.memref_slice %arg3[%dma_wait3A_98] : memref<320000xi32, #tpu.memory_space<hbm>> -> memref<8000xi32, #tpu.memory_space<hbm>>
      %dma_wait3A_100 = arith.constant 0 : i32
      %dma_wait3A_101 = tpu.memref_slice %arg3[%dma_wait3A_100] : memref<320000xi32, #tpu.memory_space<hbm>> -> memref<8000xi32, #tpu.memory_space<hbm>>
      tpu.wait_dma2 semaphore(%arg13 : memref<!tpu.dma_semaphore, #tpu.memory_space<semaphore_mem>>) src(%dma_wait3A_101 : memref<8000xi32, #tpu.memory_space<hbm>>) dst(%arg9 : memref<8000xi32, #tpu.memory_space<vmem>>)
      %dma_wait3A_102 = arith.constant 0 : i32
      %dma_wait3A_103 = tpu.memref_slice %arg4[%dma_wait3A_102] : memref<320000xf32, #tpu.memory_space<hbm>> -> memref<8000xf32, #tpu.memory_space<hbm>>
      %dma_wait3A_104 = arith.constant 0 : i32
      %dma_wait3A_105 = tpu.memref_slice %arg4[%dma_wait3A_104] : memref<320000xf32, #tpu.memory_space<hbm>> -> memref<8000xf32, #tpu.memory_space<hbm>>
      tpu.wait_dma2 semaphore(%arg13 : memref<!tpu.dma_semaphore, #tpu.memory_space<semaphore_mem>>) src(%dma_wait3A_105 : memref<8000xf32, #tpu.memory_space<hbm>>) dst(%arg11 : memref<8000xf32, #tpu.memory_space<vmem>>)
      %parallel_loop3A_106 = arith.constant 0 : i32
      %parallel_loop3A_107 = arith.constant 500 : i32
      %parallel_loop3A_108 = arith.constant 1 : i32
      scf.for %parallel_loop3A_121 = %parallel_loop3A_106 to %parallel_loop3A_107 step %parallel_loop3A_108  : i32 {
        %parallel_loop3A_122 = arith.constant 16 : i32
        %parallel_loop3A_123 = arith.muli %parallel_loop3A_121, %parallel_loop3A_122 : i32
        %parallel_loop3A_124 = arith.index_cast %parallel_loop3A_123 : i32 to index
        %parallel_loop3A_125 = tpu.vector_load %arg9[%parallel_loop3A_124] {strides = array<i32>} : memref<8000xi32, #tpu.memory_space<vmem>>, vector<16xi32>,
        %parallel_loop3A_126 = arith.index_cast %parallel_loop3A_123 : i32 to index
        %parallel_loop3A_127 = tpu.vector_load %arg11[%parallel_loop3A_126] {strides = array<i32>} : memref<8000xf32, #tpu.memory_space<vmem>>, vector<16xf32>,
        %parallel_loop3A_128 = arith.constant 16383 : i32
        %parallel_loop3A_129 = vector.broadcast %parallel_loop3A_128 : i32 to vector<16xi32>
        %parallel_loop3A_130 = arith.andi %parallel_loop3A_125, %parallel_loop3A_129 : vector<16xi32>
        %parallel_loop3A_131 = arith.constant 14 : i32
        %parallel_loop3A_132 = vector.broadcast %parallel_loop3A_131 : i32 to vector<16xi32>
        %parallel_loop3A_133 = arith.shrui %parallel_loop3A_125, %parallel_loop3A_132 : vector<16xi32>
        %parallel_loop3A_134 = tpu.vector_load_idx %arg6[%broadcast_in_dim3A_33, %parallel_loop3A_130] : memref<2x10000xi32, #tpu.memory_space<vmem>>[vector<16xi32>, vector<16xi32>], vector<16xi32>,
        %parallel_loop3A_135 = arith.andi %parallel_loop3A_134, %broadcast_in_dim3A_41 : vector<16xi32>
        %parallel_loop3A_136 = vector.bitcast %parallel_loop3A_135 : vector<16xi32> to vector<16xf32>
        %parallel_loop3A_137 = arith.constant 16 : i32
        %parallel_loop3A_138 = vector.broadcast %parallel_loop3A_137 : i32 to vector<16xi32>
        %parallel_loop3A_139 = arith.shli %parallel_loop3A_134, %parallel_loop3A_138 : vector<16xi32>
        %parallel_loop3A_140 = vector.bitcast %parallel_loop3A_139 : vector<16xi32> to vector<16xf32>
        %parallel_loop3A_141 = arith.mulf %parallel_loop3A_127, %parallel_loop3A_136 : vector<16xf32>
        tpu.vector_store_idx %arg7[%broadcast_in_dim3A_33, %parallel_loop3A_133], %parallel_loop3A_141 {add = true} : memref<4x10000xf32, #tpu.memory_space<vmem>>[vector<16xi32>, vector<16xi32>], vector<16xf32>,
        %parallel_loop3A_142 = arith.mulf %parallel_loop3A_127, %parallel_loop3A_140 : vector<16xf32>
        tpu.vector_store_idx %arg7[%broadcast_in_dim3A_37, %parallel_loop3A_133], %parallel_loop3A_142 {add = true} : memref<4x10000xf32, #tpu.memory_space<vmem>>[vector<16xi32>, vector<16xi32>], vector<16xf32>,
        %parallel_loop3A_143 = tpu.vector_load_idx %arg6[%broadcast_in_dim3A_35, %parallel_loop3A_130] : memref<2x10000xi32, #tpu.memory_space<vmem>>[vector<16xi32>, vector<16xi32>], vector<16xi32>,
        %parallel_loop3A_144 = arith.andi %parallel_loop3A_143, %broadcast_in_dim3A_41 : vector<16xi32>
        %parallel_loop3A_145 = vector.bitcast %parallel_loop3A_144 : vector<16xi32> to vector<16xf32>
        %parallel_loop3A_146 = arith.constant 16 : i32
        %parallel_loop3A_147 = vector.broadcast %parallel_loop3A_146 : i32 to vector<16xi32>
        %parallel_loop3A_148 = arith.shli %parallel_loop3A_143, %parallel_loop3A_147 : vector<16xi32>
        %parallel_loop3A_149 = vector.bitcast %parallel_loop3A_148 : vector<16xi32> to vector<16xf32>
        %parallel_loop3A_150 = arith.mulf %parallel_loop3A_127, %parallel_loop3A_145 : vector<16xf32>
        tpu.vector_store_idx %arg7[%broadcast_in_dim3A_35, %parallel_loop3A_133], %parallel_loop3A_150 {add = true} : memref<4x10000xf32, #tpu.memory_space<vmem>>[vector<16xi32>, vector<16xi32>], vector<16xf32>,
        %parallel_loop3A_151 = arith.mulf %parallel_loop3A_127, %parallel_loop3A_149 : vector<16xf32>
        tpu.vector_store_idx %arg7[%broadcast_in_dim3A_39, %parallel_loop3A_133], %parallel_loop3A_151 {add = true} : memref<4x10000xf32, #tpu.memory_space<vmem>>[vector<16xi32>, vector<16xi32>], vector<16xf32>,
      } {sc.loop_unroll_factor = 2 : i64, sc.parallel_access}
      %mul3A_109 = arith.constant 2 : i32
      %mul3A_110 = arith.muli %scan3A_74, %mul3A_109 : i32
      %add3A_111 = arith.constant 1 : i32
      %add3A_112 = arith.addi %mul3A_110, %add3A_111 : i32
      %add3A_113 = arith.constant 2 : i32
      %add3A_114 = arith.addi %add3A_112, %add3A_113 : i32
      %mul3A_115 = arith.constant 8000 : i32
      %mul3A_116 = arith.muli %add3A_114, %mul3A_115 : i32
      %dma_start3A_117 = tpu.memref_slice %arg3[%mul3A_116] : memref<320000xi32, #tpu.memory_space<hbm>> -> memref<8000xi32, #tpu.memory_space<hbm>>
      %dma_start3A_118 = tpu.memref_slice %arg3[%mul3A_116] : memref<320000xi32, #tpu.memory_space<hbm>> -> memref<8000xi32, #tpu.memory_space<hbm>>
      tpu.enqueue_dma source(%dma_start3A_118 : memref<8000xi32, #tpu.memory_space<hbm>>) target(%arg9 : memref<8000xi32, #tpu.memory_space<vmem>>) target_semaphore(%arg13 : memref<!tpu.dma_semaphore, #tpu.memory_space<semaphore_mem>>)
      %dma_start3A_119 = tpu.memref_slice %arg4[%mul3A_116] : memref<320000xf32, #tpu.memory_space<hbm>> -> memref<8000xf32, #tpu.memory_space<hbm>>
      %dma_start3A_120 = tpu.memref_slice %arg4[%mul3A_116] : memref<320000xf32, #tpu.memory_space<hbm>> -> memref<8000xf32, #tpu.memory_space<hbm>>
      tpu.enqueue_dma source(%dma_start3A_120 : memref<8000xf32, #tpu.memory_space<hbm>>) target(%arg11 : memref<8000xf32, #tpu.memory_space<vmem>>) target_semaphore(%arg13 : memref<!tpu.dma_semaphore, #tpu.memory_space<semaphore_mem>>)
    }
    %scan3A_46 = arith.constant 19 : i32
    %dma_wait3A = arith.constant 0 : i32
    %dma_wait3A_47 = tpu.memref_slice %arg3[%dma_wait3A] : memref<320000xi32, #tpu.memory_space<hbm>> -> memref<8000xi32, #tpu.memory_space<hbm>>
    %dma_wait3A_48 = arith.constant 0 : i32
    %dma_wait3A_49 = tpu.memref_slice %arg3[%dma_wait3A_48] : memref<320000xi32, #tpu.memory_space<hbm>> -> memref<8000xi32, #tpu.memory_space<hbm>>
    tpu.wait_dma2 semaphore(%arg12 : memref<!tpu.dma_semaphore, #tpu.memory_space<semaphore_mem>>) src(%dma_wait3A_49 : memref<8000xi32, #tpu.memory_space<hbm>>) dst(%arg8 : memref<8000xi32, #tpu.memory_space<vmem>>)
    %dma_wait3A_50 = arith.constant 0 : i32
    %dma_wait3A_51 = tpu.memref_slice %arg4[%dma_wait3A_50] : memref<320000xf32, #tpu.memory_space<hbm>> -> memref<8000xf32, #tpu.memory_space<hbm>>
    %dma_wait3A_52 = arith.constant 0 : i32
    %dma_wait3A_53 = tpu.memref_slice %arg4[%dma_wait3A_52] : memref<320000xf32, #tpu.memory_space<hbm>> -> memref<8000xf32, #tpu.memory_space<hbm>>
    tpu.wait_dma2 semaphore(%arg12 : memref<!tpu.dma_semaphore, #tpu.memory_space<semaphore_mem>>) src(%dma_wait3A_53 : memref<8000xf32, #tpu.memory_space<hbm>>) dst(%arg10 : memref<8000xf32, #tpu.memory_space<vmem>>)
    %parallel_loop3A_54 = arith.constant 0 : i32
    %parallel_loop3A_55 = arith.constant 500 : i32
    %parallel_loop3A_56 = arith.constant 1 : i32
    scf.for %parallel_loop3A_74 = %parallel_loop3A_54 to %parallel_loop3A_55 step %parallel_loop3A_56  : i32 {
      %parallel_loop3A_75 = arith.constant 16 : i32
      %parallel_loop3A_76 = arith.muli %parallel_loop3A_74, %parallel_loop3A_75 : i32
      %parallel_loop3A_77 = arith.index_cast %parallel_loop3A_76 : i32 to index
      %parallel_loop3A_78 = tpu.vector_load %arg8[%parallel_loop3A_77] {strides = array<i32>} : memref<8000xi32, #tpu.memory_space<vmem>>, vector<16xi32>,
      %parallel_loop3A_79 = arith.index_cast %parallel_loop3A_76 : i32 to index
      %parallel_loop3A_80 = tpu.vector_load %arg10[%parallel_loop3A_79] {strides = array<i32>} : memref<8000xf32, #tpu.memory_space<vmem>>, vector<16xf32>,
      %parallel_loop3A_81 = arith.constant 16383 : i32
      %parallel_loop3A_82 = vector.broadcast %parallel_loop3A_81 : i32 to vector<16xi32>
      %parallel_loop3A_83 = arith.andi %parallel_loop3A_78, %parallel_loop3A_82 : vector<16xi32>
      %parallel_loop3A_84 = arith.constant 14 : i32
      %parallel_loop3A_85 = vector.broadcast %parallel_loop3A_84 : i32 to vector<16xi32>
      %parallel_loop3A_86 = arith.shrui %parallel_loop3A_78, %parallel_loop3A_85 : vector<16xi32>
      %parallel_loop3A_87 = tpu.vector_load_idx %arg6[%broadcast_in_dim3A_33, %parallel_loop3A_83] : memref<2x10000xi32, #tpu.memory_space<vmem>>[vector<16xi32>, vector<16xi32>], vector<16xi32>,
      %parallel_loop3A_88 = arith.andi %parallel_loop3A_87, %broadcast_in_dim3A_41 : vector<16xi32>
      %parallel_loop3A_89 = vector.bitcast %parallel_loop3A_88 : vector<16xi32> to vector<16xf32>
      %parallel_loop3A_90 = arith.constant 16 : i32
      %parallel_loop3A_91 = vector.broadcast %parallel_loop3A_90 : i32 to vector<16xi32>
      %parallel_loop3A_92 = arith.shli %parallel_loop3A_87, %parallel_loop3A_91 : vector<16xi32>
      %parallel_loop3A_93 = vector.bitcast %parallel_loop3A_92 : vector<16xi32> to vector<16xf32>
      %parallel_loop3A_94 = arith.mulf %parallel_loop3A_80, %parallel_loop3A_89 : vector<16xf32>
      tpu.vector_store_idx %arg7[%broadcast_in_dim3A_33, %parallel_loop3A_86], %parallel_loop3A_94 {add = true} : memref<4x10000xf32, #tpu.memory_space<vmem>>[vector<16xi32>, vector<16xi32>], vector<16xf32>,
      %parallel_loop3A_95 = arith.mulf %parallel_loop3A_80, %parallel_loop3A_93 : vector<16xf32>
      tpu.vector_store_idx %arg7[%broadcast_in_dim3A_37, %parallel_loop3A_86], %parallel_loop3A_95 {add = true} : memref<4x10000xf32, #tpu.memory_space<vmem>>[vector<16xi32>, vector<16xi32>], vector<16xf32>,
      %parallel_loop3A_96 = tpu.vector_load_idx %arg6[%broadcast_in_dim3A_35, %parallel_loop3A_83] : memref<2x10000xi32, #tpu.memory_space<vmem>>[vector<16xi32>, vector<16xi32>], vector<16xi32>,
      %parallel_loop3A_97 = arith.andi %parallel_loop3A_96, %broadcast_in_dim3A_41 : vector<16xi32>
      %parallel_loop3A_98 = vector.bitcast %parallel_loop3A_97 : vector<16xi32> to vector<16xf32>
      %parallel_loop3A_99 = arith.constant 16 : i32
      %parallel_loop3A_100 = vector.broadcast %parallel_loop3A_99 : i32 to vector<16xi32>
      %parallel_loop3A_101 = arith.shli %parallel_loop3A_96, %parallel_loop3A_100 : vector<16xi32>
      %parallel_loop3A_102 = vector.bitcast %parallel_loop3A_101 : vector<16xi32> to vector<16xf32>
      %parallel_loop3A_103 = arith.mulf %parallel_loop3A_80, %parallel_loop3A_98 : vector<16xf32>
      tpu.vector_store_idx %arg7[%broadcast_in_dim3A_35, %parallel_loop3A_86], %parallel_loop3A_103 {add = true} : memref<4x10000xf32, #tpu.memory_space<vmem>>[vector<16xi32>, vector<16xi32>], vector<16xf32>,
      %parallel_loop3A_104 = arith.mulf %parallel_loop3A_80, %parallel_loop3A_102 : vector<16xf32>
      tpu.vector_store_idx %arg7[%broadcast_in_dim3A_39, %parallel_loop3A_86], %parallel_loop3A_104 {add = true} : memref<4x10000xf32, #tpu.memory_space<vmem>>[vector<16xi32>, vector<16xi32>], vector<16xf32>,
    } {sc.loop_unroll_factor = 2 : i64, sc.parallel_access}
    %dma_wait3A_57 = arith.constant 0 : i32
    %dma_wait3A_58 = tpu.memref_slice %arg3[%dma_wait3A_57] : memref<320000xi32, #tpu.memory_space<hbm>> -> memref<8000xi32, #tpu.memory_space<hbm>>
    %dma_wait3A_59 = arith.constant 0 : i32
    %dma_wait3A_60 = tpu.memref_slice %arg3[%dma_wait3A_59] : memref<320000xi32, #tpu.memory_space<hbm>> -> memref<8000xi32, #tpu.memory_space<hbm>>
    tpu.wait_dma2 semaphore(%arg13 : memref<!tpu.dma_semaphore, #tpu.memory_space<semaphore_mem>>) src(%dma_wait3A_60 : memref<8000xi32, #tpu.memory_space<hbm>>) dst(%arg9 : memref<8000xi32, #tpu.memory_space<vmem>>)
    %dma_wait3A_61 = arith.constant 0 : i32
    %dma_wait3A_62 = tpu.memref_slice %arg4[%dma_wait3A_61] : memref<320000xf32, #tpu.memory_space<hbm>> -> memref<8000xf32, #tpu.memory_space<hbm>>
    %dma_wait3A_63 = arith.constant 0 : i32
    %dma_wait3A_64 = tpu.memref_slice %arg4[%dma_wait3A_63] : memref<320000xf32, #tpu.memory_space<hbm>> -> memref<8000xf32, #tpu.memory_space<hbm>>
    tpu.wait_dma2 semaphore(%arg13 : memref<!tpu.dma_semaphore, #tpu.memory_space<semaphore_mem>>) src(%dma_wait3A_64 : memref<8000xf32, #tpu.memory_space<hbm>>) dst(%arg11 : memref<8000xf32, #tpu.memory_space<vmem>>)
    %parallel_loop3A_65 = arith.constant 0 : i32
    %parallel_loop3A_66 = arith.constant 500 : i32
    %parallel_loop3A_67 = arith.constant 1 : i32
    scf.for %parallel_loop3A_74 = %parallel_loop3A_65 to %parallel_loop3A_66 step %parallel_loop3A_67  : i32 {
      %parallel_loop3A_75 = arith.constant 16 : i32
      %parallel_loop3A_76 = arith.muli %parallel_loop3A_74, %parallel_loop3A_75 : i32
      %parallel_loop3A_77 = arith.index_cast %parallel_loop3A_76 : i32 to index
      %parallel_loop3A_78 = tpu.vector_load %arg9[%parallel_loop3A_77] {strides = array<i32>} : memref<8000xi32, #tpu.memory_space<vmem>>, vector<16xi32>,
      %parallel_loop3A_79 = arith.index_cast %parallel_loop3A_76 : i32 to index
      %parallel_loop3A_80 = tpu.vector_load %arg11[%parallel_loop3A_79] {strides = array<i32>} : memref<8000xf32, #tpu.memory_space<vmem>>, vector<16xf32>,
      %parallel_loop3A_81 = arith.constant 16383 : i32
      %parallel_loop3A_82 = vector.broadcast %parallel_loop3A_81 : i32 to vector<16xi32>
      %parallel_loop3A_83 = arith.andi %parallel_loop3A_78, %parallel_loop3A_82 : vector<16xi32>
      %parallel_loop3A_84 = arith.constant 14 : i32
      %parallel_loop3A_85 = vector.broadcast %parallel_loop3A_84 : i32 to vector<16xi32>
      %parallel_loop3A_86 = arith.shrui %parallel_loop3A_78, %parallel_loop3A_85 : vector<16xi32>
      %parallel_loop3A_87 = tpu.vector_load_idx %arg6[%broadcast_in_dim3A_33, %parallel_loop3A_83] : memref<2x10000xi32, #tpu.memory_space<vmem>>[vector<16xi32>, vector<16xi32>], vector<16xi32>,
      %parallel_loop3A_88 = arith.andi %parallel_loop3A_87, %broadcast_in_dim3A_41 : vector<16xi32>
      %parallel_loop3A_89 = vector.bitcast %parallel_loop3A_88 : vector<16xi32> to vector<16xf32>
      %parallel_loop3A_90 = arith.constant 16 : i32
      %parallel_loop3A_91 = vector.broadcast %parallel_loop3A_90 : i32 to vector<16xi32>
      %parallel_loop3A_92 = arith.shli %parallel_loop3A_87, %parallel_loop3A_91 : vector<16xi32>
      %parallel_loop3A_93 = vector.bitcast %parallel_loop3A_92 : vector<16xi32> to vector<16xf32>
      %parallel_loop3A_94 = arith.mulf %parallel_loop3A_80, %parallel_loop3A_89 : vector<16xf32>
      tpu.vector_store_idx %arg7[%broadcast_in_dim3A_33, %parallel_loop3A_86], %parallel_loop3A_94 {add = true} : memref<4x10000xf32, #tpu.memory_space<vmem>>[vector<16xi32>, vector<16xi32>], vector<16xf32>,
      %parallel_loop3A_95 = arith.mulf %parallel_loop3A_80, %parallel_loop3A_93 : vector<16xf32>
      tpu.vector_store_idx %arg7[%broadcast_in_dim3A_37, %parallel_loop3A_86], %parallel_loop3A_95 {add = true} : memref<4x10000xf32, #tpu.memory_space<vmem>>[vector<16xi32>, vector<16xi32>], vector<16xf32>,
      %parallel_loop3A_96 = tpu.vector_load_idx %arg6[%broadcast_in_dim3A_35, %parallel_loop3A_83] : memref<2x10000xi32, #tpu.memory_space<vmem>>[vector<16xi32>, vector<16xi32>], vector<16xi32>,
      %parallel_loop3A_97 = arith.andi %parallel_loop3A_96, %broadcast_in_dim3A_41 : vector<16xi32>
      %parallel_loop3A_98 = vector.bitcast %parallel_loop3A_97 : vector<16xi32> to vector<16xf32>
      %parallel_loop3A_99 = arith.constant 16 : i32
      %parallel_loop3A_100 = vector.broadcast %parallel_loop3A_99 : i32 to vector<16xi32>
      %parallel_loop3A_101 = arith.shli %parallel_loop3A_96, %parallel_loop3A_100 : vector<16xi32>
      %parallel_loop3A_102 = vector.bitcast %parallel_loop3A_101 : vector<16xi32> to vector<16xf32>
      %parallel_loop3A_103 = arith.mulf %parallel_loop3A_80, %parallel_loop3A_98 : vector<16xf32>
      tpu.vector_store_idx %arg7[%broadcast_in_dim3A_35, %parallel_loop3A_86], %parallel_loop3A_103 {add = true} : memref<4x10000xf32, #tpu.memory_space<vmem>>[vector<16xi32>, vector<16xi32>], vector<16xf32>,
      %parallel_loop3A_104 = arith.mulf %parallel_loop3A_80, %parallel_loop3A_102 : vector<16xf32>
      tpu.vector_store_idx %arg7[%broadcast_in_dim3A_39, %parallel_loop3A_86], %parallel_loop3A_104 {add = true} : memref<4x10000xf32, #tpu.memory_space<vmem>>[vector<16xi32>, vector<16xi32>], vector<16xf32>,
    } {sc.loop_unroll_factor = 2 : i64, sc.parallel_access}
    %mul3A_68 = arith.constant 2 : i32
    %mul3A_69 = arith.muli %mul3A_68, %add3A : i32
    "tpu.region"() ({
      %run_scoped3A = tpu.sem_alloc : memref<!tpu.dma_semaphore, #tpu.memory_space<semaphore_mem>>
      %dma_start3A_74 = arith.constant 0 : i32
      %dma_start3A_75 = arith.constant 0 : i32
      %dma_start3A_76 = tpu.memref_slice %arg7[%dma_start3A_74, %dma_start3A_75] : memref<4x10000xf32, #tpu.memory_space<vmem>> -> memref<2x10000xf32, #tpu.memory_space<vmem>>
      %dma_start3A_77 = arith.constant 0 : i32
      %dma_start3A_78 = tpu.memref_slice %arg5[%mul3A_69, %dma_start3A_77] : memref<128x10000xf32, #tpu.memory_space<hbm>> -> memref<2x10000xf32, #tpu.memory_space<hbm>>
      %dma_start3A_79 = arith.constant 0 : i32
      %dma_start3A_80 = tpu.memref_slice %arg5[%mul3A_69, %dma_start3A_79] : memref<128x10000xf32, #tpu.memory_space<hbm>> -> memref<2x10000xf32, #tpu.memory_space<hbm>>
      %dma_start3A_81 = arith.constant 0 : i32
      %dma_start3A_82 = arith.constant 0 : i32
      %dma_start3A_83 = tpu.memref_slice %arg7[%dma_start3A_81, %dma_start3A_82] : memref<4x10000xf32, #tpu.memory_space<vmem>> -> memref<2x10000xf32, #tpu.memory_space<vmem>>
      tpu.enqueue_dma source(%dma_start3A_83 : memref<2x10000xf32, #tpu.memory_space<vmem>>) target(%dma_start3A_80 : memref<2x10000xf32, #tpu.memory_space<hbm>>) target_semaphore(%run_scoped3A : memref<!tpu.dma_semaphore, #tpu.memory_space<semaphore_mem>>)
      %dma_wait3A_84 = arith.constant 0 : i32
      %dma_wait3A_85 = arith.constant 0 : i32
      %dma_wait3A_86 = tpu.memref_slice %arg7[%dma_wait3A_84, %dma_wait3A_85] : memref<4x10000xf32, #tpu.memory_space<vmem>> -> memref<2x10000xf32, #tpu.memory_space<vmem>>
      %dma_wait3A_87 = arith.constant 0 : i32
      %dma_wait3A_88 = tpu.memref_slice %arg5[%mul3A_69, %dma_wait3A_87] : memref<128x10000xf32, #tpu.memory_space<hbm>> -> memref<2x10000xf32, #tpu.memory_space<hbm>>
      %dma_wait3A_89 = arith.constant 0 : i32
      %dma_wait3A_90 = tpu.memref_slice %arg5[%mul3A_69, %dma_wait3A_89] : memref<128x10000xf32, #tpu.memory_space<hbm>> -> memref<2x10000xf32, #tpu.memory_space<hbm>>
      %dma_wait3A_91 = arith.constant 0 : i32
      %dma_wait3A_92 = arith.constant 0 : i32
      %dma_wait3A_93 = tpu.memref_slice %arg7[%dma_wait3A_91, %dma_wait3A_92] : memref<4x10000xf32, #tpu.memory_space<vmem>> -> memref<2x10000xf32, #tpu.memory_space<vmem>>
      tpu.wait_dma2 semaphore(%run_scoped3A : memref<!tpu.dma_semaphore, #tpu.memory_space<semaphore_mem>>) src(%dma_wait3A_93 : memref<2x10000xf32, #tpu.memory_space<vmem>>) dst(%dma_wait3A_90 : memref<2x10000xf32, #tpu.memory_space<hbm>>)
      tpu.yield
    }) : () -> ()
    %mul3A_70 = arith.constant 2 : i32
    %mul3A_71 = arith.muli %mul3A_70, %add3A : i32
    %add3A_72 = arith.constant 64 : i32
    %add3A_73 = arith.addi %add3A_72, %mul3A_71 : i32
    "tpu.region"() ({
      %run_scoped3A = tpu.sem_alloc : memref<!tpu.dma_semaphore, #tpu.memory_space<semaphore_mem>>
      %dma_start3A_74 = arith.constant 2 : i32
      %dma_start3A_75 = arith.constant 0 : i32
      %dma_start3A_76 = tpu.memref_slice %arg7[%dma_start3A_74, %dma_start3A_75] : memref<4x10000xf32, #tpu.memory_space<vmem>> -> memref<2x10000xf32, #tpu.memory_space<vmem>>
      %dma_start3A_77 = arith.constant 0 : i32
      %dma_start3A_78 = tpu.memref_slice %arg5[%add3A_73, %dma_start3A_77] : memref<128x10000xf32, #tpu.memory_space<hbm>> -> memref<2x10000xf32, #tpu.memory_space<hbm>>
      %dma_start3A_79 = arith.constant 0 : i32
      %dma_start3A_80 = tpu.memref_slice %arg5[%add3A_73, %dma_start3A_79] : memref<128x10000xf32, #tpu.memory_space<hbm>> -> memref<2x10000xf32, #tpu.memory_space<hbm>>
      %dma_start3A_81 = arith.constant 2 : i32
      %dma_start3A_82 = arith.constant 0 : i32
      %dma_start3A_83 = tpu.memref_slice %arg7[%dma_start3A_81, %dma_start3A_82] : memref<4x10000xf32, #tpu.memory_space<vmem>> -> memref<2x10000xf32, #tpu.memory_space<vmem>>
      tpu.enqueue_dma source(%dma_start3A_83 : memref<2x10000xf32, #tpu.memory_space<vmem>>) target(%dma_start3A_80 : memref<2x10000xf32, #tpu.memory_space<hbm>>) target_semaphore(%run_scoped3A : memref<!tpu.dma_semaphore, #tpu.memory_space<semaphore_mem>>)
      %dma_wait3A_84 = arith.constant 2 : i32
      %dma_wait3A_85 = arith.constant 0 : i32
      %dma_wait3A_86 = tpu.memref_slice %arg7[%dma_wait3A_84, %dma_wait3A_85] : memref<4x10000xf32, #tpu.memory_space<vmem>> -> memref<2x10000xf32, #tpu.memory_space<vmem>>
      %dma_wait3A_87 = arith.constant 0 : i32
      %dma_wait3A_88 = tpu.memref_slice %arg5[%add3A_73, %dma_wait3A_87] : memref<128x10000xf32, #tpu.memory_space<hbm>> -> memref<2x10000xf32, #tpu.memory_space<hbm>>
      %dma_wait3A_89 = arith.constant 0 : i32
      %dma_wait3A_90 = tpu.memref_slice %arg5[%add3A_73, %dma_wait3A_89] : memref<128x10000xf32, #tpu.memory_space<hbm>> -> memref<2x10000xf32, #tpu.memory_space<hbm>>
      %dma_wait3A_91 = arith.constant 2 : i32
      %dma_wait3A_92 = arith.constant 0 : i32
      %dma_wait3A_93 = tpu.memref_slice %arg7[%dma_wait3A_91, %dma_wait3A_92] : memref<4x10000xf32, #tpu.memory_space<vmem>> -> memref<2x10000xf32, #tpu.memory_space<vmem>>
      tpu.wait_dma2 semaphore(%run_scoped3A : memref<!tpu.dma_semaphore, #tpu.memory_space<semaphore_mem>>) src(%dma_wait3A_93 : memref<2x10000xf32, #tpu.memory_space<vmem>>) dst(%dma_wait3A_90 : memref<2x10000xf32, #tpu.memory_space<hbm>>)
      tpu.yield
    }) : () -> ()
    return
  }
}

#map = affine_map<(d0, d1) -> (0, 0)>
#map1 = affine_map<(d0, d1) -> (0)>
module attributes {stable_mosaic.version = 14 : i64} {
  func.func @_msg_kernel(%arg0: i32, %arg1: i32, %arg2: memref<64x10000xi32, #tpu.memory_space<hbm>>, %arg3: memref<320000xi32, #tpu.memory_space<hbm>>, %arg4: memref<320000xf32, #tpu.memory_space<hbm>>, %arg5: memref<128x10000xf32, #tpu.memory_space<hbm>>, %arg6: memref<2x10000xi32, #tpu.memory_space<vmem>>, %arg7: memref<4x10000xf32, #tpu.memory_space<vmem>>, %arg8: memref<8000xi32, #tpu.memory_space<vmem>>, %arg9: memref<8000xi32, #tpu.memory_space<vmem>>, %arg10: memref<8000xf32, #tpu.memory_space<vmem>>, %arg11: memref<8000xf32, #tpu.memory_space<vmem>>, %arg12: memref<!tpu.dma_semaphore, #tpu.memory_space<semaphore_mem>>, %arg13: memref<!tpu.dma_semaphore, #tpu.memory_space<semaphore_mem>>) attributes {dimension_semantics = [#tpu.dimension_semantics<core_parallel>, #tpu.dimension_semantics<subcore_parallel>], iteration_bounds = array<i64: 2, 16>, scalar_prefetch = 0 : i64, scratch_operands = 8 : i64, tpu.core_type = #tpu.core_type<sc_vector_subcore>, window_params = [{transform_indices = #map}, {transform_indices = #map1}, {transform_indices = #map1}, {transform_indices = #map}]} {
    %mul3A = arith.constant 2 : i32
    %mul3A_0 = arith.muli %arg1, %mul3A : i32
    %add3A = arith.addi %mul3A_0, %arg0 : i32
    %mul3A_1 = arith.constant 4 : i32
    %mul3A_2 = arith.muli %add3A, %mul3A_1 : i32
    %dma_start3A = arith.constant 0 : i32
    %dma_start3A_3 = tpu.memref_slice %arg3[%dma_start3A] : memref<320000xi32, #tpu.memory_space<hbm>> -> memref<8000xi32, #tpu.memory_space<hbm>>
    %dma_start3A_4 = arith.constant 0 : i32
    %dma_start3A_5 = tpu.memref_slice %arg3[%dma_start3A_4] : memref<320000xi32, #tpu.memory_space<hbm>> -> memref<8000xi32, #tpu.memory_space<hbm>>
    tpu.enqueue_dma source(%dma_start3A_5 : memref<8000xi32, #tpu.memory_space<hbm>>) target(%arg8 : memref<8000xi32, #tpu.memory_space<vmem>>) target_semaphore(%arg12 : memref<!tpu.dma_semaphore, #tpu.memory_space<semaphore_mem>>)
    %dma_start3A_6 = arith.constant 0 : i32
    %dma_start3A_7 = tpu.memref_slice %arg4[%dma_start3A_6] : memref<320000xf32, #tpu.memory_space<hbm>> -> memref<8000xf32, #tpu.memory_space<hbm>>
    %dma_start3A_8 = arith.constant 0 : i32
    %dma_start3A_9 = tpu.memref_slice %arg4[%dma_start3A_8] : memref<320000xf32, #tpu.memory_space<hbm>> -> memref<8000xf32, #tpu.memory_space<hbm>>
    tpu.enqueue_dma source(%dma_start3A_9 : memref<8000xf32, #tpu.memory_space<hbm>>) target(%arg10 : memref<8000xf32, #tpu.memory_space<vmem>>) target_semaphore(%arg12 : memref<!tpu.dma_semaphore, #tpu.memory_space<semaphore_mem>>)
    %dma_start3A_10 = arith.constant 8000 : i32
    %dma_start3A_11 = tpu.memref_slice %arg3[%dma_start3A_10] : memref<320000xi32, #tpu.memory_space<hbm>> -> memref<8000xi32, #tpu.memory_space<hbm>>
    %dma_start3A_12 = arith.constant 8000 : i32
    %dma_start3A_13 = tpu.memref_slice %arg3[%dma_start3A_12] : memref<320000xi32, #tpu.memory_space<hbm>> -> memref<8000xi32, #tpu.memory_space<hbm>>
    tpu.enqueue_dma source(%dma_start3A_13 : memref<8000xi32, #tpu.memory_space<hbm>>) target(%arg9 : memref<8000xi32, #tpu.memory_space<vmem>>) target_semaphore(%arg13 : memref<!tpu.dma_semaphore, #tpu.memory_space<semaphore_mem>>)
    %dma_start3A_14 = arith.constant 8000 : i32
    %dma_start3A_15 = tpu.memref_slice %arg4[%dma_start3A_14] : memref<320000xf32, #tpu.memory_space<hbm>> -> memref<8000xf32, #tpu.memory_space<hbm>>
    %dma_start3A_16 = arith.constant 8000 : i32
    %dma_start3A_17 = tpu.memref_slice %arg4[%dma_start3A_16] : memref<320000xf32, #tpu.memory_space<hbm>> -> memref<8000xf32, #tpu.memory_space<hbm>>
    tpu.enqueue_dma source(%dma_start3A_17 : memref<8000xf32, #tpu.memory_space<hbm>>) target(%arg11 : memref<8000xf32, #tpu.memory_space<vmem>>) target_semaphore(%arg13 : memref<!tpu.dma_semaphore, #tpu.memory_space<semaphore_mem>>)
    %mul3A_18 = arith.constant 2 : i32
    %mul3A_19 = arith.muli %mul3A_18, %add3A : i32
    "tpu.region"() ({
      %run_scoped3A = tpu.sem_alloc : memref<!tpu.dma_semaphore, #tpu.memory_space<semaphore_mem>>
      %dma_start3A_74 = arith.constant 0 : i32
      %dma_start3A_75 = tpu.memref_slice %arg2[%mul3A_19, %dma_start3A_74] : memref<64x10000xi32, #tpu.memory_space<hbm>> -> memref<2x10000xi32, #tpu.memory_space<hbm>>
      %dma_start3A_76 = arith.constant 0 : i32
      %dma_start3A_77 = tpu.memref_slice %arg2[%mul3A_19, %dma_start3A_76] : memref<64x10000xi32, #tpu.memory_space<hbm>> -> memref<2x10000xi32, #tpu.memory_space<hbm>>
      tpu.enqueue_dma source(%dma_start3A_77 : memref<2x10000xi32, #tpu.memory_space<hbm>>) target(%arg6 : memref<2x10000xi32, #tpu.memory_space<vmem>>) target_semaphore(%run_scoped3A : memref<!tpu.dma_semaphore, #tpu.memory_space<semaphore_mem>>)
      %dma_wait3A_78 = arith.constant 0 : i32
      %dma_wait3A_79 = tpu.memref_slice %arg2[%mul3A_19, %dma_wait3A_78] : memref<64x10000xi32, #tpu.memory_space<hbm>> -> memref<2x10000xi32, #tpu.memory_space<hbm>>
      %dma_wait3A_80 = arith.constant 0 : i32
      %dma_wait3A_81 = tpu.memref_slice %arg2[%mul3A_19, %dma_wait3A_80] : memref<64x10000xi32, #tpu.memory_space<hbm>> -> memref<2x10000xi32, #tpu.memory_space<hbm>>
      tpu.wait_dma2 semaphore(%run_scoped3A : memref<!tpu.dma_semaphore, #tpu.memory_space<semaphore_mem>>) src(%dma_wait3A_81 : memref<2x10000xi32, #tpu.memory_space<hbm>>) dst(%arg6 : memref<2x10000xi32, #tpu.memory_space<vmem>>)
      tpu.yield
    }) : () -> ()
    %broadcast_in_dim3A = arith.constant 0.000000e+00 : f32
    %broadcast_in_dim3A_20 = vector.broadcast %broadcast_in_dim3A : f32 to vector<16xf32>
    %parallel_loop3A = arith.constant 0 : i32
    %parallel_loop3A_21 = arith.constant 625 : i32
    %parallel_loop3A_22 = arith.constant 1 : i32
    scf.for %parallel_loop3A_74 = %parallel_loop3A to %parallel_loop3A_21 step %parallel_loop3A_22  : i32 {
      %parallel_loop3A_75 = arith.constant 16 : i32
      %parallel_loop3A_76 = arith.muli %parallel_loop3A_74, %parallel_loop3A_75 : i32
      %parallel_loop3A_77 = arith.constant 0 : i32
      %parallel_loop3A_78 = arith.index_cast %parallel_loop3A_77 : i32 to index
      %parallel_loop3A_79 = arith.index_cast %parallel_loop3A_76 : i32 to index
      %parallel_loop3A_80 = tpu.vector_load %arg7[%parallel_loop3A_78, %parallel_loop3A_79] {strides = array<i32>} : memref<4x10000xf32, #tpu.memory_space<vmem>>, vector<16xf32>,
      tpu.vector_store %arg7[%parallel_loop3A_78, %parallel_loop3A_79], %broadcast_in_dim3A_20 {strides = array<i32>} : memref<4x10000xf32, #tpu.memory_space<vmem>>, vector<16xf32>,
    } {sc.loop_unroll_factor = 4 : i64, sc.parallel_access}
    %parallel_loop3A_23 = arith.constant 0 : i32
    %parallel_loop3A_24 = arith.constant 625 : i32
    %parallel_loop3A_25 = arith.constant 1 : i32
    scf.for %parallel_loop3A_74 = %parallel_loop3A_23 to %parallel_loop3A_24 step %parallel_loop3A_25  : i32 {
      %parallel_loop3A_75 = arith.constant 16 : i32
      %parallel_loop3A_76 = arith.muli %parallel_loop3A_74, %parallel_loop3A_75 : i32
      %parallel_loop3A_77 = arith.constant 1 : i32
      %parallel_loop3A_78 = arith.index_cast %parallel_loop3A_77 : i32 to index
      %parallel_loop3A_79 = arith.index_cast %parallel_loop3A_76 : i32 to index
      %parallel_loop3A_80 = tpu.vector_load %arg7[%parallel_loop3A_78, %parallel_loop3A_79] {strides = array<i32>} : memref<4x10000xf32, #tpu.memory_space<vmem>>, vector<16xf32>,
      tpu.vector_store %arg7[%parallel_loop3A_78, %parallel_loop3A_79], %broadcast_in_dim3A_20 {strides = array<i32>} : memref<4x10000xf32, #tpu.memory_space<vmem>>, vector<16xf32>,
    } {sc.loop_unroll_factor = 4 : i64, sc.parallel_access}
    %parallel_loop3A_26 = arith.constant 0 : i32
    %parallel_loop3A_27 = arith.constant 625 : i32
    %parallel_loop3A_28 = arith.constant 1 : i32
    scf.for %parallel_loop3A_74 = %parallel_loop3A_26 to %parallel_loop3A_27 step %parallel_loop3A_28  : i32 {
      %parallel_loop3A_75 = arith.constant 16 : i32
      %parallel_loop3A_76 = arith.muli %parallel_loop3A_74, %parallel_loop3A_75 : i32
      %parallel_loop3A_77 = arith.constant 2 : i32
      %parallel_loop3A_78 = arith.index_cast %parallel_loop3A_77 : i32 to index
      %parallel_loop3A_79 = arith.index_cast %parallel_loop3A_76 : i32 to index
      %parallel_loop3A_80 = tpu.vector_load %arg7[%parallel_loop3A_78, %parallel_loop3A_79] {strides = array<i32>} : memref<4x10000xf32, #tpu.memory_space<vmem>>, vector<16xf32>,
      tpu.vector_store %arg7[%parallel_loop3A_78, %parallel_loop3A_79], %broadcast_in_dim3A_20 {strides = array<i32>} : memref<4x10000xf32, #tpu.memory_space<vmem>>, vector<16xf32>,
    } {sc.loop_unroll_factor = 4 : i64, sc.parallel_access}
    %parallel_loop3A_29 = arith.constant 0 : i32
    %parallel_loop3A_30 = arith.constant 625 : i32
    %parallel_loop3A_31 = arith.constant 1 : i32
    scf.for %parallel_loop3A_74 = %parallel_loop3A_29 to %parallel_loop3A_30 step %parallel_loop3A_31  : i32 {
      %parallel_loop3A_75 = arith.constant 16 : i32
      %parallel_loop3A_76 = arith.muli %parallel_loop3A_74, %parallel_loop3A_75 : i32
      %parallel_loop3A_77 = arith.constant 3 : i32
      %parallel_loop3A_78 = arith.index_cast %parallel_loop3A_77 : i32 to index
      %parallel_loop3A_79 = arith.index_cast %parallel_loop3A_76 : i32 to index
      %parallel_loop3A_80 = tpu.vector_load %arg7[%parallel_loop3A_78, %parallel_loop3A_79] {strides = array<i32>} : memref<4x10000xf32, #tpu.memory_space<vmem>>, vector<16xf32>,
      tpu.vector_store %arg7[%parallel_loop3A_78, %parallel_loop3A_79], %broadcast_in_dim3A_20 {strides = array<i32>} : memref<4x10000xf32, #tpu.memory_space<vmem>>, vector<16xf32>,
    } {sc.loop_unroll_factor = 4 : i64, sc.parallel_access}
    %broadcast_in_dim3A_32 = arith.constant 0 : i32
    %broadcast_in_dim3A_33 = vector.broadcast %broadcast_in_dim3A_32 : i32 to vector<16xi32>
    %broadcast_in_dim3A_34 = arith.constant 1 : i32
    %broadcast_in_dim3A_35 = vector.broadcast %broadcast_in_dim3A_34 : i32 to vector<16xi32>
    %broadcast_in_dim3A_36 = arith.constant 2 : i32
    %broadcast_in_dim3A_37 = vector.broadcast %broadcast_in_dim3A_36 : i32 to vector<16xi32>
    %broadcast_in_dim3A_38 = arith.constant 3 : i32
    %broadcast_in_dim3A_39 = vector.broadcast %broadcast_in_dim3A_38 : i32 to vector<16xi32>
    %broadcast_in_dim3A_40 = arith.constant -65536 : i32
    %broadcast_in_dim3A_41 = vector.broadcast %broadcast_in_dim3A_40 : i32 to vector<16xi32>
    %scan3A = arith.constant 0 : i32
    %scan3A_42 = arith.constant 0 : i32
    %scan3A_43 = arith.constant 19 : i32
    %scan3A_44 = arith.addi %scan3A_42, %scan3A_43 : i32
    %scan3A_45 = arith.constant 1 : i32
    scf.for %scan3A_74 = %scan3A_42 to %scan3A_44 step %scan3A_45  : i32 {
      %dma_wait3A_75 = arith.constant 0 : i32
      %dma_wait3A_76 = tpu.memref_slice %arg3[%dma_wait3A_75] : memref<320000xi32, #tpu.memory_space<hbm>> -> memref<8000xi32, #tpu.memory_space<hbm>>
      %dma_wait3A_77 = arith.constant 0 : i32
      %dma_wait3A_78 = tpu.memref_slice %arg3[%dma_wait3A_77] : memref<320000xi32, #tpu.memory_space<hbm>> -> memref<8000xi32, #tpu.memory_space<hbm>>
      tpu.wait_dma2 semaphore(%arg12 : memref<!tpu.dma_semaphore, #tpu.memory_space<semaphore_mem>>) src(%dma_wait3A_78 : memref<8000xi32, #tpu.memory_space<hbm>>) dst(%arg8 : memref<8000xi32, #tpu.memory_space<vmem>>)
      %dma_wait3A_79 = arith.constant 0 : i32
      %dma_wait3A_80 = tpu.memref_slice %arg4[%dma_wait3A_79] : memref<320000xf32, #tpu.memory_space<hbm>> -> memref<8000xf32, #tpu.memory_space<hbm>>
      %dma_wait3A_81 = arith.constant 0 : i32
      %dma_wait3A_82 = tpu.memref_slice %arg4[%dma_wait3A_81] : memref<320000xf32, #tpu.memory_space<hbm>> -> memref<8000xf32, #tpu.memory_space<hbm>>
      tpu.wait_dma2 semaphore(%arg12 : memref<!tpu.dma_semaphore, #tpu.memory_space<semaphore_mem>>) src(%dma_wait3A_82 : memref<8000xf32, #tpu.memory_space<hbm>>) dst(%arg10 : memref<8000xf32, #tpu.memory_space<vmem>>)
      %parallel_loop3A_83 = arith.constant 0 : i32
      %parallel_loop3A_84 = arith.constant 500 : i32
      %parallel_loop3A_85 = arith.constant 1 : i32
      scf.for %parallel_loop3A_121 = %parallel_loop3A_83 to %parallel_loop3A_84 step %parallel_loop3A_85  : i32 {
        %parallel_loop3A_122 = arith.constant 16 : i32
        %parallel_loop3A_123 = arith.muli %parallel_loop3A_121, %parallel_loop3A_122 : i32
        %parallel_loop3A_124 = arith.index_cast %parallel_loop3A_123 : i32 to index
        %parallel_loop3A_125 = tpu.vector_load %arg8[%parallel_loop3A_124] {strides = array<i32>} : memref<8000xi32, #tpu.memory_space<vmem>>, vector<16xi32>,
        %parallel_loop3A_126 = arith.index_cast %parallel_loop3A_123 : i32 to index
        %parallel_loop3A_127 = tpu.vector_load %arg10[%parallel_loop3A_126] {strides = array<i32>} : memref<8000xf32, #tpu.memory_space<vmem>>, vector<16xf32>,
        %parallel_loop3A_128 = arith.constant 16383 : i32
        %parallel_loop3A_129 = vector.broadcast %parallel_loop3A_128 : i32 to vector<16xi32>
        %parallel_loop3A_130 = arith.andi %parallel_loop3A_125, %parallel_loop3A_129 : vector<16xi32>
        %parallel_loop3A_131 = arith.constant 14 : i32
        %parallel_loop3A_132 = vector.broadcast %parallel_loop3A_131 : i32 to vector<16xi32>
        %parallel_loop3A_133 = arith.shrui %parallel_loop3A_125, %parallel_loop3A_132 : vector<16xi32>
        %parallel_loop3A_134 = tpu.vector_load_idx %arg6[%broadcast_in_dim3A_33, %parallel_loop3A_130] : memref<2x10000xi32, #tpu.memory_space<vmem>>[vector<16xi32>, vector<16xi32>], vector<16xi32>,
        %parallel_loop3A_135 = arith.andi %parallel_loop3A_134, %broadcast_in_dim3A_41 : vector<16xi32>
        %parallel_loop3A_136 = vector.bitcast %parallel_loop3A_135 : vector<16xi32> to vector<16xf32>
        %parallel_loop3A_137 = arith.constant 16 : i32
        %parallel_loop3A_138 = vector.broadcast %parallel_loop3A_137 : i32 to vector<16xi32>
        %parallel_loop3A_139 = arith.shli %parallel_loop3A_134, %parallel_loop3A_138 : vector<16xi32>
        %parallel_loop3A_140 = vector.bitcast %parallel_loop3A_139 : vector<16xi32> to vector<16xf32>
        %parallel_loop3A_141 = arith.mulf %parallel_loop3A_127, %parallel_loop3A_136 : vector<16xf32>
        tpu.vector_store_idx %arg7[%broadcast_in_dim3A_33, %parallel_loop3A_133], %parallel_loop3A_141 {add = true} : memref<4x10000xf32, #tpu.memory_space<vmem>>[vector<16xi32>, vector<16xi32>], vector<16xf32>,
        %parallel_loop3A_142 = arith.mulf %parallel_loop3A_127, %parallel_loop3A_140 : vector<16xf32>
        tpu.vector_store_idx %arg7[%broadcast_in_dim3A_37, %parallel_loop3A_133], %parallel_loop3A_142 {add = true} : memref<4x10000xf32, #tpu.memory_space<vmem>>[vector<16xi32>, vector<16xi32>], vector<16xf32>,
        %parallel_loop3A_143 = tpu.vector_load_idx %arg6[%broadcast_in_dim3A_35, %parallel_loop3A_130] : memref<2x10000xi32, #tpu.memory_space<vmem>>[vector<16xi32>, vector<16xi32>], vector<16xi32>,
        %parallel_loop3A_144 = arith.andi %parallel_loop3A_143, %broadcast_in_dim3A_41 : vector<16xi32>
        %parallel_loop3A_145 = vector.bitcast %parallel_loop3A_144 : vector<16xi32> to vector<16xf32>
        %parallel_loop3A_146 = arith.constant 16 : i32
        %parallel_loop3A_147 = vector.broadcast %parallel_loop3A_146 : i32 to vector<16xi32>
        %parallel_loop3A_148 = arith.shli %parallel_loop3A_143, %parallel_loop3A_147 : vector<16xi32>
        %parallel_loop3A_149 = vector.bitcast %parallel_loop3A_148 : vector<16xi32> to vector<16xf32>
        %parallel_loop3A_150 = arith.mulf %parallel_loop3A_127, %parallel_loop3A_145 : vector<16xf32>
        tpu.vector_store_idx %arg7[%broadcast_in_dim3A_35, %parallel_loop3A_133], %parallel_loop3A_150 {add = true} : memref<4x10000xf32, #tpu.memory_space<vmem>>[vector<16xi32>, vector<16xi32>], vector<16xf32>,
        %parallel_loop3A_151 = arith.mulf %parallel_loop3A_127, %parallel_loop3A_149 : vector<16xf32>
        tpu.vector_store_idx %arg7[%broadcast_in_dim3A_39, %parallel_loop3A_133], %parallel_loop3A_151 {add = true} : memref<4x10000xf32, #tpu.memory_space<vmem>>[vector<16xi32>, vector<16xi32>], vector<16xf32>,
      } {sc.loop_unroll_factor = 2 : i64, sc.parallel_access}
      %mul3A_86 = arith.constant 2 : i32
      %mul3A_87 = arith.muli %scan3A_74, %mul3A_86 : i32
      %add3A_88 = arith.constant 0 : i32
      %add3A_89 = arith.addi %mul3A_87, %add3A_88 : i32
      %add3A_90 = arith.constant 2 : i32
      %add3A_91 = arith.addi %add3A_89, %add3A_90 : i32
      %mul3A_92 = arith.constant 8000 : i32
      %mul3A_93 = arith.muli %add3A_91, %mul3A_92 : i32
      %dma_start3A_94 = tpu.memref_slice %arg3[%mul3A_93] : memref<320000xi32, #tpu.memory_space<hbm>> -> memref<8000xi32, #tpu.memory_space<hbm>>
      %dma_start3A_95 = tpu.memref_slice %arg3[%mul3A_93] : memref<320000xi32, #tpu.memory_space<hbm>> -> memref<8000xi32, #tpu.memory_space<hbm>>
      tpu.enqueue_dma source(%dma_start3A_95 : memref<8000xi32, #tpu.memory_space<hbm>>) target(%arg8 : memref<8000xi32, #tpu.memory_space<vmem>>) target_semaphore(%arg12 : memref<!tpu.dma_semaphore, #tpu.memory_space<semaphore_mem>>)
      %dma_start3A_96 = tpu.memref_slice %arg4[%mul3A_93] : memref<320000xf32, #tpu.memory_space<hbm>> -> memref<8000xf32, #tpu.memory_space<hbm>>
      %dma_start3A_97 = tpu.memref_slice %arg4[%mul3A_93] : memref<320000xf32, #tpu.memory_space<hbm>> -> memref<8000xf32, #tpu.memory_space<hbm>>
      tpu.enqueue_dma source(%dma_start3A_97 : memref<8000xf32, #tpu.memory_space<hbm>>) target(%arg10 : memref<8000xf32, #tpu.memory_space<vmem>>) target_semaphore(%arg12 : memref<!tpu.dma_semaphore, #tpu.memory_space<semaphore_mem>>)
      %dma_wait3A_98 = arith.constant 0 : i32
      %dma_wait3A_99 = tpu.memref_slice %arg3[%dma_wait3A_98] : memref<320000xi32, #tpu.memory_space<hbm>> -> memref<8000xi32, #tpu.memory_space<hbm>>
      %dma_wait3A_100 = arith.constant 0 : i32
      %dma_wait3A_101 = tpu.memref_slice %arg3[%dma_wait3A_100] : memref<320000xi32, #tpu.memory_space<hbm>> -> memref<8000xi32, #tpu.memory_space<hbm>>
      tpu.wait_dma2 semaphore(%arg13 : memref<!tpu.dma_semaphore, #tpu.memory_space<semaphore_mem>>) src(%dma_wait3A_101 : memref<8000xi32, #tpu.memory_space<hbm>>) dst(%arg9 : memref<8000xi32, #tpu.memory_space<vmem>>)
      %dma_wait3A_102 = arith.constant 0 : i32
      %dma_wait3A_103 = tpu.memref_slice %arg4[%dma_wait3A_102] : memref<320000xf32, #tpu.memory_space<hbm>> -> memref<8000xf32, #tpu.memory_space<hbm>>
      %dma_wait3A_104 = arith.constant 0 : i32
      %dma_wait3A_105 = tpu.memref_slice %arg4[%dma_wait3A_104] : memref<320000xf32, #tpu.memory_space<hbm>> -> memref<8000xf32, #tpu.memory_space<hbm>>
      tpu.wait_dma2 semaphore(%arg13 : memref<!tpu.dma_semaphore, #tpu.memory_space<semaphore_mem>>) src(%dma_wait3A_105 : memref<8000xf32, #tpu.memory_space<hbm>>) dst(%arg11 : memref<8000xf32, #tpu.memory_space<vmem>>)
      %parallel_loop3A_106 = arith.constant 0 : i32
      %parallel_loop3A_107 = arith.constant 500 : i32
      %parallel_loop3A_108 = arith.constant 1 : i32
      scf.for %parallel_loop3A_121 = %parallel_loop3A_106 to %parallel_loop3A_107 step %parallel_loop3A_108  : i32 {
        %parallel_loop3A_122 = arith.constant 16 : i32
        %parallel_loop3A_123 = arith.muli %parallel_loop3A_121, %parallel_loop3A_122 : i32
        %parallel_loop3A_124 = arith.index_cast %parallel_loop3A_123 : i32 to index
        %parallel_loop3A_125 = tpu.vector_load %arg9[%parallel_loop3A_124] {strides = array<i32>} : memref<8000xi32, #tpu.memory_space<vmem>>, vector<16xi32>,
        %parallel_loop3A_126 = arith.index_cast %parallel_loop3A_123 : i32 to index
        %parallel_loop3A_127 = tpu.vector_load %arg11[%parallel_loop3A_126] {strides = array<i32>} : memref<8000xf32, #tpu.memory_space<vmem>>, vector<16xf32>,
        %parallel_loop3A_128 = arith.constant 16383 : i32
        %parallel_loop3A_129 = vector.broadcast %parallel_loop3A_128 : i32 to vector<16xi32>
        %parallel_loop3A_130 = arith.andi %parallel_loop3A_125, %parallel_loop3A_129 : vector<16xi32>
        %parallel_loop3A_131 = arith.constant 14 : i32
        %parallel_loop3A_132 = vector.broadcast %parallel_loop3A_131 : i32 to vector<16xi32>
        %parallel_loop3A_133 = arith.shrui %parallel_loop3A_125, %parallel_loop3A_132 : vector<16xi32>
        %parallel_loop3A_134 = tpu.vector_load_idx %arg6[%broadcast_in_dim3A_33, %parallel_loop3A_130] : memref<2x10000xi32, #tpu.memory_space<vmem>>[vector<16xi32>, vector<16xi32>], vector<16xi32>,
        %parallel_loop3A_135 = arith.andi %parallel_loop3A_134, %broadcast_in_dim3A_41 : vector<16xi32>
        %parallel_loop3A_136 = vector.bitcast %parallel_loop3A_135 : vector<16xi32> to vector<16xf32>
        %parallel_loop3A_137 = arith.constant 16 : i32
        %parallel_loop3A_138 = vector.broadcast %parallel_loop3A_137 : i32 to vector<16xi32>
        %parallel_loop3A_139 = arith.shli %parallel_loop3A_134, %parallel_loop3A_138 : vector<16xi32>
        %parallel_loop3A_140 = vector.bitcast %parallel_loop3A_139 : vector<16xi32> to vector<16xf32>
        %parallel_loop3A_141 = arith.mulf %parallel_loop3A_127, %parallel_loop3A_136 : vector<16xf32>
        tpu.vector_store_idx %arg7[%broadcast_in_dim3A_33, %parallel_loop3A_133], %parallel_loop3A_141 {add = true} : memref<4x10000xf32, #tpu.memory_space<vmem>>[vector<16xi32>, vector<16xi32>], vector<16xf32>,
        %parallel_loop3A_142 = arith.mulf %parallel_loop3A_127, %parallel_loop3A_140 : vector<16xf32>
        tpu.vector_store_idx %arg7[%broadcast_in_dim3A_37, %parallel_loop3A_133], %parallel_loop3A_142 {add = true} : memref<4x10000xf32, #tpu.memory_space<vmem>>[vector<16xi32>, vector<16xi32>], vector<16xf32>,
        %parallel_loop3A_143 = tpu.vector_load_idx %arg6[%broadcast_in_dim3A_35, %parallel_loop3A_130] : memref<2x10000xi32, #tpu.memory_space<vmem>>[vector<16xi32>, vector<16xi32>], vector<16xi32>,
        %parallel_loop3A_144 = arith.andi %parallel_loop3A_143, %broadcast_in_dim3A_41 : vector<16xi32>
        %parallel_loop3A_145 = vector.bitcast %parallel_loop3A_144 : vector<16xi32> to vector<16xf32>
        %parallel_loop3A_146 = arith.constant 16 : i32
        %parallel_loop3A_147 = vector.broadcast %parallel_loop3A_146 : i32 to vector<16xi32>
        %parallel_loop3A_148 = arith.shli %parallel_loop3A_143, %parallel_loop3A_147 : vector<16xi32>
        %parallel_loop3A_149 = vector.bitcast %parallel_loop3A_148 : vector<16xi32> to vector<16xf32>
        %parallel_loop3A_150 = arith.mulf %parallel_loop3A_127, %parallel_loop3A_145 : vector<16xf32>
        tpu.vector_store_idx %arg7[%broadcast_in_dim3A_35, %parallel_loop3A_133], %parallel_loop3A_150 {add = true} : memref<4x10000xf32, #tpu.memory_space<vmem>>[vector<16xi32>, vector<16xi32>], vector<16xf32>,
        %parallel_loop3A_151 = arith.mulf %parallel_loop3A_127, %parallel_loop3A_149 : vector<16xf32>
        tpu.vector_store_idx %arg7[%broadcast_in_dim3A_39, %parallel_loop3A_133], %parallel_loop3A_151 {add = true} : memref<4x10000xf32, #tpu.memory_space<vmem>>[vector<16xi32>, vector<16xi32>], vector<16xf32>,
      } {sc.loop_unroll_factor = 2 : i64, sc.parallel_access}
      %mul3A_109 = arith.constant 2 : i32
      %mul3A_110 = arith.muli %scan3A_74, %mul3A_109 : i32
      %add3A_111 = arith.constant 1 : i32
      %add3A_112 = arith.addi %mul3A_110, %add3A_111 : i32
      %add3A_113 = arith.constant 2 : i32
      %add3A_114 = arith.addi %add3A_112, %add3A_113 : i32
      %mul3A_115 = arith.constant 8000 : i32
      %mul3A_116 = arith.muli %add3A_114, %mul3A_115 : i32
      %dma_start3A_117 = tpu.memref_slice %arg3[%mul3A_116] : memref<320000xi32, #tpu.memory_space<hbm>> -> memref<8000xi32, #tpu.memory_space<hbm>>
      %dma_start3A_118 = tpu.memref_slice %arg3[%mul3A_116] : memref<320000xi32, #tpu.memory_space<hbm>> -> memref<8000xi32, #tpu.memory_space<hbm>>
      tpu.enqueue_dma source(%dma_start3A_118 : memref<8000xi32, #tpu.memory_space<hbm>>) target(%arg9 : memref<8000xi32, #tpu.memory_space<vmem>>) target_semaphore(%arg13 : memref<!tpu.dma_semaphore, #tpu.memory_space<semaphore_mem>>)
      %dma_start3A_119 = tpu.memref_slice %arg4[%mul3A_116] : memref<320000xf32, #tpu.memory_space<hbm>> -> memref<8000xf32, #tpu.memory_space<hbm>>
      %dma_start3A_120 = tpu.memref_slice %arg4[%mul3A_116] : memref<320000xf32, #tpu.memory_space<hbm>> -> memref<8000xf32, #tpu.memory_space<hbm>>
      tpu.enqueue_dma source(%dma_start3A_120 : memref<8000xf32, #tpu.memory_space<hbm>>) target(%arg11 : memref<8000xf32, #tpu.memory_space<vmem>>) target_semaphore(%arg13 : memref<!tpu.dma_semaphore, #tpu.memory_space<semaphore_mem>>)
    }
    %scan3A_46 = arith.constant 19 : i32
    %dma_wait3A = arith.constant 0 : i32
    %dma_wait3A_47 = tpu.memref_slice %arg3[%dma_wait3A] : memref<320000xi32, #tpu.memory_space<hbm>> -> memref<8000xi32, #tpu.memory_space<hbm>>
    %dma_wait3A_48 = arith.constant 0 : i32
    %dma_wait3A_49 = tpu.memref_slice %arg3[%dma_wait3A_48] : memref<320000xi32, #tpu.memory_space<hbm>> -> memref<8000xi32, #tpu.memory_space<hbm>>
    tpu.wait_dma2 semaphore(%arg12 : memref<!tpu.dma_semaphore, #tpu.memory_space<semaphore_mem>>) src(%dma_wait3A_49 : memref<8000xi32, #tpu.memory_space<hbm>>) dst(%arg8 : memref<8000xi32, #tpu.memory_space<vmem>>)
    %dma_wait3A_50 = arith.constant 0 : i32
    %dma_wait3A_51 = tpu.memref_slice %arg4[%dma_wait3A_50] : memref<320000xf32, #tpu.memory_space<hbm>> -> memref<8000xf32, #tpu.memory_space<hbm>>
    %dma_wait3A_52 = arith.constant 0 : i32
    %dma_wait3A_53 = tpu.memref_slice %arg4[%dma_wait3A_52] : memref<320000xf32, #tpu.memory_space<hbm>> -> memref<8000xf32, #tpu.memory_space<hbm>>
    tpu.wait_dma2 semaphore(%arg12 : memref<!tpu.dma_semaphore, #tpu.memory_space<semaphore_mem>>) src(%dma_wait3A_53 : memref<8000xf32, #tpu.memory_space<hbm>>) dst(%arg10 : memref<8000xf32, #tpu.memory_space<vmem>>)
    %parallel_loop3A_54 = arith.constant 0 : i32
    %parallel_loop3A_55 = arith.constant 500 : i32
    %parallel_loop3A_56 = arith.constant 1 : i32
    scf.for %parallel_loop3A_74 = %parallel_loop3A_54 to %parallel_loop3A_55 step %parallel_loop3A_56  : i32 {
      %parallel_loop3A_75 = arith.constant 16 : i32
      %parallel_loop3A_76 = arith.muli %parallel_loop3A_74, %parallel_loop3A_75 : i32
      %parallel_loop3A_77 = arith.index_cast %parallel_loop3A_76 : i32 to index
      %parallel_loop3A_78 = tpu.vector_load %arg8[%parallel_loop3A_77] {strides = array<i32>} : memref<8000xi32, #tpu.memory_space<vmem>>, vector<16xi32>,
      %parallel_loop3A_79 = arith.index_cast %parallel_loop3A_76 : i32 to index
      %parallel_loop3A_80 = tpu.vector_load %arg10[%parallel_loop3A_79] {strides = array<i32>} : memref<8000xf32, #tpu.memory_space<vmem>>, vector<16xf32>,
      %parallel_loop3A_81 = arith.constant 16383 : i32
      %parallel_loop3A_82 = vector.broadcast %parallel_loop3A_81 : i32 to vector<16xi32>
      %parallel_loop3A_83 = arith.andi %parallel_loop3A_78, %parallel_loop3A_82 : vector<16xi32>
      %parallel_loop3A_84 = arith.constant 14 : i32
      %parallel_loop3A_85 = vector.broadcast %parallel_loop3A_84 : i32 to vector<16xi32>
      %parallel_loop3A_86 = arith.shrui %parallel_loop3A_78, %parallel_loop3A_85 : vector<16xi32>
      %parallel_loop3A_87 = tpu.vector_load_idx %arg6[%broadcast_in_dim3A_33, %parallel_loop3A_83] : memref<2x10000xi32, #tpu.memory_space<vmem>>[vector<16xi32>, vector<16xi32>], vector<16xi32>,
      %parallel_loop3A_88 = arith.andi %parallel_loop3A_87, %broadcast_in_dim3A_41 : vector<16xi32>
      %parallel_loop3A_89 = vector.bitcast %parallel_loop3A_88 : vector<16xi32> to vector<16xf32>
      %parallel_loop3A_90 = arith.constant 16 : i32
      %parallel_loop3A_91 = vector.broadcast %parallel_loop3A_90 : i32 to vector<16xi32>
      %parallel_loop3A_92 = arith.shli %parallel_loop3A_87, %parallel_loop3A_91 : vector<16xi32>
      %parallel_loop3A_93 = vector.bitcast %parallel_loop3A_92 : vector<16xi32> to vector<16xf32>
      %parallel_loop3A_94 = arith.mulf %parallel_loop3A_80, %parallel_loop3A_89 : vector<16xf32>
      tpu.vector_store_idx %arg7[%broadcast_in_dim3A_33, %parallel_loop3A_86], %parallel_loop3A_94 {add = true} : memref<4x10000xf32, #tpu.memory_space<vmem>>[vector<16xi32>, vector<16xi32>], vector<16xf32>,
      %parallel_loop3A_95 = arith.mulf %parallel_loop3A_80, %parallel_loop3A_93 : vector<16xf32>
      tpu.vector_store_idx %arg7[%broadcast_in_dim3A_37, %parallel_loop3A_86], %parallel_loop3A_95 {add = true} : memref<4x10000xf32, #tpu.memory_space<vmem>>[vector<16xi32>, vector<16xi32>], vector<16xf32>,
      %parallel_loop3A_96 = tpu.vector_load_idx %arg6[%broadcast_in_dim3A_35, %parallel_loop3A_83] : memref<2x10000xi32, #tpu.memory_space<vmem>>[vector<16xi32>, vector<16xi32>], vector<16xi32>,
      %parallel_loop3A_97 = arith.andi %parallel_loop3A_96, %broadcast_in_dim3A_41 : vector<16xi32>
      %parallel_loop3A_98 = vector.bitcast %parallel_loop3A_97 : vector<16xi32> to vector<16xf32>
      %parallel_loop3A_99 = arith.constant 16 : i32
      %parallel_loop3A_100 = vector.broadcast %parallel_loop3A_99 : i32 to vector<16xi32>
      %parallel_loop3A_101 = arith.shli %parallel_loop3A_96, %parallel_loop3A_100 : vector<16xi32>
      %parallel_loop3A_102 = vector.bitcast %parallel_loop3A_101 : vector<16xi32> to vector<16xf32>
      %parallel_loop3A_103 = arith.mulf %parallel_loop3A_80, %parallel_loop3A_98 : vector<16xf32>
      tpu.vector_store_idx %arg7[%broadcast_in_dim3A_35, %parallel_loop3A_86], %parallel_loop3A_103 {add = true} : memref<4x10000xf32, #tpu.memory_space<vmem>>[vector<16xi32>, vector<16xi32>], vector<16xf32>,
      %parallel_loop3A_104 = arith.mulf %parallel_loop3A_80, %parallel_loop3A_102 : vector<16xf32>
      tpu.vector_store_idx %arg7[%broadcast_in_dim3A_39, %parallel_loop3A_86], %parallel_loop3A_104 {add = true} : memref<4x10000xf32, #tpu.memory_space<vmem>>[vector<16xi32>, vector<16xi32>], vector<16xf32>,
    } {sc.loop_unroll_factor = 2 : i64, sc.parallel_access}
    %dma_wait3A_57 = arith.constant 0 : i32
    %dma_wait3A_58 = tpu.memref_slice %arg3[%dma_wait3A_57] : memref<320000xi32, #tpu.memory_space<hbm>> -> memref<8000xi32, #tpu.memory_space<hbm>>
    %dma_wait3A_59 = arith.constant 0 : i32
    %dma_wait3A_60 = tpu.memref_slice %arg3[%dma_wait3A_59] : memref<320000xi32, #tpu.memory_space<hbm>> -> memref<8000xi32, #tpu.memory_space<hbm>>
    tpu.wait_dma2 semaphore(%arg13 : memref<!tpu.dma_semaphore, #tpu.memory_space<semaphore_mem>>) src(%dma_wait3A_60 : memref<8000xi32, #tpu.memory_space<hbm>>) dst(%arg9 : memref<8000xi32, #tpu.memory_space<vmem>>)
    %dma_wait3A_61 = arith.constant 0 : i32
    %dma_wait3A_62 = tpu.memref_slice %arg4[%dma_wait3A_61] : memref<320000xf32, #tpu.memory_space<hbm>> -> memref<8000xf32, #tpu.memory_space<hbm>>
    %dma_wait3A_63 = arith.constant 0 : i32
    %dma_wait3A_64 = tpu.memref_slice %arg4[%dma_wait3A_63] : memref<320000xf32, #tpu.memory_space<hbm>> -> memref<8000xf32, #tpu.memory_space<hbm>>
    tpu.wait_dma2 semaphore(%arg13 : memref<!tpu.dma_semaphore, #tpu.memory_space<semaphore_mem>>) src(%dma_wait3A_64 : memref<8000xf32, #tpu.memory_space<hbm>>) dst(%arg11 : memref<8000xf32, #tpu.memory_space<vmem>>)
    %parallel_loop3A_65 = arith.constant 0 : i32
    %parallel_loop3A_66 = arith.constant 500 : i32
    %parallel_loop3A_67 = arith.constant 1 : i32
    scf.for %parallel_loop3A_74 = %parallel_loop3A_65 to %parallel_loop3A_66 step %parallel_loop3A_67  : i32 {
      %parallel_loop3A_75 = arith.constant 16 : i32
      %parallel_loop3A_76 = arith.muli %parallel_loop3A_74, %parallel_loop3A_75 : i32
      %parallel_loop3A_77 = arith.index_cast %parallel_loop3A_76 : i32 to index
      %parallel_loop3A_78 = tpu.vector_load %arg9[%parallel_loop3A_77] {strides = array<i32>} : memref<8000xi32, #tpu.memory_space<vmem>>, vector<16xi32>,
      %parallel_loop3A_79 = arith.index_cast %parallel_loop3A_76 : i32 to index
      %parallel_loop3A_80 = tpu.vector_load %arg11[%parallel_loop3A_79] {strides = array<i32>} : memref<8000xf32, #tpu.memory_space<vmem>>, vector<16xf32>,
      %parallel_loop3A_81 = arith.constant 16383 : i32
      %parallel_loop3A_82 = vector.broadcast %parallel_loop3A_81 : i32 to vector<16xi32>
      %parallel_loop3A_83 = arith.andi %parallel_loop3A_78, %parallel_loop3A_82 : vector<16xi32>
      %parallel_loop3A_84 = arith.constant 14 : i32
      %parallel_loop3A_85 = vector.broadcast %parallel_loop3A_84 : i32 to vector<16xi32>
      %parallel_loop3A_86 = arith.shrui %parallel_loop3A_78, %parallel_loop3A_85 : vector<16xi32>
      %parallel_loop3A_87 = tpu.vector_load_idx %arg6[%broadcast_in_dim3A_33, %parallel_loop3A_83] : memref<2x10000xi32, #tpu.memory_space<vmem>>[vector<16xi32>, vector<16xi32>], vector<16xi32>,
      %parallel_loop3A_88 = arith.andi %parallel_loop3A_87, %broadcast_in_dim3A_41 : vector<16xi32>
      %parallel_loop3A_89 = vector.bitcast %parallel_loop3A_88 : vector<16xi32> to vector<16xf32>
      %parallel_loop3A_90 = arith.constant 16 : i32
      %parallel_loop3A_91 = vector.broadcast %parallel_loop3A_90 : i32 to vector<16xi32>
      %parallel_loop3A_92 = arith.shli %parallel_loop3A_87, %parallel_loop3A_91 : vector<16xi32>
      %parallel_loop3A_93 = vector.bitcast %parallel_loop3A_92 : vector<16xi32> to vector<16xf32>
      %parallel_loop3A_94 = arith.mulf %parallel_loop3A_80, %parallel_loop3A_89 : vector<16xf32>
      tpu.vector_store_idx %arg7[%broadcast_in_dim3A_33, %parallel_loop3A_86], %parallel_loop3A_94 {add = true} : memref<4x10000xf32, #tpu.memory_space<vmem>>[vector<16xi32>, vector<16xi32>], vector<16xf32>,
      %parallel_loop3A_95 = arith.mulf %parallel_loop3A_80, %parallel_loop3A_93 : vector<16xf32>
      tpu.vector_store_idx %arg7[%broadcast_in_dim3A_37, %parallel_loop3A_86], %parallel_loop3A_95 {add = true} : memref<4x10000xf32, #tpu.memory_space<vmem>>[vector<16xi32>, vector<16xi32>], vector<16xf32>,
      %parallel_loop3A_96 = tpu.vector_load_idx %arg6[%broadcast_in_dim3A_35, %parallel_loop3A_83] : memref<2x10000xi32, #tpu.memory_space<vmem>>[vector<16xi32>, vector<16xi32>], vector<16xi32>,
      %parallel_loop3A_97 = arith.andi %parallel_loop3A_96, %broadcast_in_dim3A_41 : vector<16xi32>
      %parallel_loop3A_98 = vector.bitcast %parallel_loop3A_97 : vector<16xi32> to vector<16xf32>
      %parallel_loop3A_99 = arith.constant 16 : i32
      %parallel_loop3A_100 = vector.broadcast %parallel_loop3A_99 : i32 to vector<16xi32>
      %parallel_loop3A_101 = arith.shli %parallel_loop3A_96, %parallel_loop3A_100 : vector<16xi32>
      %parallel_loop3A_102 = vector.bitcast %parallel_loop3A_101 : vector<16xi32> to vector<16xf32>
      %parallel_loop3A_103 = arith.mulf %parallel_loop3A_80, %parallel_loop3A_98 : vector<16xf32>
      tpu.vector_store_idx %arg7[%broadcast_in_dim3A_35, %parallel_loop3A_86], %parallel_loop3A_103 {add = true} : memref<4x10000xf32, #tpu.memory_space<vmem>>[vector<16xi32>, vector<16xi32>], vector<16xf32>,
      %parallel_loop3A_104 = arith.mulf %parallel_loop3A_80, %parallel_loop3A_102 : vector<16xf32>
      tpu.vector_store_idx %arg7[%broadcast_in_dim3A_39, %parallel_loop3A_86], %parallel_loop3A_104 {add = true} : memref<4x10000xf32, #tpu.memory_space<vmem>>[vector<16xi32>, vector<16xi32>], vector<16xf32>,
    } {sc.loop_unroll_factor = 2 : i64, sc.parallel_access}
    %mul3A_68 = arith.constant 2 : i32
    %mul3A_69 = arith.muli %mul3A_68, %add3A : i32
    "tpu.region"() ({
      %run_scoped3A = tpu.sem_alloc : memref<!tpu.dma_semaphore, #tpu.memory_space<semaphore_mem>>
      %dma_start3A_74 = arith.constant 0 : i32
      %dma_start3A_75 = arith.constant 0 : i32
      %dma_start3A_76 = tpu.memref_slice %arg7[%dma_start3A_74, %dma_start3A_75] : memref<4x10000xf32, #tpu.memory_space<vmem>> -> memref<2x10000xf32, #tpu.memory_space<vmem>>
      %dma_start3A_77 = arith.constant 0 : i32
      %dma_start3A_78 = tpu.memref_slice %arg5[%mul3A_69, %dma_start3A_77] : memref<128x10000xf32, #tpu.memory_space<hbm>> -> memref<2x10000xf32, #tpu.memory_space<hbm>>
      %dma_start3A_79 = arith.constant 0 : i32
      %dma_start3A_80 = tpu.memref_slice %arg5[%mul3A_69, %dma_start3A_79] : memref<128x10000xf32, #tpu.memory_space<hbm>> -> memref<2x10000xf32, #tpu.memory_space<hbm>>
      %dma_start3A_81 = arith.constant 0 : i32
      %dma_start3A_82 = arith.constant 0 : i32
      %dma_start3A_83 = tpu.memref_slice %arg7[%dma_start3A_81, %dma_start3A_82] : memref<4x10000xf32, #tpu.memory_space<vmem>> -> memref<2x10000xf32, #tpu.memory_space<vmem>>
      tpu.enqueue_dma source(%dma_start3A_83 : memref<2x10000xf32, #tpu.memory_space<vmem>>) target(%dma_start3A_80 : memref<2x10000xf32, #tpu.memory_space<hbm>>) target_semaphore(%run_scoped3A : memref<!tpu.dma_semaphore, #tpu.memory_space<semaphore_mem>>)
      %dma_wait3A_84 = arith.constant 0 : i32
      %dma_wait3A_85 = arith.constant 0 : i32
      %dma_wait3A_86 = tpu.memref_slice %arg7[%dma_wait3A_84, %dma_wait3A_85] : memref<4x10000xf32, #tpu.memory_space<vmem>> -> memref<2x10000xf32, #tpu.memory_space<vmem>>
      %dma_wait3A_87 = arith.constant 0 : i32
      %dma_wait3A_88 = tpu.memref_slice %arg5[%mul3A_69, %dma_wait3A_87] : memref<128x10000xf32, #tpu.memory_space<hbm>> -> memref<2x10000xf32, #tpu.memory_space<hbm>>
      %dma_wait3A_89 = arith.constant 0 : i32
      %dma_wait3A_90 = tpu.memref_slice %arg5[%mul3A_69, %dma_wait3A_89] : memref<128x10000xf32, #tpu.memory_space<hbm>> -> memref<2x10000xf32, #tpu.memory_space<hbm>>
      %dma_wait3A_91 = arith.constant 0 : i32
      %dma_wait3A_92 = arith.constant 0 : i32
      %dma_wait3A_93 = tpu.memref_slice %arg7[%dma_wait3A_91, %dma_wait3A_92] : memref<4x10000xf32, #tpu.memory_space<vmem>> -> memref<2x10000xf32, #tpu.memory_space<vmem>>
      tpu.wait_dma2 semaphore(%run_scoped3A : memref<!tpu.dma_semaphore, #tpu.memory_space<semaphore_mem>>) src(%dma_wait3A_93 : memref<2x10000xf32, #tpu.memory_space<vmem>>) dst(%dma_wait3A_90 : memref<2x10000xf32, #tpu.memory_space<hbm>>)
      tpu.yield
    }) : () -> ()
    %mul3A_70 = arith.constant 2 : i32
    %mul3A_71 = arith.muli %mul3A_70, %add3A : i32
    %add3A_72 = arith.constant 64 : i32
    %add3A_73 = arith.addi %add3A_72, %mul3A_71 : i32
    "tpu.region"() ({
      %run_scoped3A = tpu.sem_alloc : memref<!tpu.dma_semaphore, #tpu.memory_space<semaphore_mem>>
      %dma_start3A_74 = arith.constant 2 : i32
      %dma_start3A_75 = arith.constant 0 : i32
      %dma_start3A_76 = tpu.memref_slice %arg7[%dma_start3A_74, %dma_start3A_75] : memref<4x10000xf32, #tpu.memory_space<vmem>> -> memref<2x10000xf32, #tpu.memory_space<vmem>>
      %dma_start3A_77 = arith.constant 0 : i32
      %dma_start3A_78 = tpu.memref_slice %arg5[%add3A_73, %dma_start3A_77] : memref<128x10000xf32, #tpu.memory_space<hbm>> -> memref<2x10000xf32, #tpu.memory_space<hbm>>
      %dma_start3A_79 = arith.constant 0 : i32
      %dma_start3A_80 = tpu.memref_slice %arg5[%add3A_73, %dma_start3A_79] : memref<128x10000xf32, #tpu.memory_space<hbm>> -> memref<2x10000xf32, #tpu.memory_space<hbm>>
      %dma_start3A_81 = arith.constant 2 : i32
      %dma_start3A_82 = arith.constant 0 : i32
      %dma_start3A_83 = tpu.memref_slice %arg7[%dma_start3A_81, %dma_start3A_82] : memref<4x10000xf32, #tpu.memory_space<vmem>> -> memref<2x10000xf32, #tpu.memory_space<vmem>>
      tpu.enqueue_dma source(%dma_start3A_83 : memref<2x10000xf32, #tpu.memory_space<vmem>>) target(%dma_start3A_80 : memref<2x10000xf32, #tpu.memory_space<hbm>>) target_semaphore(%run_scoped3A : memref<!tpu.dma_semaphore, #tpu.memory_space<semaphore_mem>>)
      %dma_wait3A_84 = arith.constant 2 : i32
      %dma_wait3A_85 = arith.constant 0 : i32
      %dma_wait3A_86 = tpu.memref_slice %arg7[%dma_wait3A_84, %dma_wait3A_85] : memref<4x10000xf32, #tpu.memory_space<vmem>> -> memref<2x10000xf32, #tpu.memory_space<vmem>>
      %dma_wait3A_87 = arith.constant 0 : i32
      %dma_wait3A_88 = tpu.memref_slice %arg5[%add3A_73, %dma_wait3A_87] : memref<128x10000xf32, #tpu.memory_space<hbm>> -> memref<2x10000xf32, #tpu.memory_space<hbm>>
      %dma_wait3A_89 = arith.constant 0 : i32
      %dma_wait3A_90 = tpu.memref_slice %arg5[%add3A_73, %dma_wait3A_89] : memref<128x10000xf32, #tpu.memory_space<hbm>> -> memref<2x10000xf32, #tpu.memory_space<hbm>>
      %dma_wait3A_91 = arith.constant 2 : i32
      %dma_wait3A_92 = arith.constant 0 : i32
      %dma_wait3A_93 = tpu.memref_slice %arg7[%dma_wait3A_91, %dma_wait3A_92] : memref<4x10000xf32, #tpu.memory_space<vmem>> -> memref<2x10000xf32, #tpu.memory_space<vmem>>
      tpu.wait_dma2 semaphore(%run_scoped3A : memref<!tpu.dma_semaphore, #tpu.memory_space<semaphore_mem>>) src(%dma_wait3A_93 : memref<2x10000xf32, #tpu.memory_space<vmem>>) dst(%dma_wait3A_90 : memref<2x10000xf32, #tpu.memory_space<hbm>>)
      tpu.yield
    }) : () -> ()
    return
  }
}

module attributes {stable_mosaic.version = 14 : i64} {
  func.func @_tc_mid_body(%arg0: memref<128x10000xf32, #tpu.memory_space<vmem>>, %arg1: memref<64x10000xi32, #tpu.memory_space<vmem>>, %arg2: memref<1x10000xf32, #tpu.memory_space<vmem>>, %arg3: memref<128x1xf32, #tpu.memory_space<vmem>>, %arg4: memref<128x1xf32, #tpu.memory_space<vmem>>, %arg5: memref<128x1xf32, #tpu.memory_space<vmem>>, %arg6: memref<128x128xf32, #tpu.memory_space<vmem>>, %arg7: memref<64x10000xi32, #tpu.memory_space<vmem>>) attributes {dimension_semantics = [], scalar_prefetch = 0 : i64, scratch_operands = 0 : i64, tpu.core_type = #tpu.core_type<tc>} {
    %get3A = arith.constant 0 : index
    %get3A_0 = arith.constant 0 : index
    %get3A_1 = vector.load %arg2[%get3A, %get3A_0] : memref<1x10000xf32, #tpu.memory_space<vmem>>, vector<1x10000xf32>
    %get3A_2 = arith.constant 0 : index
    %get3A_3 = arith.constant 0 : index
    %get3A_4 = vector.load %arg1[%get3A_2, %get3A_3] : memref<64x10000xi32, #tpu.memory_space<vmem>>, vector<64x10000xi32>
    %bitcast_convert_type3A = tpu.bitcast %get3A_4 : vector<64x10000xi32> -> vector<64x10000xi32>
    %and3A = arith.constant -65536 : i32
    %and3A_5 = vector.broadcast %and3A : i32 to vector<64x10000xi32>
    %and3A_6 = arith.andi %bitcast_convert_type3A, %and3A_5 : vector<64x10000xi32>
    %shift_left3A = arith.constant 16 : i32
    %shift_left3A_7 = vector.broadcast %shift_left3A : i32 to vector<64x10000xi32>
    %shift_left3A_8 = arith.shli %bitcast_convert_type3A, %shift_left3A_7 : vector<64x10000xi32>
    %concatenate3A = tpu.concatenate %and3A_6, %shift_left3A_8 in 0 : vector<64x10000xi32>, vector<64x10000xi32> -> vector<128x10000xi32>
    %bitcast_convert_type3A_9 = tpu.bitcast %concatenate3A : vector<128x10000xi32> -> vector<128x10000xf32>
    %get3A_10 = arith.constant 0 : index
    %get3A_11 = arith.constant 0 : index
    %get3A_12 = vector.load %arg0[%get3A_10, %get3A_11] : memref<128x10000xf32, #tpu.memory_space<vmem>>, vector<128x10000xf32>
    %get3A_13 = arith.constant 0 : index
    %get3A_14 = arith.constant 0 : index
    %get3A_15 = vector.load %arg3[%get3A_13, %get3A_14] : memref<128x1xf32, #tpu.memory_space<vmem>>, vector<128x1xf32>
    %get3A_16 = arith.constant 0 : index
    %get3A_17 = arith.constant 0 : index
    %get3A_18 = vector.load %arg4[%get3A_16, %get3A_17] : memref<128x1xf32, #tpu.memory_space<vmem>>, vector<128x1xf32>
    %get3A_19 = arith.constant 0 : index
    %get3A_20 = arith.constant 0 : index
    %get3A_21 = vector.load %arg5[%get3A_19, %get3A_20] : memref<128x1xf32, #tpu.memory_space<vmem>>, vector<128x1xf32>
    %mul3A = arith.constant 2.000000e+00 : f32
    %mul3A_22 = vector.broadcast %mul3A : f32 to vector<128x10000xf32>
    %mul3A_23 = arith.mulf %mul3A_22, %bitcast_convert_type3A_9 : vector<128x10000xf32>
    %add3A = arith.addf %get3A_12, %mul3A_23 : vector<128x10000xf32>
    %mul3A_24 = vector.broadcast %get3A_1 : vector<1x10000xf32> to vector<128x10000xf32>
    %mul3A_25 = arith.mulf %mul3A_24, %add3A : vector<128x10000xf32>
    %add3A_26 = vector.broadcast %get3A_15 : vector<128x1xf32> to vector<128x10000xf32>
    %add3A_27 = arith.addf %mul3A_25, %add3A_26 : vector<128x10000xf32>
    %reduce_sum3A = arith.constant dense<0.000000e+00> : vector<128xf32>
    %reduce_sum3A_28 = vector.multi_reduction <add>, %add3A_27, %reduce_sum3A [1] : vector<128x10000xf32> to vector<128xf32>
    %broadcast_in_dim3A = vector.shape_cast %reduce_sum3A_28 : vector<128xf32> to vector<128x1xf32>
    %div3A = arith.constant 1.000000e+04 : f32
    %div3A_29 = vector.broadcast %div3A : f32 to vector<128x1xf32>
    %div3A_30 = arith.divf %broadcast_in_dim3A, %div3A_29 : vector<128x1xf32>
    %sub3A = vector.broadcast %div3A_30 : vector<128x1xf32> to vector<128x10000xf32>
    %sub3A_31 = arith.subf %add3A_27, %sub3A : vector<128x10000xf32>
    %mul3A_32 = arith.mulf %sub3A_31, %sub3A_31 : vector<128x10000xf32>
    %reduce_sum3A_33 = arith.constant dense<0.000000e+00> : vector<128xf32>
    %reduce_sum3A_34 = vector.multi_reduction <add>, %mul3A_32, %reduce_sum3A_33 [1] : vector<128x10000xf32> to vector<128xf32>
    %broadcast_in_dim3A_35 = vector.shape_cast %reduce_sum3A_34 : vector<128xf32> to vector<128x1xf32>
    %div3A_36 = arith.constant 1.000000e+04 : f32
    %div3A_37 = vector.broadcast %div3A_36 : f32 to vector<128x1xf32>
    %div3A_38 = arith.divf %broadcast_in_dim3A_35, %div3A_37 : vector<128x1xf32>
    %add3A_39 = arith.constant 9.99999974E-6 : f32
    %add3A_40 = vector.broadcast %add3A_39 : f32 to vector<128x1xf32>
    %add3A_41 = arith.addf %div3A_38, %add3A_40 : vector<128x1xf32>
    %rsqrt3A = math.rsqrt %add3A_41 : vector<128x1xf32>
    %mul3A_42 = vector.broadcast %rsqrt3A : vector<128x1xf32> to vector<128x10000xf32>
    %mul3A_43 = arith.mulf %sub3A_31, %mul3A_42 : vector<128x10000xf32>
    %mul3A_44 = vector.broadcast %get3A_18 : vector<128x1xf32> to vector<128x10000xf32>
    %mul3A_45 = arith.mulf %mul3A_43, %mul3A_44 : vector<128x10000xf32>
    %add3A_46 = vector.broadcast %get3A_21 : vector<128x1xf32> to vector<128x10000xf32>
    %add3A_47 = arith.addf %mul3A_45, %add3A_46 : vector<128x10000xf32>
    %ge3A = arith.constant 0.000000e+00 : f32
    %ge3A_48 = vector.broadcast %ge3A : f32 to vector<128x10000xf32>
    %ge3A_49 = arith.cmpf oge, %add3A_47, %ge3A_48 : vector<128x10000xf32>
    %mul3A_50 = arith.constant 0.00999999977 : f32
    %mul3A_51 = vector.broadcast %mul3A_50 : f32 to vector<128x10000xf32>
    %mul3A_52 = arith.mulf %mul3A_51, %add3A_47 : vector<128x10000xf32>
    %select_n3A = arith.select %ge3A_49, %add3A_47, %mul3A_52 : vector<128x10000xi1>, vector<128x10000xf32>
    %get3A_53 = arith.constant 0 : index
    %get3A_54 = arith.constant 0 : index
    %get3A_55 = vector.load %arg6[%get3A_53, %get3A_54] : memref<128x128xf32, #tpu.memory_space<vmem>>, vector<128x128xf32>
    %dot_general3A = arith.constant dense<0.000000e+00> : vector<128x10000xf32>
    %dot_general3A_56 = tpu.matmul %get3A_55, %select_n3A, %dot_general3A {dimension_numbers = #tpu.dot_dimension_numbers<[0], [0], [1], [1], [0, 1, 1, 1], [], []>, transpose_lhs_hint = false} : vector<128x128xf32>, vector<128x10000xf32>, vector<128x10000xf32> -> vector<128x10000xf32>
    %mul3A_57 = vector.broadcast %get3A_1 : vector<1x10000xf32> to vector<128x10000xf32>
    %mul3A_58 = arith.mulf %dot_general3A_56, %mul3A_57 : vector<128x10000xf32>
    %slice3A = vector.extract_strided_slice %mul3A_58 {offsets = [0, 0], sizes = [64, 10000], strides = [1, 1]} : vector<128x10000xf32> to vector<64x10000xf32>
    %bitcast_convert_type3A_59 = tpu.bitcast %slice3A : vector<64x10000xf32> -> vector<64x10000xi32>
    %slice3A_60 = vector.extract_strided_slice %mul3A_58 {offsets = [64, 0], sizes = [64, 10000], strides = [1, 1]} : vector<128x10000xf32> to vector<64x10000xf32>
    %bitcast_convert_type3A_61 = tpu.bitcast %slice3A_60 : vector<64x10000xf32> -> vector<64x10000xi32>
    %add3A_62 = arith.constant 32768 : i32
    %add3A_63 = vector.broadcast %add3A_62 : i32 to vector<64x10000xi32>
    %add3A_64 = arith.addi %bitcast_convert_type3A_59, %add3A_63 : vector<64x10000xi32>
    %and3A_65 = arith.constant -65536 : i32
    %and3A_66 = vector.broadcast %and3A_65 : i32 to vector<64x10000xi32>
    %and3A_67 = arith.andi %add3A_64, %and3A_66 : vector<64x10000xi32>
    %add3A_68 = arith.constant 32768 : i32
    %add3A_69 = vector.broadcast %add3A_68 : i32 to vector<64x10000xi32>
    %add3A_70 = arith.addi %bitcast_convert_type3A_61, %add3A_69 : vector<64x10000xi32>
    %shift_right_logical3A = arith.constant 16 : i32
    %shift_right_logical3A_71 = vector.broadcast %shift_right_logical3A : i32 to vector<64x10000xi32>
    %shift_right_logical3A_72 = arith.shrui %add3A_70, %shift_right_logical3A_71 : vector<64x10000xi32>
    %or3A = arith.ori %and3A_67, %shift_right_logical3A_72 : vector<64x10000xi32>
    %bitcast_convert_type3A_73 = tpu.bitcast %or3A : vector<64x10000xi32> -> vector<64x10000xi32>
    %swap3A = arith.constant 0 : index
    %swap3A_74 = arith.constant 0 : index
    %swap3A_75 = vector.load %arg7[%swap3A, %swap3A_74] : memref<64x10000xi32, #tpu.memory_space<vmem>>, vector<64x10000xi32>
    tpu.vector_store %arg7[%swap3A, %swap3A_74], %bitcast_convert_type3A_73 {strides = array<i32>} : memref<64x10000xi32, #tpu.memory_space<vmem>>, vector<64x10000xi32>,
    return
  }
}

module attributes {stable_mosaic.version = 14 : i64} {
  func.func @_tc_pre_body(%arg0: memref<32x10000xf32, #tpu.memory_space<vmem>>, %arg1: memref<10000x128xf32, #tpu.memory_space<vmem>>, %arg2: memref<128x128xf32, #tpu.memory_space<vmem>>, %arg3: memref<64x10000xi32, #tpu.memory_space<vmem>>, %arg4: memref<1x10000xf32, #tpu.memory_space<vmem>>) attributes {dimension_semantics = [], scalar_prefetch = 0 : i64, scratch_operands = 0 : i64, tpu.core_type = #tpu.core_type<tc>} {
    %get3A = arith.constant 0 : index
    %get3A_0 = arith.constant 0 : index
    %get3A_1 = vector.load %arg0[%get3A, %get3A_0] : memref<32x10000xf32, #tpu.memory_space<vmem>>, vector<32x10000xf32>
    %reduce_sum3A = arith.constant dense<0.000000e+00> : vector<10000xf32>
    %reduce_sum3A_2 = vector.multi_reduction <add>, %get3A_1, %reduce_sum3A [0] : vector<32x10000xf32> to vector<10000xf32>
    %broadcast_in_dim3A = vector.shape_cast %reduce_sum3A_2 : vector<10000xf32> to vector<1x10000xf32>
    %add3A = arith.constant 2.000000e+00 : f32
    %add3A_3 = vector.broadcast %add3A : f32 to vector<1x10000xf32>
    %add3A_4 = arith.addf %broadcast_in_dim3A, %add3A_3 : vector<1x10000xf32>
    %rsqrt3A = math.rsqrt %add3A_4 : vector<1x10000xf32>
    %swap3A = arith.constant 0 : index
    %swap3A_5 = arith.constant 0 : index
    %swap3A_6 = vector.load %arg4[%swap3A, %swap3A_5] : memref<1x10000xf32, #tpu.memory_space<vmem>>, vector<1x10000xf32>
    tpu.vector_store %arg4[%swap3A, %swap3A_5], %rsqrt3A {strides = array<i32>} : memref<1x10000xf32, #tpu.memory_space<vmem>>, vector<1x10000xf32>,
    %get3A_7 = arith.constant 0 : index
    %get3A_8 = arith.constant 0 : index
    %get3A_9 = vector.load %arg2[%get3A_7, %get3A_8] : memref<128x128xf32, #tpu.memory_space<vmem>>, vector<128x128xf32>
    %get3A_10 = arith.constant 0 : index
    %get3A_11 = arith.constant 0 : index
    %get3A_12 = vector.load %arg1[%get3A_10, %get3A_11] : memref<10000x128xf32, #tpu.memory_space<vmem>>, vector<10000x128xf32>
    %dot_general3A = arith.constant dense<0.000000e+00> : vector<128x10000xf32>
    %dot_general3A_13 = tpu.matmul %get3A_9, %get3A_12, %dot_general3A {dimension_numbers = #tpu.dot_dimension_numbers<[0], [1], [1], [0], [0, 1, 1, 0], [], []>, transpose_lhs_hint = false} : vector<128x128xf32>, vector<10000x128xf32>, vector<128x10000xf32> -> vector<128x10000xf32>
    %mul3A = vector.broadcast %rsqrt3A : vector<1x10000xf32> to vector<128x10000xf32>
    %mul3A_14 = arith.mulf %dot_general3A_13, %mul3A : vector<128x10000xf32>
    %slice3A = vector.extract_strided_slice %mul3A_14 {offsets = [0, 0], sizes = [64, 10000], strides = [1, 1]} : vector<128x10000xf32> to vector<64x10000xf32>
    %bitcast_convert_type3A = tpu.bitcast %slice3A : vector<64x10000xf32> -> vector<64x10000xi32>
    %slice3A_15 = vector.extract_strided_slice %mul3A_14 {offsets = [64, 0], sizes = [64, 10000], strides = [1, 1]} : vector<128x10000xf32> to vector<64x10000xf32>
    %bitcast_convert_type3A_16 = tpu.bitcast %slice3A_15 : vector<64x10000xf32> -> vector<64x10000xi32>
    %add3A_17 = arith.constant 32768 : i32
    %add3A_18 = vector.broadcast %add3A_17 : i32 to vector<64x10000xi32>
    %add3A_19 = arith.addi %bitcast_convert_type3A, %add3A_18 : vector<64x10000xi32>
    %and3A = arith.constant -65536 : i32
    %and3A_20 = vector.broadcast %and3A : i32 to vector<64x10000xi32>
    %and3A_21 = arith.andi %add3A_19, %and3A_20 : vector<64x10000xi32>
    %add3A_22 = arith.constant 32768 : i32
    %add3A_23 = vector.broadcast %add3A_22 : i32 to vector<64x10000xi32>
    %add3A_24 = arith.addi %bitcast_convert_type3A_16, %add3A_23 : vector<64x10000xi32>
    %shift_right_logical3A = arith.constant 16 : i32
    %shift_right_logical3A_25 = vector.broadcast %shift_right_logical3A : i32 to vector<64x10000xi32>
    %shift_right_logical3A_26 = arith.shrui %add3A_24, %shift_right_logical3A_25 : vector<64x10000xi32>
    %or3A = arith.ori %and3A_21, %shift_right_logical3A_26 : vector<64x10000xi32>
    %bitcast_convert_type3A_27 = tpu.bitcast %or3A : vector<64x10000xi32> -> vector<64x10000xi32>
    %swap3A_28 = arith.constant 0 : index
    %swap3A_29 = arith.constant 0 : index
    %swap3A_30 = vector.load %arg3[%swap3A_28, %swap3A_29] : memref<64x10000xi32, #tpu.memory_space<vmem>>, vector<64x10000xi32>
    tpu.vector_store %arg3[%swap3A_28, %swap3A_29], %bitcast_convert_type3A_27 {strides = array<i32>} : memref<64x10000xi32, #tpu.memory_space<vmem>>, vector<64x10000xi32>,
    return
  }
}

module attributes {stable_mosaic.version = 14 : i64} {
  func.func @_tc_fin_body(%arg0: memref<128x10000xf32, #tpu.memory_space<vmem>>, %arg1: memref<64x10000xi32, #tpu.memory_space<vmem>>, %arg2: memref<1x10000xf32, #tpu.memory_space<vmem>>, %arg3: memref<128x1xf32, #tpu.memory_space<vmem>>, %arg4: memref<128x1xf32, #tpu.memory_space<vmem>>, %arg5: memref<128x1xf32, #tpu.memory_space<vmem>>, %arg6: memref<1x10000xi32, #tpu.memory_space<vmem>>, %arg7: memref<16x128xf32, #tpu.memory_space<vmem>>) attributes {dimension_semantics = [], scalar_prefetch = 0 : i64, scratch_operands = 0 : i64, tpu.core_type = #tpu.core_type<tc>} {
    %get3A = arith.constant 0 : index
    %get3A_0 = arith.constant 0 : index
    %get3A_1 = vector.load %arg0[%get3A, %get3A_0] : memref<128x10000xf32, #tpu.memory_space<vmem>>, vector<128x10000xf32>
    %get3A_2 = arith.constant 0 : index
    %get3A_3 = arith.constant 0 : index
    %get3A_4 = vector.load %arg1[%get3A_2, %get3A_3] : memref<64x10000xi32, #tpu.memory_space<vmem>>, vector<64x10000xi32>
    %bitcast_convert_type3A = tpu.bitcast %get3A_4 : vector<64x10000xi32> -> vector<64x10000xi32>
    %and3A = arith.constant -65536 : i32
    %and3A_5 = vector.broadcast %and3A : i32 to vector<64x10000xi32>
    %and3A_6 = arith.andi %bitcast_convert_type3A, %and3A_5 : vector<64x10000xi32>
    %shift_left3A = arith.constant 16 : i32
    %shift_left3A_7 = vector.broadcast %shift_left3A : i32 to vector<64x10000xi32>
    %shift_left3A_8 = arith.shli %bitcast_convert_type3A, %shift_left3A_7 : vector<64x10000xi32>
    %concatenate3A = tpu.concatenate %and3A_6, %shift_left3A_8 in 0 : vector<64x10000xi32>, vector<64x10000xi32> -> vector<128x10000xi32>
    %bitcast_convert_type3A_9 = tpu.bitcast %concatenate3A : vector<128x10000xi32> -> vector<128x10000xf32>
    %get3A_10 = arith.constant 0 : index
    %get3A_11 = arith.constant 0 : index
    %get3A_12 = vector.load %arg2[%get3A_10, %get3A_11] : memref<1x10000xf32, #tpu.memory_space<vmem>>, vector<1x10000xf32>
    %get3A_13 = arith.constant 0 : index
    %get3A_14 = arith.constant 0 : index
    %get3A_15 = vector.load %arg3[%get3A_13, %get3A_14] : memref<128x1xf32, #tpu.memory_space<vmem>>, vector<128x1xf32>
    %get3A_16 = arith.constant 0 : index
    %get3A_17 = arith.constant 0 : index
    %get3A_18 = vector.load %arg4[%get3A_16, %get3A_17] : memref<128x1xf32, #tpu.memory_space<vmem>>, vector<128x1xf32>
    %get3A_19 = arith.constant 0 : index
    %get3A_20 = arith.constant 0 : index
    %get3A_21 = vector.load %arg5[%get3A_19, %get3A_20] : memref<128x1xf32, #tpu.memory_space<vmem>>, vector<128x1xf32>
    %mul3A = arith.constant 2.000000e+00 : f32
    %mul3A_22 = vector.broadcast %mul3A : f32 to vector<128x10000xf32>
    %mul3A_23 = arith.mulf %mul3A_22, %bitcast_convert_type3A_9 : vector<128x10000xf32>
    %add3A = arith.addf %get3A_1, %mul3A_23 : vector<128x10000xf32>
    %mul3A_24 = vector.broadcast %get3A_12 : vector<1x10000xf32> to vector<128x10000xf32>
    %mul3A_25 = arith.mulf %mul3A_24, %add3A : vector<128x10000xf32>
    %add3A_26 = vector.broadcast %get3A_15 : vector<128x1xf32> to vector<128x10000xf32>
    %add3A_27 = arith.addf %mul3A_25, %add3A_26 : vector<128x10000xf32>
    %reduce_sum3A = arith.constant dense<0.000000e+00> : vector<128xf32>
    %reduce_sum3A_28 = vector.multi_reduction <add>, %add3A_27, %reduce_sum3A [1] : vector<128x10000xf32> to vector<128xf32>
    %broadcast_in_dim3A = vector.shape_cast %reduce_sum3A_28 : vector<128xf32> to vector<128x1xf32>
    %div3A = arith.constant 1.000000e+04 : f32
    %div3A_29 = vector.broadcast %div3A : f32 to vector<128x1xf32>
    %div3A_30 = arith.divf %broadcast_in_dim3A, %div3A_29 : vector<128x1xf32>
    %sub3A = vector.broadcast %div3A_30 : vector<128x1xf32> to vector<128x10000xf32>
    %sub3A_31 = arith.subf %add3A_27, %sub3A : vector<128x10000xf32>
    %mul3A_32 = arith.mulf %sub3A_31, %sub3A_31 : vector<128x10000xf32>
    %reduce_sum3A_33 = arith.constant dense<0.000000e+00> : vector<128xf32>
    %reduce_sum3A_34 = vector.multi_reduction <add>, %mul3A_32, %reduce_sum3A_33 [1] : vector<128x10000xf32> to vector<128xf32>
    %broadcast_in_dim3A_35 = vector.shape_cast %reduce_sum3A_34 : vector<128xf32> to vector<128x1xf32>
    %div3A_36 = arith.constant 1.000000e+04 : f32
    %div3A_37 = vector.broadcast %div3A_36 : f32 to vector<128x1xf32>
    %div3A_38 = arith.divf %broadcast_in_dim3A_35, %div3A_37 : vector<128x1xf32>
    %add3A_39 = arith.constant 9.99999974E-6 : f32
    %add3A_40 = vector.broadcast %add3A_39 : f32 to vector<128x1xf32>
    %add3A_41 = arith.addf %div3A_38, %add3A_40 : vector<128x1xf32>
    %rsqrt3A = math.rsqrt %add3A_41 : vector<128x1xf32>
    %mul3A_42 = vector.broadcast %rsqrt3A : vector<128x1xf32> to vector<128x10000xf32>
    %mul3A_43 = arith.mulf %sub3A_31, %mul3A_42 : vector<128x10000xf32>
    %mul3A_44 = vector.broadcast %get3A_18 : vector<128x1xf32> to vector<128x10000xf32>
    %mul3A_45 = arith.mulf %mul3A_43, %mul3A_44 : vector<128x10000xf32>
    %add3A_46 = vector.broadcast %get3A_21 : vector<128x1xf32> to vector<128x10000xf32>
    %add3A_47 = arith.addf %mul3A_45, %add3A_46 : vector<128x10000xf32>
    %ge3A = arith.constant 0.000000e+00 : f32
    %ge3A_48 = vector.broadcast %ge3A : f32 to vector<128x10000xf32>
    %ge3A_49 = arith.cmpf oge, %add3A_47, %ge3A_48 : vector<128x10000xf32>
    %mul3A_50 = arith.constant 0.00999999977 : f32
    %mul3A_51 = vector.broadcast %mul3A_50 : f32 to vector<128x10000xf32>
    %mul3A_52 = arith.mulf %mul3A_51, %add3A_47 : vector<128x10000xf32>
    %select_n3A = arith.select %ge3A_49, %add3A_47, %mul3A_52 : vector<128x10000xi1>, vector<128x10000xf32>
    %get3A_53 = arith.constant 0 : index
    %get3A_54 = arith.constant 0 : index
    %get3A_55 = vector.load %arg6[%get3A_53, %get3A_54] : memref<1x10000xi32, #tpu.memory_space<vmem>>, vector<1x10000xi32>
    %eq3A = arith.constant 0 : i32
    %eq3A_56 = vector.broadcast %eq3A : i32 to vector<1x10000xi32>
    %eq3A_57 = arith.cmpi eq, %get3A_55, %eq3A_56 : vector<1x10000xi32>
    %jit3A = arith.constant 0.000000e+00 : f32
    %jit3A_58 = arith.constant 0xFF800000 : f32
    %broadcast_in_dim3A_59 = vector.broadcast %jit3A : f32 to vector<1x10000xf32>
    %broadcast_in_dim3A_60 = vector.broadcast %jit3A_58 : f32 to vector<1x10000xf32>
    %select_n3A_61 = arith.select %eq3A_57, %broadcast_in_dim3A_59, %broadcast_in_dim3A_60 : vector<1x10000xi1>, vector<1x10000xf32>
    %add3A_62 = vector.broadcast %select_n3A_61 : vector<1x10000xf32> to vector<128x10000xf32>
    %add3A_63 = arith.addf %select_n3A, %add3A_62 : vector<128x10000xf32>
    %reduce_max3A = arith.constant dense<0xFF800000> : vector<128xf32>
    %reduce_max3A_64 = vector.multi_reduction <maximumf>, %add3A_63, %reduce_max3A [1] : vector<128x10000xf32> to vector<128xf32>
    %swap3A = arith.constant 0 : index
    %swap3A_65 = arith.constant 0 : index
    %swap3A_66 = vector.load %arg7[%swap3A, %swap3A_65] : memref<16x128xf32, #tpu.memory_space<vmem>>, vector<1x128xf32>
    %swap3A_67 = vector.shape_cast %swap3A_66 : vector<1x128xf32> to vector<128xf32>
    %swap3A_68 = vector.shape_cast %reduce_max3A_64 : vector<128xf32> to vector<1x128xf32>
    tpu.vector_store %arg7[%swap3A, %swap3A_65], %swap3A_68 {strides = array<i32>} : memref<16x128xf32, #tpu.memory_space<vmem>>, vector<1x128xf32>,
    %eq3A_69 = arith.constant 1 : i32
    %eq3A_70 = vector.broadcast %eq3A_69 : i32 to vector<1x10000xi32>
    %eq3A_71 = arith.cmpi eq, %get3A_55, %eq3A_70 : vector<1x10000xi32>
    %jit3A_72 = arith.constant 0.000000e+00 : f32
    %jit3A_73 = arith.constant 0xFF800000 : f32
    %broadcast_in_dim3A_74 = vector.broadcast %jit3A_72 : f32 to vector<1x10000xf32>
    %broadcast_in_dim3A_75 = vector.broadcast %jit3A_73 : f32 to vector<1x10000xf32>
    %select_n3A_76 = arith.select %eq3A_71, %broadcast_in_dim3A_74, %broadcast_in_dim3A_75 : vector<1x10000xi1>, vector<1x10000xf32>
    %add3A_77 = vector.broadcast %select_n3A_76 : vector<1x10000xf32> to vector<128x10000xf32>
    %add3A_78 = arith.addf %select_n3A, %add3A_77 : vector<128x10000xf32>
    %reduce_max3A_79 = arith.constant dense<0xFF800000> : vector<128xf32>
    %reduce_max3A_80 = vector.multi_reduction <maximumf>, %add3A_78, %reduce_max3A_79 [1] : vector<128x10000xf32> to vector<128xf32>
    %swap3A_81 = arith.constant 1 : index
    %swap3A_82 = arith.constant 0 : index
    %swap3A_83 = vector.load %arg7[%swap3A_81, %swap3A_82] : memref<16x128xf32, #tpu.memory_space<vmem>>, vector<1x128xf32>
    %swap3A_84 = vector.shape_cast %swap3A_83 : vector<1x128xf32> to vector<128xf32>
    %swap3A_85 = vector.shape_cast %reduce_max3A_80 : vector<128xf32> to vector<1x128xf32>
    tpu.vector_store %arg7[%swap3A_81, %swap3A_82], %swap3A_85 {strides = array<i32>} : memref<16x128xf32, #tpu.memory_space<vmem>>, vector<1x128xf32>,
    %eq3A_86 = arith.constant 2 : i32
    %eq3A_87 = vector.broadcast %eq3A_86 : i32 to vector<1x10000xi32>
    %eq3A_88 = arith.cmpi eq, %get3A_55, %eq3A_87 : vector<1x10000xi32>
    %jit3A_89 = arith.constant 0.000000e+00 : f32
    %jit3A_90 = arith.constant 0xFF800000 : f32
    %broadcast_in_dim3A_91 = vector.broadcast %jit3A_89 : f32 to vector<1x10000xf32>
    %broadcast_in_dim3A_92 = vector.broadcast %jit3A_90 : f32 to vector<1x10000xf32>
    %select_n3A_93 = arith.select %eq3A_88, %broadcast_in_dim3A_91, %broadcast_in_dim3A_92 : vector<1x10000xi1>, vector<1x10000xf32>
    %add3A_94 = vector.broadcast %select_n3A_93 : vector<1x10000xf32> to vector<128x10000xf32>
    %add3A_95 = arith.addf %select_n3A, %add3A_94 : vector<128x10000xf32>
    %reduce_max3A_96 = arith.constant dense<0xFF800000> : vector<128xf32>
    %reduce_max3A_97 = vector.multi_reduction <maximumf>, %add3A_95, %reduce_max3A_96 [1] : vector<128x10000xf32> to vector<128xf32>
    %swap3A_98 = arith.constant 2 : index
    %swap3A_99 = arith.constant 0 : index
    %swap3A_100 = vector.load %arg7[%swap3A_98, %swap3A_99] : memref<16x128xf32, #tpu.memory_space<vmem>>, vector<1x128xf32>
    %swap3A_101 = vector.shape_cast %swap3A_100 : vector<1x128xf32> to vector<128xf32>
    %swap3A_102 = vector.shape_cast %reduce_max3A_97 : vector<128xf32> to vector<1x128xf32>
    tpu.vector_store %arg7[%swap3A_98, %swap3A_99], %swap3A_102 {strides = array<i32>} : memref<16x128xf32, #tpu.memory_space<vmem>>, vector<1x128xf32>,
    %eq3A_103 = arith.constant 3 : i32
    %eq3A_104 = vector.broadcast %eq3A_103 : i32 to vector<1x10000xi32>
    %eq3A_105 = arith.cmpi eq, %get3A_55, %eq3A_104 : vector<1x10000xi32>
    %jit3A_106 = arith.constant 0.000000e+00 : f32
    %jit3A_107 = arith.constant 0xFF800000 : f32
    %broadcast_in_dim3A_108 = vector.broadcast %jit3A_106 : f32 to vector<1x10000xf32>
    %broadcast_in_dim3A_109 = vector.broadcast %jit3A_107 : f32 to vector<1x10000xf32>
    %select_n3A_110 = arith.select %eq3A_105, %broadcast_in_dim3A_108, %broadcast_in_dim3A_109 : vector<1x10000xi1>, vector<1x10000xf32>
    %add3A_111 = vector.broadcast %select_n3A_110 : vector<1x10000xf32> to vector<128x10000xf32>
    %add3A_112 = arith.addf %select_n3A, %add3A_111 : vector<128x10000xf32>
    %reduce_max3A_113 = arith.constant dense<0xFF800000> : vector<128xf32>
    %reduce_max3A_114 = vector.multi_reduction <maximumf>, %add3A_112, %reduce_max3A_113 [1] : vector<128x10000xf32> to vector<128xf32>
    %swap3A_115 = arith.constant 3 : index
    %swap3A_116 = arith.constant 0 : index
    %swap3A_117 = vector.load %arg7[%swap3A_115, %swap3A_116] : memref<16x128xf32, #tpu.memory_space<vmem>>, vector<1x128xf32>
    %swap3A_118 = vector.shape_cast %swap3A_117 : vector<1x128xf32> to vector<128xf32>
    %swap3A_119 = vector.shape_cast %reduce_max3A_114 : vector<128xf32> to vector<1x128xf32>
    tpu.vector_store %arg7[%swap3A_115, %swap3A_116], %swap3A_119 {strides = array<i32>} : memref<16x128xf32, #tpu.memory_space<vmem>>, vector<1x128xf32>,
    %eq3A_120 = arith.constant 4 : i32
    %eq3A_121 = vector.broadcast %eq3A_120 : i32 to vector<1x10000xi32>
    %eq3A_122 = arith.cmpi eq, %get3A_55, %eq3A_121 : vector<1x10000xi32>
    %jit3A_123 = arith.constant 0.000000e+00 : f32
    %jit3A_124 = arith.constant 0xFF800000 : f32
    %broadcast_in_dim3A_125 = vector.broadcast %jit3A_123 : f32 to vector<1x10000xf32>
    %broadcast_in_dim3A_126 = vector.broadcast %jit3A_124 : f32 to vector<1x10000xf32>
    %select_n3A_127 = arith.select %eq3A_122, %broadcast_in_dim3A_125, %broadcast_in_dim3A_126 : vector<1x10000xi1>, vector<1x10000xf32>
    %add3A_128 = vector.broadcast %select_n3A_127 : vector<1x10000xf32> to vector<128x10000xf32>
    %add3A_129 = arith.addf %select_n3A, %add3A_128 : vector<128x10000xf32>
    %reduce_max3A_130 = arith.constant dense<0xFF800000> : vector<128xf32>
    %reduce_max3A_131 = vector.multi_reduction <maximumf>, %add3A_129, %reduce_max3A_130 [1] : vector<128x10000xf32> to vector<128xf32>
    %swap3A_132 = arith.constant 4 : index
    %swap3A_133 = arith.constant 0 : index
    %swap3A_134 = vector.load %arg7[%swap3A_132, %swap3A_133] : memref<16x128xf32, #tpu.memory_space<vmem>>, vector<1x128xf32>
    %swap3A_135 = vector.shape_cast %swap3A_134 : vector<1x128xf32> to vector<128xf32>
    %swap3A_136 = vector.shape_cast %reduce_max3A_131 : vector<128xf32> to vector<1x128xf32>
    tpu.vector_store %arg7[%swap3A_132, %swap3A_133], %swap3A_136 {strides = array<i32>} : memref<16x128xf32, #tpu.memory_space<vmem>>, vector<1x128xf32>,
    %eq3A_137 = arith.constant 5 : i32
    %eq3A_138 = vector.broadcast %eq3A_137 : i32 to vector<1x10000xi32>
    %eq3A_139 = arith.cmpi eq, %get3A_55, %eq3A_138 : vector<1x10000xi32>
    %jit3A_140 = arith.constant 0.000000e+00 : f32
    %jit3A_141 = arith.constant 0xFF800000 : f32
    %broadcast_in_dim3A_142 = vector.broadcast %jit3A_140 : f32 to vector<1x10000xf32>
    %broadcast_in_dim3A_143 = vector.broadcast %jit3A_141 : f32 to vector<1x10000xf32>
    %select_n3A_144 = arith.select %eq3A_139, %broadcast_in_dim3A_142, %broadcast_in_dim3A_143 : vector<1x10000xi1>, vector<1x10000xf32>
    %add3A_145 = vector.broadcast %select_n3A_144 : vector<1x10000xf32> to vector<128x10000xf32>
    %add3A_146 = arith.addf %select_n3A, %add3A_145 : vector<128x10000xf32>
    %reduce_max3A_147 = arith.constant dense<0xFF800000> : vector<128xf32>
    %reduce_max3A_148 = vector.multi_reduction <maximumf>, %add3A_146, %reduce_max3A_147 [1] : vector<128x10000xf32> to vector<128xf32>
    %swap3A_149 = arith.constant 5 : index
    %swap3A_150 = arith.constant 0 : index
    %swap3A_151 = vector.load %arg7[%swap3A_149, %swap3A_150] : memref<16x128xf32, #tpu.memory_space<vmem>>, vector<1x128xf32>
    %swap3A_152 = vector.shape_cast %swap3A_151 : vector<1x128xf32> to vector<128xf32>
    %swap3A_153 = vector.shape_cast %reduce_max3A_148 : vector<128xf32> to vector<1x128xf32>
    tpu.vector_store %arg7[%swap3A_149, %swap3A_150], %swap3A_153 {strides = array<i32>} : memref<16x128xf32, #tpu.memory_space<vmem>>, vector<1x128xf32>,
    %eq3A_154 = arith.constant 6 : i32
    %eq3A_155 = vector.broadcast %eq3A_154 : i32 to vector<1x10000xi32>
    %eq3A_156 = arith.cmpi eq, %get3A_55, %eq3A_155 : vector<1x10000xi32>
    %jit3A_157 = arith.constant 0.000000e+00 : f32
    %jit3A_158 = arith.constant 0xFF800000 : f32
    %broadcast_in_dim3A_159 = vector.broadcast %jit3A_157 : f32 to vector<1x10000xf32>
    %broadcast_in_dim3A_160 = vector.broadcast %jit3A_158 : f32 to vector<1x10000xf32>
    %select_n3A_161 = arith.select %eq3A_156, %broadcast_in_dim3A_159, %broadcast_in_dim3A_160 : vector<1x10000xi1>, vector<1x10000xf32>
    %add3A_162 = vector.broadcast %select_n3A_161 : vector<1x10000xf32> to vector<128x10000xf32>
    %add3A_163 = arith.addf %select_n3A, %add3A_162 : vector<128x10000xf32>
    %reduce_max3A_164 = arith.constant dense<0xFF800000> : vector<128xf32>
    %reduce_max3A_165 = vector.multi_reduction <maximumf>, %add3A_163, %reduce_max3A_164 [1] : vector<128x10000xf32> to vector<128xf32>
    %swap3A_166 = arith.constant 6 : index
    %swap3A_167 = arith.constant 0 : index
    %swap3A_168 = vector.load %arg7[%swap3A_166, %swap3A_167] : memref<16x128xf32, #tpu.memory_space<vmem>>, vector<1x128xf32>
    %swap3A_169 = vector.shape_cast %swap3A_168 : vector<1x128xf32> to vector<128xf32>
    %swap3A_170 = vector.shape_cast %reduce_max3A_165 : vector<128xf32> to vector<1x128xf32>
    tpu.vector_store %arg7[%swap3A_166, %swap3A_167], %swap3A_170 {strides = array<i32>} : memref<16x128xf32, #tpu.memory_space<vmem>>, vector<1x128xf32>,
    %eq3A_171 = arith.constant 7 : i32
    %eq3A_172 = vector.broadcast %eq3A_171 : i32 to vector<1x10000xi32>
    %eq3A_173 = arith.cmpi eq, %get3A_55, %eq3A_172 : vector<1x10000xi32>
    %jit3A_174 = arith.constant 0.000000e+00 : f32
    %jit3A_175 = arith.constant 0xFF800000 : f32
    %broadcast_in_dim3A_176 = vector.broadcast %jit3A_174 : f32 to vector<1x10000xf32>
    %broadcast_in_dim3A_177 = vector.broadcast %jit3A_175 : f32 to vector<1x10000xf32>
    %select_n3A_178 = arith.select %eq3A_173, %broadcast_in_dim3A_176, %broadcast_in_dim3A_177 : vector<1x10000xi1>, vector<1x10000xf32>
    %add3A_179 = vector.broadcast %select_n3A_178 : vector<1x10000xf32> to vector<128x10000xf32>
    %add3A_180 = arith.addf %select_n3A, %add3A_179 : vector<128x10000xf32>
    %reduce_max3A_181 = arith.constant dense<0xFF800000> : vector<128xf32>
    %reduce_max3A_182 = vector.multi_reduction <maximumf>, %add3A_180, %reduce_max3A_181 [1] : vector<128x10000xf32> to vector<128xf32>
    %swap3A_183 = arith.constant 7 : index
    %swap3A_184 = arith.constant 0 : index
    %swap3A_185 = vector.load %arg7[%swap3A_183, %swap3A_184] : memref<16x128xf32, #tpu.memory_space<vmem>>, vector<1x128xf32>
    %swap3A_186 = vector.shape_cast %swap3A_185 : vector<1x128xf32> to vector<128xf32>
    %swap3A_187 = vector.shape_cast %reduce_max3A_182 : vector<128xf32> to vector<1x128xf32>
    tpu.vector_store %arg7[%swap3A_183, %swap3A_184], %swap3A_187 {strides = array<i32>} : memref<16x128xf32, #tpu.memory_space<vmem>>, vector<1x128xf32>,
    %eq3A_188 = arith.constant 8 : i32
    %eq3A_189 = vector.broadcast %eq3A_188 : i32 to vector<1x10000xi32>
    %eq3A_190 = arith.cmpi eq, %get3A_55, %eq3A_189 : vector<1x10000xi32>
    %jit3A_191 = arith.constant 0.000000e+00 : f32
    %jit3A_192 = arith.constant 0xFF800000 : f32
    %broadcast_in_dim3A_193 = vector.broadcast %jit3A_191 : f32 to vector<1x10000xf32>
    %broadcast_in_dim3A_194 = vector.broadcast %jit3A_192 : f32 to vector<1x10000xf32>
    %select_n3A_195 = arith.select %eq3A_190, %broadcast_in_dim3A_193, %broadcast_in_dim3A_194 : vector<1x10000xi1>, vector<1x10000xf32>
    %add3A_196 = vector.broadcast %select_n3A_195 : vector<1x10000xf32> to vector<128x10000xf32>
    %add3A_197 = arith.addf %select_n3A, %add3A_196 : vector<128x10000xf32>
    %reduce_max3A_198 = arith.constant dense<0xFF800000> : vector<128xf32>
    %reduce_max3A_199 = vector.multi_reduction <maximumf>, %add3A_197, %reduce_max3A_198 [1] : vector<128x10000xf32> to vector<128xf32>
    %swap3A_200 = arith.constant 8 : index
    %swap3A_201 = arith.constant 0 : index
    %swap3A_202 = vector.load %arg7[%swap3A_200, %swap3A_201] : memref<16x128xf32, #tpu.memory_space<vmem>>, vector<1x128xf32>
    %swap3A_203 = vector.shape_cast %swap3A_202 : vector<1x128xf32> to vector<128xf32>
    %swap3A_204 = vector.shape_cast %reduce_max3A_199 : vector<128xf32> to vector<1x128xf32>
    tpu.vector_store %arg7[%swap3A_200, %swap3A_201], %swap3A_204 {strides = array<i32>} : memref<16x128xf32, #tpu.memory_space<vmem>>, vector<1x128xf32>,
    %eq3A_205 = arith.constant 9 : i32
    %eq3A_206 = vector.broadcast %eq3A_205 : i32 to vector<1x10000xi32>
    %eq3A_207 = arith.cmpi eq, %get3A_55, %eq3A_206 : vector<1x10000xi32>
    %jit3A_208 = arith.constant 0.000000e+00 : f32
    %jit3A_209 = arith.constant 0xFF800000 : f32
    %broadcast_in_dim3A_210 = vector.broadcast %jit3A_208 : f32 to vector<1x10000xf32>
    %broadcast_in_dim3A_211 = vector.broadcast %jit3A_209 : f32 to vector<1x10000xf32>
    %select_n3A_212 = arith.select %eq3A_207, %broadcast_in_dim3A_210, %broadcast_in_dim3A_211 : vector<1x10000xi1>, vector<1x10000xf32>
    %add3A_213 = vector.broadcast %select_n3A_212 : vector<1x10000xf32> to vector<128x10000xf32>
    %add3A_214 = arith.addf %select_n3A, %add3A_213 : vector<128x10000xf32>
    %reduce_max3A_215 = arith.constant dense<0xFF800000> : vector<128xf32>
    %reduce_max3A_216 = vector.multi_reduction <maximumf>, %add3A_214, %reduce_max3A_215 [1] : vector<128x10000xf32> to vector<128xf32>
    %swap3A_217 = arith.constant 9 : index
    %swap3A_218 = arith.constant 0 : index
    %swap3A_219 = vector.load %arg7[%swap3A_217, %swap3A_218] : memref<16x128xf32, #tpu.memory_space<vmem>>, vector<1x128xf32>
    %swap3A_220 = vector.shape_cast %swap3A_219 : vector<1x128xf32> to vector<128xf32>
    %swap3A_221 = vector.shape_cast %reduce_max3A_216 : vector<128xf32> to vector<1x128xf32>
    tpu.vector_store %arg7[%swap3A_217, %swap3A_218], %swap3A_221 {strides = array<i32>} : memref<16x128xf32, #tpu.memory_space<vmem>>, vector<1x128xf32>,
    %eq3A_222 = arith.constant 10 : i32
    %eq3A_223 = vector.broadcast %eq3A_222 : i32 to vector<1x10000xi32>
    %eq3A_224 = arith.cmpi eq, %get3A_55, %eq3A_223 : vector<1x10000xi32>
    %jit3A_225 = arith.constant 0.000000e+00 : f32
    %jit3A_226 = arith.constant 0xFF800000 : f32
    %broadcast_in_dim3A_227 = vector.broadcast %jit3A_225 : f32 to vector<1x10000xf32>
    %broadcast_in_dim3A_228 = vector.broadcast %jit3A_226 : f32 to vector<1x10000xf32>
    %select_n3A_229 = arith.select %eq3A_224, %broadcast_in_dim3A_227, %broadcast_in_dim3A_228 : vector<1x10000xi1>, vector<1x10000xf32>
    %add3A_230 = vector.broadcast %select_n3A_229 : vector<1x10000xf32> to vector<128x10000xf32>
    %add3A_231 = arith.addf %select_n3A, %add3A_230 : vector<128x10000xf32>
    %reduce_max3A_232 = arith.constant dense<0xFF800000> : vector<128xf32>
    %reduce_max3A_233 = vector.multi_reduction <maximumf>, %add3A_231, %reduce_max3A_232 [1] : vector<128x10000xf32> to vector<128xf32>
    %swap3A_234 = arith.constant 10 : index
    %swap3A_235 = arith.constant 0 : index
    %swap3A_236 = vector.load %arg7[%swap3A_234, %swap3A_235] : memref<16x128xf32, #tpu.memory_space<vmem>>, vector<1x128xf32>
    %swap3A_237 = vector.shape_cast %swap3A_236 : vector<1x128xf32> to vector<128xf32>
    %swap3A_238 = vector.shape_cast %reduce_max3A_233 : vector<128xf32> to vector<1x128xf32>
    tpu.vector_store %arg7[%swap3A_234, %swap3A_235], %swap3A_238 {strides = array<i32>} : memref<16x128xf32, #tpu.memory_space<vmem>>, vector<1x128xf32>,
    %eq3A_239 = arith.constant 11 : i32
    %eq3A_240 = vector.broadcast %eq3A_239 : i32 to vector<1x10000xi32>
    %eq3A_241 = arith.cmpi eq, %get3A_55, %eq3A_240 : vector<1x10000xi32>
    %jit3A_242 = arith.constant 0.000000e+00 : f32
    %jit3A_243 = arith.constant 0xFF800000 : f32
    %broadcast_in_dim3A_244 = vector.broadcast %jit3A_242 : f32 to vector<1x10000xf32>
    %broadcast_in_dim3A_245 = vector.broadcast %jit3A_243 : f32 to vector<1x10000xf32>
    %select_n3A_246 = arith.select %eq3A_241, %broadcast_in_dim3A_244, %broadcast_in_dim3A_245 : vector<1x10000xi1>, vector<1x10000xf32>
    %add3A_247 = vector.broadcast %select_n3A_246 : vector<1x10000xf32> to vector<128x10000xf32>
    %add3A_248 = arith.addf %select_n3A, %add3A_247 : vector<128x10000xf32>
    %reduce_max3A_249 = arith.constant dense<0xFF800000> : vector<128xf32>
    %reduce_max3A_250 = vector.multi_reduction <maximumf>, %add3A_248, %reduce_max3A_249 [1] : vector<128x10000xf32> to vector<128xf32>
    %swap3A_251 = arith.constant 11 : index
    %swap3A_252 = arith.constant 0 : index
    %swap3A_253 = vector.load %arg7[%swap3A_251, %swap3A_252] : memref<16x128xf32, #tpu.memory_space<vmem>>, vector<1x128xf32>
    %swap3A_254 = vector.shape_cast %swap3A_253 : vector<1x128xf32> to vector<128xf32>
    %swap3A_255 = vector.shape_cast %reduce_max3A_250 : vector<128xf32> to vector<1x128xf32>
    tpu.vector_store %arg7[%swap3A_251, %swap3A_252], %swap3A_255 {strides = array<i32>} : memref<16x128xf32, #tpu.memory_space<vmem>>, vector<1x128xf32>,
    %eq3A_256 = arith.constant 12 : i32
    %eq3A_257 = vector.broadcast %eq3A_256 : i32 to vector<1x10000xi32>
    %eq3A_258 = arith.cmpi eq, %get3A_55, %eq3A_257 : vector<1x10000xi32>
    %jit3A_259 = arith.constant 0.000000e+00 : f32
    %jit3A_260 = arith.constant 0xFF800000 : f32
    %broadcast_in_dim3A_261 = vector.broadcast %jit3A_259 : f32 to vector<1x10000xf32>
    %broadcast_in_dim3A_262 = vector.broadcast %jit3A_260 : f32 to vector<1x10000xf32>
    %select_n3A_263 = arith.select %eq3A_258, %broadcast_in_dim3A_261, %broadcast_in_dim3A_262 : vector<1x10000xi1>, vector<1x10000xf32>
    %add3A_264 = vector.broadcast %select_n3A_263 : vector<1x10000xf32> to vector<128x10000xf32>
    %add3A_265 = arith.addf %select_n3A, %add3A_264 : vector<128x10000xf32>
    %reduce_max3A_266 = arith.constant dense<0xFF800000> : vector<128xf32>
    %reduce_max3A_267 = vector.multi_reduction <maximumf>, %add3A_265, %reduce_max3A_266 [1] : vector<128x10000xf32> to vector<128xf32>
    %swap3A_268 = arith.constant 12 : index
    %swap3A_269 = arith.constant 0 : index
    %swap3A_270 = vector.load %arg7[%swap3A_268, %swap3A_269] : memref<16x128xf32, #tpu.memory_space<vmem>>, vector<1x128xf32>
    %swap3A_271 = vector.shape_cast %swap3A_270 : vector<1x128xf32> to vector<128xf32>
    %swap3A_272 = vector.shape_cast %reduce_max3A_267 : vector<128xf32> to vector<1x128xf32>
    tpu.vector_store %arg7[%swap3A_268, %swap3A_269], %swap3A_272 {strides = array<i32>} : memref<16x128xf32, #tpu.memory_space<vmem>>, vector<1x128xf32>,
    %eq3A_273 = arith.constant 13 : i32
    %eq3A_274 = vector.broadcast %eq3A_273 : i32 to vector<1x10000xi32>
    %eq3A_275 = arith.cmpi eq, %get3A_55, %eq3A_274 : vector<1x10000xi32>
    %jit3A_276 = arith.constant 0.000000e+00 : f32
    %jit3A_277 = arith.constant 0xFF800000 : f32
    %broadcast_in_dim3A_278 = vector.broadcast %jit3A_276 : f32 to vector<1x10000xf32>
    %broadcast_in_dim3A_279 = vector.broadcast %jit3A_277 : f32 to vector<1x10000xf32>
    %select_n3A_280 = arith.select %eq3A_275, %broadcast_in_dim3A_278, %broadcast_in_dim3A_279 : vector<1x10000xi1>, vector<1x10000xf32>
    %add3A_281 = vector.broadcast %select_n3A_280 : vector<1x10000xf32> to vector<128x10000xf32>
    %add3A_282 = arith.addf %select_n3A, %add3A_281 : vector<128x10000xf32>
    %reduce_max3A_283 = arith.constant dense<0xFF800000> : vector<128xf32>
    %reduce_max3A_284 = vector.multi_reduction <maximumf>, %add3A_282, %reduce_max3A_283 [1] : vector<128x10000xf32> to vector<128xf32>
    %swap3A_285 = arith.constant 13 : index
    %swap3A_286 = arith.constant 0 : index
    %swap3A_287 = vector.load %arg7[%swap3A_285, %swap3A_286] : memref<16x128xf32, #tpu.memory_space<vmem>>, vector<1x128xf32>
    %swap3A_288 = vector.shape_cast %swap3A_287 : vector<1x128xf32> to vector<128xf32>
    %swap3A_289 = vector.shape_cast %reduce_max3A_284 : vector<128xf32> to vector<1x128xf32>
    tpu.vector_store %arg7[%swap3A_285, %swap3A_286], %swap3A_289 {strides = array<i32>} : memref<16x128xf32, #tpu.memory_space<vmem>>, vector<1x128xf32>,
    %eq3A_290 = arith.constant 14 : i32
    %eq3A_291 = vector.broadcast %eq3A_290 : i32 to vector<1x10000xi32>
    %eq3A_292 = arith.cmpi eq, %get3A_55, %eq3A_291 : vector<1x10000xi32>
    %jit3A_293 = arith.constant 0.000000e+00 : f32
    %jit3A_294 = arith.constant 0xFF800000 : f32
    %broadcast_in_dim3A_295 = vector.broadcast %jit3A_293 : f32 to vector<1x10000xf32>
    %broadcast_in_dim3A_296 = vector.broadcast %jit3A_294 : f32 to vector<1x10000xf32>
    %select_n3A_297 = arith.select %eq3A_292, %broadcast_in_dim3A_295, %broadcast_in_dim3A_296 : vector<1x10000xi1>, vector<1x10000xf32>
    %add3A_298 = vector.broadcast %select_n3A_297 : vector<1x10000xf32> to vector<128x10000xf32>
    %add3A_299 = arith.addf %select_n3A, %add3A_298 : vector<128x10000xf32>
    %reduce_max3A_300 = arith.constant dense<0xFF800000> : vector<128xf32>
    %reduce_max3A_301 = vector.multi_reduction <maximumf>, %add3A_299, %reduce_max3A_300 [1] : vector<128x10000xf32> to vector<128xf32>
    %swap3A_302 = arith.constant 14 : index
    %swap3A_303 = arith.constant 0 : index
    %swap3A_304 = vector.load %arg7[%swap3A_302, %swap3A_303] : memref<16x128xf32, #tpu.memory_space<vmem>>, vector<1x128xf32>
    %swap3A_305 = vector.shape_cast %swap3A_304 : vector<1x128xf32> to vector<128xf32>
    %swap3A_306 = vector.shape_cast %reduce_max3A_301 : vector<128xf32> to vector<1x128xf32>
    tpu.vector_store %arg7[%swap3A_302, %swap3A_303], %swap3A_306 {strides = array<i32>} : memref<16x128xf32, #tpu.memory_space<vmem>>, vector<1x128xf32>,
    %eq3A_307 = arith.constant 15 : i32
    %eq3A_308 = vector.broadcast %eq3A_307 : i32 to vector<1x10000xi32>
    %eq3A_309 = arith.cmpi eq, %get3A_55, %eq3A_308 : vector<1x10000xi32>
    %jit3A_310 = arith.constant 0.000000e+00 : f32
    %jit3A_311 = arith.constant 0xFF800000 : f32
    %broadcast_in_dim3A_312 = vector.broadcast %jit3A_310 : f32 to vector<1x10000xf32>
    %broadcast_in_dim3A_313 = vector.broadcast %jit3A_311 : f32 to vector<1x10000xf32>
    %select_n3A_314 = arith.select %eq3A_309, %broadcast_in_dim3A_312, %broadcast_in_dim3A_313 : vector<1x10000xi1>, vector<1x10000xf32>
    %add3A_315 = vector.broadcast %select_n3A_314 : vector<1x10000xf32> to vector<128x10000xf32>
    %add3A_316 = arith.addf %select_n3A, %add3A_315 : vector<128x10000xf32>
    %reduce_max3A_317 = arith.constant dense<0xFF800000> : vector<128xf32>
    %reduce_max3A_318 = vector.multi_reduction <maximumf>, %add3A_316, %reduce_max3A_317 [1] : vector<128x10000xf32> to vector<128xf32>
    %swap3A_319 = arith.constant 15 : index
    %swap3A_320 = arith.constant 0 : index
    %swap3A_321 = vector.load %arg7[%swap3A_319, %swap3A_320] : memref<16x128xf32, #tpu.memory_space<vmem>>, vector<1x128xf32>
    %swap3A_322 = vector.shape_cast %swap3A_321 : vector<1x128xf32> to vector<128xf32>
    %swap3A_323 = vector.shape_cast %reduce_max3A_318 : vector<128xf32> to vector<1x128xf32>
    tpu.vector_store %arg7[%swap3A_319, %swap3A_320], %swap3A_323 {strides = array<i32>} : memref<16x128xf32, #tpu.memory_space<vmem>>, vector<1x128xf32>,
    return
  }
}

</mosaic_0001>

<sc_bundles>
// kernel: kernel.10.cloned.1.call-start
scs
__scs_entry_jumppad:
0x0: {  	(pc) =	sbr.rel $0x88, $3  }
0x1: {  	(tag) =	ssettag $0x0;
	lr =	simm.s32 $0x1  }
0x2: {  	[smem:$0x3F91] =	sst lr;
	_ =	strace $0xD0000000  }
0x3: {  	_ = 	snop  }
0x4: {  	_ = 	snop  }
0x5: {  	_ = 	snop  }
0x6: {  	_ = 	snop  }
0x7: {  	_ = 	snop  }
__scs_overlays_trampoline_lowered:
0x8: {  	[smem:$0x3FA0] =	sst s0  }
0x9: {  	[smem:$0x3FA1] =	sst s1  }
0xa: {  	[smem:$0x3FA2] =	sst s2  }
0xb: {  	[smem:$0x3FA3] =	sst s3  }
0xc: {  	[smem:$0x3FA4] =	sst s4  }
0xd: {  	[smem:$0x3FA5] =	sst s5  }
0xe: {  	[smem:$0x3FA6] =	sst s6  }
0xf: {  	[smem:$0x3FA7] =	sst s7  }
0x10: {  	[smem:$0x3FA8] =	sst s8  }
0x11: {  	[smem:$0x3FA9] =	sst s9;
	s0 =	simm.s32 @!p0 $0x0  }
0x12: {  	s1 =	sld [smem:$0x3F8F];
	s0 =	simm.s32 @p0 $0x1  }
0x13: {  	[smem:$0x3FAA] =	sst s0;
	s0 =	simm.s32 @!p1 $0x0  }
0x14: {  	s2 =	sld [smem:$0x3F8E];
	s0 =	simm.s32 @p1 $0x1  }
0x15: {  	[smem:$0x3FAB] =	sst s0;
	s0 =	simm.s32 @!p2 $0x0  }
0x16: {  	s3 =	sld [smem:$0x3FDB];
	s0 =	simm.s32 @p2 $0x1  }
0x17: {  	s4 =	simm.s32 $0x1BF5;
	[smem:$0x3FAD] =	sst s0  }
0x18: {  	s0 =	sld [smem:$0x3F90];
	_ =	swait.ge [sflag:s4], $0x0  }
0x19: {  	s7 =	sld [smem:$0x3F91]  }
0x1a: {  	s8 =	sadd.s32 $0xFFFFE003, lr  }
0x1b: {  	s9 =	sadd.s32 $0xFFFFFEF7, lr;
	s5 =	simm.s32 $0xFFFFFFFF;
	p2 =	slt.u32 s8, $0xFFFFF086  }
0x1c: {  	p1 =	slt.u32 s9, $0xF7A;
	s5 =	simm.s32 @!p2 $0x0  }
0x1d: {  	s5 =	simm.s32 @p1 $0x1;
	p0 =	seq.s32 s7, s2  }
0x1e: {  	s7 =	smul.u32 @!p0 $0xF7A, s2;
	p2 =	seq.s32 @!p0 s5, $0x0  }
0x1f: {  	s9 =	smul.u32 $0xF7A, s1;
	s8 =	simm.s32 @!p0 $0x1BF5;
	p2 =	por !p2, p0  }
0x20: {  	[sflag:s8] =	ssyncset.s32 @!p0 $0xFFFFF086;
	s6 =	sadd.s32 @!p0 s3, s7;
	s7 =	simm.s32 @!p0 $0x108  }
0x21: {  	s3 =	sadd.s32 s3, s9;
	s6 =	sadd.s32 @!p0 $0x88, s6;
	s7 =	simm.s32 @p2 $0x1082  }
0x22: {  	[simem:s7], [sflag:s8] =	dma.local @!p0 [hbm:s6], $0xF7A  }
0x23: {  	s9 =	sor.u32 $0xD0000000, s2;
	s6 =	simm.s32 $0x108;
	_ =	swait.ge @!p0 [sflag:s8], $0x0  }
0x24: {  	s3 =	sadd.s32 $0x88, s3;
	s6 =	simm.s32 @!p1 $0x1082;
	[sflag:s4] =	ssyncset.s32 $0xFFFFF086  }
0x25: {  	[simem:s6], [sflag:s4] =	dma.local [hbm:s3], $0xF7A  }
0x26: {  	[smem:$0x3F91] =	sst s1;
	(tag) =	ssettag s2;
	_ =	strace s9  }
0x27: {  	s1 =	sld [smem:$0x3FA1]  }
0x28: {  	s2 =	sld [smem:$0x3FA2]  }
0x29: {  	s4 =	sld [smem:$0x3FA4]  }
0x2a: {  	p0 =	seq.s32 s5, $0x0;
	s5 =	sld [smem:$0x3FA5]  }
0x2b: {  	s6 =	sld [smem:$0x3FA6]  }
0x2c: {  	s7 =	sld [smem:$0x3FA7]  }
0x2d: {  	s3 =	simm.s32 $0x108;
	s8 =	sld [smem:$0x3FA8]  }
0x2e: {  	s3 =	simm.s32 @!p0 $0x1082;
	s9 =	sld [smem:$0x3FA9]  }
0x2f: {  	lr =	sadd.s32 s0, s3;
	s0 =	sld [smem:$0x3FA0]  }
0x30: {  	s3 =	sld [smem:$0x3FA3]  }
0x31: {  	[smem:$0x3FAC] =	sst s10  }
0x32: {  	s10 =	sld [smem:$0x3FAA];
	_ =	sdelay $0x3  }
0x33: {  	p0 =	seq.s32 s10, $0x1;
	s10 =	sld [smem:$0x3FAC];
	_ =	sdelay $0x3  }
0x34: {  	[smem:$0x3FAC] =	sst s10  }
0x35: {  	s10 =	sld [smem:$0x3FAB];
	_ =	sdelay $0x3  }
0x36: {  	p1 =	seq.s32 s10, $0x1;
	s10 =	sld [smem:$0x3FAC];
	_ =	sdelay $0x3  }
0x37: {  	[smem:$0x3FAC] =	sst s10  }
0x38: {  	s10 =	sld [smem:$0x3FAD]  }
0x39: {  	_ = 	snop;
	(pc) =	sbr.ind lr, $3  }
0x3a: {  	_ = 	snop  }
0x3b: {  	_ = 	snop  }
0x3c: {  	p2 =	seq.s32 s10, $0x1;
	s10 =	sld [smem:$0x3FAC]  }
0x3d: {  	_ =	shalt  }
0x3e: {  	_ =	shalt  }
0x3f: {  	_ =	shalt  }
0x40: {  	_ =	shalt  }
0x41: {  	_ =	shalt  }
0x42: {  	_ =	shalt  }
0x43: {  	_ =	shalt  }
0x44: {  	_ =	shalt  }
0x45: {  	_ =	shalt  }
0x46: {  	_ =	shalt  }
0x47: {  	_ =	shalt  }
0x48: {  	_ =	shalt  }
0x49: {  	_ =	shalt  }
0x4a: {  	_ =	shalt  }
0x4b: {  	_ =	shalt  }
0x4c: {  	_ =	shalt  }
0x4d: {  	_ =	shalt  }
0x4e: {  	_ =	shalt  }
0x4f: {  	_ =	shalt  }
0x50: {  	_ =	shalt  }
0x51: {  	_ =	shalt  }
0x52: {  	_ =	shalt  }
0x53: {  	_ =	shalt  }
0x54: {  	_ =	shalt  }
0x55: {  	_ =	shalt  }
0x56: {  	_ =	shalt  }
0x57: {  	_ =	shalt  }
0x58: {  	_ =	shalt  }
0x59: {  	_ =	shalt  }
0x5a: {  	_ =	shalt  }
0x5b: {  	_ =	shalt  }
0x5c: {  	_ =	shalt  }
0x5d: {  	_ =	shalt  }
0x5e: {  	_ =	shalt  }
0x5f: {  	_ =	shalt  }
0x60: {  	_ =	shalt  }
0x61: {  	_ =	shalt  }
0x62: {  	_ =	shalt  }
0x63: {  	_ =	shalt  }
0x64: {  	_ =	shalt  }
0x65: {  	_ =	shalt  }
0x66: {  	_ =	shalt  }
0x67: {  	_ =	shalt  }
0x68: {  	_ =	shalt  }
0x69: {  	_ =	shalt  }
0x6a: {  	_ =	shalt  }
0x6b: {  	_ =	shalt  }
0x6c: {  	_ =	shalt  }
0x6d: {  	_ =	shalt  }
0x6e: {  	_ =	shalt  }
0x6f: {  	_ =	shalt  }
0x70: {  	_ =	shalt  }
0x71: {  	_ =	shalt  }
0x72: {  	_ =	shalt  }
0x73: {  	_ =	shalt  }
0x74: {  	_ =	shalt  }
0x75: {  	_ =	shalt  }
0x76: {  	_ =	shalt  }
0x77: {  	_ =	shalt  }
0x78: {  	_ =	shalt  }
0x79: {  	_ =	shalt  }
0x7a: {  	_ =	shalt  }
0x7b: {  	_ =	shalt  }
0x7c: {  	_ =	shalt  }
0x7d: {  	_ =	shalt  }
0x7e: {  	_ =	shalt  }
0x7f: {  	_ =	shalt  }
0x80: {  	_ =	shalt  }
0x81: {  	_ =	shalt  }
0x82: {  	_ =	shalt  }
0x83: {  	_ =	shalt  }
0x84: {  	_ =	shalt  }
0x85: {  	_ =	shalt  }
0x86: {  	_ =	shalt  }
0x87: {  	_ =	shalt  }
.Lfunc_end0:
.L_simem_size_0:
called_computation_lowered:
.L_overlay_start_0:
0x88: {  	s2 =	sld [smem:$0x3FD9]  }
0x89: {  	s3 =	sld [smem:$0x3FFE];
	_ =	sdelay $0x1  }
0x8a: {  	s1 =	srdreg.scid  }
0x8b: {  	s0 =	sand.u32 $0x1, s1  }
0x8c: {  	s17 =	sshll.u32 s0, $0xA;
	s2 =	sadd.s32 s3, s2  }
0x8d: {  	s2 =	sadd.s32 s2, s17  }
0x8e: {  	[smem:$0x3FB8] =	sst s2  }
0x8f: {  	_ = 	snop  }
0x90: {  	s2 =	sld [smem:$0x3FC7];
	(tm) =	ssettm $0x1  }
0x91: {  	s18 =	sld [smem:$0x3FFB];
	_ =	sdelay $0x3  }
0x92: {  	_ =	strace s18  }
0x93: {  	s3 =	sld [smem:$0x3FFC];
	_ =	sdelay $0x3  }
0x94: {  	_ =	strace s3  }
0x95: {  	s3 =	sld [smem:$0x3FFD];
	_ =	sdelay $0x3  }
0x96: {  	_ =	strace s3  }
0x97: {  	_ =	strace $0x8FFFFFFF  }
0x98: {  	s19 =	sld [smem:$0x3FDB];
	_ =	sdelay $0x1  }
0x99: {  	s4 =	simm.s32 $_scs_section_size  }
0x9a: {  	s5 =	simm.s32 $_size__tile_overlayer_lowered;
	s6 =	simm.s32 $_tile_overlayer_lowered  }
0x9b: {  	s22 =	simm.s32 $0x1BFF;
	s21 =	sshll.u32 s6, $0x1;
	s3 =	sadd.s32 s4, s19  }
0x9c: {  	s7 =	simm.s32 $0x0;
	s20 =	sshll.u32 s5, $0x1;
	s5 =	sadd.s32 s21, s3  }
0x9d: {  	[timem:s7], [sflag:s22] =	dma.local [hbm:s5], s20  }
0x9e: {  	_ =	swait.ge [sflag:s22], s20  }
0x9f: {  	s4 =	ssub.s32 $0x0, s20;
	[sflag:s22] =	ssyncset.done $0x0  }
0xa0: {  	[sflag:s22] =	ssyncadd.s32 s4;
	_ =	sdelay $0x1  }
0xa1: {  	s23 =	simm.s32 $0x1B8B  }
0xa2: {  	_ =	swait.ge [sflag:s23], $0x1  }
0xa3: {  	[sflag:s23] =	ssyncset.done $0x0  }
0xa4: {  	s25 =	simm.s32 $0x1B8E;
	s24 =	sld [smem:$0x3FFE];
	[sflag:s23] =	ssyncadd.s32 $0xFFFFFFFF  }
0xa5: {  	s26 =	simm.s32 $execute0_lowered;
	[smem:$0x3FD2] =	sst s25  }
0xa6: {  	s5 =	sshll.u32 s26, $0x1;
	_ =	strace $0x80000046;
	[dreg:$0x1] =	wrdreg $0xFFFFFFFF  }
0xa7: {  	s28 =	simm.s32 $_size_execute0_lowered;
	s3 =	sadd.s32 s3, s5;
	[dreg:$0x0] =	wrdreg $0x0  }
0xa8: {  	s5 =	sshll.u32 s28, $0x1;
	[dreg:$0x2] =	wrdreg s3  }
0xa9: {  	[dreg:$0x3] =	wrdreg s5  }
0xaa: {  	[dreg:$0x4] =	wrdreg $0xC0  }
0xab: {  	_ =	task [dreg:s7], $0x5FFFF  }
0xac: {  	[dreg:$0x1] =	wrdreg $0xFFFFFFFF  }
0xad: {  	[dreg:$0x0] =	wrdreg $0x60  }
0xae: {  	[dreg:$0x2] =	wrdreg s24  }
0xaf: {  	[dreg:$0x3] =	wrdreg s2  }
0xb0: {  	[dreg:$0x4] =	wrdreg $0x9  }
0xb1: {  	_ =	task.clear_ibuf [dreg:s7], $0x5FFFF;
	_ =	strace $0x90000046  }
0xb2: {  	s29 =	simm.s32 $0x9;
	_ =	strace $0x80000048  }
0xb3: {  	_ =	swait.ge [sflag:s29], $0x1  }
0xb4: {  	[sflag:s29] =	ssyncadd.s32 $0xFFFFFFFF  }
0xb5: {  	_ =	strace $0x90000048  }
0xb6: {  	_ =	sfence  }
0xb7: {  	s30 =	sld [smem:$0x0];
	_ =	sdelay $0x2  }
0xb8: {  	s31 =	sshll.u32 s1, $0xD;
	s1 =	sshrl.u32 s1, $0x2  }
0xb9: {  	s3 =	sand.u32 $0x4000, s31;
	s1 =	sadd.s32 s1, s30  }
0xba: {  	s0 =	sor.u32 s3, s0;
	s1 =	sshll.u32 s1, $0x11  }
0xbb: {  	s0 =	sor.u32 s1, s0  }
0xbc: {  	s0 =	sadd.s32 $0x8F2B, s0  }
0xbd: {  	[sflag:s0] =	ssyncadd.remote.s32 $0x1  }
0xbe: {  	_ =	sfence.sel $0xFFFF  }
0xbf: {  	[dreg:$0x0] =	wrdreg $0xFFFFFFFF;
	(pc) =	sbr.abs _section_cstart, $3  }
0xc0: {  	[dreg:$0x1] =	wrdreg $0xFFFFFFFF  }
0xc1: {  	_ =	task.clear_ibuf [dreg:s7], $0x2FFFF;
	_ =	strace $0x9FFFFFFF  }
0xc2: {  	(tm) =	ssettm $0x7FFFFFFF  }
0xc3: {  	_ =	shalt  }
tec
execute0_lowered:
.L_overlay_start_1:
0x0: {  	(tag) =	ssettag $0x1  }
0x1: {  	s3 =	rddreg [dreg:$0x0]  }
0x2: {  	s1 =	srdreg.scid;
	s0 =	stileid.u32  }
0x3: {  	s4 =	rddreg [dreg:$0x1];
	s10 =	simm.s32 $0x80;
	s11 =	simm.s32 $0x400  }
0x4: {  	s12 =	simm.s32 $0x0;
	s5 =	sand.u32 $0x1, s1;
	s2 =	sshll.u32 s0, $0x1  }
0x5: {  	s1 =	rddreg [dreg:$0x2];
	s7 =	sshrl.u32 s0, $0x2;
	s6 =	sor.u32 s5, s2  }
0x6: {  	s2 =	simm.s32 $0x0;
	s7 =	smul.u32 $0x13C00, s7;
	s5 =	ssub.s32 $0x2, s5  }
0x7: {  	s8 =	sshll.u32 s6, $0x7;
	[smem:$0x7FF] =	sst s2;
	s6 =	smul.u32 $0x4E2, s6  }
0x8: {  	s9 =	sshrl.u32 s5, $0x1;
	s8 =	sand.u32 $0x380, s8;
	_ =	strace $0x80000047  }
0x9: {  	s9 =	ssub.s32 s5, s9;
	s7 =	sor.u32 s7, s8;
	s31 =	sadd.s32 s6, s3  }
0xa: {  	s4 =	sadd.s32 s4, s6;
	s6 =	smax.u32 s9, $0x1;
	s7 =	sshrl.u32 s7, $0x3  }
0xb: {  	s8 =	simm.s32 $0x1;
	s9 =	simm.s32 $0x4F00;
	s7 =	sadd.s32 s7, s3  }
0xc: {  	v0 =	vimm.f32 $0.0e+00;
	s3 =	sadd.s32 $0x4200, s31;
	s5 =	sadd.s32 $0xE000, s7;
	s7 =	simm.s32 $0x2780  }
.LBB2_1:
0xd: {  	[tilespmem:s7], [sflag:$0x1] =	stream.linear.gather [hbm4b:s3+s2], $0x2710, $0x38;
	[tilespmem:$0x7680] =	vst v63  }
0xe: {  	_ =	swait.ge [sflag:s8], $0x2710  }
0xf: {  	[sflag:s8] =	ssyncset.done $0x0  }
0x10: {  	[sflag:s8] =	ssyncadd.s32 $0xFFFFD8F0  }
0x11: {  	[tilespmem:s9], [sflag:$0x1] =	stream.linear.gather [hbm4b:s4+s2], $0x2710, $0x38;
	[tilespmem:$0x7680] =	vst v63  }
0x12: {  	_ =	swait.ge [sflag:s8], $0x2710  }
0x13: {  	[sflag:s8] =	ssyncset.done $0x0  }
0x14: {  	s13 =	simm.s32 $0x20;
	[sflag:s8] =	ssyncadd.s32 $0xFFFFD8F0  }
0x15: {  	[tilespmem:s13+$0xFFFFFFE0] =	vst v0  }
0x16: {  	[tilespmem:s13+$0x10] =	vst v0  }
0x17: {  	s14 =	simm.s32 $0x0;
	[tilespmem:s13+$0x0] =	vst v0  }
.LBB2_2:
0x18: {  	s14 =	sadd.s32 $0x4, s14  }
0x19: {  	[tilespmem:s13+$0xFFFFFFF0] =	vst v0;
	s13 =	sadd.s32 $0x40, s13;
	p0 =	slt.u32 s14, $0x26C  }
.Ltmp0:
0x1a: {  	[tilespmem:s13+$0xFFFFFFE0] =	vst v0;
	(pc) =	sbr.rel @p0 .LBB2_2-.Ltmp0, $3  }
0x1b: {  	_ =	sdelay $0x1  }
0x1c: {  	[tilespmem:s13+$0x10] =	vst v0  }
0x1d: {  	[tilespmem:s13+$0x0] =	vst v0  }
0x1e: {  	[tilespmem:s13+$0xFFFFFFF0] =	vst v0  }
0x1f: {  	s14 =	simm.s32 $0x27A0;
	[tilespmem:$0x2700] =	vst v0  }
0x20: {  	v5 =	vld [tilespmem:s14+$0x10]  }
0x21: {  	v6 =	vld [tilespmem:s14+$0xFFFFFFF0]  }
0x22: {  	s13 =	simm.s32 $0x4F20;
	v1 =	vld [tilespmem:s14+$0x0]  }
0x23: {  	v7 =	vld [tilespmem:s13+$0x10]  }
0x24: {  	v8 =	vld [tilespmem:s13+$0xFFFFFFF0]  }
0x25: {  	v4 =	vld [tilespmem:s13+$0x0]  }
0x26: {  	v2 =	vld [tilespmem:s14+$0xFFFFFFE0]  }
0x27: {  	v3 =	vld [tilespmem:s13+$0xFFFFFFE0]  }
0x28: {  	[tilespmem:v5+s2+$0x0] =	vst.idx.add.f32.msk $0xffff, v7  }
0x29: {  	s15 =	simm.s32 $0x27E0;
	s14 =	simm.s32 $0x0;
	[tilespmem:v6+s2+$0x0] =	vst.idx.add.f32.msk $0xffff, v8  }
.LBB2_4:
0x2a: {  	v5 =	vld [tilespmem:s15+$0x10];
	s14 =	sadd.s32 $0x4, s14;
	v6 =	vmov v4  }
0x2b: {  	v7 =	vld [tilespmem:s15+$0xFFFFFFF0];
	p0 =	slt.u32 s14, $0x26C  }
0x2c: {  	s13 =	sadd.s32 $0x40, s13;
	v8 =	vld [tilespmem:s15+$0x0]  }
0x2d: {  	v9 =	vld [tilespmem:s13+$0x10]  }
0x2e: {  	v10 =	vld [tilespmem:s15+$0xFFFFFFE0]  }
0x2f: {  	v11 =	vld [tilespmem:s13+$0xFFFFFFE0]  }
0x30: {  	v12 =	vld [tilespmem:s13+$0xFFFFFFF0]  }
.Ltmp1:
0x31: {  	v4 =	vld [tilespmem:s13+$0x0];
	(pc) =	sbr.rel @p0 .LBB2_4-.Ltmp1, $4  }
0x32: {  	[tilespmem:v5+s2+$0x0] =	vst.idx.add.f32.msk $0xffff, v9  }
0x33: {  	[tilespmem:v2+s2+$0x0] =	vst.idx.add.f32.msk $0xffff, v3;
	v2 =	vmov v10  }
0x34: {  	[tilespmem:v1+s2+$0x0] =	vst.idx.add.f32.msk $0xffff, v6;
	v1 =	vmov v8;
	v3 =	vmov v11  }
0x35: {  	s15 =	sadd.s32 $0x40, s15;
	[tilespmem:v7+s2+$0x0] =	vst.idx.add.f32.msk $0xffff, v12  }
0x36: {  	_ =	sdelay $0x3  }
0x37: {  	[tilespmem:v2+s2+$0x0] =	vst.idx.add.f32.msk $0xffff, v3  }
0x38: {  	[tilespmem:v1+s2+$0x0] =	vst.idx.add.f32.msk $0xffff, v4  }
0x39: {  	v1 =	vld [tilespmem:$0x4E80];
	_ =	sdelay $0x2  }
0x3a: {  	v2 =	vld [tilespmem:$0x7600];
	_ =	sdelay $0x2  }
0x3b: {  	s12 =	sadd.s32 $0x1, s12  }
0x3c: {  	p0 =	sne.s32 s12, s6  }
.Ltmp2:
0x3d: {  	[tilespmem:v1+s2+$0x0] =	vst.idx.add.f32.msk $0xffff, v2;
	(pc) =	sbr.rel @p0 .LBB2_1-.Ltmp2, $4  }
0x3e: {  	[hbm4b:s5+s10] =	stream.strided.scatter [tilespmem:s2], [sflag:$0x1], $0x2780, s11, s10, $0x38;
	[tilespmem:$0x7680] =	vst v63  }
0x3f: {  	_ =	swait.ge [sflag:s8], $0x2780  }
0x40: {  	[sflag:s8] =	ssyncset.done $0x0  }
0x41: {  	[sflag:s8] =	ssyncadd.s32 $0xFFFFD880  }
0x42: {  	_ =	sfence.sel $0x180000  }
0x43: {  	[bflag:$0x0] =	sbarrier.arrive $0xFFFF  }
0x44: {  	p0 =	sne.s32 s0, $0x0;
	_ =	strace $0x90000047  }
0x45: {  	s0 =	sadd.s32 @!p0 $0x100000, s1;
	[bflag:$0x2] =	sbarrier.arrive $0xFFFF  }
0x46: {  	[sflag:s0] =	ssyncadd.tile.s32 @!p0 $0x1;
	_ =	shalt  }
.Lfunc_end2:
_tile_overlayer_lowered:
.L_overlay_start_2:
0x47: {  	(tag) =	ssettag $0x2  }
0x48: {  	s0 =	rddreg [dreg:$0x0];
	s2 =	stileid.u32  }
0x49: {  	s1 =	rddreg [dreg:$0x1];
	p0 =	sne.s32 s2, $0x0  }
0x4a: {  	s3 =	rddreg [dreg:$0x2];
	[bflag:$0x3] =	sbarrier.arrive $0xFFFF;
	s2 =	simm.s32 @!p0 $0x1C01  }
0x4b: {  	[timem:s3], [sflag:s2] =	dma.local @!p0 [hbm:s0], s1  }
0x4c: {  	s0 =	simm.s32 @!p0 $0x1  }
0x4d: {  	_ =	swait.ge @!p0 [sflag:s0], s1  }
0x4e: {  	s1 =	ssub.s32 @!p0 $0x0, s1;
	[sflag:s0] =	ssyncset.done @!p0 $0x0  }
0x4f: {  	[sflag:s0] =	ssyncadd.s32 @!p0 s1  }
0x50: {  	[bflag:$0x3] =	sbarrier.arrive $0xFFFF  }
0x51: {  	_ =	shalt  }

// kernel: kernel.13.cloned.1.call-start
scs
__scs_entry_jumppad:
0x0: {  	(pc) =	sbr.rel $0x88, $3  }
0x1: {  	(tag) =	ssettag $0x0;
	lr =	simm.s32 $0x1  }
0x2: {  	[smem:$0x3F91] =	sst lr;
	_ =	strace $0xD0000000  }
0x3: {  	_ = 	snop  }
0x4: {  	_ = 	snop  }
0x5: {  	_ = 	snop  }
0x6: {  	_ = 	snop  }
0x7: {  	_ = 	snop  }
__scs_overlays_trampoline_lowered:
0x8: {  	[smem:$0x3FA0] =	sst s0  }
0x9: {  	[smem:$0x3FA1] =	sst s1  }
0xa: {  	[smem:$0x3FA2] =	sst s2  }
0xb: {  	[smem:$0x3FA3] =	sst s3  }
0xc: {  	[smem:$0x3FA4] =	sst s4  }
0xd: {  	[smem:$0x3FA5] =	sst s5  }
0xe: {  	[smem:$0x3FA6] =	sst s6  }
0xf: {  	[smem:$0x3FA7] =	sst s7  }
0x10: {  	[smem:$0x3FA8] =	sst s8  }
0x11: {  	[smem:$0x3FA9] =	sst s9;
	s0 =	simm.s32 @!p0 $0x0  }
0x12: {  	s1 =	sld [smem:$0x3F8F];
	s0 =	simm.s32 @p0 $0x1  }
0x13: {  	[smem:$0x3FAA] =	sst s0;
	s0 =	simm.s32 @!p1 $0x0  }
0x14: {  	s2 =	sld [smem:$0x3F8E];
	s0 =	simm.s32 @p1 $0x1  }
0x15: {  	[smem:$0x3FAB] =	sst s0;
	s0 =	simm.s32 @!p2 $0x0  }
0x16: {  	s3 =	sld [smem:$0x3FDB];
	s0 =	simm.s32 @p2 $0x1  }
0x17: {  	s4 =	simm.s32 $0x1BF5;
	[smem:$0x3FAD] =	sst s0  }
0x18: {  	s0 =	sld [smem:$0x3F90];
	_ =	swait.ge [sflag:s4], $0x0  }
0x19: {  	s7 =	sld [smem:$0x3F91]  }
0x1a: {  	s8 =	sadd.s32 $0xFFFFE003, lr  }
0x1b: {  	s9 =	sadd.s32 $0xFFFFFEF7, lr;
	s5 =	simm.s32 $0xFFFFFFFF;
	p2 =	slt.u32 s8, $0xFFFFF086  }
0x1c: {  	p1 =	slt.u32 s9, $0xF7A;
	s5 =	simm.s32 @!p2 $0x0  }
0x1d: {  	s5 =	simm.s32 @p1 $0x1;
	p0 =	seq.s32 s7, s2  }
0x1e: {  	s7 =	smul.u32 @!p0 $0xF7A, s2;
	p2 =	seq.s32 @!p0 s5, $0x0  }
0x1f: {  	s9 =	smul.u32 $0xF7A, s1;
	s8 =	simm.s32 @!p0 $0x1BF5;
	p2 =	por !p2, p0  }
0x20: {  	[sflag:s8] =	ssyncset.s32 @!p0 $0xFFFFF086;
	s6 =	sadd.s32 @!p0 s3, s7;
	s7 =	simm.s32 @!p0 $0x108  }
0x21: {  	s3 =	sadd.s32 s3, s9;
	s6 =	sadd.s32 @!p0 $0x88, s6;
	s7 =	simm.s32 @p2 $0x1082  }
0x22: {  	[simem:s7], [sflag:s8] =	dma.local @!p0 [hbm:s6], $0xF7A  }
0x23: {  	s9 =	sor.u32 $0xD0000000, s2;
	s6 =	simm.s32 $0x108;
	_ =	swait.ge @!p0 [sflag:s8], $0x0  }
0x24: {  	s3 =	sadd.s32 $0x88, s3;
	s6 =	simm.s32 @!p1 $0x1082;
	[sflag:s4] =	ssyncset.s32 $0xFFFFF086  }
0x25: {  	[simem:s6], [sflag:s4] =	dma.local [hbm:s3], $0xF7A  }
0x26: {  	[smem:$0x3F91] =	sst s1;
	(tag) =	ssettag s2;
	_ =	strace s9  }
0x27: {  	s1 =	sld [smem:$0x3FA1]  }
0x28: {  	s2 =	sld [smem:$0x3FA2]  }
0x29: {  	s4 =	sld [smem:$0x3FA4]  }
0x2a: {  	p0 =	seq.s32 s5, $0x0;
	s5 =	sld [smem:$0x3FA5]  }
0x2b: {  	s6 =	sld [smem:$0x3FA6]  }
0x2c: {  	s7 =	sld [smem:$0x3FA7]  }
0x2d: {  	s3 =	simm.s32 $0x108;
	s8 =	sld [smem:$0x3FA8]  }
0x2e: {  	s3 =	simm.s32 @!p0 $0x1082;
	s9 =	sld [smem:$0x3FA9]  }
0x2f: {  	lr =	sadd.s32 s0, s3;
	s0 =	sld [smem:$0x3FA0]  }
0x30: {  	s3 =	sld [smem:$0x3FA3]  }
0x31: {  	[smem:$0x3FAC] =	sst s10  }
0x32: {  	s10 =	sld [smem:$0x3FAA];
	_ =	sdelay $0x3  }
0x33: {  	p0 =	seq.s32 s10, $0x1;
	s10 =	sld [smem:$0x3FAC];
	_ =	sdelay $0x3  }
0x34: {  	[smem:$0x3FAC] =	sst s10  }
0x35: {  	s10 =	sld [smem:$0x3FAB];
	_ =	sdelay $0x3  }
0x36: {  	p1 =	seq.s32 s10, $0x1;
	s10 =	sld [smem:$0x3FAC];
	_ =	sdelay $0x3  }
0x37: {  	[smem:$0x3FAC] =	sst s10  }
0x38: {  	s10 =	sld [smem:$0x3FAD]  }
0x39: {  	_ = 	snop;
	(pc) =	sbr.ind lr, $3  }
0x3a: {  	_ = 	snop  }
0x3b: {  	_ = 	snop  }
0x3c: {  	p2 =	seq.s32 s10, $0x1;
	s10 =	sld [smem:$0x3FAC]  }
0x3d: {  	_ =	shalt  }
0x3e: {  	_ =	shalt  }
0x3f: {  	_ =	shalt  }
0x40: {  	_ =	shalt  }
0x41: {  	_ =	shalt  }
0x42: {  	_ =	shalt  }
0x43: {  	_ =	shalt  }
0x44: {  	_ =	shalt  }
0x45: {  	_ =	shalt  }
0x46: {  	_ =	shalt  }
0x47: {  	_ =	shalt  }
0x48: {  	_ =	shalt  }
0x49: {  	_ =	shalt  }
0x4a: {  	_ =	shalt  }
0x4b: {  	_ =	shalt  }
0x4c: {  	_ =	shalt  }
0x4d: {  	_ =	shalt  }
0x4e: {  	_ =	shalt  }
0x4f: {  	_ =	shalt  }
0x50: {  	_ =	shalt  }
0x51: {  	_ =	shalt  }
0x52: {  	_ =	shalt  }
0x53: {  	_ =	shalt  }
0x54: {  	_ =	shalt  }
0x55: {  	_ =	shalt  }
0x56: {  	_ =	shalt  }
0x57: {  	_ =	shalt  }
0x58: {  	_ =	shalt  }
0x59: {  	_ =	shalt  }
0x5a: {  	_ =	shalt  }
0x5b: {  	_ =	shalt  }
0x5c: {  	_ =	shalt  }
0x5d: {  	_ =	shalt  }
0x5e: {  	_ =	shalt  }
0x5f: {  	_ =	shalt  }
0x60: {  	_ =	shalt  }
0x61: {  	_ =	shalt  }
0x62: {  	_ =	shalt  }
0x63: {  	_ =	shalt  }
0x64: {  	_ =	shalt  }
0x65: {  	_ =	shalt  }
0x66: {  	_ =	shalt  }
0x67: {  	_ =	shalt  }
0x68: {  	_ =	shalt  }
0x69: {  	_ =	shalt  }
0x6a: {  	_ =	shalt  }
0x6b: {  	_ =	shalt  }
0x6c: {  	_ =	shalt  }
0x6d: {  	_ =	shalt  }
0x6e: {  	_ =	shalt  }
0x6f: {  	_ =	shalt  }
0x70: {  	_ =	shalt  }
0x71: {  	_ =	shalt  }
0x72: {  	_ =	shalt  }
0x73: {  	_ =	shalt  }
0x74: {  	_ =	shalt  }
0x75: {  	_ =	shalt  }
0x76: {  	_ =	shalt  }
0x77: {  	_ =	shalt  }
0x78: {  	_ =	shalt  }
0x79: {  	_ =	shalt  }
0x7a: {  	_ =	shalt  }
0x7b: {  	_ =	shalt  }
0x7c: {  	_ =	shalt  }
0x7d: {  	_ =	shalt  }
0x7e: {  	_ =	shalt  }
0x7f: {  	_ =	shalt  }
0x80: {  	_ =	shalt  }
0x81: {  	_ =	shalt  }
0x82: {  	_ =	shalt  }
0x83: {  	_ =	shalt  }
0x84: {  	_ =	shalt  }
0x85: {  	_ =	shalt  }
0x86: {  	_ =	shalt  }
0x87: {  	_ =	shalt  }
.Lfunc_end0:
.L_simem_size_0:
called_computation.1_lowered:
.L_overlay_start_0:
0x88: {  	s2 =	sld [smem:$0x3FD9]  }
0x89: {  	s3 =	sld [smem:$0x3FFE];
	_ =	sdelay $0x1  }
0x8a: {  	s1 =	srdreg.scid  }
0x8b: {  	s0 =	sand.u32 $0x1, s1  }
0x8c: {  	s17 =	sshll.u32 s0, $0xA;
	s2 =	sadd.s32 s3, s2  }
0x8d: {  	s2 =	sadd.s32 s2, s17  }
0x8e: {  	[smem:$0x3FB8] =	sst s2  }
0x8f: {  	_ = 	snop  }
0x90: {  	s2 =	sld [smem:$0x3FC7];
	(tm) =	ssettm $0x1  }
0x91: {  	s18 =	sld [smem:$0x3FFB];
	_ =	sdelay $0x3  }
0x92: {  	_ =	strace s18  }
0x93: {  	s3 =	sld [smem:$0x3FFC];
	_ =	sdelay $0x3  }
0x94: {  	_ =	strace s3  }
0x95: {  	s3 =	sld [smem:$0x3FFD];
	_ =	sdelay $0x3  }
0x96: {  	_ =	strace s3  }
0x97: {  	_ =	strace $0x8FFFFFFF  }
0x98: {  	s19 =	sld [smem:$0x3FDB];
	_ =	sdelay $0x1  }
0x99: {  	s4 =	simm.s32 $_scs_section_size  }
0x9a: {  	s5 =	simm.s32 $_size__tile_overlayer_lowered;
	s6 =	simm.s32 $_tile_overlayer_lowered  }
0x9b: {  	s22 =	simm.s32 $0x1BFF;
	s21 =	sshll.u32 s6, $0x1;
	s3 =	sadd.s32 s4, s19  }
0x9c: {  	s7 =	simm.s32 $0x0;
	s20 =	sshll.u32 s5, $0x1;
	s5 =	sadd.s32 s21, s3  }
0x9d: {  	[timem:s7], [sflag:s22] =	dma.local [hbm:s5], s20  }
0x9e: {  	_ =	swait.ge [sflag:s22], s20  }
0x9f: {  	s4 =	ssub.s32 $0x0, s20;
	[sflag:s22] =	ssyncset.done $0x0  }
0xa0: {  	[sflag:s22] =	ssyncadd.s32 s4;
	_ =	sdelay $0x1  }
0xa1: {  	s23 =	simm.s32 $0x1B8B  }
0xa2: {  	_ =	swait.ge [sflag:s23], $0x1  }
0xa3: {  	[sflag:s23] =	ssyncset.done $0x0  }
0xa4: {  	s25 =	simm.s32 $0x1B8E;
	s24 =	sld [smem:$0x3FFE];
	[sflag:s23] =	ssyncadd.s32 $0xFFFFFFFF  }
0xa5: {  	s26 =	simm.s32 $execute0_lowered;
	[smem:$0x3FD2] =	sst s25  }
0xa6: {  	s5 =	sshll.u32 s26, $0x1;
	_ =	strace $0x80000049;
	[dreg:$0x1] =	wrdreg $0xFFFFFFFF  }
0xa7: {  	s28 =	simm.s32 $_size_execute0_lowered;
	s3 =	sadd.s32 s3, s5;
	[dreg:$0x0] =	wrdreg $0x0  }
0xa8: {  	s5 =	sshll.u32 s28, $0x1;
	[dreg:$0x2] =	wrdreg s3  }
0xa9: {  	[dreg:$0x3] =	wrdreg s5  }
0xaa: {  	[dreg:$0x4] =	wrdreg $0xC0  }
0xab: {  	_ =	task [dreg:s7], $0x5FFFF  }
0xac: {  	[dreg:$0x1] =	wrdreg $0xFFFFFFFF  }
0xad: {  	[dreg:$0x0] =	wrdreg $0x60  }
0xae: {  	[dreg:$0x2] =	wrdreg s24  }
0xaf: {  	[dreg:$0x3] =	wrdreg s2  }
0xb0: {  	[dreg:$0x4] =	wrdreg $0x9  }
0xb1: {  	_ =	task.clear_ibuf [dreg:s7], $0x5FFFF;
	_ =	strace $0x90000049  }
0xb2: {  	s29 =	simm.s32 $0x9;
	_ =	strace $0x8000004B  }
0xb3: {  	_ =	swait.ge [sflag:s29], $0x1  }
0xb4: {  	[sflag:s29] =	ssyncadd.s32 $0xFFFFFFFF  }
0xb5: {  	_ =	strace $0x9000004B  }
0xb6: {  	_ =	sfence  }
0xb7: {  	s30 =	sld [smem:$0x0];
	_ =	sdelay $0x2  }
0xb8: {  	s31 =	sshll.u32 s1, $0xD;
	s1 =	sshrl.u32 s1, $0x2  }
0xb9: {  	s3 =	sand.u32 $0x4000, s31;
	s1 =	sadd.s32 s1, s30  }
0xba: {  	s0 =	sor.u32 s3, s0;
	s1 =	sshll.u32 s1, $0x11  }
0xbb: {  	s0 =	sor.u32 s1, s0  }
0xbc: {  	s0 =	sadd.s32 $0x8F2B, s0  }
0xbd: {  	[sflag:s0] =	ssyncadd.remote.s32 $0x1  }
0xbe: {  	_ =	sfence.sel $0xFFFF  }
0xbf: {  	[dreg:$0x0] =	wrdreg $0xFFFFFFFF;
	(pc) =	sbr.abs _section_cstart, $3  }
0xc0: {  	[dreg:$0x1] =	wrdreg $0xFFFFFFFF  }
0xc1: {  	_ =	task.clear_ibuf [dreg:s7], $0x2FFFF;
	_ =	strace $0x9FFFFFFF  }
0xc2: {  	(tm) =	ssettm $0x7FFFFFFF  }
0xc3: {  	_ =	shalt  }
tec
execute0_lowered:
.L_overlay_start_1:
0x0: {  	(tag) =	ssettag $0x1  }
0x1: {  	s5 =	rddreg [dreg:$0x0]  }
0x2: {  	s1 =	rddreg [dreg:$0x1];
	s2 =	srdreg.scid  }
0x3: {  	s0 =	stileid.u32;
	s13 =	simm.s32 $0x10C80;
	s14 =	simm.s32 $0x14B80  }
0x4: {  	s15 =	simm.s32 $0x100;
	s16 =	simm.s32 $0x400;
	s17 =	simm.s32 $0x3  }
0x5: {  	s18 =	simm.s32 $0x1;
	s19 =	simm.s32 $0x4F00;
	s20 =	simm.s32 $0x2  }
0x6: {  	s21 =	simm.s32 $0x0;
	s4 =	sand.u32 $0x1, s2;
	s28 =	sshrl.u32 s0, $0x1  }
0x7: {  	s3 =	sshll.u32 s0, $0x9;
	s2 =	rddreg [dreg:$0x2];
	s11 =	sadd.s32 $0x21C00, s5  }
0x8: {  	s6 =	smul.u32 $0x13C00, s28;
	s7 =	sshll.u32 s4, $0x8;
	s8 =	sand.u32 $0x200, s3  }
0x9: {  	s3 =	simm.s32 $0x0;
	s30 =	ssub.s32 $0x2, s4;
	s4 =	sadd.s32 $0x17E00, s5  }
0xa: {  	s7 =	sor.u32 s7, s8;
	[smem:$0x7FF] =	sst s3;
	s10 =	sshrl.u32 s30, $0x1  }
0xb: {  	s6 =	sor.u32 s6, s7;
	_ =	strace $0x8000004A;
	s10 =	ssub.s32 s30, s10  }
0xc: {  	s29 =	sshrl.u32 s6, $0x3;
	s31 =	sadd.s32 $0x9E000, s6;
	s6 =	sadd.s32 $0x3E8, s1  }
0xd: {  	s10 =	smax.u32 s10, $0x1;
	s9 =	sadd.s32 s29, s5;
	s5 =	sadd.s32 $0x181E8, s5  }
0xe: {  	s12 =	sshrl.u32 s31, $0x3;
	s8 =	sadd.s32 s11, s29;
	s7 =	sadd.s32 $0x4200, s9  }
0xf: {  	v0 =	vimm.f32 $0.0e+00;
	s9 =	sadd.s32 s11, s12;
	s11 =	simm.s32 $0xED00;
	s12 =	simm.s32 $0x12C00  }
.LBB2_1:
0x10: {  	[tilespmem:s11], [sflag:$0x1] =	stream.linear.gather [hbm4b:s4+s3], $0x1F40, $0x38;
	[tilespmem:$0x16B00] =	vst v63  }
0x11: {  	_ = 	snop  }
0x12: {  	[tilespmem:s12], [sflag:$0x1] =	stream.linear.gather [hbm4b:s1+s3], $0x1F40, $0x38;
	[tilespmem:$0x16B00] =	vst v63  }
0x13: {  	_ = 	snop  }
0x14: {  	[tilespmem:s13], [sflag:$0x2] =	stream.linear.gather [hbm4b:s5+s3], $0x1F40, $0x38;
	[tilespmem:$0x16B00] =	vst v63  }
0x15: {  	_ = 	snop  }
0x16: {  	[tilespmem:s14], [sflag:$0x2] =	stream.linear.gather [hbm4b:s6+s3], $0x1F40, $0x38;
	[tilespmem:$0x16B00] =	vst v63  }
0x17: {  	_ = 	snop  }
0x18: {  	[tilespmem:s3], [sflag:$0x3] =	stream.strided.gather [hbm4b:s7+s15], $0x4F00, s16, s15, $0x38;
	[tilespmem:$0x16B00] =	vst v63  }
0x19: {  	s22 =	simm.s32 $0x0;
	s23 =	sand.u32 $0x40, s3;
	_ =	swait.ge [sflag:s17], $0x4F00  }
0x1a: {  	s24 =	sand.u32 $0xFE00, s3;
	s25 =	simm.s32 $0x0;
	[sflag:s17] =	ssyncset.done $0x0  }
0x1b: {  	s23 =	sor.u32 s23, s24;
	s24 =	simm.s32 $0x0;
	[sflag:s17] =	ssyncadd.s32 $0xFFFFB100  }
.LBB2_2:
0x1c: {  	s22 =	sadd.s32 $0x4, s22  }
0x1d: {  	[tilespmem:s23+$0x4F20] =	vst v0;
	s24 =	sadd.s32 $0x100, s24;
	s25 =	sadd.s32 $0x40, s25;
	p0 =	slt.u32 s22, $0x26C  }
.Ltmp0:
0x1e: {  	[tilespmem:s23+$0x4F10] =	vst v0;
	(pc) =	sbr.rel @p0 .LBB2_2-.Ltmp0, $4  }
0x1f: {  	[tilespmem:s23+$0x4F30] =	vst v0  }
0x20: {  	[tilespmem:s23+$0x4F00] =	vst v0  }
0x21: {  	s26 =	sand.u32 $0xFE00, s24;
	s23 =	sand.u32 $0x40, s25  }
0x22: {  	s23 =	sor.u32 s23, s26  }
0x23: {  	[tilespmem:s23+$0x4F20] =	vst v0  }
0x24: {  	[tilespmem:s23+$0x4F10] =	vst v0  }
0x25: {  	[tilespmem:s23+$0x4F30] =	vst v0;
	s22 =	simm.s32 $0x0  }
0x26: {  	[tilespmem:s23+$0x4F00] =	vst v0;
	s31 =	sand.u32 $0x40, s22;
	s25 =	sand.u32 $0xFE00, s22  }
0x27: {  	s24 =	simm.s32 $0x0;
	[tilespmem:$0xEB00] =	vst v0;
	s23 =	sor.u32 s31, s25;
	s25 =	simm.s32 $0x0  }
.LBB2_4:
0x28: {  	s24 =	sadd.s32 $0x4, s24  }
0x29: {  	[tilespmem:s23+$0x4FA0] =	vst v0;
	s22 =	sadd.s32 $0x100, s22;
	s25 =	sadd.s32 $0x40, s25;
	p0 =	slt.u32 s24, $0x26C  }
.Ltmp1:
0x2a: {  	[tilespmem:s23+$0x4F90] =	vst v0;
	(pc) =	sbr.rel @p0 .LBB2_4-.Ltmp1, $4  }
0x2b: {  	[tilespmem:s23+$0x4FB0] =	vst v0  }
0x2c: {  	[tilespmem:s23+$0x4F80] =	vst v0  }
0x2d: {  	s26 =	sand.u32 $0xFE00, s22;
	s23 =	sand.u32 $0x40, s25  }
0x2e: {  	s23 =	sor.u32 s23, s26  }
0x2f: {  	[tilespmem:s23+$0x4FA0] =	vst v0;
	p0 =	por $0x0, $0x0;
	s24 =	simm.s32 $0x1  }
0x30: {  	[tilespmem:s23+$0x4F90] =	vst v0;
	s24 =	simm.s32 @!p0 $0x0  }
0x31: {  	[tilespmem:s23+$0x4FB0] =	vst v0;
	s22 =	simm.s32 $0x0;
	s24 =	sshll.u32 s24, $0x6  }
0x32: {  	[tilespmem:s23+$0x4F80] =	vst v0;
	s23 =	simm.s32 $0x0;
	p0 =	por !p0, !p0;
	s25 =	sadd.s32 $0x0, s24  }
0x33: {  	[tilespmem:$0xEB80] =	vst v0;
	s28 =	sor.u32 $0x100, s25;
	s24 =	sor.u32 $0x110, s25;
	s26 =	sor.u32 $0x120, s25  }
.LBB2_6:
0x34: {  	s23 =	sadd.s32 $0x4, s23  }
0x35: {  	[tilespmem:s28+$0x4F00] =	vst v0;
	s25 =	sor.u32 $0x130, s25;
	s22 =	sadd.s32 $0x100, s22;
	p1 =	slt.u32 s23, $0x26C  }
.Ltmp2:
0x36: {  	[tilespmem:s26+$0x4F00] =	vst v0;
	s26 =	simm.s32 $0x1;
	(pc) =	sbr.rel @p1 .LBB2_6-.Ltmp2, $4  }
0x37: {  	s26 =	simm.s32 @!p0 $0x0;
	[tilespmem:s25+$0x4F00] =	vst v0  }
0x38: {  	s25 =	sshll.u32 s26, $0x6;
	[tilespmem:s24+$0x4F00] =	vst v0  }
0x39: {  	p0 =	por !p0, !p0;
	s25 =	sadd.s32 s25, s22  }
0x3a: {  	s28 =	sor.u32 $0x100, s25;
	s24 =	sor.u32 $0x110, s25;
	s26 =	sor.u32 $0x120, s25  }
0x3b: {  	[tilespmem:s28+$0x4F00] =	vst v0;
	p0 =	por $0x0, $0x0;
	s23 =	simm.s32 $0x1  }
0x3c: {  	s22 =	sor.u32 $0x130, s25;
	[tilespmem:s26+$0x4F00] =	vst v0;
	s23 =	simm.s32 @!p0 $0x0  }
0x3d: {  	[tilespmem:s22+$0x4F00] =	vst v0;
	s22 =	simm.s32 $0x0;
	s31 =	sshll.u32 s23, $0x6  }
0x3e: {  	[tilespmem:s24+$0x4F00] =	vst v0;
	p0 =	por !p0, !p0;
	s23 =	simm.s32 $0x0;
	s25 =	sadd.s32 $0x0, s31  }
0x3f: {  	[tilespmem:$0xEC00] =	vst v0;
	s28 =	sor.u32 $0x180, s25;
	s24 =	sor.u32 $0x190, s25;
	s26 =	sor.u32 $0x1A0, s25  }
.LBB2_8:
0x40: {  	s23 =	sadd.s32 $0x4, s23  }
0x41: {  	[tilespmem:s28+$0x4F00] =	vst v0;
	s25 =	sor.u32 $0x1B0, s25;
	s22 =	sadd.s32 $0x100, s22;
	p1 =	slt.u32 s23, $0x26C  }
.Ltmp3:
0x42: {  	[tilespmem:s26+$0x4F00] =	vst v0;
	s26 =	simm.s32 $0x1;
	(pc) =	sbr.rel @p1 .LBB2_8-.Ltmp3, $4  }
0x43: {  	s26 =	simm.s32 @!p0 $0x0;
	[tilespmem:s25+$0x4F00] =	vst v0  }
0x44: {  	s25 =	sshll.u32 s26, $0x6;
	[tilespmem:s24+$0x4F00] =	vst v0  }
0x45: {  	p0 =	por !p0, !p0;
	s25 =	sadd.s32 s25, s22  }
0x46: {  	s28 =	sor.u32 $0x180, s25;
	s24 =	sor.u32 $0x190, s25;
	s26 =	sor.u32 $0x1A0, s25  }
0x47: {  	[tilespmem:s28+$0x4F00] =	vst v0  }
0x48: {  	[tilespmem:s26+$0x4F00] =	vst v0  }
0x49: {  	s22 =	sor.u32 $0x1B0, s25;
	[tilespmem:s24+$0x4F00] =	vst v0  }
0x4a: {  	[tilespmem:s22+$0x4F00] =	vst v0  }
0x4b: {  	s22 =	simm.s32 $0x0;
	[tilespmem:$0xEC80] =	vst v0  }
.LBB2_10:
0x4c: {  	_ =	swait.ge [sflag:s18], $0x1F40  }
0x4d: {  	[sflag:s18] =	ssyncset.done $0x0  }
0x4e: {  	[sflag:s18] =	ssyncadd.s32 $0xFFFFE0C0  }
0x4f: {  	_ =	swait.ge [sflag:s18], $0x1F40  }
0x50: {  	[sflag:s18] =	ssyncset.done $0x0  }
0x51: {  	s23 =	simm.s32 $0xED10;
	[sflag:s18] =	ssyncadd.s32 $0xFFFFE0C0  }
0x52: {  	v1 =	vld [tilespmem:s23+$0x0];
	_ =	sdelay $0x4  }
0x53: {  	v2 =	vshll.u32 v1, $0x1  }
0x54: {  	v4 =	vld [tilespmem:s23+$0xFFFFFFF0];
	v3 =	vand.u32 $0x7F, v1;
	v2 =	vand.u32 $0x7F00, v2  }
0x55: {  	v2 =	vor.u32 v3, v2;
	_ =	sdelay $0x2  }
0x56: {  	s29 =	simm.s32 $0x12C10  }
0x57: {  	v10 =	vld [tilespmem:s29+$0x0];
	v3 =	vshll.u32 v4, $0x1  }
0x58: {  	s24 =	simm.s32 $0xED30;
	v6 =	vand.u32 $0x7F, v4;
	v3 =	vand.u32 $0x7F00, v3;
	v5 =	vld.idx.msk [tilespmem:v2+s3+$0x0], $0xffff  }
0x59: {  	v7 =	vld [tilespmem:s24+$0x0];
	v3 =	vor.u32 v6, v3;
	v6 =	vshrl.u32 v1, $0xE;
	v1 =	vshrl.u32 v1, $0xC  }
0x5a: {  	v6 =	vand.u32 $0x7F, v6;
	v1 =	vand.u32 $0xFFE00, v1  }
0x5b: {  	v8 =	vshrl.u32 v4, $0xE;
	v4 =	vshrl.u32 v4, $0xC;
	v6 =	vor.u32 v6, v1  }
0x5c: {  	v9 =	vld [tilespmem:s24+$0xFFFFFFF0];
	v4 =	vand.u32 $0xFFE00, v4;
	v1 =	vand.u32 $0x7F, v8;
	v8 =	vor.u32 $0x100, v6  }
0x5d: {  	v11 =	vor.u32 $0x80, v2;
	v4 =	vor.u32 v1, v4;
	v1 =	vand.u32 $0xFFFF0000, v5  }
0x5e: {  	v13 =	vshll.u32 v7, $0x1;
	v12 =	vld.idx.msk [tilespmem:v3+s3+$0x0], $0xffff;
	v2 =	vshll.u32 v5, $0x10;
	v5 =	vmul.f32 v1, v10  }
0x5f: {  	v13 =	vand.u32 $0x7F00, v13;
	v1 =	vld [tilespmem:s29+$0xFFFFFFF0];
	v14 =	vmul.f32 v2, v10;
	v2 =	vand.u32 $0x7F, v7  }
0x60: {  	v18 =	vor.u32 $0x80, v3;
	v13 =	vor.u32 v2, v13;
	[tilespmem:v6+s19+$0x0] =	vst.idx.add.f32.msk $0xffff, v5  }
0x61: {  	v17 =	vor.u32 $0x100, v4;
	v3 =	vor.u32 $0x180, v4;
	v5 =	vshll.u32 v9, $0x1;
	[tilespmem:v8+s19+$0x0] =	vst.idx.add.f32.msk $0xffff, v14  }
0x62: {  	v8 =	vand.u32 $0x7F, v9;
	v14 =	vshrl.u32 v9, $0xE;
	v5 =	vand.u32 $0x7F00, v5;
	v11 =	vld.idx.msk [tilespmem:v11+s3+$0x0], $0xffff  }
0x63: {  	s31 =	simm.s32 $0xED50;
	v9 =	vshrl.u32 v9, $0xC;
	v15 =	vor.u32 v8, v5;
	v5 =	vand.u32 $0xFFFF0000, v12  }
0x64: {  	v24 =	vld [tilespmem:s31+$0x0];
	v8 =	vshll.u32 v12, $0x10;
	v12 =	vand.u32 $0x7F, v14;
	v9 =	vand.u32 $0xFFE00, v9  }
0x65: {  	s30 =	simm.s32 $0x12C30;
	v5 =	vmul.f32 v5, v1;
	v22 =	vor.u32 v12, v9;
	v12 =	vor.u32 $0x80, v6;
	v14 =	vld.idx.msk [tilespmem:v13+s3+$0x0], $0xffff  }
0x66: {  	v19 =	vmul.f32 v8, v1;
	v8 =	vshrl.u32 v7, $0xE;
	v9 =	vld [tilespmem:s30+$0x0];
	v7 =	vshrl.u32 v7, $0xC  }
0x67: {  	v21 =	vld [tilespmem:s31+$0xFFFFFFF0];
	v8 =	vand.u32 $0x7F, v8;
	v20 =	vand.u32 $0xFFE00, v7;
	v16 =	vand.u32 $0xFFFF0000, v11  }
0x68: {  	v2 =	vor.u32 $0x80, v4;
	[tilespmem:v4+s19+$0x0] =	vst.idx.add.f32.msk $0xffff, v5;
	v23 =	vor.u32 v8, v20;
	v4 =	vmul.f32 v16, v10  }
0x69: {  	v16 =	vor.u32 $0x180, v6;
	v6 =	vshll.u32 v11, $0x10;
	v11 =	vld.idx.msk [tilespmem:v15+s3+$0x0], $0xffff  }
0x6a: {  	v20 =	vor.u32 $0x100, v23;
	v10 =	vmul.f32 v6, v10;
	[tilespmem:v12+s19+$0x0] =	vst.idx.add.f32.msk $0xffff, v4;
	v4 =	vand.u32 $0xFFFF0000, v14  }
0x6b: {  	v6 =	vld [tilespmem:s30+$0xFFFFFFF0];
	v12 =	vor.u32 $0x80, v13;
	v13 =	vshll.u32 v14, $0x10;
	v14 =	vmul.f32 v4, v9  }
0x6c: {  	v7 =	vor.u32 $0x100, v22;
	v8 =	vor.u32 $0x80, v15;
	[tilespmem:v17+s19+$0x0] =	vst.idx.add.f32.msk $0xffff, v19  }
0x6d: {  	v5 =	vor.u32 $0x80, v22;
	v15 =	vshll.u32 v24, $0x1;
	v13 =	vmul.f32 v13, v9;
	[tilespmem:v23+s19+$0x0] =	vst.idx.add.f32.msk $0xffff, v14  }
0x6e: {  	v19 =	vor.u32 $0x180, v23;
	v15 =	vand.u32 $0x7F00, v15;
	v4 =	vor.u32 $0x180, v22;
	[tilespmem:v16+s19+$0x0] =	vst.idx.add.f32.msk $0xffff, v10  }
0x6f: {  	v14 =	vand.u32 $0x7F, v24;
	v10 =	vand.u32 $0xFFFF0000, v11;
	[tilespmem:v20+s19+$0x0] =	vst.idx.add.f32.msk $0xffff, v13;
	v13 =	vand.u32 $0x7F, v21  }
0x70: {  	v20 =	vshll.u32 v21, $0x1;
	v15 =	vor.u32 v14, v15;
	v25 =	vmul.f32 v10, v6;
	v26 =	vld.idx.msk [tilespmem:v12+s3+$0x0], $0xffff  }
0x71: {  	v12 =	vshrl.u32 v21, $0xE;
	v14 =	vand.u32 $0x7F00, v20;
	v20 =	vshrl.u32 v21, $0xC  }
0x72: {  	v21 =	vor.u32 $0x80, v23;
	v23 =	vshrl.u32 v24, $0xE;
	v16 =	vor.u32 v13, v14  }
0x73: {  	v17 =	vld.idx.msk [tilespmem:v18+s3+$0x0], $0xffff;
	v13 =	vshll.u32 v11, $0x10;
	v11 =	vand.u32 $0x7F, v12;
	v12 =	vand.u32 $0xFFE00, v20  }
0x74: {  	[tilespmem:v22+s19+$0x0] =	vst.idx.add.f32.msk $0xffff, v25;
	v25 =	vshrl.u32 v24, $0xC;
	v11 =	vor.u32 v11, v12;
	v14 =	vmul.f32 v13, v6  }
0x75: {  	s23 =	simm.s32 $0x12C50;
	v12 =	vor.u32 $0x80, v16;
	v13 =	vor.u32 $0x100, v11;
	v20 =	vld.idx.msk [tilespmem:v15+s3+$0x0], $0xffff;
	v27 =	vand.u32 $0xFFFF0000, v26  }
0x76: {  	s25 =	simm.s32 $0xED70;
	s24 =	simm.s32 $0x4;
	v18 =	vld [tilespmem:s23+$0x0];
	v10 =	vor.u32 $0x80, v11;
	v22 =	vshll.u32 v26, $0x10;
	v24 =	vmul.f32 v27, v9  }
.LBB2_11:
0x77: {  	v26 =	vld [tilespmem:s25+$0x0];
	v23 =	vand.u32 $0x7F, v23;
	v25 =	vand.u32 $0xFFE00, v25;
	v9 =	vmul.f32 v22, v9  }
0x78: {  	v22 =	vor.u32 v23, v25;
	[tilespmem:v21+s19+$0x0] =	vst.idx.add.f32.msk $0xffff, v24;
	v21 =	vand.u32 $0xFFFF0000, v17;
	v17 =	vshll.u32 v17, $0x10  }
0x79: {  	v23 =	vor.u32 $0x100, v22;
	[tilespmem:v19+s19+$0x0] =	vst.idx.add.f32.msk $0xffff, v9;
	v19 =	vmul.f32 v21, v1;
	v24 =	vmul.f32 v17, v1  }
0x7a: {  	s24 =	sadd.s32 $0x2, s24;
	v25 =	vor.u32 $0x180, v11;
	v28 =	vand.u32 $0xFFFF0000, v20;
	v21 =	vor.u32 $0x80, v15;
	v1 =	vmovc v6;
	v17 =	vld [tilespmem:s25+$0xFFFFFFF0]  }
0x7b: {  	p0 =	slt.u32 s24, $0x1F2;
	v15 =	vshll.u32 v20, $0x10;
	v27 =	vld.idx.msk [tilespmem:v16+s3+$0x0], $0xffff;
	v16 =	vmul.f32 v28, v18;
	v9 =	vmov v18  }
0x7c: {  	v6 =	vld [tilespmem:s23+$0xFFFFFFF0];
	v15 =	vmul.f32 v15, v9  }
0x7d: {  	v18 =	vshll.u32 v26, $0x1;
	[tilespmem:v22+s19+$0x0] =	vst.idx.add.f32.msk $0xffff, v16  }
0x7e: {  	v16 =	vand.u32 $0x7F, v26;
	v18 =	vand.u32 $0x7F00, v18;
	[tilespmem:v23+s19+$0x0] =	vst.idx.add.f32.msk $0xffff, v15  }
0x7f: {  	v15 =	vor.u32 v16, v18;
	v20 =	vand.u32 $0x7F, v17;
	v23 =	vshll.u32 v17, $0x1;
	v28 =	vld.idx.msk [tilespmem:v21+s3+$0x0], $0xffff  }
0x80: {  	v18 =	vshrl.u32 v17, $0xE;
	v21 =	vshrl.u32 v17, $0xC;
	v16 =	vand.u32 $0x7F00, v23;
	[tilespmem:v7+s19+$0x0] =	vst.idx.add.f32.msk $0xffff, v14;
	v7 =	vmovc v13  }
0x81: {  	v13 =	vand.u32 $0xFFFF0000, v27;
	v14 =	vshll.u32 v27, $0x10;
	v16 =	vor.u32 v20, v16;
	v17 =	vld.idx.msk [tilespmem:v8+s3+$0x0], $0xffff;
	v8 =	vmovc v12  }
.Ltmp4:
0x82: {  	v12 =	vand.u32 $0x7F, v18;
	v18 =	vand.u32 $0xFFE00, v21;
	v27 =	vmul.f32 v13, v6;
	[tilespmem:v2+s19+$0x0] =	vst.idx.add.f32.msk $0xffff, v19;
	v2 =	vmovc v5;
	(pc) =	sbr.rel @p0 .LBB2_11-.Ltmp4, $4  }
0x83: {  	v14 =	vmul.f32 v14, v6;
	v21 =	vor.u32 $0x80, v22;
	v18 =	vor.u32 v12, v18;
	[tilespmem:v3+s19+$0x0] =	vst.idx.add.f32.msk $0xffff, v24  }
0x84: {  	v12 =	vor.u32 $0x80, v16;
	v19 =	vor.u32 $0x180, v22;
	v13 =	vor.u32 $0x100, v18;
	v3 =	vmovc v4;
	v4 =	vmovc v25;
	v20 =	vld.idx.msk [tilespmem:v15+s3+$0x0], $0xffff  }
0x85: {  	s23 =	sadd.s32 $0x20, s23;
	v23 =	vshrl.u32 v26, $0xE;
	v5 =	vmovc v10;
	v10 =	vor.u32 $0x80, v18;
	v24 =	vand.u32 $0xFFFF0000, v28;
	[tilespmem:v11+s19+$0x0] =	vst.idx.add.f32.msk $0xffff, v27;
	v11 =	vmovc v18  }
0x86: {  	s25 =	sadd.s32 $0x20, s25;
	v25 =	vshrl.u32 v26, $0xC;
	v22 =	vshll.u32 v28, $0x10;
	v24 =	vmul.f32 v24, v9;
	v18 =	vld [tilespmem:s23+$0x0]  }
0x87: {  	_ =	sdelay $0x1  }
0x88: {  	v23 =	vand.u32 $0x7F, v23;
	v25 =	vand.u32 $0xFFE00, v25  }
0x89: {  	v23 =	vor.u32 v23, v25  }
0x8a: {  	v16 =	vld.idx.msk [tilespmem:v16+s3+$0x0], $0xffff;
	v25 =	vor.u32 $0x100, v23  }
0x8b: {  	v15 =	vor.u32 $0x80, v15;
	v27 =	vld [tilespmem:s23+$0xFFFFFFF0];
	v26 =	vand.u32 $0xFFFF0000, v20  }
0x8c: {  	[tilespmem:v7+s19+$0x0] =	vst.idx.add.f32.msk $0xffff, v14;
	v20 =	vshll.u32 v20, $0x10;
	v26 =	vmul.f32 v26, v18  }
0x8d: {  	[tilespmem:v21+s19+$0x0] =	vst.idx.add.f32.msk $0xffff, v24;
	v20 =	vmul.f32 v20, v18  }
0x8e: {  	[tilespmem:v23+s19+$0x0] =	vst.idx.add.f32.msk $0xffff, v26  }
0x8f: {  	[tilespmem:v25+s19+$0x0] =	vst.idx.add.f32.msk $0xffff, v20;
	v20 =	vand.u32 $0xFFFF0000, v16  }
0x90: {  	v7 =	vshll.u32 v16, $0x10;
	v15 =	vld.idx.msk [tilespmem:v15+s3+$0x0], $0xffff;
	v14 =	vmul.f32 v20, v27  }
0x91: {  	v8 =	vld.idx.msk [tilespmem:v8+s3+$0x0], $0xffff;
	v7 =	vmul.f32 v7, v27  }
0x92: {  	[tilespmem:v11+s19+$0x0] =	vst.idx.add.f32.msk $0xffff, v14  }
0x93: {  	v9 =	vmul.f32 v22, v9;
	v16 =	vor.u32 $0x80, v23;
	v14 =	vand.u32 $0xFFFF0000, v17;
	[tilespmem:v13+s19+$0x0] =	vst.idx.add.f32.msk $0xffff, v7  }
0x94: {  	v7 =	vshll.u32 v17, $0x10;
	v13 =	vmul.f32 v14, v1;
	v14 =	vor.u32 $0x180, v23;
	v12 =	vld.idx.msk [tilespmem:v12+s3+$0x0], $0xffff  }
0x95: {  	[tilespmem:v19+s19+$0x0] =	vst.idx.add.f32.msk $0xffff, v9;
	v1 =	vmul.f32 v7, v1;
	v7 =	vand.u32 $0xFFFF0000, v15  }
0x96: {  	[tilespmem:v2+s19+$0x0] =	vst.idx.add.f32.msk $0xffff, v13;
	v2 =	vshll.u32 v15, $0x10;
	v7 =	vmul.f32 v7, v18  }
0x97: {  	[tilespmem:v3+s19+$0x0] =	vst.idx.add.f32.msk $0xffff, v1;
	v1 =	vmul.f32 v2, v18;
	v2 =	vand.u32 $0xFFFF0000, v8  }
0x98: {  	v3 =	vor.u32 $0x180, v11;
	v2 =	vmul.f32 v2, v6;
	[tilespmem:v16+s19+$0x0] =	vst.idx.add.f32.msk $0xffff, v7;
	v7 =	vshll.u32 v8, $0x10  }
0x99: {  	s25 =	smul.u32 $0x3E80, s22;
	[tilespmem:v14+s19+$0x0] =	vst.idx.add.f32.msk $0xffff, v1;
	v1 =	vmul.f32 v7, v6;
	v6 =	vand.u32 $0xFFFF0000, v12  }
0x9a: {  	[tilespmem:v5+s19+$0x0] =	vst.idx.add.f32.msk $0xffff, v2;
	v2 =	vshll.u32 v12, $0x10;
	v5 =	vmul.f32 v6, v27  }
0x9b: {  	s23 =	sshrl.u32 s25, $0x3;
	[tilespmem:v4+s19+$0x0] =	vst.idx.add.f32.msk $0xffff, v1;
	v1 =	vmul.f32 v2, v27  }
0x9c: {  	s24 =	sadd.s32 $0x7D0, s23;
	[tilespmem:v10+s19+$0x0] =	vst.idx.add.f32.msk $0xffff, v5  }
0x9d: {  	s25 =	sadd.s32 s4, s24;
	[tilespmem:v3+s19+$0x0] =	vst.idx.add.f32.msk $0xffff, v1  }
0x9e: {  	[tilespmem:s11], [sflag:$0x1] =	stream.linear.gather [hbm4b:s25+s3], $0x1F40, $0x38;
	[tilespmem:$0x16B00] =	vst v63  }
0x9f: {  	s24 =	sadd.s32 s1, s24  }
0xa0: {  	[tilespmem:s12], [sflag:$0x1] =	stream.linear.gather [hbm4b:s24+s3], $0x1F40, $0x38;
	[tilespmem:$0x16B00] =	vst v63  }
0xa1: {  	_ =	swait.ge [sflag:s20], $0x1F40  }
0xa2: {  	[sflag:s20] =	ssyncset.done $0x0  }
0xa3: {  	[sflag:s20] =	ssyncadd.s32 $0xFFFFE0C0  }
0xa4: {  	_ =	swait.ge [sflag:s20], $0x1F40  }
0xa5: {  	[sflag:s20] =	ssyncset.done $0x0  }
0xa6: {  	s26 =	simm.s32 $0x10C90;
	[sflag:s20] =	ssyncadd.s32 $0xFFFFE0C0  }
0xa7: {  	v1 =	vld [tilespmem:s26+$0x0];
	_ =	sdelay $0x4  }
0xa8: {  	v2 =	vshll.u32 v1, $0x1  }
0xa9: {  	v4 =	vld [tilespmem:s26+$0xFFFFFFF0];
	v3 =	vand.u32 $0x7F, v1;
	v2 =	vand.u32 $0x7F00, v2  }
0xaa: {  	v2 =	vor.u32 v3, v2;
	_ =	sdelay $0x2  }
0xab: {  	s28 =	simm.s32 $0x14B90  }
0xac: {  	v10 =	vld [tilespmem:s28+$0x0];
	v3 =	vshll.u32 v4, $0x1  }
0xad: {  	s29 =	simm.s32 $0x10CB0;
	v6 =	vand.u32 $0x7F, v4;
	v3 =	vand.u32 $0x7F00, v3;
	v5 =	vld.idx.msk [tilespmem:v2+s3+$0x0], $0xffff  }
0xae: {  	v7 =	vld [tilespmem:s29+$0x0];
	v3 =	vor.u32 v6, v3;
	v6 =	vshrl.u32 v1, $0xE;
	v1 =	vshrl.u32 v1, $0xC  }
0xaf: {  	v6 =	vand.u32 $0x7F, v6;
	v1 =	vand.u32 $0xFFE00, v1  }
0xb0: {  	v8 =	vshrl.u32 v4, $0xE;
	v4 =	vshrl.u32 v4, $0xC;
	v6 =	vor.u32 v6, v1  }
0xb1: {  	v9 =	vld [tilespmem:s29+$0xFFFFFFF0];
	v4 =	vand.u32 $0xFFE00, v4;
	v1 =	vand.u32 $0x7F, v8;
	v8 =	vor.u32 $0x100, v6  }
0xb2: {  	v11 =	vor.u32 $0x80, v2;
	v4 =	vor.u32 v1, v4;
	v1 =	vand.u32 $0xFFFF0000, v5  }
0xb3: {  	v13 =	vshll.u32 v7, $0x1;
	v12 =	vld.idx.msk [tilespmem:v3+s3+$0x0], $0xffff;
	v2 =	vshll.u32 v5, $0x10;
	v5 =	vmul.f32 v1, v10  }
0xb4: {  	v13 =	vand.u32 $0x7F00, v13;
	v1 =	vld [tilespmem:s28+$0xFFFFFFF0];
	v14 =	vmul.f32 v2, v10;
	v2 =	vand.u32 $0x7F, v7  }
0xb5: {  	v18 =	vor.u32 $0x80, v3;
	v13 =	vor.u32 v2, v13;
	[tilespmem:v6+s19+$0x0] =	vst.idx.add.f32.msk $0xffff, v5  }
0xb6: {  	v17 =	vor.u32 $0x100, v4;
	v3 =	vor.u32 $0x180, v4;
	v5 =	vshll.u32 v9, $0x1;
	[tilespmem:v8+s19+$0x0] =	vst.idx.add.f32.msk $0xffff, v14  }
0xb7: {  	v8 =	vand.u32 $0x7F, v9;
	v14 =	vshrl.u32 v9, $0xE;
	v5 =	vand.u32 $0x7F00, v5;
	v11 =	vld.idx.msk [tilespmem:v11+s3+$0x0], $0xffff  }
0xb8: {  	s31 =	simm.s32 $0x10CD0;
	v9 =	vshrl.u32 v9, $0xC;
	v15 =	vor.u32 v8, v5;
	v5 =	vand.u32 $0xFFFF0000, v12  }
0xb9: {  	v24 =	vld [tilespmem:s31+$0x0];
	v8 =	vshll.u32 v12, $0x10;
	v12 =	vand.u32 $0x7F, v14;
	v9 =	vand.u32 $0xFFE00, v9  }
0xba: {  	s30 =	simm.s32 $0x14BB0;
	v5 =	vmul.f32 v5, v1;
	v22 =	vor.u32 v12, v9;
	v12 =	vor.u32 $0x80, v6;
	v14 =	vld.idx.msk [tilespmem:v13+s3+$0x0], $0xffff  }
0xbb: {  	v19 =	vmul.f32 v8, v1;
	v8 =	vshrl.u32 v7, $0xE;
	v9 =	vld [tilespmem:s30+$0x0];
	v7 =	vshrl.u32 v7, $0xC  }
0xbc: {  	v21 =	vld [tilespmem:s31+$0xFFFFFFF0];
	v8 =	vand.u32 $0x7F, v8;
	v20 =	vand.u32 $0xFFE00, v7;
	v16 =	vand.u32 $0xFFFF0000, v11  }
0xbd: {  	v2 =	vor.u32 $0x80, v4;
	[tilespmem:v4+s19+$0x0] =	vst.idx.add.f32.msk $0xffff, v5;
	v23 =	vor.u32 v8, v20;
	v4 =	vmul.f32 v16, v10  }
0xbe: {  	v16 =	vor.u32 $0x180, v6;
	v6 =	vshll.u32 v11, $0x10;
	v11 =	vld.idx.msk [tilespmem:v15+s3+$0x0], $0xffff  }
0xbf: {  	v20 =	vor.u32 $0x100, v23;
	v10 =	vmul.f32 v6, v10;
	[tilespmem:v12+s19+$0x0] =	vst.idx.add.f32.msk $0xffff, v4;
	v4 =	vand.u32 $0xFFFF0000, v14  }
0xc0: {  	v6 =	vld [tilespmem:s30+$0xFFFFFFF0];
	v12 =	vor.u32 $0x80, v13;
	v13 =	vshll.u32 v14, $0x10;
	v14 =	vmul.f32 v4, v9  }
0xc1: {  	v7 =	vor.u32 $0x100, v22;
	v8 =	vor.u32 $0x80, v15;
	[tilespmem:v17+s19+$0x0] =	vst.idx.add.f32.msk $0xffff, v19  }
0xc2: {  	v5 =	vor.u32 $0x80, v22;
	v15 =	vshll.u32 v24, $0x1;
	v13 =	vmul.f32 v13, v9;
	[tilespmem:v23+s19+$0x0] =	vst.idx.add.f32.msk $0xffff, v14  }
0xc3: {  	v19 =	vor.u32 $0x180, v23;
	v15 =	vand.u32 $0x7F00, v15;
	v4 =	vor.u32 $0x180, v22;
	[tilespmem:v16+s19+$0x0] =	vst.idx.add.f32.msk $0xffff, v10  }
0xc4: {  	v14 =	vand.u32 $0x7F, v24;
	v10 =	vand.u32 $0xFFFF0000, v11;
	[tilespmem:v20+s19+$0x0] =	vst.idx.add.f32.msk $0xffff, v13;
	v13 =	vand.u32 $0x7F, v21  }
0xc5: {  	v20 =	vshll.u32 v21, $0x1;
	v15 =	vor.u32 v14, v15;
	v25 =	vmul.f32 v10, v6;
	v26 =	vld.idx.msk [tilespmem:v12+s3+$0x0], $0xffff  }
0xc6: {  	v12 =	vshrl.u32 v21, $0xE;
	v14 =	vand.u32 $0x7F00, v20;
	v20 =	vshrl.u32 v21, $0xC  }
0xc7: {  	v21 =	vor.u32 $0x80, v23;
	v23 =	vshrl.u32 v24, $0xE;
	v16 =	vor.u32 v13, v14  }
0xc8: {  	v17 =	vld.idx.msk [tilespmem:v18+s3+$0x0], $0xffff;
	v13 =	vshll.u32 v11, $0x10;
	v11 =	vand.u32 $0x7F, v12;
	v12 =	vand.u32 $0xFFE00, v20  }
0xc9: {  	[tilespmem:v22+s19+$0x0] =	vst.idx.add.f32.msk $0xffff, v25;
	v25 =	vshrl.u32 v24, $0xC;
	v11 =	vor.u32 v11, v12;
	v14 =	vmul.f32 v13, v6  }
0xca: {  	s24 =	simm.s32 $0x14BD0;
	v12 =	vor.u32 $0x80, v16;
	v13 =	vor.u32 $0x100, v11;
	v20 =	vld.idx.msk [tilespmem:v15+s3+$0x0], $0xffff;
	v27 =	vand.u32 $0xFFFF0000, v26  }
0xcb: {  	s25 =	simm.s32 $0x4;
	s26 =	simm.s32 $0x10CF0;
	v18 =	vld [tilespmem:s24+$0x0];
	v10 =	vor.u32 $0x80, v11;
	v22 =	vshll.u32 v26, $0x10;
	v24 =	vmul.f32 v27, v9  }
.LBB2_13:
0xcc: {  	v26 =	vld [tilespmem:s26+$0x0];
	v23 =	vand.u32 $0x7F, v23;
	v25 =	vand.u32 $0xFFE00, v25;
	v9 =	vmul.f32 v22, v9  }
0xcd: {  	v22 =	vor.u32 v23, v25;
	[tilespmem:v21+s19+$0x0] =	vst.idx.add.f32.msk $0xffff, v24;
	v21 =	vand.u32 $0xFFFF0000, v17;
	v17 =	vshll.u32 v17, $0x10  }
0xce: {  	v23 =	vor.u32 $0x100, v22;
	[tilespmem:v19+s19+$0x0] =	vst.idx.add.f32.msk $0xffff, v9;
	v19 =	vmul.f32 v21, v1;
	v24 =	vmul.f32 v17, v1  }
0xcf: {  	s25 =	sadd.s32 $0x2, s25;
	v25 =	vor.u32 $0x180, v11;
	v28 =	vand.u32 $0xFFFF0000, v20;
	v21 =	vor.u32 $0x80, v15;
	v1 =	vmovc v6;
	v17 =	vld [tilespmem:s26+$0xFFFFFFF0]  }
0xd0: {  	p0 =	slt.u32 s25, $0x1F2;
	v15 =	vshll.u32 v20, $0x10;
	v27 =	vld.idx.msk [tilespmem:v16+s3+$0x0], $0xffff;
	v16 =	vmul.f32 v28, v18;
	v9 =	vmov v18  }
0xd1: {  	v6 =	vld [tilespmem:s24+$0xFFFFFFF0];
	v15 =	vmul.f32 v15, v9  }
0xd2: {  	v18 =	vshll.u32 v26, $0x1;
	[tilespmem:v22+s19+$0x0] =	vst.idx.add.f32.msk $0xffff, v16  }
0xd3: {  	v16 =	vand.u32 $0x7F, v26;
	v18 =	vand.u32 $0x7F00, v18;
	[tilespmem:v23+s19+$0x0] =	vst.idx.add.f32.msk $0xffff, v15  }
0xd4: {  	v15 =	vor.u32 v16, v18;
	v20 =	vand.u32 $0x7F, v17;
	v23 =	vshll.u32 v17, $0x1;
	v28 =	vld.idx.msk [tilespmem:v21+s3+$0x0], $0xffff  }
0xd5: {  	v18 =	vshrl.u32 v17, $0xE;
	v21 =	vshrl.u32 v17, $0xC;
	v16 =	vand.u32 $0x7F00, v23;
	[tilespmem:v7+s19+$0x0] =	vst.idx.add.f32.msk $0xffff, v14;
	v7 =	vmovc v13  }
0xd6: {  	v13 =	vand.u32 $0xFFFF0000, v27;
	v14 =	vshll.u32 v27, $0x10;
	v16 =	vor.u32 v20, v16;
	v17 =	vld.idx.msk [tilespmem:v8+s3+$0x0], $0xffff;
	v8 =	vmovc v12  }
.Ltmp5:
0xd7: {  	v12 =	vand.u32 $0x7F, v18;
	v18 =	vand.u32 $0xFFE00, v21;
	v27 =	vmul.f32 v13, v6;
	[tilespmem:v2+s19+$0x0] =	vst.idx.add.f32.msk $0xffff, v19;
	v2 =	vmovc v5;
	(pc) =	sbr.rel @p0 .LBB2_13-.Ltmp5, $4  }
0xd8: {  	v14 =	vmul.f32 v14, v6;
	v21 =	vor.u32 $0x80, v22;
	v18 =	vor.u32 v12, v18;
	[tilespmem:v3+s19+$0x0] =	vst.idx.add.f32.msk $0xffff, v24  }
0xd9: {  	v12 =	vor.u32 $0x80, v16;
	v19 =	vor.u32 $0x180, v22;
	v13 =	vor.u32 $0x100, v18;
	v3 =	vmovc v4;
	v4 =	vmovc v25;
	v20 =	vld.idx.msk [tilespmem:v15+s3+$0x0], $0xffff  }
0xda: {  	s24 =	sadd.s32 $0x20, s24;
	v23 =	vshrl.u32 v26, $0xE;
	v5 =	vmovc v10;
	v10 =	vor.u32 $0x80, v18;
	v24 =	vand.u32 $0xFFFF0000, v28;
	[tilespmem:v11+s19+$0x0] =	vst.idx.add.f32.msk $0xffff, v27;
	v11 =	vmovc v18  }
0xdb: {  	s26 =	sadd.s32 $0x20, s26;
	v25 =	vshrl.u32 v26, $0xC;
	v22 =	vshll.u32 v28, $0x10;
	v24 =	vmul.f32 v24, v9;
	v18 =	vld [tilespmem:s24+$0x0]  }
0xdc: {  	_ =	sdelay $0x1  }
0xdd: {  	v23 =	vand.u32 $0x7F, v23;
	v25 =	vand.u32 $0xFFE00, v25  }
0xde: {  	v23 =	vor.u32 v23, v25  }
0xdf: {  	v16 =	vld.idx.msk [tilespmem:v16+s3+$0x0], $0xffff;
	v25 =	vor.u32 $0x100, v23  }
0xe0: {  	v15 =	vor.u32 $0x80, v15;
	v27 =	vld [tilespmem:s24+$0xFFFFFFF0];
	v26 =	vand.u32 $0xFFFF0000, v20  }
0xe1: {  	[tilespmem:v7+s19+$0x0] =	vst.idx.add.f32.msk $0xffff, v14;
	v51 =	vshll.u32 v20, $0x10;
	v26 =	vmul.f32 v26, v18  }
0xe2: {  	[tilespmem:v21+s19+$0x0] =	vst.idx.add.f32.msk $0xffff, v24;
	v20 =	vmul.f32 v51, v18  }
0xe3: {  	[tilespmem:v23+s19+$0x0] =	vst.idx.add.f32.msk $0xffff, v26  }
0xe4: {  	v52 =	vand.u32 $0xFFFF0000, v16;
	[tilespmem:v25+s19+$0x0] =	vst.idx.add.f32.msk $0xffff, v20  }
0xe5: {  	v53 =	vshll.u32 v16, $0x10;
	v54 =	vmul.f32 v52, v27;
	v15 =	vld.idx.msk [tilespmem:v15+s3+$0x0], $0xffff  }
0xe6: {  	v8 =	vld.idx.msk [tilespmem:v8+s3+$0x0], $0xffff;
	v7 =	vmul.f32 v53, v27  }
0xe7: {  	[tilespmem:v11+s19+$0x0] =	vst.idx.add.f32.msk $0xffff, v54  }
0xe8: {  	v9 =	vmul.f32 v22, v9;
	v55 =	vand.u32 $0xFFFF0000, v17;
	v56 =	vor.u32 $0x80, v23;
	[tilespmem:v13+s19+$0x0] =	vst.idx.add.f32.msk $0xffff, v7  }
0xe9: {  	v57 =	vshll.u32 v17, $0x10;
	v58 =	vmul.f32 v55, v1;
	v59 =	vor.u32 $0x180, v23;
	v12 =	vld.idx.msk [tilespmem:v12+s3+$0x0], $0xffff  }
0xea: {  	v1 =	vmul.f32 v57, v1;
	[tilespmem:v19+s19+$0x0] =	vst.idx.add.f32.msk $0xffff, v9;
	v60 =	vand.u32 $0xFFFF0000, v15  }
0xeb: {  	[tilespmem:v2+s19+$0x0] =	vst.idx.add.f32.msk $0xffff, v58;
	v2 =	vshll.u32 v15, $0x10;
	v7 =	vmul.f32 v60, v18  }
0xec: {  	[tilespmem:v3+s19+$0x0] =	vst.idx.add.f32.msk $0xffff, v1;
	v1 =	vmul.f32 v2, v18;
	v2 =	vand.u32 $0xFFFF0000, v8  }
0xed: {  	v3 =	vor.u32 $0x180, v11;
	v61 =	vshll.u32 v8, $0x10;
	v2 =	vmul.f32 v2, v6;
	[tilespmem:v56+s19+$0x0] =	vst.idx.add.f32.msk $0xffff, v7  }
0xee: {  	v62 =	vand.u32 $0xFFFF0000, v12;
	[tilespmem:v59+s19+$0x0] =	vst.idx.add.f32.msk $0xffff, v1;
	v1 =	vmul.f32 v61, v6  }
0xef: {  	s22 =	sadd.s32 $0x1, s22;
	v63 =	vmul.f32 v62, v27;
	[tilespmem:v5+s19+$0x0] =	vst.idx.add.f32.msk $0xffff, v2;
	v2 =	vshll.u32 v12, $0x10  }
0xf0: {  	p0 =	sne.s32 s22, $0x13;
	[tilespmem:v4+s19+$0x0] =	vst.idx.add.f32.msk $0xffff, v1;
	v1 =	vmul.f32 v2, v27  }
.Ltmp6:
0xf1: {  	s23 =	sadd.s32 $0xBB8, s23;
	[tilespmem:v10+s19+$0x0] =	vst.idx.add.f32.msk $0xffff, v63;
	(pc) =	sbr.rel @p0 .LBB2_10-.Ltmp6, $4  }
0xf2: {  	s31 =	sadd.s32 s4, s23;
	[tilespmem:v3+s19+$0x0] =	vst.idx.add.f32.msk $0xffff, v1  }
0xf3: {  	[tilespmem:s13], [sflag:$0x2] =	stream.linear.gather [hbm4b:s31+s3], $0x1F40, $0x38;
	[tilespmem:$0x16B00] =	vst v63  }
0xf4: {  	s23 =	sadd.s32 s1, s23  }
0xf5: {  	[tilespmem:s14], [sflag:$0x2] =	stream.linear.gather [hbm4b:s23+s3], $0x1F40, $0x38;
	[tilespmem:$0x16B00] =	vst v63  }
0xf6: {  	_ =	swait.ge [sflag:s18], $0x1F40  }
0xf7: {  	[sflag:s18] =	ssyncset.done $0x0  }
0xf8: {  	[sflag:s18] =	ssyncadd.s32 $0xFFFFE0C0  }
0xf9: {  	_ =	swait.ge [sflag:s18], $0x1F40  }
0xfa: {  	[sflag:s18] =	ssyncset.done $0x0  }
0xfb: {  	s22 =	simm.s32 $0xED10;
	[sflag:s18] =	ssyncadd.s32 $0xFFFFE0C0  }
0xfc: {  	v1 =	vld [tilespmem:s22+$0x0];
	_ =	sdelay $0x4  }
0xfd: {  	v2 =	vshll.u32 v1, $0x1  }
0xfe: {  	v4 =	vld [tilespmem:s22+$0xFFFFFFF0];
	v3 =	vand.u32 $0x7F, v1;
	v2 =	vand.u32 $0x7F00, v2  }
0xff: {  	v2 =	vor.u32 v3, v2;
	_ =	sdelay $0x2  }
0x100: {  	s29 =	simm.s32 $0x12C10  }
0x101: {  	v10 =	vld [tilespmem:s29+$0x0];
	v3 =	vshll.u32 v4, $0x1  }
0x102: {  	s23 =	simm.s32 $0xED30;
	v6 =	vand.u32 $0x7F, v4;
	v3 =	vand.u32 $0x7F00, v3;
	v5 =	vld.idx.msk [tilespmem:v2+s3+$0x0], $0xffff  }
0x103: {  	v7 =	vld [tilespmem:s23+$0x0];
	v3 =	vor.u32 v6, v3;
	v6 =	vshrl.u32 v1, $0xE;
	v1 =	vshrl.u32 v1, $0xC  }
0x104: {  	v6 =	vand.u32 $0x7F, v6;
	v1 =	vand.u32 $0xFFE00, v1  }
0x105: {  	v8 =	vshrl.u32 v4, $0xE;
	v4 =	vshrl.u32 v4, $0xC;
	v6 =	vor.u32 v6, v1  }
0x106: {  	v9 =	vld [tilespmem:s23+$0xFFFFFFF0];
	v4 =	vand.u32 $0xFFE00, v4;
	v1 =	vand.u32 $0x7F, v8;
	v8 =	vor.u32 $0x100, v6  }
0x107: {  	v11 =	vor.u32 $0x80, v2;
	v4 =	vor.u32 v1, v4;
	v1 =	vand.u32 $0xFFFF0000, v5  }
0x108: {  	v13 =	vshll.u32 v7, $0x1;
	v12 =	vld.idx.msk [tilespmem:v3+s3+$0x0], $0xffff;
	v2 =	vshll.u32 v5, $0x10;
	v5 =	vmul.f32 v1, v10  }
0x109: {  	v13 =	vand.u32 $0x7F00, v13;
	v1 =	vld [tilespmem:s29+$0xFFFFFFF0];
	v14 =	vmul.f32 v2, v10;
	v2 =	vand.u32 $0x7F, v7  }
0x10a: {  	v18 =	vor.u32 $0x80, v3;
	v13 =	vor.u32 v2, v13;
	[tilespmem:v6+s19+$0x0] =	vst.idx.add.f32.msk $0xffff, v5  }
0x10b: {  	v17 =	vor.u32 $0x100, v4;
	v3 =	vor.u32 $0x180, v4;
	v5 =	vshll.u32 v9, $0x1;
	[tilespmem:v8+s19+$0x0] =	vst.idx.add.f32.msk $0xffff, v14  }
0x10c: {  	v8 =	vand.u32 $0x7F, v9;
	v14 =	vshrl.u32 v9, $0xE;
	v5 =	vand.u32 $0x7F00, v5;
	v11 =	vld.idx.msk [tilespmem:v11+s3+$0x0], $0xffff  }
0x10d: {  	s31 =	simm.s32 $0xED50;
	v9 =	vshrl.u32 v9, $0xC;
	v15 =	vor.u32 v8, v5;
	v5 =	vand.u32 $0xFFFF0000, v12  }
0x10e: {  	v24 =	vld [tilespmem:s31+$0x0];
	v8 =	vshll.u32 v12, $0x10;
	v12 =	vand.u32 $0x7F, v14;
	v9 =	vand.u32 $0xFFE00, v9  }
0x10f: {  	s30 =	simm.s32 $0x12C30;
	v5 =	vmul.f32 v5, v1;
	v22 =	vor.u32 v12, v9;
	v12 =	vor.u32 $0x80, v6;
	v14 =	vld.idx.msk [tilespmem:v13+s3+$0x0], $0xffff  }
0x110: {  	v19 =	vmul.f32 v8, v1;
	v8 =	vshrl.u32 v7, $0xE;
	v9 =	vld [tilespmem:s30+$0x0];
	v7 =	vshrl.u32 v7, $0xC  }
0x111: {  	v21 =	vld [tilespmem:s31+$0xFFFFFFF0];
	v8 =	vand.u32 $0x7F, v8;
	v20 =	vand.u32 $0xFFE00, v7;
	v16 =	vand.u32 $0xFFFF0000, v11  }
0x112: {  	v2 =	vor.u32 $0x80, v4;
	[tilespmem:v4+s19+$0x0] =	vst.idx.add.f32.msk $0xffff, v5;
	v23 =	vor.u32 v8, v20;
	v4 =	vmul.f32 v16, v10  }
0x113: {  	v16 =	vor.u32 $0x180, v6;
	v6 =	vshll.u32 v11, $0x10;
	v11 =	vld.idx.msk [tilespmem:v15+s3+$0x0], $0xffff  }
0x114: {  	v20 =	vor.u32 $0x100, v23;
	v10 =	vmul.f32 v6, v10;
	[tilespmem:v12+s19+$0x0] =	vst.idx.add.f32.msk $0xffff, v4;
	v4 =	vand.u32 $0xFFFF0000, v14  }
0x115: {  	v6 =	vld [tilespmem:s30+$0xFFFFFFF0];
	v12 =	vor.u32 $0x80, v13;
	v13 =	vshll.u32 v14, $0x10;
	v14 =	vmul.f32 v4, v9  }
0x116: {  	v7 =	vor.u32 $0x100, v22;
	v8 =	vor.u32 $0x80, v15;
	[tilespmem:v17+s19+$0x0] =	vst.idx.add.f32.msk $0xffff, v19  }
0x117: {  	v5 =	vor.u32 $0x80, v22;
	v15 =	vshll.u32 v24, $0x1;
	v13 =	vmul.f32 v13, v9;
	[tilespmem:v23+s19+$0x0] =	vst.idx.add.f32.msk $0xffff, v14  }
0x118: {  	v19 =	vor.u32 $0x180, v23;
	v15 =	vand.u32 $0x7F00, v15;
	v4 =	vor.u32 $0x180, v22;
	[tilespmem:v16+s19+$0x0] =	vst.idx.add.f32.msk $0xffff, v10  }
0x119: {  	v14 =	vand.u32 $0x7F, v24;
	v10 =	vand.u32 $0xFFFF0000, v11;
	[tilespmem:v20+s19+$0x0] =	vst.idx.add.f32.msk $0xffff, v13;
	v13 =	vand.u32 $0x7F, v21  }
0x11a: {  	v20 =	vshll.u32 v21, $0x1;
	v15 =	vor.u32 v14, v15;
	v25 =	vmul.f32 v10, v6;
	v26 =	vld.idx.msk [tilespmem:v12+s3+$0x0], $0xffff  }
0x11b: {  	v12 =	vshrl.u32 v21, $0xE;
	v14 =	vand.u32 $0x7F00, v20;
	v20 =	vshrl.u32 v21, $0xC  }
0x11c: {  	v21 =	vor.u32 $0x80, v23;
	v23 =	vshrl.u32 v24, $0xE;
	v16 =	vor.u32 v13, v14  }
0x11d: {  	v17 =	vld.idx.msk [tilespmem:v18+s3+$0x0], $0xffff;
	v13 =	vshll.u32 v11, $0x10;
	v11 =	vand.u32 $0x7F, v12;
	v12 =	vand.u32 $0xFFE00, v20  }
0x11e: {  	[tilespmem:v22+s19+$0x0] =	vst.idx.add.f32.msk $0xffff, v25;
	v25 =	vshrl.u32 v24, $0xC;
	v11 =	vor.u32 v11, v12;
	v14 =	vmul.f32 v13, v6  }
0x11f: {  	s22 =	simm.s32 $0x12C50;
	v12 =	vor.u32 $0x80, v16;
	v13 =	vor.u32 $0x100, v11;
	v20 =	vld.idx.msk [tilespmem:v15+s3+$0x0], $0xffff;
	v27 =	vand.u32 $0xFFFF0000, v26  }
0x120: {  	s24 =	simm.s32 $0xED70;
	s23 =	simm.s32 $0x4;
	v18 =	vld [tilespmem:s22+$0x0];
	v10 =	vor.u32 $0x80, v11;
	v22 =	vshll.u32 v26, $0x10;
	v24 =	vmul.f32 v27, v9  }
.LBB2_16:
0x121: {  	v26 =	vld [tilespmem:s24+$0x0];
	v23 =	vand.u32 $0x7F, v23;
	v25 =	vand.u32 $0xFFE00, v25;
	v9 =	vmul.f32 v22, v9  }
0x122: {  	v22 =	vor.u32 v23, v25;
	[tilespmem:v21+s19+$0x0] =	vst.idx.add.f32.msk $0xffff, v24;
	v21 =	vand.u32 $0xFFFF0000, v17;
	v17 =	vshll.u32 v17, $0x10  }
0x123: {  	v23 =	vor.u32 $0x100, v22;
	[tilespmem:v19+s19+$0x0] =	vst.idx.add.f32.msk $0xffff, v9;
	v19 =	vmul.f32 v21, v1;
	v24 =	vmul.f32 v17, v1  }
0x124: {  	s23 =	sadd.s32 $0x2, s23;
	v25 =	vor.u32 $0x180, v11;
	v28 =	vand.u32 $0xFFFF0000, v20;
	v21 =	vor.u32 $0x80, v15;
	v1 =	vmovc v6;
	v17 =	vld [tilespmem:s24+$0xFFFFFFF0]  }
0x125: {  	p0 =	slt.u32 s23, $0x1F2;
	v15 =	vshll.u32 v20, $0x10;
	v27 =	vld.idx.msk [tilespmem:v16+s3+$0x0], $0xffff;
	v16 =	vmul.f32 v28, v18;
	v9 =	vmov v18  }
0x126: {  	v6 =	vld [tilespmem:s22+$0xFFFFFFF0];
	v15 =	vmul.f32 v15, v9  }
0x127: {  	v18 =	vshll.u32 v26, $0x1;
	[tilespmem:v22+s19+$0x0] =	vst.idx.add.f32.msk $0xffff, v16  }
0x128: {  	v16 =	vand.u32 $0x7F, v26;
	v18 =	vand.u32 $0x7F00, v18;
	[tilespmem:v23+s19+$0x0] =	vst.idx.add.f32.msk $0xffff, v15  }
0x129: {  	v15 =	vor.u32 v16, v18;
	v20 =	vand.u32 $0x7F, v17;
	v23 =	vshll.u32 v17, $0x1;
	v28 =	vld.idx.msk [tilespmem:v21+s3+$0x0], $0xffff  }
0x12a: {  	v18 =	vshrl.u32 v17, $0xE;
	v21 =	vshrl.u32 v17, $0xC;
	v16 =	vand.u32 $0x7F00, v23;
	[tilespmem:v7+s19+$0x0] =	vst.idx.add.f32.msk $0xffff, v14;
	v7 =	vmovc v13  }
0x12b: {  	v13 =	vand.u32 $0xFFFF0000, v27;
	v14 =	vshll.u32 v27, $0x10;
	v16 =	vor.u32 v20, v16;
	v17 =	vld.idx.msk [tilespmem:v8+s3+$0x0], $0xffff;
	v8 =	vmovc v12  }
.Ltmp7:
0x12c: {  	v12 =	vand.u32 $0x7F, v18;
	v18 =	vand.u32 $0xFFE00, v21;
	v27 =	vmul.f32 v13, v6;
	[tilespmem:v2+s19+$0x0] =	vst.idx.add.f32.msk $0xffff, v19;
	v2 =	vmovc v5;
	(pc) =	sbr.rel @p0 .LBB2_16-.Ltmp7, $4  }
0x12d: {  	v14 =	vmul.f32 v14, v6;
	v21 =	vor.u32 $0x80, v22;
	v18 =	vor.u32 v12, v18;
	[tilespmem:v3+s19+$0x0] =	vst.idx.add.f32.msk $0xffff, v24  }
0x12e: {  	v12 =	vor.u32 $0x80, v16;
	v19 =	vor.u32 $0x180, v22;
	v13 =	vor.u32 $0x100, v18;
	v3 =	vmovc v4;
	v4 =	vmovc v25;
	v20 =	vld.idx.msk [tilespmem:v15+s3+$0x0], $0xffff  }
0x12f: {  	s22 =	sadd.s32 $0x20, s22;
	v23 =	vshrl.u32 v26, $0xE;
	v5 =	vmovc v10;
	v10 =	vor.u32 $0x80, v18;
	v24 =	vand.u32 $0xFFFF0000, v28;
	[tilespmem:v11+s19+$0x0] =	vst.idx.add.f32.msk $0xffff, v27;
	v11 =	vmovc v18  }
0x130: {  	s24 =	sadd.s32 $0x20, s24;
	v25 =	vshrl.u32 v26, $0xC;
	v22 =	vshll.u32 v28, $0x10;
	v24 =	vmul.f32 v24, v9;
	v18 =	vld [tilespmem:s22+$0x0]  }
0x131: {  	_ =	sdelay $0x1  }
0x132: {  	v23 =	vand.u32 $0x7F, v23;
	v25 =	vand.u32 $0xFFE00, v25  }
0x133: {  	v23 =	vor.u32 v23, v25  }
0x134: {  	v16 =	vld.idx.msk [tilespmem:v16+s3+$0x0], $0xffff;
	v25 =	vor.u32 $0x100, v23  }
0x135: {  	v15 =	vor.u32 $0x80, v15;
	v27 =	vld [tilespmem:s22+$0xFFFFFFF0];
	v26 =	vand.u32 $0xFFFF0000, v20  }
0x136: {  	[tilespmem:v7+s19+$0x0] =	vst.idx.add.f32.msk $0xffff, v14;
	v20 =	vshll.u32 v20, $0x10;
	v26 =	vmul.f32 v26, v18  }
0x137: {  	[tilespmem:v21+s19+$0x0] =	vst.idx.add.f32.msk $0xffff, v24;
	v20 =	vmul.f32 v20, v18  }
0x138: {  	[tilespmem:v23+s19+$0x0] =	vst.idx.add.f32.msk $0xffff, v26  }
0x139: {  	[tilespmem:v25+s19+$0x0] =	vst.idx.add.f32.msk $0xffff, v20;
	v20 =	vand.u32 $0xFFFF0000, v16  }
0x13a: {  	v7 =	vshll.u32 v16, $0x10;
	v15 =	vld.idx.msk [tilespmem:v15+s3+$0x0], $0xffff;
	v14 =	vmul.f32 v20, v27  }
0x13b: {  	v8 =	vld.idx.msk [tilespmem:v8+s3+$0x0], $0xffff;
	v7 =	vmul.f32 v7, v27  }
0x13c: {  	[tilespmem:v11+s19+$0x0] =	vst.idx.add.f32.msk $0xffff, v14  }
0x13d: {  	v9 =	vmul.f32 v22, v9;
	v16 =	vor.u32 $0x80, v23;
	v14 =	vand.u32 $0xFFFF0000, v17;
	[tilespmem:v13+s19+$0x0] =	vst.idx.add.f32.msk $0xffff, v7  }
0x13e: {  	v7 =	vshll.u32 v17, $0x10;
	v13 =	vmul.f32 v14, v1;
	v14 =	vor.u32 $0x180, v23;
	v12 =	vld.idx.msk [tilespmem:v12+s3+$0x0], $0xffff  }
0x13f: {  	[tilespmem:v19+s19+$0x0] =	vst.idx.add.f32.msk $0xffff, v9;
	v1 =	vmul.f32 v7, v1;
	v7 =	vand.u32 $0xFFFF0000, v15  }
0x140: {  	[tilespmem:v2+s19+$0x0] =	vst.idx.add.f32.msk $0xffff, v13;
	v2 =	vshll.u32 v15, $0x10;
	v7 =	vmul.f32 v7, v18  }
0x141: {  	[tilespmem:v3+s19+$0x0] =	vst.idx.add.f32.msk $0xffff, v1;
	v1 =	vmul.f32 v2, v18;
	v2 =	vand.u32 $0xFFFF0000, v8  }
0x142: {  	v3 =	vor.u32 $0x180, v11;
	v2 =	vmul.f32 v2, v6;
	[tilespmem:v16+s19+$0x0] =	vst.idx.add.f32.msk $0xffff, v7;
	v7 =	vshll.u32 v8, $0x10  }
0x143: {  	[tilespmem:v14+s19+$0x0] =	vst.idx.add.f32.msk $0xffff, v1;
	v1 =	vmul.f32 v7, v6;
	v6 =	vand.u32 $0xFFFF0000, v12  }
0x144: {  	[tilespmem:v5+s19+$0x0] =	vst.idx.add.f32.msk $0xffff, v2;
	v2 =	vshll.u32 v12, $0x10;
	v5 =	vmul.f32 v6, v27  }
0x145: {  	[tilespmem:v4+s19+$0x0] =	vst.idx.add.f32.msk $0xffff, v1;
	v1 =	vmul.f32 v2, v27  }
0x146: {  	[tilespmem:v10+s19+$0x0] =	vst.idx.add.f32.msk $0xffff, v5  }
0x147: {  	[tilespmem:v3+s19+$0x0] =	vst.idx.add.f32.msk $0xffff, v1  }
0x148: {  	_ =	swait.ge [sflag:s20], $0x1F40  }
0x149: {  	[sflag:s20] =	ssyncset.done $0x0  }
0x14a: {  	[sflag:s20] =	ssyncadd.s32 $0xFFFFE0C0  }
0x14b: {  	_ =	swait.ge [sflag:s20], $0x1F40  }
0x14c: {  	[sflag:s20] =	ssyncset.done $0x0  }
0x14d: {  	s28 =	simm.s32 $0x10C90;
	[sflag:s20] =	ssyncadd.s32 $0xFFFFE0C0  }
0x14e: {  	v1 =	vld [tilespmem:s28+$0x0];
	_ =	sdelay $0x4  }
0x14f: {  	v2 =	vshll.u32 v1, $0x1  }
0x150: {  	v4 =	vld [tilespmem:s28+$0xFFFFFFF0];
	v3 =	vand.u32 $0x7F, v1;
	v2 =	vand.u32 $0x7F00, v2  }
0x151: {  	v2 =	vor.u32 v3, v2;
	_ =	sdelay $0x2  }
0x152: {  	s29 =	simm.s32 $0x14B90  }
0x153: {  	v10 =	vld [tilespmem:s29+$0x0];
	v3 =	vshll.u32 v4, $0x1  }
0x154: {  	s23 =	simm.s32 $0x10CB0;
	v6 =	vand.u32 $0x7F, v4;
	v3 =	vand.u32 $0x7F00, v3;
	v5 =	vld.idx.msk [tilespmem:v2+s3+$0x0], $0xffff  }
0x155: {  	v7 =	vld [tilespmem:s23+$0x0];
	v3 =	vor.u32 v6, v3;
	v6 =	vshrl.u32 v1, $0xE;
	v1 =	vshrl.u32 v1, $0xC  }
0x156: {  	v6 =	vand.u32 $0x7F, v6;
	v1 =	vand.u32 $0xFFE00, v1  }
0x157: {  	v8 =	vshrl.u32 v4, $0xE;
	v4 =	vshrl.u32 v4, $0xC;
	v6 =	vor.u32 v6, v1  }
0x158: {  	v9 =	vld [tilespmem:s23+$0xFFFFFFF0];
	v4 =	vand.u32 $0xFFE00, v4;
	v1 =	vand.u32 $0x7F, v8;
	v8 =	vor.u32 $0x100, v6  }
0x159: {  	v11 =	vor.u32 $0x80, v2;
	v4 =	vor.u32 v1, v4;
	v1 =	vand.u32 $0xFFFF0000, v5  }
0x15a: {  	v13 =	vshll.u32 v7, $0x1;
	v12 =	vld.idx.msk [tilespmem:v3+s3+$0x0], $0xffff;
	v2 =	vshll.u32 v5, $0x10;
	v5 =	vmul.f32 v1, v10  }
0x15b: {  	v13 =	vand.u32 $0x7F00, v13;
	v1 =	vld [tilespmem:s29+$0xFFFFFFF0];
	v14 =	vmul.f32 v2, v10;
	v2 =	vand.u32 $0x7F, v7  }
0x15c: {  	v18 =	vor.u32 $0x80, v3;
	v13 =	vor.u32 v2, v13;
	[tilespmem:v6+s19+$0x0] =	vst.idx.add.f32.msk $0xffff, v5  }
0x15d: {  	v17 =	vor.u32 $0x100, v4;
	v3 =	vor.u32 $0x180, v4;
	v5 =	vshll.u32 v9, $0x1;
	[tilespmem:v8+s19+$0x0] =	vst.idx.add.f32.msk $0xffff, v14  }
0x15e: {  	v8 =	vand.u32 $0x7F, v9;
	v14 =	vshrl.u32 v9, $0xE;
	v5 =	vand.u32 $0x7F00, v5;
	v11 =	vld.idx.msk [tilespmem:v11+s3+$0x0], $0xffff  }
0x15f: {  	s31 =	simm.s32 $0x10CD0;
	v9 =	vshrl.u32 v9, $0xC;
	v15 =	vor.u32 v8, v5;
	v5 =	vand.u32 $0xFFFF0000, v12  }
0x160: {  	v24 =	vld [tilespmem:s31+$0x0];
	v8 =	vshll.u32 v12, $0x10;
	v12 =	vand.u32 $0x7F, v14;
	v9 =	vand.u32 $0xFFE00, v9  }
0x161: {  	s30 =	simm.s32 $0x14BB0;
	v5 =	vmul.f32 v5, v1;
	v22 =	vor.u32 v12, v9;
	v12 =	vor.u32 $0x80, v6;
	v14 =	vld.idx.msk [tilespmem:v13+s3+$0x0], $0xffff  }
0x162: {  	v19 =	vmul.f32 v8, v1;
	v8 =	vshrl.u32 v7, $0xE;
	v9 =	vld [tilespmem:s30+$0x0];
	v7 =	vshrl.u32 v7, $0xC  }
0x163: {  	v21 =	vld [tilespmem:s31+$0xFFFFFFF0];
	v8 =	vand.u32 $0x7F, v8;
	v20 =	vand.u32 $0xFFE00, v7;
	v16 =	vand.u32 $0xFFFF0000, v11  }
0x164: {  	v2 =	vor.u32 $0x80, v4;
	[tilespmem:v4+s19+$0x0] =	vst.idx.add.f32.msk $0xffff, v5;
	v23 =	vor.u32 v8, v20;
	v4 =	vmul.f32 v16, v10  }
0x165: {  	v16 =	vor.u32 $0x180, v6;
	v6 =	vshll.u32 v11, $0x10;
	v11 =	vld.idx.msk [tilespmem:v15+s3+$0x0], $0xffff  }
0x166: {  	v20 =	vor.u32 $0x100, v23;
	v10 =	vmul.f32 v6, v10;
	[tilespmem:v12+s19+$0x0] =	vst.idx.add.f32.msk $0xffff, v4;
	v4 =	vand.u32 $0xFFFF0000, v14  }
0x167: {  	v6 =	vld [tilespmem:s30+$0xFFFFFFF0];
	v12 =	vor.u32 $0x80, v13;
	v13 =	vshll.u32 v14, $0x10;
	v14 =	vmul.f32 v4, v9  }
0x168: {  	v7 =	vor.u32 $0x100, v22;
	v8 =	vor.u32 $0x80, v15;
	[tilespmem:v17+s19+$0x0] =	vst.idx.add.f32.msk $0xffff, v19  }
0x169: {  	v5 =	vor.u32 $0x80, v22;
	v15 =	vshll.u32 v24, $0x1;
	v13 =	vmul.f32 v13, v9;
	[tilespmem:v23+s19+$0x0] =	vst.idx.add.f32.msk $0xffff, v14  }
0x16a: {  	v19 =	vor.u32 $0x180, v23;
	v15 =	vand.u32 $0x7F00, v15;
	v4 =	vor.u32 $0x180, v22;
	[tilespmem:v16+s19+$0x0] =	vst.idx.add.f32.msk $0xffff, v10  }
0x16b: {  	v14 =	vand.u32 $0x7F, v24;
	v10 =	vand.u32 $0xFFFF0000, v11;
	[tilespmem:v20+s19+$0x0] =	vst.idx.add.f32.msk $0xffff, v13;
	v13 =	vand.u32 $0x7F, v21  }
0x16c: {  	v20 =	vshll.u32 v21, $0x1;
	v15 =	vor.u32 v14, v15;
	v25 =	vmul.f32 v10, v6;
	v26 =	vld.idx.msk [tilespmem:v12+s3+$0x0], $0xffff  }
0x16d: {  	v12 =	vshrl.u32 v21, $0xE;
	v14 =	vand.u32 $0x7F00, v20;
	v20 =	vshrl.u32 v21, $0xC  }
0x16e: {  	v21 =	vor.u32 $0x80, v23;
	v23 =	vshrl.u32 v24, $0xE;
	v16 =	vor.u32 v13, v14  }
0x16f: {  	v17 =	vld.idx.msk [tilespmem:v18+s3+$0x0], $0xffff;
	v13 =	vshll.u32 v11, $0x10;
	v11 =	vand.u32 $0x7F, v12;
	v12 =	vand.u32 $0xFFE00, v20  }
0x170: {  	[tilespmem:v22+s19+$0x0] =	vst.idx.add.f32.msk $0xffff, v25;
	v25 =	vshrl.u32 v24, $0xC;
	v11 =	vor.u32 v11, v12;
	v14 =	vmul.f32 v13, v6  }
0x171: {  	s22 =	simm.s32 $0x14BD0;
	v12 =	vor.u32 $0x80, v16;
	v13 =	vor.u32 $0x100, v11;
	v20 =	vld.idx.msk [tilespmem:v15+s3+$0x0], $0xffff;
	v27 =	vand.u32 $0xFFFF0000, v26  }
0x172: {  	s24 =	simm.s32 $0x10CF0;
	s23 =	simm.s32 $0x4;
	v18 =	vld [tilespmem:s22+$0x0];
	v10 =	vor.u32 $0x80, v11;
	v22 =	vshll.u32 v26, $0x10;
	v24 =	vmul.f32 v27, v9  }
.LBB2_18:
0x173: {  	v26 =	vld [tilespmem:s24+$0x0];
	v23 =	vand.u32 $0x7F, v23;
	v25 =	vand.u32 $0xFFE00, v25;
	v9 =	vmul.f32 v22, v9  }
0x174: {  	v22 =	vor.u32 v23, v25;
	[tilespmem:v21+s19+$0x0] =	vst.idx.add.f32.msk $0xffff, v24;
	v21 =	vand.u32 $0xFFFF0000, v17;
	v17 =	vshll.u32 v17, $0x10  }
0x175: {  	v23 =	vor.u32 $0x100, v22;
	[tilespmem:v19+s19+$0x0] =	vst.idx.add.f32.msk $0xffff, v9;
	v19 =	vmul.f32 v21, v1;
	v24 =	vmul.f32 v17, v1  }
0x176: {  	s23 =	sadd.s32 $0x2, s23;
	v25 =	vor.u32 $0x180, v11;
	v28 =	vand.u32 $0xFFFF0000, v20;
	v21 =	vor.u32 $0x80, v15;
	v1 =	vmovc v6;
	v17 =	vld [tilespmem:s24+$0xFFFFFFF0]  }
0x177: {  	p0 =	slt.u32 s23, $0x1F2;
	v15 =	vshll.u32 v20, $0x10;
	v27 =	vld.idx.msk [tilespmem:v16+s3+$0x0], $0xffff;
	v16 =	vmul.f32 v28, v18;
	v9 =	vmov v18  }
0x178: {  	v6 =	vld [tilespmem:s22+$0xFFFFFFF0];
	v15 =	vmul.f32 v15, v9  }
0x179: {  	v18 =	vshll.u32 v26, $0x1;
	[tilespmem:v22+s19+$0x0] =	vst.idx.add.f32.msk $0xffff, v16  }
0x17a: {  	v16 =	vand.u32 $0x7F, v26;
	v18 =	vand.u32 $0x7F00, v18;
	[tilespmem:v23+s19+$0x0] =	vst.idx.add.f32.msk $0xffff, v15  }
0x17b: {  	v15 =	vor.u32 v16, v18;
	v20 =	vand.u32 $0x7F, v17;
	v23 =	vshll.u32 v17, $0x1;
	v28 =	vld.idx.msk [tilespmem:v21+s3+$0x0], $0xffff  }
0x17c: {  	v18 =	vshrl.u32 v17, $0xE;
	v21 =	vshrl.u32 v17, $0xC;
	v16 =	vand.u32 $0x7F00, v23;
	[tilespmem:v7+s19+$0x0] =	vst.idx.add.f32.msk $0xffff, v14;
	v7 =	vmovc v13  }
0x17d: {  	v13 =	vand.u32 $0xFFFF0000, v27;
	v14 =	vshll.u32 v27, $0x10;
	v16 =	vor.u32 v20, v16;
	v17 =	vld.idx.msk [tilespmem:v8+s3+$0x0], $0xffff;
	v8 =	vmovc v12  }
.Ltmp8:
0x17e: {  	v12 =	vand.u32 $0x7F, v18;
	v18 =	vand.u32 $0xFFE00, v21;
	v27 =	vmul.f32 v13, v6;
	[tilespmem:v2+s19+$0x0] =	vst.idx.add.f32.msk $0xffff, v19;
	v2 =	vmovc v5;
	(pc) =	sbr.rel @p0 .LBB2_18-.Ltmp8, $4  }
0x17f: {  	v14 =	vmul.f32 v14, v6;
	v21 =	vor.u32 $0x80, v22;
	v18 =	vor.u32 v12, v18;
	[tilespmem:v3+s19+$0x0] =	vst.idx.add.f32.msk $0xffff, v24  }
0x180: {  	v12 =	vor.u32 $0x80, v16;
	v19 =	vor.u32 $0x180, v22;
	v13 =	vor.u32 $0x100, v18;
	v3 =	vmovc v4;
	v4 =	vmovc v25;
	v20 =	vld.idx.msk [tilespmem:v15+s3+$0x0], $0xffff  }
0x181: {  	s22 =	sadd.s32 $0x20, s22;
	v23 =	vshrl.u32 v26, $0xE;
	v5 =	vmovc v10;
	v10 =	vor.u32 $0x80, v18;
	v24 =	vand.u32 $0xFFFF0000, v28;
	[tilespmem:v11+s19+$0x0] =	vst.idx.add.f32.msk $0xffff, v27;
	v11 =	vmovc v18  }
0x182: {  	s24 =	sadd.s32 $0x20, s24;
	v25 =	vshrl.u32 v26, $0xC;
	v22 =	vshll.u32 v28, $0x10;
	v24 =	vmul.f32 v24, v9;
	v18 =	vld [tilespmem:s22+$0x0]  }
0x183: {  	_ =	sdelay $0x1  }
0x184: {  	v23 =	vand.u32 $0x7F, v23;
	v25 =	vand.u32 $0xFFE00, v25  }
0x185: {  	v23 =	vor.u32 v23, v25  }
0x186: {  	v16 =	vld.idx.msk [tilespmem:v16+s3+$0x0], $0xffff;
	v25 =	vor.u32 $0x100, v23  }
0x187: {  	v15 =	vor.u32 $0x80, v15;
	v27 =	vld [tilespmem:s22+$0xFFFFFFF0];
	v26 =	vand.u32 $0xFFFF0000, v20  }
0x188: {  	[tilespmem:v7+s19+$0x0] =	vst.idx.add.f32.msk $0xffff, v14;
	v51 =	vshll.u32 v20, $0x10;
	v26 =	vmul.f32 v26, v18  }
0x189: {  	[tilespmem:v21+s19+$0x0] =	vst.idx.add.f32.msk $0xffff, v24;
	v20 =	vmul.f32 v51, v18  }
0x18a: {  	[tilespmem:v23+s19+$0x0] =	vst.idx.add.f32.msk $0xffff, v26  }
0x18b: {  	v52 =	vand.u32 $0xFFFF0000, v16;
	[tilespmem:v25+s19+$0x0] =	vst.idx.add.f32.msk $0xffff, v20  }
0x18c: {  	v53 =	vshll.u32 v16, $0x10;
	v54 =	vmul.f32 v52, v27;
	v15 =	vld.idx.msk [tilespmem:v15+s3+$0x0], $0xffff  }
0x18d: {  	v8 =	vld.idx.msk [tilespmem:v8+s3+$0x0], $0xffff;
	v7 =	vmul.f32 v53, v27  }
0x18e: {  	[tilespmem:v11+s19+$0x0] =	vst.idx.add.f32.msk $0xffff, v54  }
0x18f: {  	v9 =	vmul.f32 v22, v9;
	v55 =	vand.u32 $0xFFFF0000, v17;
	v56 =	vor.u32 $0x80, v23;
	[tilespmem:v13+s19+$0x0] =	vst.idx.add.f32.msk $0xffff, v7  }
0x190: {  	v57 =	vshll.u32 v17, $0x10;
	v58 =	vmul.f32 v55, v1;
	v59 =	vor.u32 $0x180, v23;
	v12 =	vld.idx.msk [tilespmem:v12+s3+$0x0], $0xffff  }
0x191: {  	v1 =	vmul.f32 v57, v1;
	[tilespmem:v19+s19+$0x0] =	vst.idx.add.f32.msk $0xffff, v9;
	v60 =	vand.u32 $0xFFFF0000, v15  }
0x192: {  	[tilespmem:v2+s19+$0x0] =	vst.idx.add.f32.msk $0xffff, v58;
	v2 =	vshll.u32 v15, $0x10;
	v7 =	vmul.f32 v60, v18  }
0x193: {  	[tilespmem:v3+s19+$0x0] =	vst.idx.add.f32.msk $0xffff, v1;
	v1 =	vmul.f32 v2, v18;
	v2 =	vand.u32 $0xFFFF0000, v8  }
0x194: {  	v3 =	vor.u32 $0x180, v11;
	v61 =	vshll.u32 v8, $0x10;
	v2 =	vmul.f32 v2, v6;
	[tilespmem:v56+s19+$0x0] =	vst.idx.add.f32.msk $0xffff, v7  }
0x195: {  	v62 =	vand.u32 $0xFFFF0000, v12;
	[tilespmem:v59+s19+$0x0] =	vst.idx.add.f32.msk $0xffff, v1;
	v1 =	vmul.f32 v61, v6  }
0x196: {  	v63 =	vmul.f32 v62, v27;
	[tilespmem:v5+s19+$0x0] =	vst.idx.add.f32.msk $0xffff, v2;
	v2 =	vshll.u32 v12, $0x10  }
0x197: {  	[tilespmem:v4+s19+$0x0] =	vst.idx.add.f32.msk $0xffff, v1;
	v1 =	vmul.f32 v2, v27  }
0x198: {  	s22 =	simm.s32 $0x4F00;
	[tilespmem:v10+s19+$0x0] =	vst.idx.add.f32.msk $0xffff, v63  }
0x199: {  	s23 =	simm.s32 $0x80;
	s25 =	sadd.s32 $0x0, s8;
	s24 =	simm.s32 $0x5100;
	[tilespmem:v3+s19+$0x0] =	vst.idx.add.f32.msk $0xffff, v1  }
.LBB2_20:
0x19a: {  	[hbm4b:s25+s3] =	stream.linear.scatter [tilespmem:s22], [sflag:$0x3], $0x100, $0x38;
	[tilespmem:$0x16B00] =	vst v63  }
0x19b: {  	s25 =	smov.u32 s23;
	s22 =	smov.u32 s24;
	p0 =	sne.s32 s23, $0x2700  }
.Ltmp9:
0x19c: {  	s23 =	sadd.s32 $0x80, s23;
	(pc) =	sbr.rel @p0 .LBB2_20-.Ltmp9, $2  }
0x19d: {  	_ =	sdelay $0x2  }
0x19e: {  	s24 =	sadd.s32 $0x200, s24;
	s25 =	sadd.s32 s25, s8  }
0x19f: {  	[hbm4b:s25+s3] =	stream.linear.scatter [tilespmem:s22], [sflag:$0x3], $0x100, $0x38;
	[tilespmem:$0x16B00] =	vst v63  }
0x1a0: {  	_ =	swait.ge [sflag:s17], $0x4F00  }
0x1a1: {  	s22 =	simm.s32 $0x5000;
	s23 =	simm.s32 $0x80;
	[sflag:s17] =	ssyncset.done $0x0  }
0x1a2: {  	s25 =	sadd.s32 $0x0, s9;
	s24 =	simm.s32 $0x5200;
	[sflag:s17] =	ssyncadd.s32 $0xFFFFB100  }
.LBB2_22:
0x1a3: {  	[hbm4b:s25+s3] =	stream.linear.scatter [tilespmem:s22], [sflag:$0x3], $0x100, $0x38;
	[tilespmem:$0x16B00] =	vst v63  }
0x1a4: {  	s25 =	smov.u32 s23;
	s22 =	smov.u32 s24;
	p0 =	sne.s32 s23, $0x2700  }
.Ltmp10:
0x1a5: {  	s23 =	sadd.s32 $0x80, s23;
	(pc) =	sbr.rel @p0 .LBB2_22-.Ltmp10, $2  }
0x1a6: {  	_ =	sdelay $0x2  }
0x1a7: {  	s24 =	sadd.s32 $0x200, s24;
	s25 =	sadd.s32 s25, s9  }
0x1a8: {  	s21 =	sadd.s32 $0x1, s21  }
0x1a9: {  	p0 =	sne.s32 s21, s10  }
.Ltmp11:
0x1aa: {  	_ = 	snop;
	(pc) =	sbr.rel @p0 .LBB2_1-.Ltmp11, $4  }
0x1ab: {  	[hbm4b:s25+s3] =	stream.linear.scatter [tilespmem:s22], [sflag:$0x3], $0x100, $0x38;
	[tilespmem:$0x16B00] =	vst v63  }
0x1ac: {  	_ =	swait.ge [sflag:s17], $0x4F00  }
0x1ad: {  	[sflag:s17] =	ssyncset.done $0x0  }
0x1ae: {  	[sflag:s17] =	ssyncadd.s32 $0xFFFFB100  }
0x1af: {  	_ =	sfence.sel $0x180000  }
0x1b0: {  	[bflag:$0x0] =	sbarrier.arrive $0xFFFF  }
0x1b1: {  	p0 =	sne.s32 s0, $0x0;
	_ =	strace $0x9000004A  }
0x1b2: {  	s0 =	sadd.s32 @!p0 $0x100000, s2;
	[bflag:$0x2] =	sbarrier.arrive $0xFFFF  }
0x1b3: {  	[sflag:s0] =	ssyncadd.tile.s32 @!p0 $0x1;
	_ =	shalt  }
.Lfunc_end2:
_tile_overlayer_lowered:
.L_overlay_start_2:
0x1b4: {  	(tag) =	ssettag $0x2  }
0x1b5: {  	s0 =	rddreg [dreg:$0x0];
	s2 =	stileid.u32  }
0x1b6: {  	s1 =	rddreg [dreg:$0x1];
	p0 =	sne.s32 s2, $0x0  }
0x1b7: {  	s3 =	rddreg [dreg:$0x2];
	[bflag:$0x3] =	sbarrier.arrive $0xFFFF;
	s2 =	simm.s32 @!p0 $0x1C03  }
0x1b8: {  	[timem:s3], [sflag:s2] =	dma.local @!p0 [hbm:s0], s1  }
0x1b9: {  	s0 =	simm.s32 @!p0 $0x3  }
0x1ba: {  	_ =	swait.ge @!p0 [sflag:s0], s1  }
0x1bb: {  	s1 =	ssub.s32 @!p0 $0x0, s1;
	[sflag:s0] =	ssyncset.done @!p0 $0x0  }
0x1bc: {  	[sflag:s0] =	ssyncadd.s32 @!p0 s1  }
0x1bd: {  	[bflag:$0x3] =	sbarrier.arrive $0xFFFF  }
0x1be: {  	_ =	shalt  }

// kernel: kernel.16.cloned.1.call-start
scs
__scs_entry_jumppad:
0x0: {  	(pc) =	sbr.rel $0x88, $3  }
0x1: {  	(tag) =	ssettag $0x0;
	lr =	simm.s32 $0x1  }
0x2: {  	[smem:$0x3F91] =	sst lr;
	_ =	strace $0xD0000000  }
0x3: {  	_ = 	snop  }
0x4: {  	_ = 	snop  }
0x5: {  	_ = 	snop  }
0x6: {  	_ = 	snop  }
0x7: {  	_ = 	snop  }
__scs_overlays_trampoline_lowered:
0x8: {  	[smem:$0x3FA0] =	sst s0  }
0x9: {  	[smem:$0x3FA1] =	sst s1  }
0xa: {  	[smem:$0x3FA2] =	sst s2  }
0xb: {  	[smem:$0x3FA3] =	sst s3  }
0xc: {  	[smem:$0x3FA4] =	sst s4  }
0xd: {  	[smem:$0x3FA5] =	sst s5  }
0xe: {  	[smem:$0x3FA6] =	sst s6  }
0xf: {  	[smem:$0x3FA7] =	sst s7  }
0x10: {  	[smem:$0x3FA8] =	sst s8  }
0x11: {  	[smem:$0x3FA9] =	sst s9;
	s0 =	simm.s32 @!p0 $0x0  }
0x12: {  	s1 =	sld [smem:$0x3F8F];
	s0 =	simm.s32 @p0 $0x1  }
0x13: {  	[smem:$0x3FAA] =	sst s0;
	s0 =	simm.s32 @!p1 $0x0  }
0x14: {  	s2 =	sld [smem:$0x3F8E];
	s0 =	simm.s32 @p1 $0x1  }
0x15: {  	[smem:$0x3FAB] =	sst s0;
	s0 =	simm.s32 @!p2 $0x0  }
0x16: {  	s3 =	sld [smem:$0x3FDB];
	s0 =	simm.s32 @p2 $0x1  }
0x17: {  	s4 =	simm.s32 $0x1BF5;
	[smem:$0x3FAD] =	sst s0  }
0x18: {  	s0 =	sld [smem:$0x3F90];
	_ =	swait.ge [sflag:s4], $0x0  }
0x19: {  	s7 =	sld [smem:$0x3F91]  }
0x1a: {  	s8 =	sadd.s32 $0xFFFFE003, lr  }
0x1b: {  	s9 =	sadd.s32 $0xFFFFFEF7, lr;
	s5 =	simm.s32 $0xFFFFFFFF;
	p2 =	slt.u32 s8, $0xFFFFF086  }
0x1c: {  	p1 =	slt.u32 s9, $0xF7A;
	s5 =	simm.s32 @!p2 $0x0  }
0x1d: {  	s5 =	simm.s32 @p1 $0x1;
	p0 =	seq.s32 s7, s2  }
0x1e: {  	s7 =	smul.u32 @!p0 $0xF7A, s2;
	p2 =	seq.s32 @!p0 s5, $0x0  }
0x1f: {  	s9 =	smul.u32 $0xF7A, s1;
	s8 =	simm.s32 @!p0 $0x1BF5;
	p2 =	por !p2, p0  }
0x20: {  	[sflag:s8] =	ssyncset.s32 @!p0 $0xFFFFF086;
	s6 =	sadd.s32 @!p0 s3, s7;
	s7 =	simm.s32 @!p0 $0x108  }
0x21: {  	s3 =	sadd.s32 s3, s9;
	s6 =	sadd.s32 @!p0 $0x88, s6;
	s7 =	simm.s32 @p2 $0x1082  }
0x22: {  	[simem:s7], [sflag:s8] =	dma.local @!p0 [hbm:s6], $0xF7A  }
0x23: {  	s9 =	sor.u32 $0xD0000000, s2;
	s6 =	simm.s32 $0x108;
	_ =	swait.ge @!p0 [sflag:s8], $0x0  }
0x24: {  	s3 =	sadd.s32 $0x88, s3;
	s6 =	simm.s32 @!p1 $0x1082;
	[sflag:s4] =	ssyncset.s32 $0xFFFFF086  }
0x25: {  	[simem:s6], [sflag:s4] =	dma.local [hbm:s3], $0xF7A  }
0x26: {  	[smem:$0x3F91] =	sst s1;
	(tag) =	ssettag s2;
	_ =	strace s9  }
0x27: {  	s1 =	sld [smem:$0x3FA1]  }
0x28: {  	s2 =	sld [smem:$0x3FA2]  }
0x29: {  	s4 =	sld [smem:$0x3FA4]  }
0x2a: {  	p0 =	seq.s32 s5, $0x0;
	s5 =	sld [smem:$0x3FA5]  }
0x2b: {  	s6 =	sld [smem:$0x3FA6]  }
0x2c: {  	s7 =	sld [smem:$0x3FA7]  }
0x2d: {  	s3 =	simm.s32 $0x108;
	s8 =	sld [smem:$0x3FA8]  }
0x2e: {  	s3 =	simm.s32 @!p0 $0x1082;
	s9 =	sld [smem:$0x3FA9]  }
0x2f: {  	lr =	sadd.s32 s0, s3;
	s0 =	sld [smem:$0x3FA0]  }
0x30: {  	s3 =	sld [smem:$0x3FA3]  }
0x31: {  	[smem:$0x3FAC] =	sst s10  }
0x32: {  	s10 =	sld [smem:$0x3FAA];
	_ =	sdelay $0x3  }
0x33: {  	p0 =	seq.s32 s10, $0x1;
	s10 =	sld [smem:$0x3FAC];
	_ =	sdelay $0x3  }
0x34: {  	[smem:$0x3FAC] =	sst s10  }
0x35: {  	s10 =	sld [smem:$0x3FAB];
	_ =	sdelay $0x3  }
0x36: {  	p1 =	seq.s32 s10, $0x1;
	s10 =	sld [smem:$0x3FAC];
	_ =	sdelay $0x3  }
0x37: {  	[smem:$0x3FAC] =	sst s10  }
0x38: {  	s10 =	sld [smem:$0x3FAD]  }
0x39: {  	_ = 	snop;
	(pc) =	sbr.ind lr, $3  }
0x3a: {  	_ = 	snop  }
0x3b: {  	_ = 	snop  }
0x3c: {  	p2 =	seq.s32 s10, $0x1;
	s10 =	sld [smem:$0x3FAC]  }
0x3d: {  	_ =	shalt  }
0x3e: {  	_ =	shalt  }
0x3f: {  	_ =	shalt  }
0x40: {  	_ =	shalt  }
0x41: {  	_ =	shalt  }
0x42: {  	_ =	shalt  }
0x43: {  	_ =	shalt  }
0x44: {  	_ =	shalt  }
0x45: {  	_ =	shalt  }
0x46: {  	_ =	shalt  }
0x47: {  	_ =	shalt  }
0x48: {  	_ =	shalt  }
0x49: {  	_ =	shalt  }
0x4a: {  	_ =	shalt  }
0x4b: {  	_ =	shalt  }
0x4c: {  	_ =	shalt  }
0x4d: {  	_ =	shalt  }
0x4e: {  	_ =	shalt  }
0x4f: {  	_ =	shalt  }
0x50: {  	_ =	shalt  }
0x51: {  	_ =	shalt  }
0x52: {  	_ =	shalt  }
0x53: {  	_ =	shalt  }
0x54: {  	_ =	shalt  }
0x55: {  	_ =	shalt  }
0x56: {  	_ =	shalt  }
0x57: {  	_ =	shalt  }
0x58: {  	_ =	shalt  }
0x59: {  	_ =	shalt  }
0x5a: {  	_ =	shalt  }
0x5b: {  	_ =	shalt  }
0x5c: {  	_ =	shalt  }
0x5d: {  	_ =	shalt  }
0x5e: {  	_ =	shalt  }
0x5f: {  	_ =	shalt  }
0x60: {  	_ =	shalt  }
0x61: {  	_ =	shalt  }
0x62: {  	_ =	shalt  }
0x63: {  	_ =	shalt  }
0x64: {  	_ =	shalt  }
0x65: {  	_ =	shalt  }
0x66: {  	_ =	shalt  }
0x67: {  	_ =	shalt  }
0x68: {  	_ =	shalt  }
0x69: {  	_ =	shalt  }
0x6a: {  	_ =	shalt  }
0x6b: {  	_ =	shalt  }
0x6c: {  	_ =	shalt  }
0x6d: {  	_ =	shalt  }
0x6e: {  	_ =	shalt  }
0x6f: {  	_ =	shalt  }
0x70: {  	_ =	shalt  }
0x71: {  	_ =	shalt  }
0x72: {  	_ =	shalt  }
0x73: {  	_ =	shalt  }
0x74: {  	_ =	shalt  }
0x75: {  	_ =	shalt  }
0x76: {  	_ =	shalt  }
0x77: {  	_ =	shalt  }
0x78: {  	_ =	shalt  }
0x79: {  	_ =	shalt  }
0x7a: {  	_ =	shalt  }
0x7b: {  	_ =	shalt  }
0x7c: {  	_ =	shalt  }
0x7d: {  	_ =	shalt  }
0x7e: {  	_ =	shalt  }
0x7f: {  	_ =	shalt  }
0x80: {  	_ =	shalt  }
0x81: {  	_ =	shalt  }
0x82: {  	_ =	shalt  }
0x83: {  	_ =	shalt  }
0x84: {  	_ =	shalt  }
0x85: {  	_ =	shalt  }
0x86: {  	_ =	shalt  }
0x87: {  	_ =	shalt  }
.Lfunc_end0:
.L_simem_size_0:
called_computation.2_lowered:
.L_overlay_start_0:
0x88: {  	s2 =	sld [smem:$0x3FD9]  }
0x89: {  	s3 =	sld [smem:$0x3FFE];
	_ =	sdelay $0x1  }
0x8a: {  	s1 =	srdreg.scid  }
0x8b: {  	s0 =	sand.u32 $0x1, s1  }
0x8c: {  	s17 =	sshll.u32 s0, $0xA;
	s2 =	sadd.s32 s3, s2  }
0x8d: {  	s2 =	sadd.s32 s2, s17  }
0x8e: {  	[smem:$0x3FB8] =	sst s2  }
0x8f: {  	_ = 	snop  }
0x90: {  	s2 =	sld [smem:$0x3FC7];
	(tm) =	ssettm $0x1  }
0x91: {  	s18 =	sld [smem:$0x3FFB];
	_ =	sdelay $0x3  }
0x92: {  	_ =	strace s18  }
0x93: {  	s3 =	sld [smem:$0x3FFC];
	_ =	sdelay $0x3  }
0x94: {  	_ =	strace s3  }
0x95: {  	s3 =	sld [smem:$0x3FFD];
	_ =	sdelay $0x3  }
0x96: {  	_ =	strace s3  }
0x97: {  	_ =	strace $0x8FFFFFFF  }
0x98: {  	s19 =	sld [smem:$0x3FDB];
	_ =	sdelay $0x1  }
0x99: {  	s4 =	simm.s32 $_scs_section_size  }
0x9a: {  	s5 =	simm.s32 $_size__tile_overlayer_lowered;
	s6 =	simm.s32 $_tile_overlayer_lowered  }
0x9b: {  	s22 =	simm.s32 $0x1BFF;
	s21 =	sshll.u32 s6, $0x1;
	s3 =	sadd.s32 s4, s19  }
0x9c: {  	s7 =	simm.s32 $0x0;
	s20 =	sshll.u32 s5, $0x1;
	s5 =	sadd.s32 s21, s3  }
0x9d: {  	[timem:s7], [sflag:s22] =	dma.local [hbm:s5], s20  }
0x9e: {  	_ =	swait.ge [sflag:s22], s20  }
0x9f: {  	s4 =	ssub.s32 $0x0, s20;
	[sflag:s22] =	ssyncset.done $0x0  }
0xa0: {  	[sflag:s22] =	ssyncadd.s32 s4;
	_ =	sdelay $0x1  }
0xa1: {  	s23 =	simm.s32 $0x1B8B  }
0xa2: {  	_ =	swait.ge [sflag:s23], $0x1  }
0xa3: {  	[sflag:s23] =	ssyncset.done $0x0  }
0xa4: {  	s25 =	simm.s32 $0x1B8E;
	s24 =	sld [smem:$0x3FFE];
	[sflag:s23] =	ssyncadd.s32 $0xFFFFFFFF  }
0xa5: {  	s26 =	simm.s32 $execute0_lowered;
	[smem:$0x3FD2] =	sst s25  }
0xa6: {  	s5 =	sshll.u32 s26, $0x1;
	_ =	strace $0x8000004C;
	[dreg:$0x1] =	wrdreg $0xFFFFFFFF  }
0xa7: {  	s28 =	simm.s32 $_size_execute0_lowered;
	s3 =	sadd.s32 s3, s5;
	[dreg:$0x0] =	wrdreg $0x0  }
0xa8: {  	s5 =	sshll.u32 s28, $0x1;
	[dreg:$0x2] =	wrdreg s3  }
0xa9: {  	[dreg:$0x3] =	wrdreg s5  }
0xaa: {  	[dreg:$0x4] =	wrdreg $0xC0  }
0xab: {  	_ =	task [dreg:s7], $0x5FFFF  }
0xac: {  	[dreg:$0x1] =	wrdreg $0xFFFFFFFF  }
0xad: {  	[dreg:$0x0] =	wrdreg $0x60  }
0xae: {  	[dreg:$0x2] =	wrdreg s24  }
0xaf: {  	[dreg:$0x3] =	wrdreg s2  }
0xb0: {  	[dreg:$0x4] =	wrdreg $0x9  }
0xb1: {  	_ =	task.clear_ibuf [dreg:s7], $0x5FFFF;
	_ =	strace $0x9000004C  }
0xb2: {  	s29 =	simm.s32 $0x9;
	_ =	strace $0x8000004E  }
0xb3: {  	_ =	swait.ge [sflag:s29], $0x1  }
0xb4: {  	[sflag:s29] =	ssyncadd.s32 $0xFFFFFFFF  }
0xb5: {  	_ =	strace $0x9000004E  }
0xb6: {  	_ =	sfence  }
0xb7: {  	s30 =	sld [smem:$0x0];
	_ =	sdelay $0x2  }
0xb8: {  	s31 =	sshll.u32 s1, $0xD;
	s1 =	sshrl.u32 s1, $0x2  }
0xb9: {  	s3 =	sand.u32 $0x4000, s31;
	s1 =	sadd.s32 s1, s30  }
0xba: {  	s0 =	sor.u32 s3, s0;
	s1 =	sshll.u32 s1, $0x11  }
0xbb: {  	s0 =	sor.u32 s1, s0  }
0xbc: {  	s0 =	sadd.s32 $0x8F2B, s0  }
0xbd: {  	[sflag:s0] =	ssyncadd.remote.s32 $0x1  }
0xbe: {  	_ =	sfence.sel $0xFFFF  }
0xbf: {  	[dreg:$0x0] =	wrdreg $0xFFFFFFFF;
	(pc) =	sbr.abs _section_cstart, $3  }
0xc0: {  	[dreg:$0x1] =	wrdreg $0xFFFFFFFF  }
0xc1: {  	_ =	task.clear_ibuf [dreg:s7], $0x2FFFF;
	_ =	strace $0x9FFFFFFF  }
0xc2: {  	(tm) =	ssettm $0x7FFFFFFF  }
0xc3: {  	_ =	shalt  }
tec
execute0_lowered:
.L_overlay_start_1:
0x0: {  	(tag) =	ssettag $0x1  }
0x1: {  	s5 =	rddreg [dreg:$0x0]  }
0x2: {  	s1 =	rddreg [dreg:$0x1];
	s2 =	srdreg.scid  }
0x3: {  	s0 =	stileid.u32;
	s13 =	simm.s32 $0x10C80;
	s14 =	simm.s32 $0x14B80  }
0x4: {  	s15 =	simm.s32 $0x100;
	s16 =	simm.s32 $0x400;
	s17 =	simm.s32 $0x3  }
0x5: {  	s18 =	simm.s32 $0x1;
	s19 =	simm.s32 $0x4F00;
	s20 =	simm.s32 $0x2  }
0x6: {  	s21 =	simm.s32 $0x0;
	s4 =	sand.u32 $0x1, s2;
	s28 =	sshrl.u32 s0, $0x1  }
0x7: {  	s3 =	sshll.u32 s0, $0x9;
	s2 =	rddreg [dreg:$0x2];
	s11 =	sadd.s32 $0x21C00, s5  }
0x8: {  	s6 =	smul.u32 $0x13C00, s28;
	s7 =	sshll.u32 s4, $0x8;
	s8 =	sand.u32 $0x200, s3  }
0x9: {  	s3 =	simm.s32 $0x0;
	s30 =	ssub.s32 $0x2, s4;
	s4 =	sadd.s32 $0x17E00, s5  }
0xa: {  	s7 =	sor.u32 s7, s8;
	[smem:$0x7FF] =	sst s3;
	s10 =	sshrl.u32 s30, $0x1  }
0xb: {  	s6 =	sor.u32 s6, s7;
	_ =	strace $0x8000004D;
	s10 =	ssub.s32 s30, s10  }
0xc: {  	s29 =	sshrl.u32 s6, $0x3;
	s31 =	sadd.s32 $0x9E000, s6;
	s6 =	sadd.s32 $0x3E8, s1  }
0xd: {  	s10 =	smax.u32 s10, $0x1;
	s9 =	sadd.s32 s29, s5;
	s5 =	sadd.s32 $0x181E8, s5  }
0xe: {  	s12 =	sshrl.u32 s31, $0x3;
	s8 =	sadd.s32 s11, s29;
	s7 =	sadd.s32 $0x4200, s9  }
0xf: {  	v0 =	vimm.f32 $0.0e+00;
	s9 =	sadd.s32 s11, s12;
	s11 =	simm.s32 $0xED00;
	s12 =	simm.s32 $0x12C00  }
.LBB2_1:
0x10: {  	[tilespmem:s11], [sflag:$0x1] =	stream.linear.gather [hbm4b:s4+s3], $0x1F40, $0x38;
	[tilespmem:$0x16B00] =	vst v63  }
0x11: {  	_ = 	snop  }
0x12: {  	[tilespmem:s12], [sflag:$0x1] =	stream.linear.gather [hbm4b:s1+s3], $0x1F40, $0x38;
	[tilespmem:$0x16B00] =	vst v63  }
0x13: {  	_ = 	snop  }
0x14: {  	[tilespmem:s13], [sflag:$0x2] =	stream.linear.gather [hbm4b:s5+s3], $0x1F40, $0x38;
	[tilespmem:$0x16B00] =	vst v63  }
0x15: {  	_ = 	snop  }
0x16: {  	[tilespmem:s14], [sflag:$0x2] =	stream.linear.gather [hbm4b:s6+s3], $0x1F40, $0x38;
	[tilespmem:$0x16B00] =	vst v63  }
0x17: {  	_ = 	snop  }
0x18: {  	[tilespmem:s3], [sflag:$0x3] =	stream.strided.gather [hbm4b:s7+s15], $0x4F00, s16, s15, $0x38;
	[tilespmem:$0x16B00] =	vst v63  }
0x19: {  	s22 =	simm.s32 $0x0;
	s23 =	sand.u32 $0x40, s3;
	_ =	swait.ge [sflag:s17], $0x4F00  }
0x1a: {  	s24 =	sand.u32 $0xFE00, s3;
	s25 =	simm.s32 $0x0;
	[sflag:s17] =	ssyncset.done $0x0  }
0x1b: {  	s23 =	sor.u32 s23, s24;
	s24 =	simm.s32 $0x0;
	[sflag:s17] =	ssyncadd.s32 $0xFFFFB100  }
.LBB2_2:
0x1c: {  	s22 =	sadd.s32 $0x4, s22  }
0x1d: {  	[tilespmem:s23+$0x4F20] =	vst v0;
	s24 =	sadd.s32 $0x100, s24;
	s25 =	sadd.s32 $0x40, s25;
	p0 =	slt.u32 s22, $0x26C  }
.Ltmp0:
0x1e: {  	[tilespmem:s23+$0x4F10] =	vst v0;
	(pc) =	sbr.rel @p0 .LBB2_2-.Ltmp0, $4  }
0x1f: {  	[tilespmem:s23+$0x4F30] =	vst v0  }
0x20: {  	[tilespmem:s23+$0x4F00] =	vst v0  }
0x21: {  	s26 =	sand.u32 $0xFE00, s24;
	s23 =	sand.u32 $0x40, s25  }
0x22: {  	s23 =	sor.u32 s23, s26  }
0x23: {  	[tilespmem:s23+$0x4F20] =	vst v0  }
0x24: {  	[tilespmem:s23+$0x4F10] =	vst v0  }
0x25: {  	[tilespmem:s23+$0x4F30] =	vst v0;
	s22 =	simm.s32 $0x0  }
0x26: {  	[tilespmem:s23+$0x4F00] =	vst v0;
	s31 =	sand.u32 $0x40, s22;
	s25 =	sand.u32 $0xFE00, s22  }
0x27: {  	s24 =	simm.s32 $0x0;
	[tilespmem:$0xEB00] =	vst v0;
	s23 =	sor.u32 s31, s25;
	s25 =	simm.s32 $0x0  }
.LBB2_4:
0x28: {  	s24 =	sadd.s32 $0x4, s24  }
0x29: {  	[tilespmem:s23+$0x4FA0] =	vst v0;
	s22 =	sadd.s32 $0x100, s22;
	s25 =	sadd.s32 $0x40, s25;
	p0 =	slt.u32 s24, $0x26C  }
.Ltmp1:
0x2a: {  	[tilespmem:s23+$0x4F90] =	vst v0;
	(pc) =	sbr.rel @p0 .LBB2_4-.Ltmp1, $4  }
0x2b: {  	[tilespmem:s23+$0x4FB0] =	vst v0  }
0x2c: {  	[tilespmem:s23+$0x4F80] =	vst v0  }
0x2d: {  	s26 =	sand.u32 $0xFE00, s22;
	s23 =	sand.u32 $0x40, s25  }
0x2e: {  	s23 =	sor.u32 s23, s26  }
0x2f: {  	[tilespmem:s23+$0x4FA0] =	vst v0;
	p0 =	por $0x0, $0x0;
	s24 =	simm.s32 $0x1  }
0x30: {  	[tilespmem:s23+$0x4F90] =	vst v0;
	s24 =	simm.s32 @!p0 $0x0  }
0x31: {  	[tilespmem:s23+$0x4FB0] =	vst v0;
	s22 =	simm.s32 $0x0;
	s24 =	sshll.u32 s24, $0x6  }
0x32: {  	[tilespmem:s23+$0x4F80] =	vst v0;
	s23 =	simm.s32 $0x0;
	p0 =	por !p0, !p0;
	s25 =	sadd.s32 $0x0, s24  }
0x33: {  	[tilespmem:$0xEB80] =	vst v0;
	s28 =	sor.u32 $0x100, s25;
	s24 =	sor.u32 $0x110, s25;
	s26 =	sor.u32 $0x120, s25  }
.LBB2_6:
0x34: {  	s23 =	sadd.s32 $0x4, s23  }
0x35: {  	[tilespmem:s28+$0x4F00] =	vst v0;
	s25 =	sor.u32 $0x130, s25;
	s22 =	sadd.s32 $0x100, s22;
	p1 =	slt.u32 s23, $0x26C  }
.Ltmp2:
0x36: {  	[tilespmem:s26+$0x4F00] =	vst v0;
	s26 =	simm.s32 $0x1;
	(pc) =	sbr.rel @p1 .LBB2_6-.Ltmp2, $4  }
0x37: {  	s26 =	simm.s32 @!p0 $0x0;
	[tilespmem:s25+$0x4F00] =	vst v0  }
0x38: {  	s25 =	sshll.u32 s26, $0x6;
	[tilespmem:s24+$0x4F00] =	vst v0  }
0x39: {  	p0 =	por !p0, !p0;
	s25 =	sadd.s32 s25, s22  }
0x3a: {  	s28 =	sor.u32 $0x100, s25;
	s24 =	sor.u32 $0x110, s25;
	s26 =	sor.u32 $0x120, s25  }
0x3b: {  	[tilespmem:s28+$0x4F00] =	vst v0;
	p0 =	por $0x0, $0x0;
	s23 =	simm.s32 $0x1  }
0x3c: {  	s22 =	sor.u32 $0x130, s25;
	[tilespmem:s26+$0x4F00] =	vst v0;
	s23 =	simm.s32 @!p0 $0x0  }
0x3d: {  	[tilespmem:s22+$0x4F00] =	vst v0;
	s22 =	simm.s32 $0x0;
	s31 =	sshll.u32 s23, $0x6  }
0x3e: {  	[tilespmem:s24+$0x4F00] =	vst v0;
	p0 =	por !p0, !p0;
	s23 =	simm.s32 $0x0;
	s25 =	sadd.s32 $0x0, s31  }
0x3f: {  	[tilespmem:$0xEC00] =	vst v0;
	s28 =	sor.u32 $0x180, s25;
	s24 =	sor.u32 $0x190, s25;
	s26 =	sor.u32 $0x1A0, s25  }
.LBB2_8:
0x40: {  	s23 =	sadd.s32 $0x4, s23  }
0x41: {  	[tilespmem:s28+$0x4F00] =	vst v0;
	s25 =	sor.u32 $0x1B0, s25;
	s22 =	sadd.s32 $0x100, s22;
	p1 =	slt.u32 s23, $0x26C  }
.Ltmp3:
0x42: {  	[tilespmem:s26+$0x4F00] =	vst v0;
	s26 =	simm.s32 $0x1;
	(pc) =	sbr.rel @p1 .LBB2_8-.Ltmp3, $4  }
0x43: {  	s26 =	simm.s32 @!p0 $0x0;
	[tilespmem:s25+$0x4F00] =	vst v0  }
0x44: {  	s25 =	sshll.u32 s26, $0x6;
	[tilespmem:s24+$0x4F00] =	vst v0  }
0x45: {  	p0 =	por !p0, !p0;
	s25 =	sadd.s32 s25, s22  }
0x46: {  	s28 =	sor.u32 $0x180, s25;
	s24 =	sor.u32 $0x190, s25;
	s26 =	sor.u32 $0x1A0, s25  }
0x47: {  	[tilespmem:s28+$0x4F00] =	vst v0  }
0x48: {  	[tilespmem:s26+$0x4F00] =	vst v0  }
0x49: {  	s22 =	sor.u32 $0x1B0, s25;
	[tilespmem:s24+$0x4F00] =	vst v0  }
0x4a: {  	[tilespmem:s22+$0x4F00] =	vst v0  }
0x4b: {  	s22 =	simm.s32 $0x0;
	[tilespmem:$0xEC80] =	vst v0  }
.LBB2_10:
0x4c: {  	_ =	swait.ge [sflag:s18], $0x1F40  }
0x4d: {  	[sflag:s18] =	ssyncset.done $0x0  }
0x4e: {  	[sflag:s18] =	ssyncadd.s32 $0xFFFFE0C0  }
0x4f: {  	_ =	swait.ge [sflag:s18], $0x1F40  }
0x50: {  	[sflag:s18] =	ssyncset.done $0x0  }
0x51: {  	s23 =	simm.s32 $0xED10;
	[sflag:s18] =	ssyncadd.s32 $0xFFFFE0C0  }
0x52: {  	v1 =	vld [tilespmem:s23+$0x0];
	_ =	sdelay $0x4  }
0x53: {  	v2 =	vshll.u32 v1, $0x1  }
0x54: {  	v4 =	vld [tilespmem:s23+$0xFFFFFFF0];
	v3 =	vand.u32 $0x7F, v1;
	v2 =	vand.u32 $0x7F00, v2  }
0x55: {  	v2 =	vor.u32 v3, v2;
	_ =	sdelay $0x2  }
0x56: {  	s29 =	simm.s32 $0x12C10  }
0x57: {  	v10 =	vld [tilespmem:s29+$0x0];
	v3 =	vshll.u32 v4, $0x1  }
0x58: {  	s24 =	simm.s32 $0xED30;
	v6 =	vand.u32 $0x7F, v4;
	v3 =	vand.u32 $0x7F00, v3;
	v5 =	vld.idx.msk [tilespmem:v2+s3+$0x0], $0xffff  }
0x59: {  	v7 =	vld [tilespmem:s24+$0x0];
	v3 =	vor.u32 v6, v3;
	v6 =	vshrl.u32 v1, $0xE;
	v1 =	vshrl.u32 v1, $0xC  }
0x5a: {  	v6 =	vand.u32 $0x7F, v6;
	v1 =	vand.u32 $0xFFE00, v1  }
0x5b: {  	v8 =	vshrl.u32 v4, $0xE;
	v4 =	vshrl.u32 v4, $0xC;
	v6 =	vor.u32 v6, v1  }
0x5c: {  	v9 =	vld [tilespmem:s24+$0xFFFFFFF0];
	v4 =	vand.u32 $0xFFE00, v4;
	v1 =	vand.u32 $0x7F, v8;
	v8 =	vor.u32 $0x100, v6  }
0x5d: {  	v11 =	vor.u32 $0x80, v2;
	v4 =	vor.u32 v1, v4;
	v1 =	vand.u32 $0xFFFF0000, v5  }
0x5e: {  	v13 =	vshll.u32 v7, $0x1;
	v12 =	vld.idx.msk [tilespmem:v3+s3+$0x0], $0xffff;
	v2 =	vshll.u32 v5, $0x10;
	v5 =	vmul.f32 v1, v10  }
0x5f: {  	v13 =	vand.u32 $0x7F00, v13;
	v1 =	vld [tilespmem:s29+$0xFFFFFFF0];
	v14 =	vmul.f32 v2, v10;
	v2 =	vand.u32 $0x7F, v7  }
0x60: {  	v18 =	vor.u32 $0x80, v3;
	v13 =	vor.u32 v2, v13;
	[tilespmem:v6+s19+$0x0] =	vst.idx.add.f32.msk $0xffff, v5  }
0x61: {  	v17 =	vor.u32 $0x100, v4;
	v3 =	vor.u32 $0x180, v4;
	v5 =	vshll.u32 v9, $0x1;
	[tilespmem:v8+s19+$0x0] =	vst.idx.add.f32.msk $0xffff, v14  }
0x62: {  	v8 =	vand.u32 $0x7F, v9;
	v14 =	vshrl.u32 v9, $0xE;
	v5 =	vand.u32 $0x7F00, v5;
	v11 =	vld.idx.msk [tilespmem:v11+s3+$0x0], $0xffff  }
0x63: {  	s31 =	simm.s32 $0xED50;
	v9 =	vshrl.u32 v9, $0xC;
	v15 =	vor.u32 v8, v5;
	v5 =	vand.u32 $0xFFFF0000, v12  }
0x64: {  	v24 =	vld [tilespmem:s31+$0x0];
	v8 =	vshll.u32 v12, $0x10;
	v12 =	vand.u32 $0x7F, v14;
	v9 =	vand.u32 $0xFFE00, v9  }
0x65: {  	s30 =	simm.s32 $0x12C30;
	v5 =	vmul.f32 v5, v1;
	v22 =	vor.u32 v12, v9;
	v12 =	vor.u32 $0x80, v6;
	v14 =	vld.idx.msk [tilespmem:v13+s3+$0x0], $0xffff  }
0x66: {  	v19 =	vmul.f32 v8, v1;
	v8 =	vshrl.u32 v7, $0xE;
	v9 =	vld [tilespmem:s30+$0x0];
	v7 =	vshrl.u32 v7, $0xC  }
0x67: {  	v21 =	vld [tilespmem:s31+$0xFFFFFFF0];
	v8 =	vand.u32 $0x7F, v8;
	v20 =	vand.u32 $0xFFE00, v7;
	v16 =	vand.u32 $0xFFFF0000, v11  }
0x68: {  	v2 =	vor.u32 $0x80, v4;
	[tilespmem:v4+s19+$0x0] =	vst.idx.add.f32.msk $0xffff, v5;
	v23 =	vor.u32 v8, v20;
	v4 =	vmul.f32 v16, v10  }
0x69: {  	v16 =	vor.u32 $0x180, v6;
	v6 =	vshll.u32 v11, $0x10;
	v11 =	vld.idx.msk [tilespmem:v15+s3+$0x0], $0xffff  }
0x6a: {  	v20 =	vor.u32 $0x100, v23;
	v10 =	vmul.f32 v6, v10;
	[tilespmem:v12+s19+$0x0] =	vst.idx.add.f32.msk $0xffff, v4;
	v4 =	vand.u32 $0xFFFF0000, v14  }
0x6b: {  	v6 =	vld [tilespmem:s30+$0xFFFFFFF0];
	v12 =	vor.u32 $0x80, v13;
	v13 =	vshll.u32 v14, $0x10;
	v14 =	vmul.f32 v4, v9  }
0x6c: {  	v7 =	vor.u32 $0x100, v22;
	v8 =	vor.u32 $0x80, v15;
	[tilespmem:v17+s19+$0x0] =	vst.idx.add.f32.msk $0xffff, v19  }
0x6d: {  	v5 =	vor.u32 $0x80, v22;
	v15 =	vshll.u32 v24, $0x1;
	v13 =	vmul.f32 v13, v9;
	[tilespmem:v23+s19+$0x0] =	vst.idx.add.f32.msk $0xffff, v14  }
0x6e: {  	v19 =	vor.u32 $0x180, v23;
	v15 =	vand.u32 $0x7F00, v15;
	v4 =	vor.u32 $0x180, v22;
	[tilespmem:v16+s19+$0x0] =	vst.idx.add.f32.msk $0xffff, v10  }
0x6f: {  	v14 =	vand.u32 $0x7F, v24;
	v10 =	vand.u32 $0xFFFF0000, v11;
	[tilespmem:v20+s19+$0x0] =	vst.idx.add.f32.msk $0xffff, v13;
	v13 =	vand.u32 $0x7F, v21  }
0x70: {  	v20 =	vshll.u32 v21, $0x1;
	v15 =	vor.u32 v14, v15;
	v25 =	vmul.f32 v10, v6;
	v26 =	vld.idx.msk [tilespmem:v12+s3+$0x0], $0xffff  }
0x71: {  	v12 =	vshrl.u32 v21, $0xE;
	v14 =	vand.u32 $0x7F00, v20;
	v20 =	vshrl.u32 v21, $0xC  }
0x72: {  	v21 =	vor.u32 $0x80, v23;
	v23 =	vshrl.u32 v24, $0xE;
	v16 =	vor.u32 v13, v14  }
0x73: {  	v17 =	vld.idx.msk [tilespmem:v18+s3+$0x0], $0xffff;
	v13 =	vshll.u32 v11, $0x10;
	v11 =	vand.u32 $0x7F, v12;
	v12 =	vand.u32 $0xFFE00, v20  }
0x74: {  	[tilespmem:v22+s19+$0x0] =	vst.idx.add.f32.msk $0xffff, v25;
	v25 =	vshrl.u32 v24, $0xC;
	v11 =	vor.u32 v11, v12;
	v14 =	vmul.f32 v13, v6  }
0x75: {  	s23 =	simm.s32 $0x12C50;
	v12 =	vor.u32 $0x80, v16;
	v13 =	vor.u32 $0x100, v11;
	v20 =	vld.idx.msk [tilespmem:v15+s3+$0x0], $0xffff;
	v27 =	vand.u32 $0xFFFF0000, v26  }
0x76: {  	s25 =	simm.s32 $0xED70;
	s24 =	simm.s32 $0x4;
	v18 =	vld [tilespmem:s23+$0x0];
	v10 =	vor.u32 $0x80, v11;
	v22 =	vshll.u32 v26, $0x10;
	v24 =	vmul.f32 v27, v9  }
.LBB2_11:
0x77: {  	v26 =	vld [tilespmem:s25+$0x0];
	v23 =	vand.u32 $0x7F, v23;
	v25 =	vand.u32 $0xFFE00, v25;
	v9 =	vmul.f32 v22, v9  }
0x78: {  	v22 =	vor.u32 v23, v25;
	[tilespmem:v21+s19+$0x0] =	vst.idx.add.f32.msk $0xffff, v24;
	v21 =	vand.u32 $0xFFFF0000, v17;
	v17 =	vshll.u32 v17, $0x10  }
0x79: {  	v23 =	vor.u32 $0x100, v22;
	[tilespmem:v19+s19+$0x0] =	vst.idx.add.f32.msk $0xffff, v9;
	v19 =	vmul.f32 v21, v1;
	v24 =	vmul.f32 v17, v1  }
0x7a: {  	s24 =	sadd.s32 $0x2, s24;
	v25 =	vor.u32 $0x180, v11;
	v28 =	vand.u32 $0xFFFF0000, v20;
	v21 =	vor.u32 $0x80, v15;
	v1 =	vmovc v6;
	v17 =	vld [tilespmem:s25+$0xFFFFFFF0]  }
0x7b: {  	p0 =	slt.u32 s24, $0x1F2;
	v15 =	vshll.u32 v20, $0x10;
	v27 =	vld.idx.msk [tilespmem:v16+s3+$0x0], $0xffff;
	v16 =	vmul.f32 v28, v18;
	v9 =	vmov v18  }
0x7c: {  	v6 =	vld [tilespmem:s23+$0xFFFFFFF0];
	v15 =	vmul.f32 v15, v9  }
0x7d: {  	v18 =	vshll.u32 v26, $0x1;
	[tilespmem:v22+s19+$0x0] =	vst.idx.add.f32.msk $0xffff, v16  }
0x7e: {  	v16 =	vand.u32 $0x7F, v26;
	v18 =	vand.u32 $0x7F00, v18;
	[tilespmem:v23+s19+$0x0] =	vst.idx.add.f32.msk $0xffff, v15  }
0x7f: {  	v15 =	vor.u32 v16, v18;
	v20 =	vand.u32 $0x7F, v17;
	v23 =	vshll.u32 v17, $0x1;
	v28 =	vld.idx.msk [tilespmem:v21+s3+$0x0], $0xffff  }
0x80: {  	v18 =	vshrl.u32 v17, $0xE;
	v21 =	vshrl.u32 v17, $0xC;
	v16 =	vand.u32 $0x7F00, v23;
	[tilespmem:v7+s19+$0x0] =	vst.idx.add.f32.msk $0xffff, v14;
	v7 =	vmovc v13  }
0x81: {  	v13 =	vand.u32 $0xFFFF0000, v27;
	v14 =	vshll.u32 v27, $0x10;
	v16 =	vor.u32 v20, v16;
	v17 =	vld.idx.msk [tilespmem:v8+s3+$0x0], $0xffff;
	v8 =	vmovc v12  }
.Ltmp4:
0x82: {  	v12 =	vand.u32 $0x7F, v18;
	v18 =	vand.u32 $0xFFE00, v21;
	v27 =	vmul.f32 v13, v6;
	[tilespmem:v2+s19+$0x0] =	vst.idx.add.f32.msk $0xffff, v19;
	v2 =	vmovc v5;
	(pc) =	sbr.rel @p0 .LBB2_11-.Ltmp4, $4  }
0x83: {  	v14 =	vmul.f32 v14, v6;
	v21 =	vor.u32 $0x80, v22;
	v18 =	vor.u32 v12, v18;
	[tilespmem:v3+s19+$0x0] =	vst.idx.add.f32.msk $0xffff, v24  }
0x84: {  	v12 =	vor.u32 $0x80, v16;
	v19 =	vor.u32 $0x180, v22;
	v13 =	vor.u32 $0x100, v18;
	v3 =	vmovc v4;
	v4 =	vmovc v25;
	v20 =	vld.idx.msk [tilespmem:v15+s3+$0x0], $0xffff  }
0x85: {  	s23 =	sadd.s32 $0x20, s23;
	v23 =	vshrl.u32 v26, $0xE;
	v5 =	vmovc v10;
	v10 =	vor.u32 $0x80, v18;
	v24 =	vand.u32 $0xFFFF0000, v28;
	[tilespmem:v11+s19+$0x0] =	vst.idx.add.f32.msk $0xffff, v27;
	v11 =	vmovc v18  }
0x86: {  	s25 =	sadd.s32 $0x20, s25;
	v25 =	vshrl.u32 v26, $0xC;
	v22 =	vshll.u32 v28, $0x10;
	v24 =	vmul.f32 v24, v9;
	v18 =	vld [tilespmem:s23+$0x0]  }
0x87: {  	_ =	sdelay $0x1  }
0x88: {  	v23 =	vand.u32 $0x7F, v23;
	v25 =	vand.u32 $0xFFE00, v25  }
0x89: {  	v23 =	vor.u32 v23, v25  }
0x8a: {  	v16 =	vld.idx.msk [tilespmem:v16+s3+$0x0], $0xffff;
	v25 =	vor.u32 $0x100, v23  }
0x8b: {  	v15 =	vor.u32 $0x80, v15;
	v27 =	vld [tilespmem:s23+$0xFFFFFFF0];
	v26 =	vand.u32 $0xFFFF0000, v20  }
0x8c: {  	[tilespmem:v7+s19+$0x0] =	vst.idx.add.f32.msk $0xffff, v14;
	v20 =	vshll.u32 v20, $0x10;
	v26 =	vmul.f32 v26, v18  }
0x8d: {  	[tilespmem:v21+s19+$0x0] =	vst.idx.add.f32.msk $0xffff, v24;
	v20 =	vmul.f32 v20, v18  }
0x8e: {  	[tilespmem:v23+s19+$0x0] =	vst.idx.add.f32.msk $0xffff, v26  }
0x8f: {  	[tilespmem:v25+s19+$0x0] =	vst.idx.add.f32.msk $0xffff, v20;
	v20 =	vand.u32 $0xFFFF0000, v16  }
0x90: {  	v7 =	vshll.u32 v16, $0x10;
	v15 =	vld.idx.msk [tilespmem:v15+s3+$0x0], $0xffff;
	v14 =	vmul.f32 v20, v27  }
0x91: {  	v8 =	vld.idx.msk [tilespmem:v8+s3+$0x0], $0xffff;
	v7 =	vmul.f32 v7, v27  }
0x92: {  	[tilespmem:v11+s19+$0x0] =	vst.idx.add.f32.msk $0xffff, v14  }
0x93: {  	v9 =	vmul.f32 v22, v9;
	v16 =	vor.u32 $0x80, v23;
	v14 =	vand.u32 $0xFFFF0000, v17;
	[tilespmem:v13+s19+$0x0] =	vst.idx.add.f32.msk $0xffff, v7  }
0x94: {  	v7 =	vshll.u32 v17, $0x10;
	v13 =	vmul.f32 v14, v1;
	v14 =	vor.u32 $0x180, v23;
	v12 =	vld.idx.msk [tilespmem:v12+s3+$0x0], $0xffff  }
0x95: {  	[tilespmem:v19+s19+$0x0] =	vst.idx.add.f32.msk $0xffff, v9;
	v1 =	vmul.f32 v7, v1;
	v7 =	vand.u32 $0xFFFF0000, v15  }
0x96: {  	[tilespmem:v2+s19+$0x0] =	vst.idx.add.f32.msk $0xffff, v13;
	v2 =	vshll.u32 v15, $0x10;
	v7 =	vmul.f32 v7, v18  }
0x97: {  	[tilespmem:v3+s19+$0x0] =	vst.idx.add.f32.msk $0xffff, v1;
	v1 =	vmul.f32 v2, v18;
	v2 =	vand.u32 $0xFFFF0000, v8  }
0x98: {  	v3 =	vor.u32 $0x180, v11;
	v2 =	vmul.f32 v2, v6;
	[tilespmem:v16+s19+$0x0] =	vst.idx.add.f32.msk $0xffff, v7;
	v7 =	vshll.u32 v8, $0x10  }
0x99: {  	s25 =	smul.u32 $0x3E80, s22;
	[tilespmem:v14+s19+$0x0] =	vst.idx.add.f32.msk $0xffff, v1;
	v1 =	vmul.f32 v7, v6;
	v6 =	vand.u32 $0xFFFF0000, v12  }
0x9a: {  	[tilespmem:v5+s19+$0x0] =	vst.idx.add.f32.msk $0xffff, v2;
	v2 =	vshll.u32 v12, $0x10;
	v5 =	vmul.f32 v6, v27  }
0x9b: {  	s23 =	sshrl.u32 s25, $0x3;
	[tilespmem:v4+s19+$0x0] =	vst.idx.add.f32.msk $0xffff, v1;
	v1 =	vmul.f32 v2, v27  }
0x9c: {  	s24 =	sadd.s32 $0x7D0, s23;
	[tilespmem:v10+s19+$0x0] =	vst.idx.add.f32.msk $0xffff, v5  }
0x9d: {  	s25 =	sadd.s32 s4, s24;
	[tilespmem:v3+s19+$0x0] =	vst.idx.add.f32.msk $0xffff, v1  }
0x9e: {  	[tilespmem:s11], [sflag:$0x1] =	stream.linear.gather [hbm4b:s25+s3], $0x1F40, $0x38;
	[tilespmem:$0x16B00] =	vst v63  }
0x9f: {  	s24 =	sadd.s32 s1, s24  }
0xa0: {  	[tilespmem:s12], [sflag:$0x1] =	stream.linear.gather [hbm4b:s24+s3], $0x1F40, $0x38;
	[tilespmem:$0x16B00] =	vst v63  }
0xa1: {  	_ =	swait.ge [sflag:s20], $0x1F40  }
0xa2: {  	[sflag:s20] =	ssyncset.done $0x0  }
0xa3: {  	[sflag:s20] =	ssyncadd.s32 $0xFFFFE0C0  }
0xa4: {  	_ =	swait.ge [sflag:s20], $0x1F40  }
0xa5: {  	[sflag:s20] =	ssyncset.done $0x0  }
0xa6: {  	s26 =	simm.s32 $0x10C90;
	[sflag:s20] =	ssyncadd.s32 $0xFFFFE0C0  }
0xa7: {  	v1 =	vld [tilespmem:s26+$0x0];
	_ =	sdelay $0x4  }
0xa8: {  	v2 =	vshll.u32 v1, $0x1  }
0xa9: {  	v4 =	vld [tilespmem:s26+$0xFFFFFFF0];
	v3 =	vand.u32 $0x7F, v1;
	v2 =	vand.u32 $0x7F00, v2  }
0xaa: {  	v2 =	vor.u32 v3, v2;
	_ =	sdelay $0x2  }
0xab: {  	s28 =	simm.s32 $0x14B90  }
0xac: {  	v10 =	vld [tilespmem:s28+$0x0];
	v3 =	vshll.u32 v4, $0x1  }
0xad: {  	s29 =	simm.s32 $0x10CB0;
	v6 =	vand.u32 $0x7F, v4;
	v3 =	vand.u32 $0x7F00, v3;
	v5 =	vld.idx.msk [tilespmem:v2+s3+$0x0], $0xffff  }
0xae: {  	v7 =	vld [tilespmem:s29+$0x0];
	v3 =	vor.u32 v6, v3;
	v6 =	vshrl.u32 v1, $0xE;
	v1 =	vshrl.u32 v1, $0xC  }
0xaf: {  	v6 =	vand.u32 $0x7F, v6;
	v1 =	vand.u32 $0xFFE00, v1  }
0xb0: {  	v8 =	vshrl.u32 v4, $0xE;
	v4 =	vshrl.u32 v4, $0xC;
	v6 =	vor.u32 v6, v1  }
0xb1: {  	v9 =	vld [tilespmem:s29+$0xFFFFFFF0];
	v4 =	vand.u32 $0xFFE00, v4;
	v1 =	vand.u32 $0x7F, v8;
	v8 =	vor.u32 $0x100, v6  }
0xb2: {  	v11 =	vor.u32 $0x80, v2;
	v4 =	vor.u32 v1, v4;
	v1 =	vand.u32 $0xFFFF0000, v5  }
0xb3: {  	v13 =	vshll.u32 v7, $0x1;
	v12 =	vld.idx.msk [tilespmem:v3+s3+$0x0], $0xffff;
	v2 =	vshll.u32 v5, $0x10;
	v5 =	vmul.f32 v1, v10  }
0xb4: {  	v13 =	vand.u32 $0x7F00, v13;
	v1 =	vld [tilespmem:s28+$0xFFFFFFF0];
	v14 =	vmul.f32 v2, v10;
	v2 =	vand.u32 $0x7F, v7  }
0xb5: {  	v18 =	vor.u32 $0x80, v3;
	v13 =	vor.u32 v2, v13;
	[tilespmem:v6+s19+$0x0] =	vst.idx.add.f32.msk $0xffff, v5  }
0xb6: {  	v17 =	vor.u32 $0x100, v4;
	v3 =	vor.u32 $0x180, v4;
	v5 =	vshll.u32 v9, $0x1;
	[tilespmem:v8+s19+$0x0] =	vst.idx.add.f32.msk $0xffff, v14  }
0xb7: {  	v8 =	vand.u32 $0x7F, v9;
	v14 =	vshrl.u32 v9, $0xE;
	v5 =	vand.u32 $0x7F00, v5;
	v11 =	vld.idx.msk [tilespmem:v11+s3+$0x0], $0xffff  }
0xb8: {  	s31 =	simm.s32 $0x10CD0;
	v9 =	vshrl.u32 v9, $0xC;
	v15 =	vor.u32 v8, v5;
	v5 =	vand.u32 $0xFFFF0000, v12  }
0xb9: {  	v24 =	vld [tilespmem:s31+$0x0];
	v8 =	vshll.u32 v12, $0x10;
	v12 =	vand.u32 $0x7F, v14;
	v9 =	vand.u32 $0xFFE00, v9  }
0xba: {  	s30 =	simm.s32 $0x14BB0;
	v5 =	vmul.f32 v5, v1;
	v22 =	vor.u32 v12, v9;
	v12 =	vor.u32 $0x80, v6;
	v14 =	vld.idx.msk [tilespmem:v13+s3+$0x0], $0xffff  }
0xbb: {  	v19 =	vmul.f32 v8, v1;
	v8 =	vshrl.u32 v7, $0xE;
	v9 =	vld [tilespmem:s30+$0x0];
	v7 =	vshrl.u32 v7, $0xC  }
0xbc: {  	v21 =	vld [tilespmem:s31+$0xFFFFFFF0];
	v8 =	vand.u32 $0x7F, v8;
	v20 =	vand.u32 $0xFFE00, v7;
	v16 =	vand.u32 $0xFFFF0000, v11  }
0xbd: {  	v2 =	vor.u32 $0x80, v4;
	[tilespmem:v4+s19+$0x0] =	vst.idx.add.f32.msk $0xffff, v5;
	v23 =	vor.u32 v8, v20;
	v4 =	vmul.f32 v16, v10  }
0xbe: {  	v16 =	vor.u32 $0x180, v6;
	v6 =	vshll.u32 v11, $0x10;
	v11 =	vld.idx.msk [tilespmem:v15+s3+$0x0], $0xffff  }
0xbf: {  	v20 =	vor.u32 $0x100, v23;
	v10 =	vmul.f32 v6, v10;
	[tilespmem:v12+s19+$0x0] =	vst.idx.add.f32.msk $0xffff, v4;
	v4 =	vand.u32 $0xFFFF0000, v14  }
0xc0: {  	v6 =	vld [tilespmem:s30+$0xFFFFFFF0];
	v12 =	vor.u32 $0x80, v13;
	v13 =	vshll.u32 v14, $0x10;
	v14 =	vmul.f32 v4, v9  }
0xc1: {  	v7 =	vor.u32 $0x100, v22;
	v8 =	vor.u32 $0x80, v15;
	[tilespmem:v17+s19+$0x0] =	vst.idx.add.f32.msk $0xffff, v19  }
0xc2: {  	v5 =	vor.u32 $0x80, v22;
	v15 =	vshll.u32 v24, $0x1;
	v13 =	vmul.f32 v13, v9;
	[tilespmem:v23+s19+$0x0] =	vst.idx.add.f32.msk $0xffff, v14  }
0xc3: {  	v19 =	vor.u32 $0x180, v23;
	v15 =	vand.u32 $0x7F00, v15;
	v4 =	vor.u32 $0x180, v22;
	[tilespmem:v16+s19+$0x0] =	vst.idx.add.f32.msk $0xffff, v10  }
0xc4: {  	v14 =	vand.u32 $0x7F, v24;
	v10 =	vand.u32 $0xFFFF0000, v11;
	[tilespmem:v20+s19+$0x0] =	vst.idx.add.f32.msk $0xffff, v13;
	v13 =	vand.u32 $0x7F, v21  }
0xc5: {  	v20 =	vshll.u32 v21, $0x1;
	v15 =	vor.u32 v14, v15;
	v25 =	vmul.f32 v10, v6;
	v26 =	vld.idx.msk [tilespmem:v12+s3+$0x0], $0xffff  }
0xc6: {  	v12 =	vshrl.u32 v21, $0xE;
	v14 =	vand.u32 $0x7F00, v20;
	v20 =	vshrl.u32 v21, $0xC  }
0xc7: {  	v21 =	vor.u32 $0x80, v23;
	v23 =	vshrl.u32 v24, $0xE;
	v16 =	vor.u32 v13, v14  }
0xc8: {  	v17 =	vld.idx.msk [tilespmem:v18+s3+$0x0], $0xffff;
	v13 =	vshll.u32 v11, $0x10;
	v11 =	vand.u32 $0x7F, v12;
	v12 =	vand.u32 $0xFFE00, v20  }
0xc9: {  	[tilespmem:v22+s19+$0x0] =	vst.idx.add.f32.msk $0xffff, v25;
	v25 =	vshrl.u32 v24, $0xC;
	v11 =	vor.u32 v11, v12;
	v14 =	vmul.f32 v13, v6  }
0xca: {  	s24 =	simm.s32 $0x14BD0;
	v12 =	vor.u32 $0x80, v16;
	v13 =	vor.u32 $0x100, v11;
	v20 =	vld.idx.msk [tilespmem:v15+s3+$0x0], $0xffff;
	v27 =	vand.u32 $0xFFFF0000, v26  }
0xcb: {  	s25 =	simm.s32 $0x4;
	s26 =	simm.s32 $0x10CF0;
	v18 =	vld [tilespmem:s24+$0x0];
	v10 =	vor.u32 $0x80, v11;
	v22 =	vshll.u32 v26, $0x10;
	v24 =	vmul.f32 v27, v9  }
.LBB2_13:
0xcc: {  	v26 =	vld [tilespmem:s26+$0x0];
	v23 =	vand.u32 $0x7F, v23;
	v25 =	vand.u32 $0xFFE00, v25;
	v9 =	vmul.f32 v22, v9  }
0xcd: {  	v22 =	vor.u32 v23, v25;
	[tilespmem:v21+s19+$0x0] =	vst.idx.add.f32.msk $0xffff, v24;
	v21 =	vand.u32 $0xFFFF0000, v17;
	v17 =	vshll.u32 v17, $0x10  }
0xce: {  	v23 =	vor.u32 $0x100, v22;
	[tilespmem:v19+s19+$0x0] =	vst.idx.add.f32.msk $0xffff, v9;
	v19 =	vmul.f32 v21, v1;
	v24 =	vmul.f32 v17, v1  }
0xcf: {  	s25 =	sadd.s32 $0x2, s25;
	v25 =	vor.u32 $0x180, v11;
	v28 =	vand.u32 $0xFFFF0000, v20;
	v21 =	vor.u32 $0x80, v15;
	v1 =	vmovc v6;
	v17 =	vld [tilespmem:s26+$0xFFFFFFF0]  }
0xd0: {  	p0 =	slt.u32 s25, $0x1F2;
	v15 =	vshll.u32 v20, $0x10;
	v27 =	vld.idx.msk [tilespmem:v16+s3+$0x0], $0xffff;
	v16 =	vmul.f32 v28, v18;
	v9 =	vmov v18  }
0xd1: {  	v6 =	vld [tilespmem:s24+$0xFFFFFFF0];
	v15 =	vmul.f32 v15, v9  }
0xd2: {  	v18 =	vshll.u32 v26, $0x1;
	[tilespmem:v22+s19+$0x0] =	vst.idx.add.f32.msk $0xffff, v16  }
0xd3: {  	v16 =	vand.u32 $0x7F, v26;
	v18 =	vand.u32 $0x7F00, v18;
	[tilespmem:v23+s19+$0x0] =	vst.idx.add.f32.msk $0xffff, v15  }
0xd4: {  	v15 =	vor.u32 v16, v18;
	v20 =	vand.u32 $0x7F, v17;
	v23 =	vshll.u32 v17, $0x1;
	v28 =	vld.idx.msk [tilespmem:v21+s3+$0x0], $0xffff  }
0xd5: {  	v18 =	vshrl.u32 v17, $0xE;
	v21 =	vshrl.u32 v17, $0xC;
	v16 =	vand.u32 $0x7F00, v23;
	[tilespmem:v7+s19+$0x0] =	vst.idx.add.f32.msk $0xffff, v14;
	v7 =	vmovc v13  }
0xd6: {  	v13 =	vand.u32 $0xFFFF0000, v27;
	v14 =	vshll.u32 v27, $0x10;
	v16 =	vor.u32 v20, v16;
	v17 =	vld.idx.msk [tilespmem:v8+s3+$0x0], $0xffff;
	v8 =	vmovc v12  }
.Ltmp5:
0xd7: {  	v12 =	vand.u32 $0x7F, v18;
	v18 =	vand.u32 $0xFFE00, v21;
	v27 =	vmul.f32 v13, v6;
	[tilespmem:v2+s19+$0x0] =	vst.idx.add.f32.msk $0xffff, v19;
	v2 =	vmovc v5;
	(pc) =	sbr.rel @p0 .LBB2_13-.Ltmp5, $4  }
0xd8: {  	v14 =	vmul.f32 v14, v6;
	v21 =	vor.u32 $0x80, v22;
	v18 =	vor.u32 v12, v18;
	[tilespmem:v3+s19+$0x0] =	vst.idx.add.f32.msk $0xffff, v24  }
0xd9: {  	v12 =	vor.u32 $0x80, v16;
	v19 =	vor.u32 $0x180, v22;
	v13 =	vor.u32 $0x100, v18;
	v3 =	vmovc v4;
	v4 =	vmovc v25;
	v20 =	vld.idx.msk [tilespmem:v15+s3+$0x0], $0xffff  }
0xda: {  	s24 =	sadd.s32 $0x20, s24;
	v23 =	vshrl.u32 v26, $0xE;
	v5 =	vmovc v10;
	v10 =	vor.u32 $0x80, v18;
	v24 =	vand.u32 $0xFFFF0000, v28;
	[tilespmem:v11+s19+$0x0] =	vst.idx.add.f32.msk $0xffff, v27;
	v11 =	vmovc v18  }
0xdb: {  	s26 =	sadd.s32 $0x20, s26;
	v25 =	vshrl.u32 v26, $0xC;
	v22 =	vshll.u32 v28, $0x10;
	v24 =	vmul.f32 v24, v9;
	v18 =	vld [tilespmem:s24+$0x0]  }
0xdc: {  	_ =	sdelay $0x1  }
0xdd: {  	v23 =	vand.u32 $0x7F, v23;
	v25 =	vand.u32 $0xFFE00, v25  }
0xde: {  	v23 =	vor.u32 v23, v25  }
0xdf: {  	v16 =	vld.idx.msk [tilespmem:v16+s3+$0x0], $0xffff;
	v25 =	vor.u32 $0x100, v23  }
0xe0: {  	v15 =	vor.u32 $0x80, v15;
	v27 =	vld [tilespmem:s24+$0xFFFFFFF0];
	v26 =	vand.u32 $0xFFFF0000, v20  }
0xe1: {  	[tilespmem:v7+s19+$0x0] =	vst.idx.add.f32.msk $0xffff, v14;
	v51 =	vshll.u32 v20, $0x10;
	v26 =	vmul.f32 v26, v18  }
0xe2: {  	[tilespmem:v21+s19+$0x0] =	vst.idx.add.f32.msk $0xffff, v24;
	v20 =	vmul.f32 v51, v18  }
0xe3: {  	[tilespmem:v23+s19+$0x0] =	vst.idx.add.f32.msk $0xffff, v26  }
0xe4: {  	v52 =	vand.u32 $0xFFFF0000, v16;
	[tilespmem:v25+s19+$0x0] =	vst.idx.add.f32.msk $0xffff, v20  }
0xe5: {  	v53 =	vshll.u32 v16, $0x10;
	v54 =	vmul.f32 v52, v27;
	v15 =	vld.idx.msk [tilespmem:v15+s3+$0x0], $0xffff  }
0xe6: {  	v8 =	vld.idx.msk [tilespmem:v8+s3+$0x0], $0xffff;
	v7 =	vmul.f32 v53, v27  }
0xe7: {  	[tilespmem:v11+s19+$0x0] =	vst.idx.add.f32.msk $0xffff, v54  }
0xe8: {  	v9 =	vmul.f32 v22, v9;
	v55 =	vand.u32 $0xFFFF0000, v17;
	v56 =	vor.u32 $0x80, v23;
	[tilespmem:v13+s19+$0x0] =	vst.idx.add.f32.msk $0xffff, v7  }
0xe9: {  	v57 =	vshll.u32 v17, $0x10;
	v58 =	vmul.f32 v55, v1;
	v59 =	vor.u32 $0x180, v23;
	v12 =	vld.idx.msk [tilespmem:v12+s3+$0x0], $0xffff  }
0xea: {  	v1 =	vmul.f32 v57, v1;
	[tilespmem:v19+s19+$0x0] =	vst.idx.add.f32.msk $0xffff, v9;
	v60 =	vand.u32 $0xFFFF0000, v15  }
0xeb: {  	[tilespmem:v2+s19+$0x0] =	vst.idx.add.f32.msk $0xffff, v58;
	v2 =	vshll.u32 v15, $0x10;
	v7 =	vmul.f32 v60, v18  }
0xec: {  	[tilespmem:v3+s19+$0x0] =	vst.idx.add.f32.msk $0xffff, v1;
	v1 =	vmul.f32 v2, v18;
	v2 =	vand.u32 $0xFFFF0000, v8  }
0xed: {  	v3 =	vor.u32 $0x180, v11;
	v61 =	vshll.u32 v8, $0x10;
	v2 =	vmul.f32 v2, v6;
	[tilespmem:v56+s19+$0x0] =	vst.idx.add.f32.msk $0xffff, v7  }
0xee: {  	v62 =	vand.u32 $0xFFFF0000, v12;
	[tilespmem:v59+s19+$0x0] =	vst.idx.add.f32.msk $0xffff, v1;
	v1 =	vmul.f32 v61, v6  }
0xef: {  	s22 =	sadd.s32 $0x1, s22;
	v63 =	vmul.f32 v62, v27;
	[tilespmem:v5+s19+$0x0] =	vst.idx.add.f32.msk $0xffff, v2;
	v2 =	vshll.u32 v12, $0x10  }
0xf0: {  	p0 =	sne.s32 s22, $0x13;
	[tilespmem:v4+s19+$0x0] =	vst.idx.add.f32.msk $0xffff, v1;
	v1 =	vmul.f32 v2, v27  }
.Ltmp6:
0xf1: {  	s23 =	sadd.s32 $0xBB8, s23;
	[tilespmem:v10+s19+$0x0] =	vst.idx.add.f32.msk $0xffff, v63;
	(pc) =	sbr.rel @p0 .LBB2_10-.Ltmp6, $4  }
0xf2: {  	s31 =	sadd.s32 s4, s23;
	[tilespmem:v3+s19+$0x0] =	vst.idx.add.f32.msk $0xffff, v1  }
0xf3: {  	[tilespmem:s13], [sflag:$0x2] =	stream.linear.gather [hbm4b:s31+s3], $0x1F40, $0x38;
	[tilespmem:$0x16B00] =	vst v63  }
0xf4: {  	s23 =	sadd.s32 s1, s23  }
0xf5: {  	[tilespmem:s14], [sflag:$0x2] =	stream.linear.gather [hbm4b:s23+s3], $0x1F40, $0x38;
	[tilespmem:$0x16B00] =	vst v63  }
0xf6: {  	_ =	swait.ge [sflag:s18], $0x1F40  }
0xf7: {  	[sflag:s18] =	ssyncset.done $0x0  }
0xf8: {  	[sflag:s18] =	ssyncadd.s32 $0xFFFFE0C0  }
0xf9: {  	_ =	swait.ge [sflag:s18], $0x1F40  }
0xfa: {  	[sflag:s18] =	ssyncset.done $0x0  }
0xfb: {  	s22 =	simm.s32 $0xED10;
	[sflag:s18] =	ssyncadd.s32 $0xFFFFE0C0  }
0xfc: {  	v1 =	vld [tilespmem:s22+$0x0];
	_ =	sdelay $0x4  }
0xfd: {  	v2 =	vshll.u32 v1, $0x1  }
0xfe: {  	v4 =	vld [tilespmem:s22+$0xFFFFFFF0];
	v3 =	vand.u32 $0x7F, v1;
	v2 =	vand.u32 $0x7F00, v2  }
0xff: {  	v2 =	vor.u32 v3, v2;
	_ =	sdelay $0x2  }
0x100: {  	s29 =	simm.s32 $0x12C10  }
0x101: {  	v10 =	vld [tilespmem:s29+$0x0];
	v3 =	vshll.u32 v4, $0x1  }
0x102: {  	s23 =	simm.s32 $0xED30;
	v6 =	vand.u32 $0x7F, v4;
	v3 =	vand.u32 $0x7F00, v3;
	v5 =	vld.idx.msk [tilespmem:v2+s3+$0x0], $0xffff  }
0x103: {  	v7 =	vld [tilespmem:s23+$0x0];
	v3 =	vor.u32 v6, v3;
	v6 =	vshrl.u32 v1, $0xE;
	v1 =	vshrl.u32 v1, $0xC  }
0x104: {  	v6 =	vand.u32 $0x7F, v6;
	v1 =	vand.u32 $0xFFE00, v1  }
0x105: {  	v8 =	vshrl.u32 v4, $0xE;
	v4 =	vshrl.u32 v4, $0xC;
	v6 =	vor.u32 v6, v1  }
0x106: {  	v9 =	vld [tilespmem:s23+$0xFFFFFFF0];
	v4 =	vand.u32 $0xFFE00, v4;
	v1 =	vand.u32 $0x7F, v8;
	v8 =	vor.u32 $0x100, v6  }
0x107: {  	v11 =	vor.u32 $0x80, v2;
	v4 =	vor.u32 v1, v4;
	v1 =	vand.u32 $0xFFFF0000, v5  }
0x108: {  	v13 =	vshll.u32 v7, $0x1;
	v12 =	vld.idx.msk [tilespmem:v3+s3+$0x0], $0xffff;
	v2 =	vshll.u32 v5, $0x10;
	v5 =	vmul.f32 v1, v10  }
0x109: {  	v13 =	vand.u32 $0x7F00, v13;
	v1 =	vld [tilespmem:s29+$0xFFFFFFF0];
	v14 =	vmul.f32 v2, v10;
	v2 =	vand.u32 $0x7F, v7  }
0x10a: {  	v18 =	vor.u32 $0x80, v3;
	v13 =	vor.u32 v2, v13;
	[tilespmem:v6+s19+$0x0] =	vst.idx.add.f32.msk $0xffff, v5  }
0x10b: {  	v17 =	vor.u32 $0x100, v4;
	v3 =	vor.u32 $0x180, v4;
	v5 =	vshll.u32 v9, $0x1;
	[tilespmem:v8+s19+$0x0] =	vst.idx.add.f32.msk $0xffff, v14  }
0x10c: {  	v8 =	vand.u32 $0x7F, v9;
	v14 =	vshrl.u32 v9, $0xE;
	v5 =	vand.u32 $0x7F00, v5;
	v11 =	vld.idx.msk [tilespmem:v11+s3+$0x0], $0xffff  }
0x10d: {  	s31 =	simm.s32 $0xED50;
	v9 =	vshrl.u32 v9, $0xC;
	v15 =	vor.u32 v8, v5;
	v5 =	vand.u32 $0xFFFF0000, v12  }
0x10e: {  	v24 =	vld [tilespmem:s31+$0x0];
	v8 =	vshll.u32 v12, $0x10;
	v12 =	vand.u32 $0x7F, v14;
	v9 =	vand.u32 $0xFFE00, v9  }
0x10f: {  	s30 =	simm.s32 $0x12C30;
	v5 =	vmul.f32 v5, v1;
	v22 =	vor.u32 v12, v9;
	v12 =	vor.u32 $0x80, v6;
	v14 =	vld.idx.msk [tilespmem:v13+s3+$0x0], $0xffff  }
0x110: {  	v19 =	vmul.f32 v8, v1;
	v8 =	vshrl.u32 v7, $0xE;
	v9 =	vld [tilespmem:s30+$0x0];
	v7 =	vshrl.u32 v7, $0xC  }
0x111: {  	v21 =	vld [tilespmem:s31+$0xFFFFFFF0];
	v8 =	vand.u32 $0x7F, v8;
	v20 =	vand.u32 $0xFFE00, v7;
	v16 =	vand.u32 $0xFFFF0000, v11  }
0x112: {  	v2 =	vor.u32 $0x80, v4;
	[tilespmem:v4+s19+$0x0] =	vst.idx.add.f32.msk $0xffff, v5;
	v23 =	vor.u32 v8, v20;
	v4 =	vmul.f32 v16, v10  }
0x113: {  	v16 =	vor.u32 $0x180, v6;
	v6 =	vshll.u32 v11, $0x10;
	v11 =	vld.idx.msk [tilespmem:v15+s3+$0x0], $0xffff  }
0x114: {  	v20 =	vor.u32 $0x100, v23;
	v10 =	vmul.f32 v6, v10;
	[tilespmem:v12+s19+$0x0] =	vst.idx.add.f32.msk $0xffff, v4;
	v4 =	vand.u32 $0xFFFF0000, v14  }
0x115: {  	v6 =	vld [tilespmem:s30+$0xFFFFFFF0];
	v12 =	vor.u32 $0x80, v13;
	v13 =	vshll.u32 v14, $0x10;
	v14 =	vmul.f32 v4, v9  }
0x116: {  	v7 =	vor.u32 $0x100, v22;
	v8 =	vor.u32 $0x80, v15;
	[tilespmem:v17+s19+$0x0] =	vst.idx.add.f32.msk $0xffff, v19  }
0x117: {  	v5 =	vor.u32 $0x80, v22;
	v15 =	vshll.u32 v24, $0x1;
	v13 =	vmul.f32 v13, v9;
	[tilespmem:v23+s19+$0x0] =	vst.idx.add.f32.msk $0xffff, v14  }
0x118: {  	v19 =	vor.u32 $0x180, v23;
	v15 =	vand.u32 $0x7F00, v15;
	v4 =	vor.u32 $0x180, v22;
	[tilespmem:v16+s19+$0x0] =	vst.idx.add.f32.msk $0xffff, v10  }
0x119: {  	v14 =	vand.u32 $0x7F, v24;
	v10 =	vand.u32 $0xFFFF0000, v11;
	[tilespmem:v20+s19+$0x0] =	vst.idx.add.f32.msk $0xffff, v13;
	v13 =	vand.u32 $0x7F, v21  }
0x11a: {  	v20 =	vshll.u32 v21, $0x1;
	v15 =	vor.u32 v14, v15;
	v25 =	vmul.f32 v10, v6;
	v26 =	vld.idx.msk [tilespmem:v12+s3+$0x0], $0xffff  }
0x11b: {  	v12 =	vshrl.u32 v21, $0xE;
	v14 =	vand.u32 $0x7F00, v20;
	v20 =	vshrl.u32 v21, $0xC  }
0x11c: {  	v21 =	vor.u32 $0x80, v23;
	v23 =	vshrl.u32 v24, $0xE;
	v16 =	vor.u32 v13, v14  }
0x11d: {  	v17 =	vld.idx.msk [tilespmem:v18+s3+$0x0], $0xffff;
	v13 =	vshll.u32 v11, $0x10;
	v11 =	vand.u32 $0x7F, v12;
	v12 =	vand.u32 $0xFFE00, v20  }
0x11e: {  	[tilespmem:v22+s19+$0x0] =	vst.idx.add.f32.msk $0xffff, v25;
	v25 =	vshrl.u32 v24, $0xC;
	v11 =	vor.u32 v11, v12;
	v14 =	vmul.f32 v13, v6  }
0x11f: {  	s22 =	simm.s32 $0x12C50;
	v12 =	vor.u32 $0x80, v16;
	v13 =	vor.u32 $0x100, v11;
	v20 =	vld.idx.msk [tilespmem:v15+s3+$0x0], $0xffff;
	v27 =	vand.u32 $0xFFFF0000, v26  }
0x120: {  	s24 =	simm.s32 $0xED70;
	s23 =	simm.s32 $0x4;
	v18 =	vld [tilespmem:s22+$0x0];
	v10 =	vor.u32 $0x80, v11;
	v22 =	vshll.u32 v26, $0x10;
	v24 =	vmul.f32 v27, v9  }
.LBB2_16:
0x121: {  	v26 =	vld [tilespmem:s24+$0x0];
	v23 =	vand.u32 $0x7F, v23;
	v25 =	vand.u32 $0xFFE00, v25;
	v9 =	vmul.f32 v22, v9  }
0x122: {  	v22 =	vor.u32 v23, v25;
	[tilespmem:v21+s19+$0x0] =	vst.idx.add.f32.msk $0xffff, v24;
	v21 =	vand.u32 $0xFFFF0000, v17;
	v17 =	vshll.u32 v17, $0x10  }
0x123: {  	v23 =	vor.u32 $0x100, v22;
	[tilespmem:v19+s19+$0x0] =	vst.idx.add.f32.msk $0xffff, v9;
	v19 =	vmul.f32 v21, v1;
	v24 =	vmul.f32 v17, v1  }
0x124: {  	s23 =	sadd.s32 $0x2, s23;
	v25 =	vor.u32 $0x180, v11;
	v28 =	vand.u32 $0xFFFF0000, v20;
	v21 =	vor.u32 $0x80, v15;
	v1 =	vmovc v6;
	v17 =	vld [tilespmem:s24+$0xFFFFFFF0]  }
0x125: {  	p0 =	slt.u32 s23, $0x1F2;
	v15 =	vshll.u32 v20, $0x10;
	v27 =	vld.idx.msk [tilespmem:v16+s3+$0x0], $0xffff;
	v16 =	vmul.f32 v28, v18;
	v9 =	vmov v18  }
0x126: {  	v6 =	vld [tilespmem:s22+$0xFFFFFFF0];
	v15 =	vmul.f32 v15, v9  }
0x127: {  	v18 =	vshll.u32 v26, $0x1;
	[tilespmem:v22+s19+$0x0] =	vst.idx.add.f32.msk $0xffff, v16  }
0x128: {  	v16 =	vand.u32 $0x7F, v26;
	v18 =	vand.u32 $0x7F00, v18;
	[tilespmem:v23+s19+$0x0] =	vst.idx.add.f32.msk $0xffff, v15  }
0x129: {  	v15 =	vor.u32 v16, v18;
	v20 =	vand.u32 $0x7F, v17;
	v23 =	vshll.u32 v17, $0x1;
	v28 =	vld.idx.msk [tilespmem:v21+s3+$0x0], $0xffff  }
0x12a: {  	v18 =	vshrl.u32 v17, $0xE;
	v21 =	vshrl.u32 v17, $0xC;
	v16 =	vand.u32 $0x7F00, v23;
	[tilespmem:v7+s19+$0x0] =	vst.idx.add.f32.msk $0xffff, v14;
	v7 =	vmovc v13  }
0x12b: {  	v13 =	vand.u32 $0xFFFF0000, v27;
	v14 =	vshll.u32 v27, $0x10;
	v16 =	vor.u32 v20, v16;
	v17 =	vld.idx.msk [tilespmem:v8+s3+$0x0], $0xffff;
	v8 =	vmovc v12  }
.Ltmp7:
0x12c: {  	v12 =	vand.u32 $0x7F, v18;
	v18 =	vand.u32 $0xFFE00, v21;
	v27 =	vmul.f32 v13, v6;
	[tilespmem:v2+s19+$0x0] =	vst.idx.add.f32.msk $0xffff, v19;
	v2 =	vmovc v5;
	(pc) =	sbr.rel @p0 .LBB2_16-.Ltmp7, $4  }
0x12d: {  	v14 =	vmul.f32 v14, v6;
	v21 =	vor.u32 $0x80, v22;
	v18 =	vor.u32 v12, v18;
	[tilespmem:v3+s19+$0x0] =	vst.idx.add.f32.msk $0xffff, v24  }
0x12e: {  	v12 =	vor.u32 $0x80, v16;
	v19 =	vor.u32 $0x180, v22;
	v13 =	vor.u32 $0x100, v18;
	v3 =	vmovc v4;
	v4 =	vmovc v25;
	v20 =	vld.idx.msk [tilespmem:v15+s3+$0x0], $0xffff  }
0x12f: {  	s22 =	sadd.s32 $0x20, s22;
	v23 =	vshrl.u32 v26, $0xE;
	v5 =	vmovc v10;
	v10 =	vor.u32 $0x80, v18;
	v24 =	vand.u32 $0xFFFF0000, v28;
	[tilespmem:v11+s19+$0x0] =	vst.idx.add.f32.msk $0xffff, v27;
	v11 =	vmovc v18  }
0x130: {  	s24 =	sadd.s32 $0x20, s24;
	v25 =	vshrl.u32 v26, $0xC;
	v22 =	vshll.u32 v28, $0x10;
	v24 =	vmul.f32 v24, v9;
	v18 =	vld [tilespmem:s22+$0x0]  }
0x131: {  	_ =	sdelay $0x1  }
0x132: {  	v23 =	vand.u32 $0x7F, v23;
	v25 =	vand.u32 $0xFFE00, v25  }
0x133: {  	v23 =	vor.u32 v23, v25  }
0x134: {  	v16 =	vld.idx.msk [tilespmem:v16+s3+$0x0], $0xffff;
	v25 =	vor.u32 $0x100, v23  }
0x135: {  	v15 =	vor.u32 $0x80, v15;
	v27 =	vld [tilespmem:s22+$0xFFFFFFF0];
	v26 =	vand.u32 $0xFFFF0000, v20  }
0x136: {  	[tilespmem:v7+s19+$0x0] =	vst.idx.add.f32.msk $0xffff, v14;
	v20 =	vshll.u32 v20, $0x10;
	v26 =	vmul.f32 v26, v18  }
0x137: {  	[tilespmem:v21+s19+$0x0] =	vst.idx.add.f32.msk $0xffff, v24;
	v20 =	vmul.f32 v20, v18  }
0x138: {  	[tilespmem:v23+s19+$0x0] =	vst.idx.add.f32.msk $0xffff, v26  }
0x139: {  	[tilespmem:v25+s19+$0x0] =	vst.idx.add.f32.msk $0xffff, v20;
	v20 =	vand.u32 $0xFFFF0000, v16  }
0x13a: {  	v7 =	vshll.u32 v16, $0x10;
	v15 =	vld.idx.msk [tilespmem:v15+s3+$0x0], $0xffff;
	v14 =	vmul.f32 v20, v27  }
0x13b: {  	v8 =	vld.idx.msk [tilespmem:v8+s3+$0x0], $0xffff;
	v7 =	vmul.f32 v7, v27  }
0x13c: {  	[tilespmem:v11+s19+$0x0] =	vst.idx.add.f32.msk $0xffff, v14  }
0x13d: {  	v9 =	vmul.f32 v22, v9;
	v16 =	vor.u32 $0x80, v23;
	v14 =	vand.u32 $0xFFFF0000, v17;
	[tilespmem:v13+s19+$0x0] =	vst.idx.add.f32.msk $0xffff, v7  }
0x13e: {  	v7 =	vshll.u32 v17, $0x10;
	v13 =	vmul.f32 v14, v1;
	v14 =	vor.u32 $0x180, v23;
	v12 =	vld.idx.msk [tilespmem:v12+s3+$0x0], $0xffff  }
0x13f: {  	[tilespmem:v19+s19+$0x0] =	vst.idx.add.f32.msk $0xffff, v9;
	v1 =	vmul.f32 v7, v1;
	v7 =	vand.u32 $0xFFFF0000, v15  }
0x140: {  	[tilespmem:v2+s19+$0x0] =	vst.idx.add.f32.msk $0xffff, v13;
	v2 =	vshll.u32 v15, $0x10;
	v7 =	vmul.f32 v7, v18  }
0x141: {  	[tilespmem:v3+s19+$0x0] =	vst.idx.add.f32.msk $0xffff, v1;
	v1 =	vmul.f32 v2, v18;
	v2 =	vand.u32 $0xFFFF0000, v8  }
0x142: {  	v3 =	vor.u32 $0x180, v11;
	v2 =	vmul.f32 v2, v6;
	[tilespmem:v16+s19+$0x0] =	vst.idx.add.f32.msk $0xffff, v7;
	v7 =	vshll.u32 v8, $0x10  }
0x143: {  	[tilespmem:v14+s19+$0x0] =	vst.idx.add.f32.msk $0xffff, v1;
	v1 =	vmul.f32 v7, v6;
	v6 =	vand.u32 $0xFFFF0000, v12  }
0x144: {  	[tilespmem:v5+s19+$0x0] =	vst.idx.add.f32.msk $0xffff, v2;
	v2 =	vshll.u32 v12, $0x10;
	v5 =	vmul.f32 v6, v27  }
0x145: {  	[tilespmem:v4+s19+$0x0] =	vst.idx.add.f32.msk $0xffff, v1;
	v1 =	vmul.f32 v2, v27  }
0x146: {  	[tilespmem:v10+s19+$0x0] =	vst.idx.add.f32.msk $0xffff, v5  }
0x147: {  	[tilespmem:v3+s19+$0x0] =	vst.idx.add.f32.msk $0xffff, v1  }
0x148: {  	_ =	swait.ge [sflag:s20], $0x1F40  }
0x149: {  	[sflag:s20] =	ssyncset.done $0x0  }
0x14a: {  	[sflag:s20] =	ssyncadd.s32 $0xFFFFE0C0  }
0x14b: {  	_ =	swait.ge [sflag:s20], $0x1F40  }
0x14c: {  	[sflag:s20] =	ssyncset.done $0x0  }
0x14d: {  	s28 =	simm.s32 $0x10C90;
	[sflag:s20] =	ssyncadd.s32 $0xFFFFE0C0  }
0x14e: {  	v1 =	vld [tilespmem:s28+$0x0];
	_ =	sdelay $0x4  }
0x14f: {  	v2 =	vshll.u32 v1, $0x1  }
0x150: {  	v4 =	vld [tilespmem:s28+$0xFFFFFFF0];
	v3 =	vand.u32 $0x7F, v1;
	v2 =	vand.u32 $0x7F00, v2  }
0x151: {  	v2 =	vor.u32 v3, v2;
	_ =	sdelay $0x2  }
0x152: {  	s29 =	simm.s32 $0x14B90  }
0x153: {  	v10 =	vld [tilespmem:s29+$0x0];
	v3 =	vshll.u32 v4, $0x1  }
0x154: {  	s23 =	simm.s32 $0x10CB0;
	v6 =	vand.u32 $0x7F, v4;
	v3 =	vand.u32 $0x7F00, v3;
	v5 =	vld.idx.msk [tilespmem:v2+s3+$0x0], $0xffff  }
0x155: {  	v7 =	vld [tilespmem:s23+$0x0];
	v3 =	vor.u32 v6, v3;
	v6 =	vshrl.u32 v1, $0xE;
	v1 =	vshrl.u32 v1, $0xC  }
0x156: {  	v6 =	vand.u32 $0x7F, v6;
	v1 =	vand.u32 $0xFFE00, v1  }
0x157: {  	v8 =	vshrl.u32 v4, $0xE;
	v4 =	vshrl.u32 v4, $0xC;
	v6 =	vor.u32 v6, v1  }
0x158: {  	v9 =	vld [tilespmem:s23+$0xFFFFFFF0];
	v4 =	vand.u32 $0xFFE00, v4;
	v1 =	vand.u32 $0x7F, v8;
	v8 =	vor.u32 $0x100, v6  }
0x159: {  	v11 =	vor.u32 $0x80, v2;
	v4 =	vor.u32 v1, v4;
	v1 =	vand.u32 $0xFFFF0000, v5  }
0x15a: {  	v13 =	vshll.u32 v7, $0x1;
	v12 =	vld.idx.msk [tilespmem:v3+s3+$0x0], $0xffff;
	v2 =	vshll.u32 v5, $0x10;
	v5 =	vmul.f32 v1, v10  }
0x15b: {  	v13 =	vand.u32 $0x7F00, v13;
	v1 =	vld [tilespmem:s29+$0xFFFFFFF0];
	v14 =	vmul.f32 v2, v10;
	v2 =	vand.u32 $0x7F, v7  }
0x15c: {  	v18 =	vor.u32 $0x80, v3;
	v13 =	vor.u32 v2, v13;
	[tilespmem:v6+s19+$0x0] =	vst.idx.add.f32.msk $0xffff, v5  }
0x15d: {  	v17 =	vor.u32 $0x100, v4;
	v3 =	vor.u32 $0x180, v4;
	v5 =	vshll.u32 v9, $0x1;
	[tilespmem:v8+s19+$0x0] =	vst.idx.add.f32.msk $0xffff, v14  }
0x15e: {  	v8 =	vand.u32 $0x7F, v9;
	v14 =	vshrl.u32 v9, $0xE;
	v5 =	vand.u32 $0x7F00, v5;
	v11 =	vld.idx.msk [tilespmem:v11+s3+$0x0], $0xffff  }
0x15f: {  	s31 =	simm.s32 $0x10CD0;
	v9 =	vshrl.u32 v9, $0xC;
	v15 =	vor.u32 v8, v5;
	v5 =	vand.u32 $0xFFFF0000, v12  }
0x160: {  	v24 =	vld [tilespmem:s31+$0x0];
	v8 =	vshll.u32 v12, $0x10;
	v12 =	vand.u32 $0x7F, v14;
	v9 =	vand.u32 $0xFFE00, v9  }
0x161: {  	s30 =	simm.s32 $0x14BB0;
	v5 =	vmul.f32 v5, v1;
	v22 =	vor.u32 v12, v9;
	v12 =	vor.u32 $0x80, v6;
	v14 =	vld.idx.msk [tilespmem:v13+s3+$0x0], $0xffff  }
0x162: {  	v19 =	vmul.f32 v8, v1;
	v8 =	vshrl.u32 v7, $0xE;
	v9 =	vld [tilespmem:s30+$0x0];
	v7 =	vshrl.u32 v7, $0xC  }
0x163: {  	v21 =	vld [tilespmem:s31+$0xFFFFFFF0];
	v8 =	vand.u32 $0x7F, v8;
	v20 =	vand.u32 $0xFFE00, v7;
	v16 =	vand.u32 $0xFFFF0000, v11  }
0x164: {  	v2 =	vor.u32 $0x80, v4;
	[tilespmem:v4+s19+$0x0] =	vst.idx.add.f32.msk $0xffff, v5;
	v23 =	vor.u32 v8, v20;
	v4 =	vmul.f32 v16, v10  }
0x165: {  	v16 =	vor.u32 $0x180, v6;
	v6 =	vshll.u32 v11, $0x10;
	v11 =	vld.idx.msk [tilespmem:v15+s3+$0x0], $0xffff  }
0x166: {  	v20 =	vor.u32 $0x100, v23;
	v10 =	vmul.f32 v6, v10;
	[tilespmem:v12+s19+$0x0] =	vst.idx.add.f32.msk $0xffff, v4;
	v4 =	vand.u32 $0xFFFF0000, v14  }
0x167: {  	v6 =	vld [tilespmem:s30+$0xFFFFFFF0];
	v12 =	vor.u32 $0x80, v13;
	v13 =	vshll.u32 v14, $0x10;
	v14 =	vmul.f32 v4, v9  }
0x168: {  	v7 =	vor.u32 $0x100, v22;
	v8 =	vor.u32 $0x80, v15;
	[tilespmem:v17+s19+$0x0] =	vst.idx.add.f32.msk $0xffff, v19  }
0x169: {  	v5 =	vor.u32 $0x80, v22;
	v15 =	vshll.u32 v24, $0x1;
	v13 =	vmul.f32 v13, v9;
	[tilespmem:v23+s19+$0x0] =	vst.idx.add.f32.msk $0xffff, v14  }
0x16a: {  	v19 =	vor.u32 $0x180, v23;
	v15 =	vand.u32 $0x7F00, v15;
	v4 =	vor.u32 $0x180, v22;
	[tilespmem:v16+s19+$0x0] =	vst.idx.add.f32.msk $0xffff, v10  }
0x16b: {  	v14 =	vand.u32 $0x7F, v24;
	v10 =	vand.u32 $0xFFFF0000, v11;
	[tilespmem:v20+s19+$0x0] =	vst.idx.add.f32.msk $0xffff, v13;
	v13 =	vand.u32 $0x7F, v21  }
0x16c: {  	v20 =	vshll.u32 v21, $0x1;
	v15 =	vor.u32 v14, v15;
	v25 =	vmul.f32 v10, v6;
	v26 =	vld.idx.msk [tilespmem:v12+s3+$0x0], $0xffff  }
0x16d: {  	v12 =	vshrl.u32 v21, $0xE;
	v14 =	vand.u32 $0x7F00, v20;
	v20 =	vshrl.u32 v21, $0xC  }
0x16e: {  	v21 =	vor.u32 $0x80, v23;
	v23 =	vshrl.u32 v24, $0xE;
	v16 =	vor.u32 v13, v14  }
0x16f: {  	v17 =	vld.idx.msk [tilespmem:v18+s3+$0x0], $0xffff;
	v13 =	vshll.u32 v11, $0x10;
	v11 =	vand.u32 $0x7F, v12;
	v12 =	vand.u32 $0xFFE00, v20  }
0x170: {  	[tilespmem:v22+s19+$0x0] =	vst.idx.add.f32.msk $0xffff, v25;
	v25 =	vshrl.u32 v24, $0xC;
	v11 =	vor.u32 v11, v12;
	v14 =	vmul.f32 v13, v6  }
0x171: {  	s22 =	simm.s32 $0x14BD0;
	v12 =	vor.u32 $0x80, v16;
	v13 =	vor.u32 $0x100, v11;
	v20 =	vld.idx.msk [tilespmem:v15+s3+$0x0], $0xffff;
	v27 =	vand.u32 $0xFFFF0000, v26  }
0x172: {  	s24 =	simm.s32 $0x10CF0;
	s23 =	simm.s32 $0x4;
	v18 =	vld [tilespmem:s22+$0x0];
	v10 =	vor.u32 $0x80, v11;
	v22 =	vshll.u32 v26, $0x10;
	v24 =	vmul.f32 v27, v9  }
.LBB2_18:
0x173: {  	v26 =	vld [tilespmem:s24+$0x0];
	v23 =	vand.u32 $0x7F, v23;
	v25 =	vand.u32 $0xFFE00, v25;
	v9 =	vmul.f32 v22, v9  }
0x174: {  	v22 =	vor.u32 v23, v25;
	[tilespmem:v21+s19+$0x0] =	vst.idx.add.f32.msk $0xffff, v24;
	v21 =	vand.u32 $0xFFFF0000, v17;
	v17 =	vshll.u32 v17, $0x10  }
0x175: {  	v23 =	vor.u32 $0x100, v22;
	[tilespmem:v19+s19+$0x0] =	vst.idx.add.f32.msk $0xffff, v9;
	v19 =	vmul.f32 v21, v1;
	v24 =	vmul.f32 v17, v1  }
0x176: {  	s23 =	sadd.s32 $0x2, s23;
	v25 =	vor.u32 $0x180, v11;
	v28 =	vand.u32 $0xFFFF0000, v20;
	v21 =	vor.u32 $0x80, v15;
	v1 =	vmovc v6;
	v17 =	vld [tilespmem:s24+$0xFFFFFFF0]  }
0x177: {  	p0 =	slt.u32 s23, $0x1F2;
	v15 =	vshll.u32 v20, $0x10;
	v27 =	vld.idx.msk [tilespmem:v16+s3+$0x0], $0xffff;
	v16 =	vmul.f32 v28, v18;
	v9 =	vmov v18  }
0x178: {  	v6 =	vld [tilespmem:s22+$0xFFFFFFF0];
	v15 =	vmul.f32 v15, v9  }
0x179: {  	v18 =	vshll.u32 v26, $0x1;
	[tilespmem:v22+s19+$0x0] =	vst.idx.add.f32.msk $0xffff, v16  }
0x17a: {  	v16 =	vand.u32 $0x7F, v26;
	v18 =	vand.u32 $0x7F00, v18;
	[tilespmem:v23+s19+$0x0] =	vst.idx.add.f32.msk $0xffff, v15  }
0x17b: {  	v15 =	vor.u32 v16, v18;
	v20 =	vand.u32 $0x7F, v17;
	v23 =	vshll.u32 v17, $0x1;
	v28 =	vld.idx.msk [tilespmem:v21+s3+$0x0], $0xffff  }
0x17c: {  	v18 =	vshrl.u32 v17, $0xE;
	v21 =	vshrl.u32 v17, $0xC;
	v16 =	vand.u32 $0x7F00, v23;
	[tilespmem:v7+s19+$0x0] =	vst.idx.add.f32.msk $0xffff, v14;
	v7 =	vmovc v13  }
0x17d: {  	v13 =	vand.u32 $0xFFFF0000, v27;
	v14 =	vshll.u32 v27, $0x10;
	v16 =	vor.u32 v20, v16;
	v17 =	vld.idx.msk [tilespmem:v8+s3+$0x0], $0xffff;
	v8 =	vmovc v12  }
.Ltmp8:
0x17e: {  	v12 =	vand.u32 $0x7F, v18;
	v18 =	vand.u32 $0xFFE00, v21;
	v27 =	vmul.f32 v13, v6;
	[tilespmem:v2+s19+$0x0] =	vst.idx.add.f32.msk $0xffff, v19;
	v2 =	vmovc v5;
	(pc) =	sbr.rel @p0 .LBB2_18-.Ltmp8, $4  }
0x17f: {  	v14 =	vmul.f32 v14, v6;
	v21 =	vor.u32 $0x80, v22;
	v18 =	vor.u32 v12, v18;
	[tilespmem:v3+s19+$0x0] =	vst.idx.add.f32.msk $0xffff, v24  }
0x180: {  	v12 =	vor.u32 $0x80, v16;
	v19 =	vor.u32 $0x180, v22;
	v13 =	vor.u32 $0x100, v18;
	v3 =	vmovc v4;
	v4 =	vmovc v25;
	v20 =	vld.idx.msk [tilespmem:v15+s3+$0x0], $0xffff  }
0x181: {  	s22 =	sadd.s32 $0x20, s22;
	v23 =	vshrl.u32 v26, $0xE;
	v5 =	vmovc v10;
	v10 =	vor.u32 $0x80, v18;
	v24 =	vand.u32 $0xFFFF0000, v28;
	[tilespmem:v11+s19+$0x0] =	vst.idx.add.f32.msk $0xffff, v27;
	v11 =	vmovc v18  }
0x182: {  	s24 =	sadd.s32 $0x20, s24;
	v25 =	vshrl.u32 v26, $0xC;
	v22 =	vshll.u32 v28, $0x10;
	v24 =	vmul.f32 v24, v9;
	v18 =	vld [tilespmem:s22+$0x0]  }
0x183: {  	_ =	sdelay $0x1  }
0x184: {  	v23 =	vand.u32 $0x7F, v23;
	v25 =	vand.u32 $0xFFE00, v25  }
0x185: {  	v23 =	vor.u32 v23, v25  }
0x186: {  	v16 =	vld.idx.msk [tilespmem:v16+s3+$0x0], $0xffff;
	v25 =	vor.u32 $0x100, v23  }
0x187: {  	v15 =	vor.u32 $0x80, v15;
	v27 =	vld [tilespmem:s22+$0xFFFFFFF0];
	v26 =	vand.u32 $0xFFFF0000, v20  }
0x188: {  	[tilespmem:v7+s19+$0x0] =	vst.idx.add.f32.msk $0xffff, v14;
	v51 =	vshll.u32 v20, $0x10;
	v26 =	vmul.f32 v26, v18  }
0x189: {  	[tilespmem:v21+s19+$0x0] =	vst.idx.add.f32.msk $0xffff, v24;
	v20 =	vmul.f32 v51, v18  }
0x18a: {  	[tilespmem:v23+s19+$0x0] =	vst.idx.add.f32.msk $0xffff, v26  }
0x18b: {  	v52 =	vand.u32 $0xFFFF0000, v16;
	[tilespmem:v25+s19+$0x0] =	vst.idx.add.f32.msk $0xffff, v20  }
0x18c: {  	v53 =	vshll.u32 v16, $0x10;
	v54 =	vmul.f32 v52, v27;
	v15 =	vld.idx.msk [tilespmem:v15+s3+$0x0], $0xffff  }
0x18d: {  	v8 =	vld.idx.msk [tilespmem:v8+s3+$0x0], $0xffff;
	v7 =	vmul.f32 v53, v27  }
0x18e: {  	[tilespmem:v11+s19+$0x0] =	vst.idx.add.f32.msk $0xffff, v54  }
0x18f: {  	v9 =	vmul.f32 v22, v9;
	v55 =	vand.u32 $0xFFFF0000, v17;
	v56 =	vor.u32 $0x80, v23;
	[tilespmem:v13+s19+$0x0] =	vst.idx.add.f32.msk $0xffff, v7  }
0x190: {  	v57 =	vshll.u32 v17, $0x10;
	v58 =	vmul.f32 v55, v1;
	v59 =	vor.u32 $0x180, v23;
	v12 =	vld.idx.msk [tilespmem:v12+s3+$0x0], $0xffff  }
0x191: {  	v1 =	vmul.f32 v57, v1;
	[tilespmem:v19+s19+$0x0] =	vst.idx.add.f32.msk $0xffff, v9;
	v60 =	vand.u32 $0xFFFF0000, v15  }
0x192: {  	[tilespmem:v2+s19+$0x0] =	vst.idx.add.f32.msk $0xffff, v58;
	v2 =	vshll.u32 v15, $0x10;
	v7 =	vmul.f32 v60, v18  }
0x193: {  	[tilespmem:v3+s19+$0x0] =	vst.idx.add.f32.msk $0xffff, v1;
	v1 =	vmul.f32 v2, v18;
	v2 =	vand.u32 $0xFFFF0000, v8  }
0x194: {  	v3 =	vor.u32 $0x180, v11;
	v61 =	vshll.u32 v8, $0x10;
	v2 =	vmul.f32 v2, v6;
	[tilespmem:v56+s19+$0x0] =	vst.idx.add.f32.msk $0xffff, v7  }
0x195: {  	v62 =	vand.u32 $0xFFFF0000, v12;
	[tilespmem:v59+s19+$0x0] =	vst.idx.add.f32.msk $0xffff, v1;
	v1 =	vmul.f32 v61, v6  }
0x196: {  	v63 =	vmul.f32 v62, v27;
	[tilespmem:v5+s19+$0x0] =	vst.idx.add.f32.msk $0xffff, v2;
	v2 =	vshll.u32 v12, $0x10  }
0x197: {  	[tilespmem:v4+s19+$0x0] =	vst.idx.add.f32.msk $0xffff, v1;
	v1 =	vmul.f32 v2, v27  }
0x198: {  	s22 =	simm.s32 $0x4F00;
	[tilespmem:v10+s19+$0x0] =	vst.idx.add.f32.msk $0xffff, v63  }
0x199: {  	s23 =	simm.s32 $0x80;
	s25 =	sadd.s32 $0x0, s8;
	s24 =	simm.s32 $0x5100;
	[tilespmem:v3+s19+$0x0] =	vst.idx.add.f32.msk $0xffff, v1  }
.LBB2_20:
0x19a: {  	[hbm4b:s25+s3] =	stream.linear.scatter [tilespmem:s22], [sflag:$0x3], $0x100, $0x38;
	[tilespmem:$0x16B00] =	vst v63  }
0x19b: {  	s25 =	smov.u32 s23;
	s22 =	smov.u32 s24;
	p0 =	sne.s32 s23, $0x2700  }
.Ltmp9:
0x19c: {  	s23 =	sadd.s32 $0x80, s23;
	(pc) =	sbr.rel @p0 .LBB2_20-.Ltmp9, $2  }
0x19d: {  	_ =	sdelay $0x2  }
0x19e: {  	s24 =	sadd.s32 $0x200, s24;
	s25 =	sadd.s32 s25, s8  }
0x19f: {  	[hbm4b:s25+s3] =	stream.linear.scatter [tilespmem:s22], [sflag:$0x3], $0x100, $0x38;
	[tilespmem:$0x16B00] =	vst v63  }
0x1a0: {  	_ =	swait.ge [sflag:s17], $0x4F00  }
0x1a1: {  	s22 =	simm.s32 $0x5000;
	s23 =	simm.s32 $0x80;
	[sflag:s17] =	ssyncset.done $0x0  }
0x1a2: {  	s25 =	sadd.s32 $0x0, s9;
	s24 =	simm.s32 $0x5200;
	[sflag:s17] =	ssyncadd.s32 $0xFFFFB100  }
.LBB2_22:
0x1a3: {  	[hbm4b:s25+s3] =	stream.linear.scatter [tilespmem:s22], [sflag:$0x3], $0x100, $0x38;
	[tilespmem:$0x16B00] =	vst v63  }
0x1a4: {  	s25 =	smov.u32 s23;
	s22 =	smov.u32 s24;
	p0 =	sne.s32 s23, $0x2700  }
.Ltmp10:
0x1a5: {  	s23 =	sadd.s32 $0x80, s23;
	(pc) =	sbr.rel @p0 .LBB2_22-.Ltmp10, $2  }
0x1a6: {  	_ =	sdelay $0x2  }
0x1a7: {  	s24 =	sadd.s32 $0x200, s24;
	s25 =	sadd.s32 s25, s9  }
0x1a8: {  	s21 =	sadd.s32 $0x1, s21  }
0x1a9: {  	p0 =	sne.s32 s21, s10  }
.Ltmp11:
0x1aa: {  	_ = 	snop;
	(pc) =	sbr.rel @p0 .LBB2_1-.Ltmp11, $4  }
0x1ab: {  	[hbm4b:s25+s3] =	stream.linear.scatter [tilespmem:s22], [sflag:$0x3], $0x100, $0x38;
	[tilespmem:$0x16B00] =	vst v63  }
0x1ac: {  	_ =	swait.ge [sflag:s17], $0x4F00  }
0x1ad: {  	[sflag:s17] =	ssyncset.done $0x0  }
0x1ae: {  	[sflag:s17] =	ssyncadd.s32 $0xFFFFB100  }
0x1af: {  	_ =	sfence.sel $0x180000  }
0x1b0: {  	[bflag:$0x0] =	sbarrier.arrive $0xFFFF  }
0x1b1: {  	p0 =	sne.s32 s0, $0x0;
	_ =	strace $0x9000004D  }
0x1b2: {  	s0 =	sadd.s32 @!p0 $0x100000, s2;
	[bflag:$0x2] =	sbarrier.arrive $0xFFFF  }
0x1b3: {  	[sflag:s0] =	ssyncadd.tile.s32 @!p0 $0x1;
	_ =	shalt  }
.Lfunc_end2:
_tile_overlayer_lowered:
.L_overlay_start_2:
0x1b4: {  	(tag) =	ssettag $0x2  }
0x1b5: {  	s0 =	rddreg [dreg:$0x0];
	s2 =	stileid.u32  }
0x1b6: {  	s1 =	rddreg [dreg:$0x1];
	p0 =	sne.s32 s2, $0x0  }
0x1b7: {  	s3 =	rddreg [dreg:$0x2];
	[bflag:$0x3] =	sbarrier.arrive $0xFFFF;
	s2 =	simm.s32 @!p0 $0x1C03  }
0x1b8: {  	[timem:s3], [sflag:s2] =	dma.local @!p0 [hbm:s0], s1  }
0x1b9: {  	s0 =	simm.s32 @!p0 $0x3  }
0x1ba: {  	_ =	swait.ge @!p0 [sflag:s0], s1  }
0x1bb: {  	s1 =	ssub.s32 @!p0 $0x0, s1;
	[sflag:s0] =	ssyncset.done @!p0 $0x0  }
0x1bc: {  	[sflag:s0] =	ssyncadd.s32 @!p0 s1  }
0x1bd: {  	[bflag:$0x3] =	sbarrier.arrive $0xFFFF  }
0x1be: {  	_ =	shalt  }

// kernel: kernel.19.cloned.1.call-start
scs
__scs_entry_jumppad:
0x0: {  	(pc) =	sbr.rel $0x88, $3  }
0x1: {  	(tag) =	ssettag $0x0;
	lr =	simm.s32 $0x1  }
0x2: {  	[smem:$0x3F91] =	sst lr;
	_ =	strace $0xD0000000  }
0x3: {  	_ = 	snop  }
0x4: {  	_ = 	snop  }
0x5: {  	_ = 	snop  }
0x6: {  	_ = 	snop  }
0x7: {  	_ = 	snop  }
__scs_overlays_trampoline_lowered:
0x8: {  	[smem:$0x3FA0] =	sst s0  }
0x9: {  	[smem:$0x3FA1] =	sst s1  }
0xa: {  	[smem:$0x3FA2] =	sst s2  }
0xb: {  	[smem:$0x3FA3] =	sst s3  }
0xc: {  	[smem:$0x3FA4] =	sst s4  }
0xd: {  	[smem:$0x3FA5] =	sst s5  }
0xe: {  	[smem:$0x3FA6] =	sst s6  }
0xf: {  	[smem:$0x3FA7] =	sst s7  }
0x10: {  	[smem:$0x3FA8] =	sst s8  }
0x11: {  	[smem:$0x3FA9] =	sst s9;
	s0 =	simm.s32 @!p0 $0x0  }
0x12: {  	s1 =	sld [smem:$0x3F8F];
	s0 =	simm.s32 @p0 $0x1  }
0x13: {  	[smem:$0x3FAA] =	sst s0;
	s0 =	simm.s32 @!p1 $0x0  }
0x14: {  	s2 =	sld [smem:$0x3F8E];
	s0 =	simm.s32 @p1 $0x1  }
0x15: {  	[smem:$0x3FAB] =	sst s0;
	s0 =	simm.s32 @!p2 $0x0  }
0x16: {  	s3 =	sld [smem:$0x3FDB];
	s0 =	simm.s32 @p2 $0x1  }
0x17: {  	s4 =	simm.s32 $0x1BF5;
	[smem:$0x3FAD] =	sst s0  }
0x18: {  	s0 =	sld [smem:$0x3F90];
	_ =	swait.ge [sflag:s4], $0x0  }
0x19: {  	s7 =	sld [smem:$0x3F91]  }
0x1a: {  	s8 =	sadd.s32 $0xFFFFE003, lr  }
0x1b: {  	s9 =	sadd.s32 $0xFFFFFEF7, lr;
	s5 =	simm.s32 $0xFFFFFFFF;
	p2 =	slt.u32 s8, $0xFFFFF086  }
0x1c: {  	p1 =	slt.u32 s9, $0xF7A;
	s5 =	simm.s32 @!p2 $0x0  }
0x1d: {  	s5 =	simm.s32 @p1 $0x1;
	p0 =	seq.s32 s7, s2  }
0x1e: {  	s7 =	smul.u32 @!p0 $0xF7A, s2;
	p2 =	seq.s32 @!p0 s5, $0x0  }
0x1f: {  	s9 =	smul.u32 $0xF7A, s1;
	s8 =	simm.s32 @!p0 $0x1BF5;
	p2 =	por !p2, p0  }
0x20: {  	[sflag:s8] =	ssyncset.s32 @!p0 $0xFFFFF086;
	s6 =	sadd.s32 @!p0 s3, s7;
	s7 =	simm.s32 @!p0 $0x108  }
0x21: {  	s3 =	sadd.s32 s3, s9;
	s6 =	sadd.s32 @!p0 $0x88, s6;
	s7 =	simm.s32 @p2 $0x1082  }
0x22: {  	[simem:s7], [sflag:s8] =	dma.local @!p0 [hbm:s6], $0xF7A  }
0x23: {  	s9 =	sor.u32 $0xD0000000, s2;
	s6 =	simm.s32 $0x108;
	_ =	swait.ge @!p0 [sflag:s8], $0x0  }
0x24: {  	s3 =	sadd.s32 $0x88, s3;
	s6 =	simm.s32 @!p1 $0x1082;
	[sflag:s4] =	ssyncset.s32 $0xFFFFF086  }
0x25: {  	[simem:s6], [sflag:s4] =	dma.local [hbm:s3], $0xF7A  }
0x26: {  	[smem:$0x3F91] =	sst s1;
	(tag) =	ssettag s2;
	_ =	strace s9  }
0x27: {  	s1 =	sld [smem:$0x3FA1]  }
0x28: {  	s2 =	sld [smem:$0x3FA2]  }
0x29: {  	s4 =	sld [smem:$0x3FA4]  }
0x2a: {  	p0 =	seq.s32 s5, $0x0;
	s5 =	sld [smem:$0x3FA5]  }
0x2b: {  	s6 =	sld [smem:$0x3FA6]  }
0x2c: {  	s7 =	sld [smem:$0x3FA7]  }
0x2d: {  	s3 =	simm.s32 $0x108;
	s8 =	sld [smem:$0x3FA8]  }
0x2e: {  	s3 =	simm.s32 @!p0 $0x1082;
	s9 =	sld [smem:$0x3FA9]  }
0x2f: {  	lr =	sadd.s32 s0, s3;
	s0 =	sld [smem:$0x3FA0]  }
0x30: {  	s3 =	sld [smem:$0x3FA3]  }
0x31: {  	[smem:$0x3FAC] =	sst s10  }
0x32: {  	s10 =	sld [smem:$0x3FAA];
	_ =	sdelay $0x3  }
0x33: {  	p0 =	seq.s32 s10, $0x1;
	s10 =	sld [smem:$0x3FAC];
	_ =	sdelay $0x3  }
0x34: {  	[smem:$0x3FAC] =	sst s10  }
0x35: {  	s10 =	sld [smem:$0x3FAB];
	_ =	sdelay $0x3  }
0x36: {  	p1 =	seq.s32 s10, $0x1;
	s10 =	sld [smem:$0x3FAC];
	_ =	sdelay $0x3  }
0x37: {  	[smem:$0x3FAC] =	sst s10  }
0x38: {  	s10 =	sld [smem:$0x3FAD]  }
0x39: {  	_ = 	snop;
	(pc) =	sbr.ind lr, $3  }
0x3a: {  	_ = 	snop  }
0x3b: {  	_ = 	snop  }
0x3c: {  	p2 =	seq.s32 s10, $0x1;
	s10 =	sld [smem:$0x3FAC]  }
0x3d: {  	_ =	shalt  }
0x3e: {  	_ =	shalt  }
0x3f: {  	_ =	shalt  }
0x40: {  	_ =	shalt  }
0x41: {  	_ =	shalt  }
0x42: {  	_ =	shalt  }
0x43: {  	_ =	shalt  }
0x44: {  	_ =	shalt  }
0x45: {  	_ =	shalt  }
0x46: {  	_ =	shalt  }
0x47: {  	_ =	shalt  }
0x48: {  	_ =	shalt  }
0x49: {  	_ =	shalt  }
0x4a: {  	_ =	shalt  }
0x4b: {  	_ =	shalt  }
0x4c: {  	_ =	shalt  }
0x4d: {  	_ =	shalt  }
0x4e: {  	_ =	shalt  }
0x4f: {  	_ =	shalt  }
0x50: {  	_ =	shalt  }
0x51: {  	_ =	shalt  }
0x52: {  	_ =	shalt  }
0x53: {  	_ =	shalt  }
0x54: {  	_ =	shalt  }
0x55: {  	_ =	shalt  }
0x56: {  	_ =	shalt  }
0x57: {  	_ =	shalt  }
0x58: {  	_ =	shalt  }
0x59: {  	_ =	shalt  }
0x5a: {  	_ =	shalt  }
0x5b: {  	_ =	shalt  }
0x5c: {  	_ =	shalt  }
0x5d: {  	_ =	shalt  }
0x5e: {  	_ =	shalt  }
0x5f: {  	_ =	shalt  }
0x60: {  	_ =	shalt  }
0x61: {  	_ =	shalt  }
0x62: {  	_ =	shalt  }
0x63: {  	_ =	shalt  }
0x64: {  	_ =	shalt  }
0x65: {  	_ =	shalt  }
0x66: {  	_ =	shalt  }
0x67: {  	_ =	shalt  }
0x68: {  	_ =	shalt  }
0x69: {  	_ =	shalt  }
0x6a: {  	_ =	shalt  }
0x6b: {  	_ =	shalt  }
0x6c: {  	_ =	shalt  }
0x6d: {  	_ =	shalt  }
0x6e: {  	_ =	shalt  }
0x6f: {  	_ =	shalt  }
0x70: {  	_ =	shalt  }
0x71: {  	_ =	shalt  }
0x72: {  	_ =	shalt  }
0x73: {  	_ =	shalt  }
0x74: {  	_ =	shalt  }
0x75: {  	_ =	shalt  }
0x76: {  	_ =	shalt  }
0x77: {  	_ =	shalt  }
0x78: {  	_ =	shalt  }
0x79: {  	_ =	shalt  }
0x7a: {  	_ =	shalt  }
0x7b: {  	_ =	shalt  }
0x7c: {  	_ =	shalt  }
0x7d: {  	_ =	shalt  }
0x7e: {  	_ =	shalt  }
0x7f: {  	_ =	shalt  }
0x80: {  	_ =	shalt  }
0x81: {  	_ =	shalt  }
0x82: {  	_ =	shalt  }
0x83: {  	_ =	shalt  }
0x84: {  	_ =	shalt  }
0x85: {  	_ =	shalt  }
0x86: {  	_ =	shalt  }
0x87: {  	_ =	shalt  }
.Lfunc_end0:
.L_simem_size_0:
called_computation.3_lowered:
.L_overlay_start_0:
0x88: {  	s2 =	sld [smem:$0x3FD9]  }
0x89: {  	s3 =	sld [smem:$0x3FFE];
	_ =	sdelay $0x1  }
0x8a: {  	s1 =	srdreg.scid  }
0x8b: {  	s0 =	sand.u32 $0x1, s1  }
0x8c: {  	s17 =	sshll.u32 s0, $0xA;
	s2 =	sadd.s32 s3, s2  }
0x8d: {  	s2 =	sadd.s32 s2, s17  }
0x8e: {  	[smem:$0x3FB8] =	sst s2  }
0x8f: {  	_ = 	snop  }
0x90: {  	s2 =	sld [smem:$0x3FC7];
	(tm) =	ssettm $0x1  }
0x91: {  	s18 =	sld [smem:$0x3FFB];
	_ =	sdelay $0x3  }
0x92: {  	_ =	strace s18  }
0x93: {  	s3 =	sld [smem:$0x3FFC];
	_ =	sdelay $0x3  }
0x94: {  	_ =	strace s3  }
0x95: {  	s3 =	sld [smem:$0x3FFD];
	_ =	sdelay $0x3  }
0x96: {  	_ =	strace s3  }
0x97: {  	_ =	strace $0x8FFFFFFF  }
0x98: {  	s19 =	sld [smem:$0x3FDB];
	_ =	sdelay $0x1  }
0x99: {  	s4 =	simm.s32 $_scs_section_size  }
0x9a: {  	s5 =	simm.s32 $_size__tile_overlayer_lowered;
	s6 =	simm.s32 $_tile_overlayer_lowered  }
0x9b: {  	s22 =	simm.s32 $0x1BFF;
	s21 =	sshll.u32 s6, $0x1;
	s3 =	sadd.s32 s4, s19  }
0x9c: {  	s7 =	simm.s32 $0x0;
	s20 =	sshll.u32 s5, $0x1;
	s5 =	sadd.s32 s21, s3  }
0x9d: {  	[timem:s7], [sflag:s22] =	dma.local [hbm:s5], s20  }
0x9e: {  	_ =	swait.ge [sflag:s22], s20  }
0x9f: {  	s4 =	ssub.s32 $0x0, s20;
	[sflag:s22] =	ssyncset.done $0x0  }
0xa0: {  	[sflag:s22] =	ssyncadd.s32 s4;
	_ =	sdelay $0x1  }
0xa1: {  	s23 =	simm.s32 $0x1B8B  }
0xa2: {  	_ =	swait.ge [sflag:s23], $0x1  }
0xa3: {  	[sflag:s23] =	ssyncset.done $0x0  }
0xa4: {  	s25 =	simm.s32 $0x1B8E;
	s24 =	sld [smem:$0x3FFE];
	[sflag:s23] =	ssyncadd.s32 $0xFFFFFFFF  }
0xa5: {  	s26 =	simm.s32 $execute0_lowered;
	[smem:$0x3FD2] =	sst s25  }
0xa6: {  	s5 =	sshll.u32 s26, $0x1;
	_ =	strace $0x8000004F;
	[dreg:$0x1] =	wrdreg $0xFFFFFFFF  }
0xa7: {  	s28 =	simm.s32 $_size_execute0_lowered;
	s3 =	sadd.s32 s3, s5;
	[dreg:$0x0] =	wrdreg $0x0  }
0xa8: {  	s5 =	sshll.u32 s28, $0x1;
	[dreg:$0x2] =	wrdreg s3  }
0xa9: {  	[dreg:$0x3] =	wrdreg s5  }
0xaa: {  	[dreg:$0x4] =	wrdreg $0xC0  }
0xab: {  	_ =	task [dreg:s7], $0x5FFFF  }
0xac: {  	[dreg:$0x1] =	wrdreg $0xFFFFFFFF  }
0xad: {  	[dreg:$0x0] =	wrdreg $0x60  }
0xae: {  	[dreg:$0x2] =	wrdreg s24  }
0xaf: {  	[dreg:$0x3] =	wrdreg s2  }
0xb0: {  	[dreg:$0x4] =	wrdreg $0x9  }
0xb1: {  	_ =	task.clear_ibuf [dreg:s7], $0x5FFFF;
	_ =	strace $0x9000004F  }
0xb2: {  	s29 =	simm.s32 $0x9;
	_ =	strace $0x80000051  }
0xb3: {  	_ =	swait.ge [sflag:s29], $0x1  }
0xb4: {  	[sflag:s29] =	ssyncadd.s32 $0xFFFFFFFF  }
0xb5: {  	_ =	strace $0x90000051  }
0xb6: {  	_ =	sfence  }
0xb7: {  	s30 =	sld [smem:$0x0];
	_ =	sdelay $0x2  }
0xb8: {  	s31 =	sshll.u32 s1, $0xD;
	s1 =	sshrl.u32 s1, $0x2  }
0xb9: {  	s3 =	sand.u32 $0x4000, s31;
	s1 =	sadd.s32 s1, s30  }
0xba: {  	s0 =	sor.u32 s3, s0;
	s1 =	sshll.u32 s1, $0x11  }
0xbb: {  	s0 =	sor.u32 s1, s0  }
0xbc: {  	s0 =	sadd.s32 $0x8F2B, s0  }
0xbd: {  	[sflag:s0] =	ssyncadd.remote.s32 $0x1  }
0xbe: {  	_ =	sfence.sel $0xFFFF  }
0xbf: {  	[dreg:$0x0] =	wrdreg $0xFFFFFFFF;
	(pc) =	sbr.abs _section_cstart, $3  }
0xc0: {  	[dreg:$0x1] =	wrdreg $0xFFFFFFFF  }
0xc1: {  	_ =	task.clear_ibuf [dreg:s7], $0x2FFFF;
	_ =	strace $0x9FFFFFFF  }
0xc2: {  	(tm) =	ssettm $0x7FFFFFFF  }
0xc3: {  	_ =	shalt  }
tec
execute0_lowered:
.L_overlay_start_1:
0x0: {  	(tag) =	ssettag $0x1  }
0x1: {  	s5 =	rddreg [dreg:$0x0]  }
0x2: {  	s1 =	rddreg [dreg:$0x1];
	s2 =	srdreg.scid  }
0x3: {  	s0 =	stileid.u32;
	s13 =	simm.s32 $0x10C80;
	s14 =	simm.s32 $0x14B80  }
0x4: {  	s15 =	simm.s32 $0x100;
	s16 =	simm.s32 $0x400;
	s17 =	simm.s32 $0x3  }
0x5: {  	s18 =	simm.s32 $0x1;
	s19 =	simm.s32 $0x4F00;
	s20 =	simm.s32 $0x2  }
0x6: {  	s21 =	simm.s32 $0x0;
	s4 =	sand.u32 $0x1, s2;
	s28 =	sshrl.u32 s0, $0x1  }
0x7: {  	s3 =	sshll.u32 s0, $0x9;
	s2 =	rddreg [dreg:$0x2];
	s11 =	sadd.s32 $0x21C00, s5  }
0x8: {  	s6 =	smul.u32 $0x13C00, s28;
	s7 =	sshll.u32 s4, $0x8;
	s8 =	sand.u32 $0x200, s3  }
0x9: {  	s3 =	simm.s32 $0x0;
	s30 =	ssub.s32 $0x2, s4;
	s4 =	sadd.s32 $0x17E00, s5  }
0xa: {  	s7 =	sor.u32 s7, s8;
	[smem:$0x7FF] =	sst s3;
	s10 =	sshrl.u32 s30, $0x1  }
0xb: {  	s6 =	sor.u32 s6, s7;
	_ =	strace $0x80000050;
	s10 =	ssub.s32 s30, s10  }
0xc: {  	s29 =	sshrl.u32 s6, $0x3;
	s31 =	sadd.s32 $0x9E000, s6;
	s6 =	sadd.s32 $0x3E8, s1  }
0xd: {  	s10 =	smax.u32 s10, $0x1;
	s9 =	sadd.s32 s29, s5;
	s5 =	sadd.s32 $0x181E8, s5  }
0xe: {  	s12 =	sshrl.u32 s31, $0x3;
	s8 =	sadd.s32 s11, s29;
	s7 =	sadd.s32 $0x4200, s9  }
0xf: {  	v0 =	vimm.f32 $0.0e+00;
	s9 =	sadd.s32 s11, s12;
	s11 =	simm.s32 $0xED00;
	s12 =	simm.s32 $0x12C00  }
.LBB2_1:
0x10: {  	[tilespmem:s11], [sflag:$0x1] =	stream.linear.gather [hbm4b:s4+s3], $0x1F40, $0x38;
	[tilespmem:$0x16B00] =	vst v63  }
0x11: {  	_ = 	snop  }
0x12: {  	[tilespmem:s12], [sflag:$0x1] =	stream.linear.gather [hbm4b:s1+s3], $0x1F40, $0x38;
	[tilespmem:$0x16B00] =	vst v63  }
0x13: {  	_ = 	snop  }
0x14: {  	[tilespmem:s13], [sflag:$0x2] =	stream.linear.gather [hbm4b:s5+s3], $0x1F40, $0x38;
	[tilespmem:$0x16B00] =	vst v63  }
0x15: {  	_ = 	snop  }
0x16: {  	[tilespmem:s14], [sflag:$0x2] =	stream.linear.gather [hbm4b:s6+s3], $0x1F40, $0x38;
	[tilespmem:$0x16B00] =	vst v63  }
0x17: {  	_ = 	snop  }
0x18: {  	[tilespmem:s3], [sflag:$0x3] =	stream.strided.gather [hbm4b:s7+s15], $0x4F00, s16, s15, $0x38;
	[tilespmem:$0x16B00] =	vst v63  }
0x19: {  	s22 =	simm.s32 $0x0;
	s23 =	sand.u32 $0x40, s3;
	_ =	swait.ge [sflag:s17], $0x4F00  }
0x1a: {  	s24 =	sand.u32 $0xFE00, s3;
	s25 =	simm.s32 $0x0;
	[sflag:s17] =	ssyncset.done $0x0  }
0x1b: {  	s23 =	sor.u32 s23, s24;
	s24 =	simm.s32 $0x0;
	[sflag:s17] =	ssyncadd.s32 $0xFFFFB100  }
.LBB2_2:
0x1c: {  	s22 =	sadd.s32 $0x4, s22  }
0x1d: {  	[tilespmem:s23+$0x4F20] =	vst v0;
	s24 =	sadd.s32 $0x100, s24;
	s25 =	sadd.s32 $0x40, s25;
	p0 =	slt.u32 s22, $0x26C  }
.Ltmp0:
0x1e: {  	[tilespmem:s23+$0x4F10] =	vst v0;
	(pc) =	sbr.rel @p0 .LBB2_2-.Ltmp0, $4  }
0x1f: {  	[tilespmem:s23+$0x4F30] =	vst v0  }
0x20: {  	[tilespmem:s23+$0x4F00] =	vst v0  }
0x21: {  	s26 =	sand.u32 $0xFE00, s24;
	s23 =	sand.u32 $0x40, s25  }
0x22: {  	s23 =	sor.u32 s23, s26  }
0x23: {  	[tilespmem:s23+$0x4F20] =	vst v0  }
0x24: {  	[tilespmem:s23+$0x4F10] =	vst v0  }
0x25: {  	[tilespmem:s23+$0x4F30] =	vst v0;
	s22 =	simm.s32 $0x0  }
0x26: {  	[tilespmem:s23+$0x4F00] =	vst v0;
	s31 =	sand.u32 $0x40, s22;
	s25 =	sand.u32 $0xFE00, s22  }
0x27: {  	s24 =	simm.s32 $0x0;
	[tilespmem:$0xEB00] =	vst v0;
	s23 =	sor.u32 s31, s25;
	s25 =	simm.s32 $0x0  }
.LBB2_4:
0x28: {  	s24 =	sadd.s32 $0x4, s24  }
0x29: {  	[tilespmem:s23+$0x4FA0] =	vst v0;
	s22 =	sadd.s32 $0x100, s22;
	s25 =	sadd.s32 $0x40, s25;
	p0 =	slt.u32 s24, $0x26C  }
.Ltmp1:
0x2a: {  	[tilespmem:s23+$0x4F90] =	vst v0;
	(pc) =	sbr.rel @p0 .LBB2_4-.Ltmp1, $4  }
0x2b: {  	[tilespmem:s23+$0x4FB0] =	vst v0  }
0x2c: {  	[tilespmem:s23+$0x4F80] =	vst v0  }
0x2d: {  	s26 =	sand.u32 $0xFE00, s22;
	s23 =	sand.u32 $0x40, s25  }
0x2e: {  	s23 =	sor.u32 s23, s26  }
0x2f: {  	[tilespmem:s23+$0x4FA0] =	vst v0;
	p0 =	por $0x0, $0x0;
	s24 =	simm.s32 $0x1  }
0x30: {  	[tilespmem:s23+$0x4F90] =	vst v0;
	s24 =	simm.s32 @!p0 $0x0  }
0x31: {  	[tilespmem:s23+$0x4FB0] =	vst v0;
	s22 =	simm.s32 $0x0;
	s24 =	sshll.u32 s24, $0x6  }
0x32: {  	[tilespmem:s23+$0x4F80] =	vst v0;
	s23 =	simm.s32 $0x0;
	p0 =	por !p0, !p0;
	s25 =	sadd.s32 $0x0, s24  }
0x33: {  	[tilespmem:$0xEB80] =	vst v0;
	s28 =	sor.u32 $0x100, s25;
	s24 =	sor.u32 $0x110, s25;
	s26 =	sor.u32 $0x120, s25  }
.LBB2_6:
0x34: {  	s23 =	sadd.s32 $0x4, s23  }
0x35: {  	[tilespmem:s28+$0x4F00] =	vst v0;
	s25 =	sor.u32 $0x130, s25;
	s22 =	sadd.s32 $0x100, s22;
	p1 =	slt.u32 s23, $0x26C  }
.Ltmp2:
0x36: {  	[tilespmem:s26+$0x4F00] =	vst v0;
	s26 =	simm.s32 $0x1;
	(pc) =	sbr.rel @p1 .LBB2_6-.Ltmp2, $4  }
0x37: {  	s26 =	simm.s32 @!p0 $0x0;
	[tilespmem:s25+$0x4F00] =	vst v0  }
0x38: {  	s25 =	sshll.u32 s26, $0x6;
	[tilespmem:s24+$0x4F00] =	vst v0  }
0x39: {  	p0 =	por !p0, !p0;
	s25 =	sadd.s32 s25, s22  }
0x3a: {  	s28 =	sor.u32 $0x100, s25;
	s24 =	sor.u32 $0x110, s25;
	s26 =	sor.u32 $0x120, s25  }
0x3b: {  	[tilespmem:s28+$0x4F00] =	vst v0;
	p0 =	por $0x0, $0x0;
	s23 =	simm.s32 $0x1  }
0x3c: {  	s22 =	sor.u32 $0x130, s25;
	[tilespmem:s26+$0x4F00] =	vst v0;
	s23 =	simm.s32 @!p0 $0x0  }
0x3d: {  	[tilespmem:s22+$0x4F00] =	vst v0;
	s22 =	simm.s32 $0x0;
	s31 =	sshll.u32 s23, $0x6  }
0x3e: {  	[tilespmem:s24+$0x4F00] =	vst v0;
	p0 =	por !p0, !p0;
	s23 =	simm.s32 $0x0;
	s25 =	sadd.s32 $0x0, s31  }
0x3f: {  	[tilespmem:$0xEC00] =	vst v0;
	s28 =	sor.u32 $0x180, s25;
	s24 =	sor.u32 $0x190, s25;
	s26 =	sor.u32 $0x1A0, s25  }
.LBB2_8:
0x40: {  	s23 =	sadd.s32 $0x4, s23  }
0x41: {  	[tilespmem:s28+$0x4F00] =	vst v0;
	s25 =	sor.u32 $0x1B0, s25;
	s22 =	sadd.s32 $0x100, s22;
	p1 =	slt.u32 s23, $0x26C  }
.Ltmp3:
0x42: {  	[tilespmem:s26+$0x4F00] =	vst v0;
	s26 =	simm.s32 $0x1;
	(pc) =	sbr.rel @p1 .LBB2_8-.Ltmp3, $4  }
0x43: {  	s26 =	simm.s32 @!p0 $0x0;
	[tilespmem:s25+$0x4F00] =	vst v0  }
0x44: {  	s25 =	sshll.u32 s26, $0x6;
	[tilespmem:s24+$0x4F00] =	vst v0  }
0x45: {  	p0 =	por !p0, !p0;
	s25 =	sadd.s32 s25, s22  }
0x46: {  	s28 =	sor.u32 $0x180, s25;
	s24 =	sor.u32 $0x190, s25;
	s26 =	sor.u32 $0x1A0, s25  }
0x47: {  	[tilespmem:s28+$0x4F00] =	vst v0  }
0x48: {  	[tilespmem:s26+$0x4F00] =	vst v0  }
0x49: {  	s22 =	sor.u32 $0x1B0, s25;
	[tilespmem:s24+$0x4F00] =	vst v0  }
0x4a: {  	[tilespmem:s22+$0x4F00] =	vst v0  }
0x4b: {  	s22 =	simm.s32 $0x0;
	[tilespmem:$0xEC80] =	vst v0  }
.LBB2_10:
0x4c: {  	_ =	swait.ge [sflag:s18], $0x1F40  }
0x4d: {  	[sflag:s18] =	ssyncset.done $0x0  }
0x4e: {  	[sflag:s18] =	ssyncadd.s32 $0xFFFFE0C0  }
0x4f: {  	_ =	swait.ge [sflag:s18], $0x1F40  }
0x50: {  	[sflag:s18] =	ssyncset.done $0x0  }
0x51: {  	s23 =	simm.s32 $0xED10;
	[sflag:s18] =	ssyncadd.s32 $0xFFFFE0C0  }
0x52: {  	v1 =	vld [tilespmem:s23+$0x0];
	_ =	sdelay $0x4  }
0x53: {  	v2 =	vshll.u32 v1, $0x1  }
0x54: {  	v4 =	vld [tilespmem:s23+$0xFFFFFFF0];
	v3 =	vand.u32 $0x7F, v1;
	v2 =	vand.u32 $0x7F00, v2  }
0x55: {  	v2 =	vor.u32 v3, v2;
	_ =	sdelay $0x2  }
0x56: {  	s29 =	simm.s32 $0x12C10  }
0x57: {  	v10 =	vld [tilespmem:s29+$0x0];
	v3 =	vshll.u32 v4, $0x1  }
0x58: {  	s24 =	simm.s32 $0xED30;
	v6 =	vand.u32 $0x7F, v4;
	v3 =	vand.u32 $0x7F00, v3;
	v5 =	vld.idx.msk [tilespmem:v2+s3+$0x0], $0xffff  }
0x59: {  	v7 =	vld [tilespmem:s24+$0x0];
	v3 =	vor.u32 v6, v3;
	v6 =	vshrl.u32 v1, $0xE;
	v1 =	vshrl.u32 v1, $0xC  }
0x5a: {  	v6 =	vand.u32 $0x7F, v6;
	v1 =	vand.u32 $0xFFE00, v1  }
0x5b: {  	v8 =	vshrl.u32 v4, $0xE;
	v4 =	vshrl.u32 v4, $0xC;
	v6 =	vor.u32 v6, v1  }
0x5c: {  	v9 =	vld [tilespmem:s24+$0xFFFFFFF0];
	v4 =	vand.u32 $0xFFE00, v4;
	v1 =	vand.u32 $0x7F, v8;
	v8 =	vor.u32 $0x100, v6  }
0x5d: {  	v11 =	vor.u32 $0x80, v2;
	v4 =	vor.u32 v1, v4;
	v1 =	vand.u32 $0xFFFF0000, v5  }
0x5e: {  	v13 =	vshll.u32 v7, $0x1;
	v12 =	vld.idx.msk [tilespmem:v3+s3+$0x0], $0xffff;
	v2 =	vshll.u32 v5, $0x10;
	v5 =	vmul.f32 v1, v10  }
0x5f: {  	v13 =	vand.u32 $0x7F00, v13;
	v1 =	vld [tilespmem:s29+$0xFFFFFFF0];
	v14 =	vmul.f32 v2, v10;
	v2 =	vand.u32 $0x7F, v7  }
0x60: {  	v18 =	vor.u32 $0x80, v3;
	v13 =	vor.u32 v2, v13;
	[tilespmem:v6+s19+$0x0] =	vst.idx.add.f32.msk $0xffff, v5  }
0x61: {  	v17 =	vor.u32 $0x100, v4;
	v3 =	vor.u32 $0x180, v4;
	v5 =	vshll.u32 v9, $0x1;
	[tilespmem:v8+s19+$0x0] =	vst.idx.add.f32.msk $0xffff, v14  }
0x62: {  	v8 =	vand.u32 $0x7F, v9;
	v14 =	vshrl.u32 v9, $0xE;
	v5 =	vand.u32 $0x7F00, v5;
	v11 =	vld.idx.msk [tilespmem:v11+s3+$0x0], $0xffff  }
0x63: {  	s31 =	simm.s32 $0xED50;
	v9 =	vshrl.u32 v9, $0xC;
	v15 =	vor.u32 v8, v5;
	v5 =	vand.u32 $0xFFFF0000, v12  }
0x64: {  	v24 =	vld [tilespmem:s31+$0x0];
	v8 =	vshll.u32 v12, $0x10;
	v12 =	vand.u32 $0x7F, v14;
	v9 =	vand.u32 $0xFFE00, v9  }
0x65: {  	s30 =	simm.s32 $0x12C30;
	v5 =	vmul.f32 v5, v1;
	v22 =	vor.u32 v12, v9;
	v12 =	vor.u32 $0x80, v6;
	v14 =	vld.idx.msk [tilespmem:v13+s3+$0x0], $0xffff  }
0x66: {  	v19 =	vmul.f32 v8, v1;
	v8 =	vshrl.u32 v7, $0xE;
	v9 =	vld [tilespmem:s30+$0x0];
	v7 =	vshrl.u32 v7, $0xC  }
0x67: {  	v21 =	vld [tilespmem:s31+$0xFFFFFFF0];
	v8 =	vand.u32 $0x7F, v8;
	v20 =	vand.u32 $0xFFE00, v7;
	v16 =	vand.u32 $0xFFFF0000, v11  }
0x68: {  	v2 =	vor.u32 $0x80, v4;
	[tilespmem:v4+s19+$0x0] =	vst.idx.add.f32.msk $0xffff, v5;
	v23 =	vor.u32 v8, v20;
	v4 =	vmul.f32 v16, v10  }
0x69: {  	v16 =	vor.u32 $0x180, v6;
	v6 =	vshll.u32 v11, $0x10;
	v11 =	vld.idx.msk [tilespmem:v15+s3+$0x0], $0xffff  }
0x6a: {  	v20 =	vor.u32 $0x100, v23;
	v10 =	vmul.f32 v6, v10;
	[tilespmem:v12+s19+$0x0] =	vst.idx.add.f32.msk $0xffff, v4;
	v4 =	vand.u32 $0xFFFF0000, v14  }
0x6b: {  	v6 =	vld [tilespmem:s30+$0xFFFFFFF0];
	v12 =	vor.u32 $0x80, v13;
	v13 =	vshll.u32 v14, $0x10;
	v14 =	vmul.f32 v4, v9  }
0x6c: {  	v7 =	vor.u32 $0x100, v22;
	v8 =	vor.u32 $0x80, v15;
	[tilespmem:v17+s19+$0x0] =	vst.idx.add.f32.msk $0xffff, v19  }
0x6d: {  	v5 =	vor.u32 $0x80, v22;
	v15 =	vshll.u32 v24, $0x1;
	v13 =	vmul.f32 v13, v9;
	[tilespmem:v23+s19+$0x0] =	vst.idx.add.f32.msk $0xffff, v14  }
0x6e: {  	v19 =	vor.u32 $0x180, v23;
	v15 =	vand.u32 $0x7F00, v15;
	v4 =	vor.u32 $0x180, v22;
	[tilespmem:v16+s19+$0x0] =	vst.idx.add.f32.msk $0xffff, v10  }
0x6f: {  	v14 =	vand.u32 $0x7F, v24;
	v10 =	vand.u32 $0xFFFF0000, v11;
	[tilespmem:v20+s19+$0x0] =	vst.idx.add.f32.msk $0xffff, v13;
	v13 =	vand.u32 $0x7F, v21  }
0x70: {  	v20 =	vshll.u32 v21, $0x1;
	v15 =	vor.u32 v14, v15;
	v25 =	vmul.f32 v10, v6;
	v26 =	vld.idx.msk [tilespmem:v12+s3+$0x0], $0xffff  }
0x71: {  	v12 =	vshrl.u32 v21, $0xE;
	v14 =	vand.u32 $0x7F00, v20;
	v20 =	vshrl.u32 v21, $0xC  }
0x72: {  	v21 =	vor.u32 $0x80, v23;
	v23 =	vshrl.u32 v24, $0xE;
	v16 =	vor.u32 v13, v14  }
0x73: {  	v17 =	vld.idx.msk [tilespmem:v18+s3+$0x0], $0xffff;
	v13 =	vshll.u32 v11, $0x10;
	v11 =	vand.u32 $0x7F, v12;
	v12 =	vand.u32 $0xFFE00, v20  }
0x74: {  	[tilespmem:v22+s19+$0x0] =	vst.idx.add.f32.msk $0xffff, v25;
	v25 =	vshrl.u32 v24, $0xC;
	v11 =	vor.u32 v11, v12;
	v14 =	vmul.f32 v13, v6  }
0x75: {  	s23 =	simm.s32 $0x12C50;
	v12 =	vor.u32 $0x80, v16;
	v13 =	vor.u32 $0x100, v11;
	v20 =	vld.idx.msk [tilespmem:v15+s3+$0x0], $0xffff;
	v27 =	vand.u32 $0xFFFF0000, v26  }
0x76: {  	s25 =	simm.s32 $0xED70;
	s24 =	simm.s32 $0x4;
	v18 =	vld [tilespmem:s23+$0x0];
	v10 =	vor.u32 $0x80, v11;
	v22 =	vshll.u32 v26, $0x10;
	v24 =	vmul.f32 v27, v9  }
.LBB2_11:
0x77: {  	v26 =	vld [tilespmem:s25+$0x0];
	v23 =	vand.u32 $0x7F, v23;
	v25 =	vand.u32 $0xFFE00, v25;
	v9 =	vmul.f32 v22, v9  }
0x78: {  	v22 =	vor.u32 v23, v25;
	[tilespmem:v21+s19+$0x0] =	vst.idx.add.f32.msk $0xffff, v24;
	v21 =	vand.u32 $0xFFFF0000, v17;
	v17 =	vshll.u32 v17, $0x10  }
0x79: {  	v23 =	vor.u32 $0x100, v22;
	[tilespmem:v19+s19+$0x0] =	vst.idx.add.f32.msk $0xffff, v9;
	v19 =	vmul.f32 v21, v1;
	v24 =	vmul.f32 v17, v1  }
0x7a: {  	s24 =	sadd.s32 $0x2, s24;
	v25 =	vor.u32 $0x180, v11;
	v28 =	vand.u32 $0xFFFF0000, v20;
	v21 =	vor.u32 $0x80, v15;
	v1 =	vmovc v6;
	v17 =	vld [tilespmem:s25+$0xFFFFFFF0]  }
0x7b: {  	p0 =	slt.u32 s24, $0x1F2;
	v15 =	vshll.u32 v20, $0x10;
	v27 =	vld.idx.msk [tilespmem:v16+s3+$0x0], $0xffff;
	v16 =	vmul.f32 v28, v18;
	v9 =	vmov v18  }
0x7c: {  	v6 =	vld [tilespmem:s23+$0xFFFFFFF0];
	v15 =	vmul.f32 v15, v9  }
0x7d: {  	v18 =	vshll.u32 v26, $0x1;
	[tilespmem:v22+s19+$0x0] =	vst.idx.add.f32.msk $0xffff, v16  }
0x7e: {  	v16 =	vand.u32 $0x7F, v26;
	v18 =	vand.u32 $0x7F00, v18;
	[tilespmem:v23+s19+$0x0] =	vst.idx.add.f32.msk $0xffff, v15  }
0x7f: {  	v15 =	vor.u32 v16, v18;
	v20 =	vand.u32 $0x7F, v17;
	v23 =	vshll.u32 v17, $0x1;
	v28 =	vld.idx.msk [tilespmem:v21+s3+$0x0], $0xffff  }
0x80: {  	v18 =	vshrl.u32 v17, $0xE;
	v21 =	vshrl.u32 v17, $0xC;
	v16 =	vand.u32 $0x7F00, v23;
	[tilespmem:v7+s19+$0x0] =	vst.idx.add.f32.msk $0xffff, v14;
	v7 =	vmovc v13  }
0x81: {  	v13 =	vand.u32 $0xFFFF0000, v27;
	v14 =	vshll.u32 v27, $0x10;
	v16 =	vor.u32 v20, v16;
	v17 =	vld.idx.msk [tilespmem:v8+s3+$0x0], $0xffff;
	v8 =	vmovc v12  }
.Ltmp4:
0x82: {  	v12 =	vand.u32 $0x7F, v18;
	v18 =	vand.u32 $0xFFE00, v21;
	v27 =	vmul.f32 v13, v6;
	[tilespmem:v2+s19+$0x0] =	vst.idx.add.f32.msk $0xffff, v19;
	v2 =	vmovc v5;
	(pc) =	sbr.rel @p0 .LBB2_11-.Ltmp4, $4  }
0x83: {  	v14 =	vmul.f32 v14, v6;
	v21 =	vor.u32 $0x80, v22;
	v18 =	vor.u32 v12, v18;
	[tilespmem:v3+s19+$0x0] =	vst.idx.add.f32.msk $0xffff, v24  }
0x84: {  	v12 =	vor.u32 $0x80, v16;
	v19 =	vor.u32 $0x180, v22;
	v13 =	vor.u32 $0x100, v18;
	v3 =	vmovc v4;
	v4 =	vmovc v25;
	v20 =	vld.idx.msk [tilespmem:v15+s3+$0x0], $0xffff  }
0x85: {  	s23 =	sadd.s32 $0x20, s23;
	v23 =	vshrl.u32 v26, $0xE;
	v5 =	vmovc v10;
	v10 =	vor.u32 $0x80, v18;
	v24 =	vand.u32 $0xFFFF0000, v28;
	[tilespmem:v11+s19+$0x0] =	vst.idx.add.f32.msk $0xffff, v27;
	v11 =	vmovc v18  }
0x86: {  	s25 =	sadd.s32 $0x20, s25;
	v25 =	vshrl.u32 v26, $0xC;
	v22 =	vshll.u32 v28, $0x10;
	v24 =	vmul.f32 v24, v9;
	v18 =	vld [tilespmem:s23+$0x0]  }
0x87: {  	_ =	sdelay $0x1  }
0x88: {  	v23 =	vand.u32 $0x7F, v23;
	v25 =	vand.u32 $0xFFE00, v25  }
0x89: {  	v23 =	vor.u32 v23, v25  }
0x8a: {  	v16 =	vld.idx.msk [tilespmem:v16+s3+$0x0], $0xffff;
	v25 =	vor.u32 $0x100, v23  }
0x8b: {  	v15 =	vor.u32 $0x80, v15;
	v27 =	vld [tilespmem:s23+$0xFFFFFFF0];
	v26 =	vand.u32 $0xFFFF0000, v20  }
0x8c: {  	[tilespmem:v7+s19+$0x0] =	vst.idx.add.f32.msk $0xffff, v14;
	v20 =	vshll.u32 v20, $0x10;
	v26 =	vmul.f32 v26, v18  }
0x8d: {  	[tilespmem:v21+s19+$0x0] =	vst.idx.add.f32.msk $0xffff, v24;
	v20 =	vmul.f32 v20, v18  }
0x8e: {  	[tilespmem:v23+s19+$0x0] =	vst.idx.add.f32.msk $0xffff, v26  }
0x8f: {  	[tilespmem:v25+s19+$0x0] =	vst.idx.add.f32.msk $0xffff, v20;
	v20 =	vand.u32 $0xFFFF0000, v16  }
0x90: {  	v7 =	vshll.u32 v16, $0x10;
	v15 =	vld.idx.msk [tilespmem:v15+s3+$0x0], $0xffff;
	v14 =	vmul.f32 v20, v27  }
0x91: {  	v8 =	vld.idx.msk [tilespmem:v8+s3+$0x0], $0xffff;
	v7 =	vmul.f32 v7, v27  }
0x92: {  	[tilespmem:v11+s19+$0x0] =	vst.idx.add.f32.msk $0xffff, v14  }
0x93: {  	v9 =	vmul.f32 v22, v9;
	v16 =	vor.u32 $0x80, v23;
	v14 =	vand.u32 $0xFFFF0000, v17;
	[tilespmem:v13+s19+$0x0] =	vst.idx.add.f32.msk $0xffff, v7  }
0x94: {  	v7 =	vshll.u32 v17, $0x10;
	v13 =	vmul.f32 v14, v1;
	v14 =	vor.u32 $0x180, v23;
	v12 =	vld.idx.msk [tilespmem:v12+s3+$0x0], $0xffff  }
0x95: {  	[tilespmem:v19+s19+$0x0] =	vst.idx.add.f32.msk $0xffff, v9;
	v1 =	vmul.f32 v7, v1;
	v7 =	vand.u32 $0xFFFF0000, v15  }
0x96: {  	[tilespmem:v2+s19+$0x0] =	vst.idx.add.f32.msk $0xffff, v13;
	v2 =	vshll.u32 v15, $0x10;
	v7 =	vmul.f32 v7, v18  }
0x97: {  	[tilespmem:v3+s19+$0x0] =	vst.idx.add.f32.msk $0xffff, v1;
	v1 =	vmul.f32 v2, v18;
	v2 =	vand.u32 $0xFFFF0000, v8  }
0x98: {  	v3 =	vor.u32 $0x180, v11;
	v2 =	vmul.f32 v2, v6;
	[tilespmem:v16+s19+$0x0] =	vst.idx.add.f32.msk $0xffff, v7;
	v7 =	vshll.u32 v8, $0x10  }
0x99: {  	s25 =	smul.u32 $0x3E80, s22;
	[tilespmem:v14+s19+$0x0] =	vst.idx.add.f32.msk $0xffff, v1;
	v1 =	vmul.f32 v7, v6;
	v6 =	vand.u32 $0xFFFF0000, v12  }
0x9a: {  	[tilespmem:v5+s19+$0x0] =	vst.idx.add.f32.msk $0xffff, v2;
	v2 =	vshll.u32 v12, $0x10;
	v5 =	vmul.f32 v6, v27  }
0x9b: {  	s23 =	sshrl.u32 s25, $0x3;
	[tilespmem:v4+s19+$0x0] =	vst.idx.add.f32.msk $0xffff, v1;
	v1 =	vmul.f32 v2, v27  }
0x9c: {  	s24 =	sadd.s32 $0x7D0, s23;
	[tilespmem:v10+s19+$0x0] =	vst.idx.add.f32.msk $0xffff, v5  }
0x9d: {  	s25 =	sadd.s32 s4, s24;
	[tilespmem:v3+s19+$0x0] =	vst.idx.add.f32.msk $0xffff, v1  }
0x9e: {  	[tilespmem:s11], [sflag:$0x1] =	stream.linear.gather [hbm4b:s25+s3], $0x1F40, $0x38;
	[tilespmem:$0x16B00] =	vst v63  }
0x9f: {  	s24 =	sadd.s32 s1, s24  }
0xa0: {  	[tilespmem:s12], [sflag:$0x1] =	stream.linear.gather [hbm4b:s24+s3], $0x1F40, $0x38;
	[tilespmem:$0x16B00] =	vst v63  }
0xa1: {  	_ =	swait.ge [sflag:s20], $0x1F40  }
0xa2: {  	[sflag:s20] =	ssyncset.done $0x0  }
0xa3: {  	[sflag:s20] =	ssyncadd.s32 $0xFFFFE0C0  }
0xa4: {  	_ =	swait.ge [sflag:s20], $0x1F40  }
0xa5: {  	[sflag:s20] =	ssyncset.done $0x0  }
0xa6: {  	s26 =	simm.s32 $0x10C90;
	[sflag:s20] =	ssyncadd.s32 $0xFFFFE0C0  }
0xa7: {  	v1 =	vld [tilespmem:s26+$0x0];
	_ =	sdelay $0x4  }
0xa8: {  	v2 =	vshll.u32 v1, $0x1  }
0xa9: {  	v4 =	vld [tilespmem:s26+$0xFFFFFFF0];
	v3 =	vand.u32 $0x7F, v1;
	v2 =	vand.u32 $0x7F00, v2  }
0xaa: {  	v2 =	vor.u32 v3, v2;
	_ =	sdelay $0x2  }
0xab: {  	s28 =	simm.s32 $0x14B90  }
0xac: {  	v10 =	vld [tilespmem:s28+$0x0];
	v3 =	vshll.u32 v4, $0x1  }
0xad: {  	s29 =	simm.s32 $0x10CB0;
	v6 =	vand.u32 $0x7F, v4;
	v3 =	vand.u32 $0x7F00, v3;
	v5 =	vld.idx.msk [tilespmem:v2+s3+$0x0], $0xffff  }
0xae: {  	v7 =	vld [tilespmem:s29+$0x0];
	v3 =	vor.u32 v6, v3;
	v6 =	vshrl.u32 v1, $0xE;
	v1 =	vshrl.u32 v1, $0xC  }
0xaf: {  	v6 =	vand.u32 $0x7F, v6;
	v1 =	vand.u32 $0xFFE00, v1  }
0xb0: {  	v8 =	vshrl.u32 v4, $0xE;
	v4 =	vshrl.u32 v4, $0xC;
	v6 =	vor.u32 v6, v1  }
0xb1: {  	v9 =	vld [tilespmem:s29+$0xFFFFFFF0];
	v4 =	vand.u32 $0xFFE00, v4;
	v1 =	vand.u32 $0x7F, v8;
	v8 =	vor.u32 $0x100, v6  }
0xb2: {  	v11 =	vor.u32 $0x80, v2;
	v4 =	vor.u32 v1, v4;
	v1 =	vand.u32 $0xFFFF0000, v5  }
0xb3: {  	v13 =	vshll.u32 v7, $0x1;
	v12 =	vld.idx.msk [tilespmem:v3+s3+$0x0], $0xffff;
	v2 =	vshll.u32 v5, $0x10;
	v5 =	vmul.f32 v1, v10  }
0xb4: {  	v13 =	vand.u32 $0x7F00, v13;
	v1 =	vld [tilespmem:s28+$0xFFFFFFF0];
	v14 =	vmul.f32 v2, v10;
	v2 =	vand.u32 $0x7F, v7  }
0xb5: {  	v18 =	vor.u32 $0x80, v3;
	v13 =	vor.u32 v2, v13;
	[tilespmem:v6+s19+$0x0] =	vst.idx.add.f32.msk $0xffff, v5  }
0xb6: {  	v17 =	vor.u32 $0x100, v4;
	v3 =	vor.u32 $0x180, v4;
	v5 =	vshll.u32 v9, $0x1;
	[tilespmem:v8+s19+$0x0] =	vst.idx.add.f32.msk $0xffff, v14  }
0xb7: {  	v8 =	vand.u32 $0x7F, v9;
	v14 =	vshrl.u32 v9, $0xE;
	v5 =	vand.u32 $0x7F00, v5;
	v11 =	vld.idx.msk [tilespmem:v11+s3+$0x0], $0xffff  }
0xb8: {  	s31 =	simm.s32 $0x10CD0;
	v9 =	vshrl.u32 v9, $0xC;
	v15 =	vor.u32 v8, v5;
	v5 =	vand.u32 $0xFFFF0000, v12  }
0xb9: {  	v24 =	vld [tilespmem:s31+$0x0];
	v8 =	vshll.u32 v12, $0x10;
	v12 =	vand.u32 $0x7F, v14;
	v9 =	vand.u32 $0xFFE00, v9  }
0xba: {  	s30 =	simm.s32 $0x14BB0;
	v5 =	vmul.f32 v5, v1;
	v22 =	vor.u32 v12, v9;
	v12 =	vor.u32 $0x80, v6;
	v14 =	vld.idx.msk [tilespmem:v13+s3+$0x0], $0xffff  }
0xbb: {  	v19 =	vmul.f32 v8, v1;
	v8 =	vshrl.u32 v7, $0xE;
	v9 =	vld [tilespmem:s30+$0x0];
	v7 =	vshrl.u32 v7, $0xC  }
0xbc: {  	v21 =	vld [tilespmem:s31+$0xFFFFFFF0];
	v8 =	vand.u32 $0x7F, v8;
	v20 =	vand.u32 $0xFFE00, v7;
	v16 =	vand.u32 $0xFFFF0000, v11  }
0xbd: {  	v2 =	vor.u32 $0x80, v4;
	[tilespmem:v4+s19+$0x0] =	vst.idx.add.f32.msk $0xffff, v5;
	v23 =	vor.u32 v8, v20;
	v4 =	vmul.f32 v16, v10  }
0xbe: {  	v16 =	vor.u32 $0x180, v6;
	v6 =	vshll.u32 v11, $0x10;
	v11 =	vld.idx.msk [tilespmem:v15+s3+$0x0], $0xffff  }
0xbf: {  	v20 =	vor.u32 $0x100, v23;
	v10 =	vmul.f32 v6, v10;
	[tilespmem:v12+s19+$0x0] =	vst.idx.add.f32.msk $0xffff, v4;
	v4 =	vand.u32 $0xFFFF0000, v14  }
0xc0: {  	v6 =	vld [tilespmem:s30+$0xFFFFFFF0];
	v12 =	vor.u32 $0x80, v13;
	v13 =	vshll.u32 v14, $0x10;
	v14 =	vmul.f32 v4, v9  }
0xc1: {  	v7 =	vor.u32 $0x100, v22;
	v8 =	vor.u32 $0x80, v15;
	[tilespmem:v17+s19+$0x0] =	vst.idx.add.f32.msk $0xffff, v19  }
0xc2: {  	v5 =	vor.u32 $0x80, v22;
	v15 =	vshll.u32 v24, $0x1;
	v13 =	vmul.f32 v13, v9;
	[tilespmem:v23+s19+$0x0] =	vst.idx.add.f32.msk $0xffff, v14  }
0xc3: {  	v19 =	vor.u32 $0x180, v23;
	v15 =	vand.u32 $0x7F00, v15;
	v4 =	vor.u32 $0x180, v22;
	[tilespmem:v16+s19+$0x0] =	vst.idx.add.f32.msk $0xffff, v10  }
0xc4: {  	v14 =	vand.u32 $0x7F, v24;
	v10 =	vand.u32 $0xFFFF0000, v11;
	[tilespmem:v20+s19+$0x0] =	vst.idx.add.f32.msk $0xffff, v13;
	v13 =	vand.u32 $0x7F, v21  }
0xc5: {  	v20 =	vshll.u32 v21, $0x1;
	v15 =	vor.u32 v14, v15;
	v25 =	vmul.f32 v10, v6;
	v26 =	vld.idx.msk [tilespmem:v12+s3+$0x0], $0xffff  }
0xc6: {  	v12 =	vshrl.u32 v21, $0xE;
	v14 =	vand.u32 $0x7F00, v20;
	v20 =	vshrl.u32 v21, $0xC  }
0xc7: {  	v21 =	vor.u32 $0x80, v23;
	v23 =	vshrl.u32 v24, $0xE;
	v16 =	vor.u32 v13, v14  }
0xc8: {  	v17 =	vld.idx.msk [tilespmem:v18+s3+$0x0], $0xffff;
	v13 =	vshll.u32 v11, $0x10;
	v11 =	vand.u32 $0x7F, v12;
	v12 =	vand.u32 $0xFFE00, v20  }
0xc9: {  	[tilespmem:v22+s19+$0x0] =	vst.idx.add.f32.msk $0xffff, v25;
	v25 =	vshrl.u32 v24, $0xC;
	v11 =	vor.u32 v11, v12;
	v14 =	vmul.f32 v13, v6  }
0xca: {  	s24 =	simm.s32 $0x14BD0;
	v12 =	vor.u32 $0x80, v16;
	v13 =	vor.u32 $0x100, v11;
	v20 =	vld.idx.msk [tilespmem:v15+s3+$0x0], $0xffff;
	v27 =	vand.u32 $0xFFFF0000, v26  }
0xcb: {  	s25 =	simm.s32 $0x4;
	s26 =	simm.s32 $0x10CF0;
	v18 =	vld [tilespmem:s24+$0x0];
	v10 =	vor.u32 $0x80, v11;
	v22 =	vshll.u32 v26, $0x10;
	v24 =	vmul.f32 v27, v9  }
.LBB2_13:
0xcc: {  	v26 =	vld [tilespmem:s26+$0x0];
	v23 =	vand.u32 $0x7F, v23;
	v25 =	vand.u32 $0xFFE00, v25;
	v9 =	vmul.f32 v22, v9  }
0xcd: {  	v22 =	vor.u32 v23, v25;
	[tilespmem:v21+s19+$0x0] =	vst.idx.add.f32.msk $0xffff, v24;
	v21 =	vand.u32 $0xFFFF0000, v17;
	v17 =	vshll.u32 v17, $0x10  }
0xce: {  	v23 =	vor.u32 $0x100, v22;
	[tilespmem:v19+s19+$0x0] =	vst.idx.add.f32.msk $0xffff, v9;
	v19 =	vmul.f32 v21, v1;
	v24 =	vmul.f32 v17, v1  }
0xcf: {  	s25 =	sadd.s32 $0x2, s25;
	v25 =	vor.u32 $0x180, v11;
	v28 =	vand.u32 $0xFFFF0000, v20;
	v21 =	vor.u32 $0x80, v15;
	v1 =	vmovc v6;
	v17 =	vld [tilespmem:s26+$0xFFFFFFF0]  }
0xd0: {  	p0 =	slt.u32 s25, $0x1F2;
	v15 =	vshll.u32 v20, $0x10;
	v27 =	vld.idx.msk [tilespmem:v16+s3+$0x0], $0xffff;
	v16 =	vmul.f32 v28, v18;
	v9 =	vmov v18  }
0xd1: {  	v6 =	vld [tilespmem:s24+$0xFFFFFFF0];
	v15 =	vmul.f32 v15, v9  }
0xd2: {  	v18 =	vshll.u32 v26, $0x1;
	[tilespmem:v22+s19+$0x0] =	vst.idx.add.f32.msk $0xffff, v16  }
0xd3: {  	v16 =	vand.u32 $0x7F, v26;
	v18 =	vand.u32 $0x7F00, v18;
	[tilespmem:v23+s19+$0x0] =	vst.idx.add.f32.msk $0xffff, v15  }
0xd4: {  	v15 =	vor.u32 v16, v18;
	v20 =	vand.u32 $0x7F, v17;
	v23 =	vshll.u32 v17, $0x1;
	v28 =	vld.idx.msk [tilespmem:v21+s3+$0x0], $0xffff  }
0xd5: {  	v18 =	vshrl.u32 v17, $0xE;
	v21 =	vshrl.u32 v17, $0xC;
	v16 =	vand.u32 $0x7F00, v23;
	[tilespmem:v7+s19+$0x0] =	vst.idx.add.f32.msk $0xffff, v14;
	v7 =	vmovc v13  }
0xd6: {  	v13 =	vand.u32 $0xFFFF0000, v27;
	v14 =	vshll.u32 v27, $0x10;
	v16 =	vor.u32 v20, v16;
	v17 =	vld.idx.msk [tilespmem:v8+s3+$0x0], $0xffff;
	v8 =	vmovc v12  }
.Ltmp5:
0xd7: {  	v12 =	vand.u32 $0x7F, v18;
	v18 =	vand.u32 $0xFFE00, v21;
	v27 =	vmul.f32 v13, v6;
	[tilespmem:v2+s19+$0x0] =	vst.idx.add.f32.msk $0xffff, v19;
	v2 =	vmovc v5;
	(pc) =	sbr.rel @p0 .LBB2_13-.Ltmp5, $4  }
0xd8: {  	v14 =	vmul.f32 v14, v6;
	v21 =	vor.u32 $0x80, v22;
	v18 =	vor.u32 v12, v18;
	[tilespmem:v3+s19+$0x0] =	vst.idx.add.f32.msk $0xffff, v24  }
0xd9: {  	v12 =	vor.u32 $0x80, v16;
	v19 =	vor.u32 $0x180, v22;
	v13 =	vor.u32 $0x100, v18;
	v3 =	vmovc v4;
	v4 =	vmovc v25;
	v20 =	vld.idx.msk [tilespmem:v15+s3+$0x0], $0xffff  }
0xda: {  	s24 =	sadd.s32 $0x20, s24;
	v23 =	vshrl.u32 v26, $0xE;
	v5 =	vmovc v10;
	v10 =	vor.u32 $0x80, v18;
	v24 =	vand.u32 $0xFFFF0000, v28;
	[tilespmem:v11+s19+$0x0] =	vst.idx.add.f32.msk $0xffff, v27;
	v11 =	vmovc v18  }
0xdb: {  	s26 =	sadd.s32 $0x20, s26;
	v25 =	vshrl.u32 v26, $0xC;
	v22 =	vshll.u32 v28, $0x10;
	v24 =	vmul.f32 v24, v9;
	v18 =	vld [tilespmem:s24+$0x0]  }
0xdc: {  	_ =	sdelay $0x1  }
0xdd: {  	v23 =	vand.u32 $0x7F, v23;
	v25 =	vand.u32 $0xFFE00, v25  }
0xde: {  	v23 =	vor.u32 v23, v25  }
0xdf: {  	v16 =	vld.idx.msk [tilespmem:v16+s3+$0x0], $0xffff;
	v25 =	vor.u32 $0x100, v23  }
0xe0: {  	v15 =	vor.u32 $0x80, v15;
	v27 =	vld [tilespmem:s24+$0xFFFFFFF0];
	v26 =	vand.u32 $0xFFFF0000, v20  }
0xe1: {  	[tilespmem:v7+s19+$0x0] =	vst.idx.add.f32.msk $0xffff, v14;
	v51 =	vshll.u32 v20, $0x10;
	v26 =	vmul.f32 v26, v18  }
0xe2: {  	[tilespmem:v21+s19+$0x0] =	vst.idx.add.f32.msk $0xffff, v24;
	v20 =	vmul.f32 v51, v18  }
0xe3: {  	[tilespmem:v23+s19+$0x0] =	vst.idx.add.f32.msk $0xffff, v26  }
0xe4: {  	v52 =	vand.u32 $0xFFFF0000, v16;
	[tilespmem:v25+s19+$0x0] =	vst.idx.add.f32.msk $0xffff, v20  }
0xe5: {  	v53 =	vshll.u32 v16, $0x10;
	v54 =	vmul.f32 v52, v27;
	v15 =	vld.idx.msk [tilespmem:v15+s3+$0x0], $0xffff  }
0xe6: {  	v8 =	vld.idx.msk [tilespmem:v8+s3+$0x0], $0xffff;
	v7 =	vmul.f32 v53, v27  }
0xe7: {  	[tilespmem:v11+s19+$0x0] =	vst.idx.add.f32.msk $0xffff, v54  }
0xe8: {  	v9 =	vmul.f32 v22, v9;
	v55 =	vand.u32 $0xFFFF0000, v17;
	v56 =	vor.u32 $0x80, v23;
	[tilespmem:v13+s19+$0x0] =	vst.idx.add.f32.msk $0xffff, v7  }
0xe9: {  	v57 =	vshll.u32 v17, $0x10;
	v58 =	vmul.f32 v55, v1;
	v59 =	vor.u32 $0x180, v23;
	v12 =	vld.idx.msk [tilespmem:v12+s3+$0x0], $0xffff  }
0xea: {  	v1 =	vmul.f32 v57, v1;
	[tilespmem:v19+s19+$0x0] =	vst.idx.add.f32.msk $0xffff, v9;
	v60 =	vand.u32 $0xFFFF0000, v15  }
0xeb: {  	[tilespmem:v2+s19+$0x0] =	vst.idx.add.f32.msk $0xffff, v58;
	v2 =	vshll.u32 v15, $0x10;
	v7 =	vmul.f32 v60, v18  }
0xec: {  	[tilespmem:v3+s19+$0x0] =	vst.idx.add.f32.msk $0xffff, v1;
	v1 =	vmul.f32 v2, v18;
	v2 =	vand.u32 $0xFFFF0000, v8  }
0xed: {  	v3 =	vor.u32 $0x180, v11;
	v61 =	vshll.u32 v8, $0x10;
	v2 =	vmul.f32 v2, v6;
	[tilespmem:v56+s19+$0x0] =	vst.idx.add.f32.msk $0xffff, v7  }
0xee: {  	v62 =	vand.u32 $0xFFFF0000, v12;
	[tilespmem:v59+s19+$0x0] =	vst.idx.add.f32.msk $0xffff, v1;
	v1 =	vmul.f32 v61, v6  }
0xef: {  	s22 =	sadd.s32 $0x1, s22;
	v63 =	vmul.f32 v62, v27;
	[tilespmem:v5+s19+$0x0] =	vst.idx.add.f32.msk $0xffff, v2;
	v2 =	vshll.u32 v12, $0x10  }
0xf0: {  	p0 =	sne.s32 s22, $0x13;
	[tilespmem:v4+s19+$0x0] =	vst.idx.add.f32.msk $0xffff, v1;
	v1 =	vmul.f32 v2, v27  }
.Ltmp6:
0xf1: {  	s23 =	sadd.s32 $0xBB8, s23;
	[tilespmem:v10+s19+$0x0] =	vst.idx.add.f32.msk $0xffff, v63;
	(pc) =	sbr.rel @p0 .LBB2_10-.Ltmp6, $4  }
0xf2: {  	s31 =	sadd.s32 s4, s23;
	[tilespmem:v3+s19+$0x0] =	vst.idx.add.f32.msk $0xffff, v1  }
0xf3: {  	[tilespmem:s13], [sflag:$0x2] =	stream.linear.gather [hbm4b:s31+s3], $0x1F40, $0x38;
	[tilespmem:$0x16B00] =	vst v63  }
0xf4: {  	s23 =	sadd.s32 s1, s23  }
0xf5: {  	[tilespmem:s14], [sflag:$0x2] =	stream.linear.gather [hbm4b:s23+s3], $0x1F40, $0x38;
	[tilespmem:$0x16B00] =	vst v63  }
0xf6: {  	_ =	swait.ge [sflag:s18], $0x1F40  }
0xf7: {  	[sflag:s18] =	ssyncset.done $0x0  }
0xf8: {  	[sflag:s18] =	ssyncadd.s32 $0xFFFFE0C0  }
0xf9: {  	_ =	swait.ge [sflag:s18], $0x1F40  }
0xfa: {  	[sflag:s18] =	ssyncset.done $0x0  }
0xfb: {  	s22 =	simm.s32 $0xED10;
	[sflag:s18] =	ssyncadd.s32 $0xFFFFE0C0  }
0xfc: {  	v1 =	vld [tilespmem:s22+$0x0];
	_ =	sdelay $0x4  }
0xfd: {  	v2 =	vshll.u32 v1, $0x1  }
0xfe: {  	v4 =	vld [tilespmem:s22+$0xFFFFFFF0];
	v3 =	vand.u32 $0x7F, v1;
	v2 =	vand.u32 $0x7F00, v2  }
0xff: {  	v2 =	vor.u32 v3, v2;
	_ =	sdelay $0x2  }
0x100: {  	s29 =	simm.s32 $0x12C10  }
0x101: {  	v10 =	vld [tilespmem:s29+$0x0];
	v3 =	vshll.u32 v4, $0x1  }
0x102: {  	s23 =	simm.s32 $0xED30;
	v6 =	vand.u32 $0x7F, v4;
	v3 =	vand.u32 $0x7F00, v3;
	v5 =	vld.idx.msk [tilespmem:v2+s3+$0x0], $0xffff  }
0x103: {  	v7 =	vld [tilespmem:s23+$0x0];
	v3 =	vor.u32 v6, v3;
	v6 =	vshrl.u32 v1, $0xE;
	v1 =	vshrl.u32 v1, $0xC  }
0x104: {  	v6 =	vand.u32 $0x7F, v6;
	v1 =	vand.u32 $0xFFE00, v1  }
0x105: {  	v8 =	vshrl.u32 v4, $0xE;
	v4 =	vshrl.u32 v4, $0xC;
	v6 =	vor.u32 v6, v1  }
0x106: {  	v9 =	vld [tilespmem:s23+$0xFFFFFFF0];
	v4 =	vand.u32 $0xFFE00, v4;
	v1 =	vand.u32 $0x7F, v8;
	v8 =	vor.u32 $0x100, v6  }
0x107: {  	v11 =	vor.u32 $0x80, v2;
	v4 =	vor.u32 v1, v4;
	v1 =	vand.u32 $0xFFFF0000, v5  }
0x108: {  	v13 =	vshll.u32 v7, $0x1;
	v12 =	vld.idx.msk [tilespmem:v3+s3+$0x0], $0xffff;
	v2 =	vshll.u32 v5, $0x10;
	v5 =	vmul.f32 v1, v10  }
0x109: {  	v13 =	vand.u32 $0x7F00, v13;
	v1 =	vld [tilespmem:s29+$0xFFFFFFF0];
	v14 =	vmul.f32 v2, v10;
	v2 =	vand.u32 $0x7F, v7  }
0x10a: {  	v18 =	vor.u32 $0x80, v3;
	v13 =	vor.u32 v2, v13;
	[tilespmem:v6+s19+$0x0] =	vst.idx.add.f32.msk $0xffff, v5  }
0x10b: {  	v17 =	vor.u32 $0x100, v4;
	v3 =	vor.u32 $0x180, v4;
	v5 =	vshll.u32 v9, $0x1;
	[tilespmem:v8+s19+$0x0] =	vst.idx.add.f32.msk $0xffff, v14  }
0x10c: {  	v8 =	vand.u32 $0x7F, v9;
	v14 =	vshrl.u32 v9, $0xE;
	v5 =	vand.u32 $0x7F00, v5;
	v11 =	vld.idx.msk [tilespmem:v11+s3+$0x0], $0xffff  }
0x10d: {  	s31 =	simm.s32 $0xED50;
	v9 =	vshrl.u32 v9, $0xC;
	v15 =	vor.u32 v8, v5;
	v5 =	vand.u32 $0xFFFF0000, v12  }
0x10e: {  	v24 =	vld [tilespmem:s31+$0x0];
	v8 =	vshll.u32 v12, $0x10;
	v12 =	vand.u32 $0x7F, v14;
	v9 =	vand.u32 $0xFFE00, v9  }
0x10f: {  	s30 =	simm.s32 $0x12C30;
	v5 =	vmul.f32 v5, v1;
	v22 =	vor.u32 v12, v9;
	v12 =	vor.u32 $0x80, v6;
	v14 =	vld.idx.msk [tilespmem:v13+s3+$0x0], $0xffff  }
0x110: {  	v19 =	vmul.f32 v8, v1;
	v8 =	vshrl.u32 v7, $0xE;
	v9 =	vld [tilespmem:s30+$0x0];
	v7 =	vshrl.u32 v7, $0xC  }
0x111: {  	v21 =	vld [tilespmem:s31+$0xFFFFFFF0];
	v8 =	vand.u32 $0x7F, v8;
	v20 =	vand.u32 $0xFFE00, v7;
	v16 =	vand.u32 $0xFFFF0000, v11  }
0x112: {  	v2 =	vor.u32 $0x80, v4;
	[tilespmem:v4+s19+$0x0] =	vst.idx.add.f32.msk $0xffff, v5;
	v23 =	vor.u32 v8, v20;
	v4 =	vmul.f32 v16, v10  }
0x113: {  	v16 =	vor.u32 $0x180, v6;
	v6 =	vshll.u32 v11, $0x10;
	v11 =	vld.idx.msk [tilespmem:v15+s3+$0x0], $0xffff  }
0x114: {  	v20 =	vor.u32 $0x100, v23;
	v10 =	vmul.f32 v6, v10;
	[tilespmem:v12+s19+$0x0] =	vst.idx.add.f32.msk $0xffff, v4;
	v4 =	vand.u32 $0xFFFF0000, v14  }
0x115: {  	v6 =	vld [tilespmem:s30+$0xFFFFFFF0];
	v12 =	vor.u32 $0x80, v13;
	v13 =	vshll.u32 v14, $0x10;
	v14 =	vmul.f32 v4, v9  }
0x116: {  	v7 =	vor.u32 $0x100, v22;
	v8 =	vor.u32 $0x80, v15;
	[tilespmem:v17+s19+$0x0] =	vst.idx.add.f32.msk $0xffff, v19  }
0x117: {  	v5 =	vor.u32 $0x80, v22;
	v15 =	vshll.u32 v24, $0x1;
	v13 =	vmul.f32 v13, v9;
	[tilespmem:v23+s19+$0x0] =	vst.idx.add.f32.msk $0xffff, v14  }
0x118: {  	v19 =	vor.u32 $0x180, v23;
	v15 =	vand.u32 $0x7F00, v15;
	v4 =	vor.u32 $0x180, v22;
	[tilespmem:v16+s19+$0x0] =	vst.idx.add.f32.msk $0xffff, v10  }
0x119: {  	v14 =	vand.u32 $0x7F, v24;
	v10 =	vand.u32 $0xFFFF0000, v11;
	[tilespmem:v20+s19+$0x0] =	vst.idx.add.f32.msk $0xffff, v13;
	v13 =	vand.u32 $0x7F, v21  }
0x11a: {  	v20 =	vshll.u32 v21, $0x1;
	v15 =	vor.u32 v14, v15;
	v25 =	vmul.f32 v10, v6;
	v26 =	vld.idx.msk [tilespmem:v12+s3+$0x0], $0xffff  }
0x11b: {  	v12 =	vshrl.u32 v21, $0xE;
	v14 =	vand.u32 $0x7F00, v20;
	v20 =	vshrl.u32 v21, $0xC  }
0x11c: {  	v21 =	vor.u32 $0x80, v23;
	v23 =	vshrl.u32 v24, $0xE;
	v16 =	vor.u32 v13, v14  }
0x11d: {  	v17 =	vld.idx.msk [tilespmem:v18+s3+$0x0], $0xffff;
	v13 =	vshll.u32 v11, $0x10;
	v11 =	vand.u32 $0x7F, v12;
	v12 =	vand.u32 $0xFFE00, v20  }
0x11e: {  	[tilespmem:v22+s19+$0x0] =	vst.idx.add.f32.msk $0xffff, v25;
	v25 =	vshrl.u32 v24, $0xC;
	v11 =	vor.u32 v11, v12;
	v14 =	vmul.f32 v13, v6  }
0x11f: {  	s22 =	simm.s32 $0x12C50;
	v12 =	vor.u32 $0x80, v16;
	v13 =	vor.u32 $0x100, v11;
	v20 =	vld.idx.msk [tilespmem:v15+s3+$0x0], $0xffff;
	v27 =	vand.u32 $0xFFFF0000, v26  }
0x120: {  	s24 =	simm.s32 $0xED70;
	s23 =	simm.s32 $0x4;
	v18 =	vld [tilespmem:s22+$0x0];
	v10 =	vor.u32 $0x80, v11;
	v22 =	vshll.u32 v26, $0x10;
	v24 =	vmul.f32 v27, v9  }
.LBB2_16:
0x121: {  	v26 =	vld [tilespmem:s24+$0x0];
	v23 =	vand.u32 $0x7F, v23;
	v25 =	vand.u32 $0xFFE00, v25;
	v9 =	vmul.f32 v22, v9  }
0x122: {  	v22 =	vor.u32 v23, v25;
	[tilespmem:v21+s19+$0x0] =	vst.idx.add.f32.msk $0xffff, v24;
	v21 =	vand.u32 $0xFFFF0000, v17;
	v17 =	vshll.u32 v17, $0x10  }
0x123: {  	v23 =	vor.u32 $0x100, v22;
	[tilespmem:v19+s19+$0x0] =	vst.idx.add.f32.msk $0xffff, v9;
	v19 =	vmul.f32 v21, v1;
	v24 =	vmul.f32 v17, v1  }
0x124: {  	s23 =	sadd.s32 $0x2, s23;
	v25 =	vor.u32 $0x180, v11;
	v28 =	vand.u32 $0xFFFF0000, v20;
	v21 =	vor.u32 $0x80, v15;
	v1 =	vmovc v6;
	v17 =	vld [tilespmem:s24+$0xFFFFFFF0]  }
0x125: {  	p0 =	slt.u32 s23, $0x1F2;
	v15 =	vshll.u32 v20, $0x10;
	v27 =	vld.idx.msk [tilespmem:v16+s3+$0x0], $0xffff;
	v16 =	vmul.f32 v28, v18;
	v9 =	vmov v18  }
0x126: {  	v6 =	vld [tilespmem:s22+$0xFFFFFFF0];
	v15 =	vmul.f32 v15, v9  }
0x127: {  	v18 =	vshll.u32 v26, $0x1;
	[tilespmem:v22+s19+$0x0] =	vst.idx.add.f32.msk $0xffff, v16  }
0x128: {  	v16 =	vand.u32 $0x7F, v26;
	v18 =	vand.u32 $0x7F00, v18;
	[tilespmem:v23+s19+$0x0] =	vst.idx.add.f32.msk $0xffff, v15  }
0x129: {  	v15 =	vor.u32 v16, v18;
	v20 =	vand.u32 $0x7F, v17;
	v23 =	vshll.u32 v17, $0x1;
	v28 =	vld.idx.msk [tilespmem:v21+s3+$0x0], $0xffff  }
0x12a: {  	v18 =	vshrl.u32 v17, $0xE;
	v21 =	vshrl.u32 v17, $0xC;
	v16 =	vand.u32 $0x7F00, v23;
	[tilespmem:v7+s19+$0x0] =	vst.idx.add.f32.msk $0xffff, v14;
	v7 =	vmovc v13  }
0x12b: {  	v13 =	vand.u32 $0xFFFF0000, v27;
	v14 =	vshll.u32 v27, $0x10;
	v16 =	vor.u32 v20, v16;
	v17 =	vld.idx.msk [tilespmem:v8+s3+$0x0], $0xffff;
	v8 =	vmovc v12  }
.Ltmp7:
0x12c: {  	v12 =	vand.u32 $0x7F, v18;
	v18 =	vand.u32 $0xFFE00, v21;
	v27 =	vmul.f32 v13, v6;
	[tilespmem:v2+s19+$0x0] =	vst.idx.add.f32.msk $0xffff, v19;
	v2 =	vmovc v5;
	(pc) =	sbr.rel @p0 .LBB2_16-.Ltmp7, $4  }
0x12d: {  	v14 =	vmul.f32 v14, v6;
	v21 =	vor.u32 $0x80, v22;
	v18 =	vor.u32 v12, v18;
	[tilespmem:v3+s19+$0x0] =	vst.idx.add.f32.msk $0xffff, v24  }
0x12e: {  	v12 =	vor.u32 $0x80, v16;
	v19 =	vor.u32 $0x180, v22;
	v13 =	vor.u32 $0x100, v18;
	v3 =	vmovc v4;
	v4 =	vmovc v25;
	v20 =	vld.idx.msk [tilespmem:v15+s3+$0x0], $0xffff  }
0x12f: {  	s22 =	sadd.s32 $0x20, s22;
	v23 =	vshrl.u32 v26, $0xE;
	v5 =	vmovc v10;
	v10 =	vor.u32 $0x80, v18;
	v24 =	vand.u32 $0xFFFF0000, v28;
	[tilespmem:v11+s19+$0x0] =	vst.idx.add.f32.msk $0xffff, v27;
	v11 =	vmovc v18  }
0x130: {  	s24 =	sadd.s32 $0x20, s24;
	v25 =	vshrl.u32 v26, $0xC;
	v22 =	vshll.u32 v28, $0x10;
	v24 =	vmul.f32 v24, v9;
	v18 =	vld [tilespmem:s22+$0x0]  }
0x131: {  	_ =	sdelay $0x1  }
0x132: {  	v23 =	vand.u32 $0x7F, v23;
	v25 =	vand.u32 $0xFFE00, v25  }
0x133: {  	v23 =	vor.u32 v23, v25  }
0x134: {  	v16 =	vld.idx.msk [tilespmem:v16+s3+$0x0], $0xffff;
	v25 =	vor.u32 $0x100, v23  }
0x135: {  	v15 =	vor.u32 $0x80, v15;
	v27 =	vld [tilespmem:s22+$0xFFFFFFF0];
	v26 =	vand.u32 $0xFFFF0000, v20  }
0x136: {  	[tilespmem:v7+s19+$0x0] =	vst.idx.add.f32.msk $0xffff, v14;
	v20 =	vshll.u32 v20, $0x10;
	v26 =	vmul.f32 v26, v18  }
0x137: {  	[tilespmem:v21+s19+$0x0] =	vst.idx.add.f32.msk $0xffff, v24;
	v20 =	vmul.f32 v20, v18  }
0x138: {  	[tilespmem:v23+s19+$0x0] =	vst.idx.add.f32.msk $0xffff, v26  }
0x139: {  	[tilespmem:v25+s19+$0x0] =	vst.idx.add.f32.msk $0xffff, v20;
	v20 =	vand.u32 $0xFFFF0000, v16  }
0x13a: {  	v7 =	vshll.u32 v16, $0x10;
	v15 =	vld.idx.msk [tilespmem:v15+s3+$0x0], $0xffff;
	v14 =	vmul.f32 v20, v27  }
0x13b: {  	v8 =	vld.idx.msk [tilespmem:v8+s3+$0x0], $0xffff;
	v7 =	vmul.f32 v7, v27  }
0x13c: {  	[tilespmem:v11+s19+$0x0] =	vst.idx.add.f32.msk $0xffff, v14  }
0x13d: {  	v9 =	vmul.f32 v22, v9;
	v16 =	vor.u32 $0x80, v23;
	v14 =	vand.u32 $0xFFFF0000, v17;
	[tilespmem:v13+s19+$0x0] =	vst.idx.add.f32.msk $0xffff, v7  }
0x13e: {  	v7 =	vshll.u32 v17, $0x10;
	v13 =	vmul.f32 v14, v1;
	v14 =	vor.u32 $0x180, v23;
	v12 =	vld.idx.msk [tilespmem:v12+s3+$0x0], $0xffff  }
0x13f: {  	[tilespmem:v19+s19+$0x0] =	vst.idx.add.f32.msk $0xffff, v9;
	v1 =	vmul.f32 v7, v1;
	v7 =	vand.u32 $0xFFFF0000, v15  }
0x140: {  	[tilespmem:v2+s19+$0x0] =	vst.idx.add.f32.msk $0xffff, v13;
	v2 =	vshll.u32 v15, $0x10;
	v7 =	vmul.f32 v7, v18  }
0x141: {  	[tilespmem:v3+s19+$0x0] =	vst.idx.add.f32.msk $0xffff, v1;
	v1 =	vmul.f32 v2, v18;
	v2 =	vand.u32 $0xFFFF0000, v8  }
0x142: {  	v3 =	vor.u32 $0x180, v11;
	v2 =	vmul.f32 v2, v6;
	[tilespmem:v16+s19+$0x0] =	vst.idx.add.f32.msk $0xffff, v7;
	v7 =	vshll.u32 v8, $0x10  }
0x143: {  	[tilespmem:v14+s19+$0x0] =	vst.idx.add.f32.msk $0xffff, v1;
	v1 =	vmul.f32 v7, v6;
	v6 =	vand.u32 $0xFFFF0000, v12  }
0x144: {  	[tilespmem:v5+s19+$0x0] =	vst.idx.add.f32.msk $0xffff, v2;
	v2 =	vshll.u32 v12, $0x10;
	v5 =	vmul.f32 v6, v27  }
0x145: {  	[tilespmem:v4+s19+$0x0] =	vst.idx.add.f32.msk $0xffff, v1;
	v1 =	vmul.f32 v2, v27  }
0x146: {  	[tilespmem:v10+s19+$0x0] =	vst.idx.add.f32.msk $0xffff, v5  }
0x147: {  	[tilespmem:v3+s19+$0x0] =	vst.idx.add.f32.msk $0xffff, v1  }
0x148: {  	_ =	swait.ge [sflag:s20], $0x1F40  }
0x149: {  	[sflag:s20] =	ssyncset.done $0x0  }
0x14a: {  	[sflag:s20] =	ssyncadd.s32 $0xFFFFE0C0  }
0x14b: {  	_ =	swait.ge [sflag:s20], $0x1F40  }
0x14c: {  	[sflag:s20] =	ssyncset.done $0x0  }
0x14d: {  	s28 =	simm.s32 $0x10C90;
	[sflag:s20] =	ssyncadd.s32 $0xFFFFE0C0  }
0x14e: {  	v1 =	vld [tilespmem:s28+$0x0];
	_ =	sdelay $0x4  }
0x14f: {  	v2 =	vshll.u32 v1, $0x1  }
0x150: {  	v4 =	vld [tilespmem:s28+$0xFFFFFFF0];
	v3 =	vand.u32 $0x7F, v1;
	v2 =	vand.u32 $0x7F00, v2  }
0x151: {  	v2 =	vor.u32 v3, v2;
	_ =	sdelay $0x2  }
0x152: {  	s29 =	simm.s32 $0x14B90  }
0x153: {  	v10 =	vld [tilespmem:s29+$0x0];
	v3 =	vshll.u32 v4, $0x1  }
0x154: {  	s23 =	simm.s32 $0x10CB0;
	v6 =	vand.u32 $0x7F, v4;
	v3 =	vand.u32 $0x7F00, v3;
	v5 =	vld.idx.msk [tilespmem:v2+s3+$0x0], $0xffff  }
0x155: {  	v7 =	vld [tilespmem:s23+$0x0];
	v3 =	vor.u32 v6, v3;
	v6 =	vshrl.u32 v1, $0xE;
	v1 =	vshrl.u32 v1, $0xC  }
0x156: {  	v6 =	vand.u32 $0x7F, v6;
	v1 =	vand.u32 $0xFFE00, v1  }
0x157: {  	v8 =	vshrl.u32 v4, $0xE;
	v4 =	vshrl.u32 v4, $0xC;
	v6 =	vor.u32 v6, v1  }
0x158: {  	v9 =	vld [tilespmem:s23+$0xFFFFFFF0];
	v4 =	vand.u32 $0xFFE00, v4;
	v1 =	vand.u32 $0x7F, v8;
	v8 =	vor.u32 $0x100, v6  }
0x159: {  	v11 =	vor.u32 $0x80, v2;
	v4 =	vor.u32 v1, v4;
	v1 =	vand.u32 $0xFFFF0000, v5  }
0x15a: {  	v13 =	vshll.u32 v7, $0x1;
	v12 =	vld.idx.msk [tilespmem:v3+s3+$0x0], $0xffff;
	v2 =	vshll.u32 v5, $0x10;
	v5 =	vmul.f32 v1, v10  }
0x15b: {  	v13 =	vand.u32 $0x7F00, v13;
	v1 =	vld [tilespmem:s29+$0xFFFFFFF0];
	v14 =	vmul.f32 v2, v10;
	v2 =	vand.u32 $0x7F, v7  }
0x15c: {  	v18 =	vor.u32 $0x80, v3;
	v13 =	vor.u32 v2, v13;
	[tilespmem:v6+s19+$0x0] =	vst.idx.add.f32.msk $0xffff, v5  }
0x15d: {  	v17 =	vor.u32 $0x100, v4;
	v3 =	vor.u32 $0x180, v4;
	v5 =	vshll.u32 v9, $0x1;
	[tilespmem:v8+s19+$0x0] =	vst.idx.add.f32.msk $0xffff, v14  }
0x15e: {  	v8 =	vand.u32 $0x7F, v9;
	v14 =	vshrl.u32 v9, $0xE;
	v5 =	vand.u32 $0x7F00, v5;
	v11 =	vld.idx.msk [tilespmem:v11+s3+$0x0], $0xffff  }
0x15f: {  	s31 =	simm.s32 $0x10CD0;
	v9 =	vshrl.u32 v9, $0xC;
	v15 =	vor.u32 v8, v5;
	v5 =	vand.u32 $0xFFFF0000, v12  }
0x160: {  	v24 =	vld [tilespmem:s31+$0x0];
	v8 =	vshll.u32 v12, $0x10;
	v12 =	vand.u32 $0x7F, v14;
	v9 =	vand.u32 $0xFFE00, v9  }
0x161: {  	s30 =	simm.s32 $0x14BB0;
	v5 =	vmul.f32 v5, v1;
	v22 =	vor.u32 v12, v9;
	v12 =	vor.u32 $0x80, v6;
	v14 =	vld.idx.msk [tilespmem:v13+s3+$0x0], $0xffff  }
0x162: {  	v19 =	vmul.f32 v8, v1;
	v8 =	vshrl.u32 v7, $0xE;
	v9 =	vld [tilespmem:s30+$0x0];
	v7 =	vshrl.u32 v7, $0xC  }
0x163: {  	v21 =	vld [tilespmem:s31+$0xFFFFFFF0];
	v8 =	vand.u32 $0x7F, v8;
	v20 =	vand.u32 $0xFFE00, v7;
	v16 =	vand.u32 $0xFFFF0000, v11  }
0x164: {  	v2 =	vor.u32 $0x80, v4;
	[tilespmem:v4+s19+$0x0] =	vst.idx.add.f32.msk $0xffff, v5;
	v23 =	vor.u32 v8, v20;
	v4 =	vmul.f32 v16, v10  }
0x165: {  	v16 =	vor.u32 $0x180, v6;
	v6 =	vshll.u32 v11, $0x10;
	v11 =	vld.idx.msk [tilespmem:v15+s3+$0x0], $0xffff  }
0x166: {  	v20 =	vor.u32 $0x100, v23;
	v10 =	vmul.f32 v6, v10;
	[tilespmem:v12+s19+$0x0] =	vst.idx.add.f32.msk $0xffff, v4;
	v4 =	vand.u32 $0xFFFF0000, v14  }
0x167: {  	v6 =	vld [tilespmem:s30+$0xFFFFFFF0];
	v12 =	vor.u32 $0x80, v13;
	v13 =	vshll.u32 v14, $0x10;
	v14 =	vmul.f32 v4, v9  }
0x168: {  	v7 =	vor.u32 $0x100, v22;
	v8 =	vor.u32 $0x80, v15;
	[tilespmem:v17+s19+$0x0] =	vst.idx.add.f32.msk $0xffff, v19  }
0x169: {  	v5 =	vor.u32 $0x80, v22;
	v15 =	vshll.u32 v24, $0x1;
	v13 =	vmul.f32 v13, v9;
	[tilespmem:v23+s19+$0x0] =	vst.idx.add.f32.msk $0xffff, v14  }
0x16a: {  	v19 =	vor.u32 $0x180, v23;
	v15 =	vand.u32 $0x7F00, v15;
	v4 =	vor.u32 $0x180, v22;
	[tilespmem:v16+s19+$0x0] =	vst.idx.add.f32.msk $0xffff, v10  }
0x16b: {  	v14 =	vand.u32 $0x7F, v24;
	v10 =	vand.u32 $0xFFFF0000, v11;
	[tilespmem:v20+s19+$0x0] =	vst.idx.add.f32.msk $0xffff, v13;
	v13 =	vand.u32 $0x7F, v21  }
0x16c: {  	v20 =	vshll.u32 v21, $0x1;
	v15 =	vor.u32 v14, v15;
	v25 =	vmul.f32 v10, v6;
	v26 =	vld.idx.msk [tilespmem:v12+s3+$0x0], $0xffff  }
0x16d: {  	v12 =	vshrl.u32 v21, $0xE;
	v14 =	vand.u32 $0x7F00, v20;
	v20 =	vshrl.u32 v21, $0xC  }
0x16e: {  	v21 =	vor.u32 $0x80, v23;
	v23 =	vshrl.u32 v24, $0xE;
	v16 =	vor.u32 v13, v14  }
0x16f: {  	v17 =	vld.idx.msk [tilespmem:v18+s3+$0x0], $0xffff;
	v13 =	vshll.u32 v11, $0x10;
	v11 =	vand.u32 $0x7F, v12;
	v12 =	vand.u32 $0xFFE00, v20  }
0x170: {  	[tilespmem:v22+s19+$0x0] =	vst.idx.add.f32.msk $0xffff, v25;
	v25 =	vshrl.u32 v24, $0xC;
	v11 =	vor.u32 v11, v12;
	v14 =	vmul.f32 v13, v6  }
0x171: {  	s22 =	simm.s32 $0x14BD0;
	v12 =	vor.u32 $0x80, v16;
	v13 =	vor.u32 $0x100, v11;
	v20 =	vld.idx.msk [tilespmem:v15+s3+$0x0], $0xffff;
	v27 =	vand.u32 $0xFFFF0000, v26  }
0x172: {  	s24 =	simm.s32 $0x10CF0;
	s23 =	simm.s32 $0x4;
	v18 =	vld [tilespmem:s22+$0x0];
	v10 =	vor.u32 $0x80, v11;
	v22 =	vshll.u32 v26, $0x10;
	v24 =	vmul.f32 v27, v9  }
.LBB2_18:
0x173: {  	v26 =	vld [tilespmem:s24+$0x0];
	v23 =	vand.u32 $0x7F, v23;
	v25 =	vand.u32 $0xFFE00, v25;
	v9 =	vmul.f32 v22, v9  }
0x174: {  	v22 =	vor.u32 v23, v25;
	[tilespmem:v21+s19+$0x0] =	vst.idx.add.f32.msk $0xffff, v24;
	v21 =	vand.u32 $0xFFFF0000, v17;
	v17 =	vshll.u32 v17, $0x10  }
0x175: {  	v23 =	vor.u32 $0x100, v22;
	[tilespmem:v19+s19+$0x0] =	vst.idx.add.f32.msk $0xffff, v9;
	v19 =	vmul.f32 v21, v1;
	v24 =	vmul.f32 v17, v1  }
0x176: {  	s23 =	sadd.s32 $0x2, s23;
	v25 =	vor.u32 $0x180, v11;
	v28 =	vand.u32 $0xFFFF0000, v20;
	v21 =	vor.u32 $0x80, v15;
	v1 =	vmovc v6;
	v17 =	vld [tilespmem:s24+$0xFFFFFFF0]  }
0x177: {  	p0 =	slt.u32 s23, $0x1F2;
	v15 =	vshll.u32 v20, $0x10;
	v27 =	vld.idx.msk [tilespmem:v16+s3+$0x0], $0xffff;
	v16 =	vmul.f32 v28, v18;
	v9 =	vmov v18  }
0x178: {  	v6 =	vld [tilespmem:s22+$0xFFFFFFF0];
	v15 =	vmul.f32 v15, v9  }
0x179: {  	v18 =	vshll.u32 v26, $0x1;
	[tilespmem:v22+s19+$0x0] =	vst.idx.add.f32.msk $0xffff, v16  }
0x17a: {  	v16 =	vand.u32 $0x7F, v26;
	v18 =	vand.u32 $0x7F00, v18;
	[tilespmem:v23+s19+$0x0] =	vst.idx.add.f32.msk $0xffff, v15  }
0x17b: {  	v15 =	vor.u32 v16, v18;
	v20 =	vand.u32 $0x7F, v17;
	v23 =	vshll.u32 v17, $0x1;
	v28 =	vld.idx.msk [tilespmem:v21+s3+$0x0], $0xffff  }
0x17c: {  	v18 =	vshrl.u32 v17, $0xE;
	v21 =	vshrl.u32 v17, $0xC;
	v16 =	vand.u32 $0x7F00, v23;
	[tilespmem:v7+s19+$0x0] =	vst.idx.add.f32.msk $0xffff, v14;
	v7 =	vmovc v13  }
0x17d: {  	v13 =	vand.u32 $0xFFFF0000, v27;
	v14 =	vshll.u32 v27, $0x10;
	v16 =	vor.u32 v20, v16;
	v17 =	vld.idx.msk [tilespmem:v8+s3+$0x0], $0xffff;
	v8 =	vmovc v12  }
.Ltmp8:
0x17e: {  	v12 =	vand.u32 $0x7F, v18;
	v18 =	vand.u32 $0xFFE00, v21;
	v27 =	vmul.f32 v13, v6;
	[tilespmem:v2+s19+$0x0] =	vst.idx.add.f32.msk $0xffff, v19;
	v2 =	vmovc v5;
	(pc) =	sbr.rel @p0 .LBB2_18-.Ltmp8, $4  }
0x17f: {  	v14 =	vmul.f32 v14, v6;
	v21 =	vor.u32 $0x80, v22;
	v18 =	vor.u32 v12, v18;
	[tilespmem:v3+s19+$0x0] =	vst.idx.add.f32.msk $0xffff, v24  }
0x180: {  	v12 =	vor.u32 $0x80, v16;
	v19 =	vor.u32 $0x180, v22;
	v13 =	vor.u32 $0x100, v18;
	v3 =	vmovc v4;
	v4 =	vmovc v25;
	v20 =	vld.idx.msk [tilespmem:v15+s3+$0x0], $0xffff  }
0x181: {  	s22 =	sadd.s32 $0x20, s22;
	v23 =	vshrl.u32 v26, $0xE;
	v5 =	vmovc v10;
	v10 =	vor.u32 $0x80, v18;
	v24 =	vand.u32 $0xFFFF0000, v28;
	[tilespmem:v11+s19+$0x0] =	vst.idx.add.f32.msk $0xffff, v27;
	v11 =	vmovc v18  }
0x182: {  	s24 =	sadd.s32 $0x20, s24;
	v25 =	vshrl.u32 v26, $0xC;
	v22 =	vshll.u32 v28, $0x10;
	v24 =	vmul.f32 v24, v9;
	v18 =	vld [tilespmem:s22+$0x0]  }
0x183: {  	_ =	sdelay $0x1  }
0x184: {  	v23 =	vand.u32 $0x7F, v23;
	v25 =	vand.u32 $0xFFE00, v25  }
0x185: {  	v23 =	vor.u32 v23, v25  }
0x186: {  	v16 =	vld.idx.msk [tilespmem:v16+s3+$0x0], $0xffff;
	v25 =	vor.u32 $0x100, v23  }
0x187: {  	v15 =	vor.u32 $0x80, v15;
	v27 =	vld [tilespmem:s22+$0xFFFFFFF0];
	v26 =	vand.u32 $0xFFFF0000, v20  }
0x188: {  	[tilespmem:v7+s19+$0x0] =	vst.idx.add.f32.msk $0xffff, v14;
	v51 =	vshll.u32 v20, $0x10;
	v26 =	vmul.f32 v26, v18  }
0x189: {  	[tilespmem:v21+s19+$0x0] =	vst.idx.add.f32.msk $0xffff, v24;
	v20 =	vmul.f32 v51, v18  }
0x18a: {  	[tilespmem:v23+s19+$0x0] =	vst.idx.add.f32.msk $0xffff, v26  }
0x18b: {  	v52 =	vand.u32 $0xFFFF0000, v16;
	[tilespmem:v25+s19+$0x0] =	vst.idx.add.f32.msk $0xffff, v20  }
0x18c: {  	v53 =	vshll.u32 v16, $0x10;
	v54 =	vmul.f32 v52, v27;
	v15 =	vld.idx.msk [tilespmem:v15+s3+$0x0], $0xffff  }
0x18d: {  	v8 =	vld.idx.msk [tilespmem:v8+s3+$0x0], $0xffff;
	v7 =	vmul.f32 v53, v27  }
0x18e: {  	[tilespmem:v11+s19+$0x0] =	vst.idx.add.f32.msk $0xffff, v54  }
0x18f: {  	v9 =	vmul.f32 v22, v9;
	v55 =	vand.u32 $0xFFFF0000, v17;
	v56 =	vor.u32 $0x80, v23;
	[tilespmem:v13+s19+$0x0] =	vst.idx.add.f32.msk $0xffff, v7  }
0x190: {  	v57 =	vshll.u32 v17, $0x10;
	v58 =	vmul.f32 v55, v1;
	v59 =	vor.u32 $0x180, v23;
	v12 =	vld.idx.msk [tilespmem:v12+s3+$0x0], $0xffff  }
0x191: {  	v1 =	vmul.f32 v57, v1;
	[tilespmem:v19+s19+$0x0] =	vst.idx.add.f32.msk $0xffff, v9;
	v60 =	vand.u32 $0xFFFF0000, v15  }
0x192: {  	[tilespmem:v2+s19+$0x0] =	vst.idx.add.f32.msk $0xffff, v58;
	v2 =	vshll.u32 v15, $0x10;
	v7 =	vmul.f32 v60, v18  }
0x193: {  	[tilespmem:v3+s19+$0x0] =	vst.idx.add.f32.msk $0xffff, v1;
	v1 =	vmul.f32 v2, v18;
	v2 =	vand.u32 $0xFFFF0000, v8  }
0x194: {  	v3 =	vor.u32 $0x180, v11;
	v61 =	vshll.u32 v8, $0x10;
	v2 =	vmul.f32 v2, v6;
	[tilespmem:v56+s19+$0x0] =	vst.idx.add.f32.msk $0xffff, v7  }
0x195: {  	v62 =	vand.u32 $0xFFFF0000, v12;
	[tilespmem:v59+s19+$0x0] =	vst.idx.add.f32.msk $0xffff, v1;
	v1 =	vmul.f32 v61, v6  }
0x196: {  	v63 =	vmul.f32 v62, v27;
	[tilespmem:v5+s19+$0x0] =	vst.idx.add.f32.msk $0xffff, v2;
	v2 =	vshll.u32 v12, $0x10  }
0x197: {  	[tilespmem:v4+s19+$0x0] =	vst.idx.add.f32.msk $0xffff, v1;
	v1 =	vmul.f32 v2, v27  }
0x198: {  	s22 =	simm.s32 $0x4F00;
	[tilespmem:v10+s19+$0x0] =	vst.idx.add.f32.msk $0xffff, v63  }
0x199: {  	s23 =	simm.s32 $0x80;
	s25 =	sadd.s32 $0x0, s8;
	s24 =	simm.s32 $0x5100;
	[tilespmem:v3+s19+$0x0] =	vst.idx.add.f32.msk $0xffff, v1  }
.LBB2_20:
0x19a: {  	[hbm4b:s25+s3] =	stream.linear.scatter [tilespmem:s22], [sflag:$0x3], $0x100, $0x38;
	[tilespmem:$0x16B00] =	vst v63  }
0x19b: {  	s25 =	smov.u32 s23;
	s22 =	smov.u32 s24;
	p0 =	sne.s32 s23, $0x2700  }
.Ltmp9:
0x19c: {  	s23 =	sadd.s32 $0x80, s23;
	(pc) =	sbr.rel @p0 .LBB2_20-.Ltmp9, $2  }
0x19d: {  	_ =	sdelay $0x2  }
0x19e: {  	s24 =	sadd.s32 $0x200, s24;
	s25 =	sadd.s32 s25, s8  }
0x19f: {  	[hbm4b:s25+s3] =	stream.linear.scatter [tilespmem:s22], [sflag:$0x3], $0x100, $0x38;
	[tilespmem:$0x16B00] =	vst v63  }
0x1a0: {  	_ =	swait.ge [sflag:s17], $0x4F00  }
0x1a1: {  	s22 =	simm.s32 $0x5000;
	s23 =	simm.s32 $0x80;
	[sflag:s17] =	ssyncset.done $0x0  }
0x1a2: {  	s25 =	sadd.s32 $0x0, s9;
	s24 =	simm.s32 $0x5200;
	[sflag:s17] =	ssyncadd.s32 $0xFFFFB100  }
.LBB2_22:
0x1a3: {  	[hbm4b:s25+s3] =	stream.linear.scatter [tilespmem:s22], [sflag:$0x3], $0x100, $0x38;
	[tilespmem:$0x16B00] =	vst v63  }
0x1a4: {  	s25 =	smov.u32 s23;
	s22 =	smov.u32 s24;
	p0 =	sne.s32 s23, $0x2700  }
.Ltmp10:
0x1a5: {  	s23 =	sadd.s32 $0x80, s23;
	(pc) =	sbr.rel @p0 .LBB2_22-.Ltmp10, $2  }
0x1a6: {  	_ =	sdelay $0x2  }
0x1a7: {  	s24 =	sadd.s32 $0x200, s24;
	s25 =	sadd.s32 s25, s9  }
0x1a8: {  	s21 =	sadd.s32 $0x1, s21  }
0x1a9: {  	p0 =	sne.s32 s21, s10  }
.Ltmp11:
0x1aa: {  	_ = 	snop;
	(pc) =	sbr.rel @p0 .LBB2_1-.Ltmp11, $4  }
0x1ab: {  	[hbm4b:s25+s3] =	stream.linear.scatter [tilespmem:s22], [sflag:$0x3], $0x100, $0x38;
	[tilespmem:$0x16B00] =	vst v63  }
0x1ac: {  	_ =	swait.ge [sflag:s17], $0x4F00  }
0x1ad: {  	[sflag:s17] =	ssyncset.done $0x0  }
0x1ae: {  	[sflag:s17] =	ssyncadd.s32 $0xFFFFB100  }
0x1af: {  	_ =	sfence.sel $0x180000  }
0x1b0: {  	[bflag:$0x0] =	sbarrier.arrive $0xFFFF  }
0x1b1: {  	p0 =	sne.s32 s0, $0x0;
	_ =	strace $0x90000050  }
0x1b2: {  	s0 =	sadd.s32 @!p0 $0x100000, s2;
	[bflag:$0x2] =	sbarrier.arrive $0xFFFF  }
0x1b3: {  	[sflag:s0] =	ssyncadd.tile.s32 @!p0 $0x1;
	_ =	shalt  }
.Lfunc_end2:
_tile_overlayer_lowered:
.L_overlay_start_2:
0x1b4: {  	(tag) =	ssettag $0x2  }
0x1b5: {  	s0 =	rddreg [dreg:$0x0];
	s2 =	stileid.u32  }
0x1b6: {  	s1 =	rddreg [dreg:$0x1];
	p0 =	sne.s32 s2, $0x0  }
0x1b7: {  	s3 =	rddreg [dreg:$0x2];
	[bflag:$0x3] =	sbarrier.arrive $0xFFFF;
	s2 =	simm.s32 @!p0 $0x1C03  }
0x1b8: {  	[timem:s3], [sflag:s2] =	dma.local @!p0 [hbm:s0], s1  }
0x1b9: {  	s0 =	simm.s32 @!p0 $0x3  }
0x1ba: {  	_ =	swait.ge @!p0 [sflag:s0], s1  }
0x1bb: {  	s1 =	ssub.s32 @!p0 $0x0, s1;
	[sflag:s0] =	ssyncset.done @!p0 $0x0  }
0x1bc: {  	[sflag:s0] =	ssyncadd.s32 @!p0 s1  }
0x1bd: {  	[bflag:$0x3] =	sbarrier.arrive $0xFFFF  }
0x1be: {  	_ =	shalt  }

</sc_bundles>
